<compile_context>
chip_gen: v7x
topology: tpu7x:2x2x1
jax: 0.10.2.dev20260603
libtpu: 0.0.44.dev20260713+nightly
codegen_flags: <defaults>
</compile_context>

<pallas_src>
import functools

import jax
import jax.numpy as jnp
from jax import lax
from jax.experimental import pallas as pl
from jax.experimental.pallas import tpu as pltpu
from jax.experimental.pallas import tpu_sc as plsc

_N = 10000
_E = 320000
_D_IN = 128
_D_HID = 32
_D_OUT = 16

_NC = 2
_NS = 16
_NW = _NC * _NS
_CHUNK = 128
_NB = 13


def _nb(d):
    return 26 if d <= 16 else 13
_NCHUNKS = _E // _CHUNK
_CPW = _NCHUNKS // _NW
_XTRA = _NCHUNKS - _CPW * _NW
_N_DEG = 10240
_DSTRIPE = _N_DEG // _NS
_STRIPE = _N // _NS
_R = 1000


def _wbase(wid):
    return wid * _CPW + jnp.minimum(wid, _XTRA)


def _load_idx(ei_hbm, which, wid, idx_v):
    base = _wbase(wid)
    pltpu.sync_copy(
        ei_hbm.at[which, pl.ds(base, _CPW)], idx_v.at[pl.ds(0, _CPW)]
    )

    @pl.when(wid < _XTRA)
    def _():
        pltpu.sync_copy(
            ei_hbm.at[which, pl.ds(base + _CPW, 1)], idx_v.at[pl.ds(_CPW, 1)]
        )


def _deg_body(ei_hbm, deg_hbm, dst_v, ones_v, buf_v, deg_sh, ssem):
    c = lax.axis_index("c")
    s = lax.axis_index("s")
    wid = c * _NS + s

    def fill_ones(i, _):
        ones_v[pl.ds(i * 16, 16)] = jnp.full((16,), 1.0, jnp.float32)
        return 0

    lax.fori_loop(0, _CHUNK // 16, fill_ones, 0)

    def fill_zero(i, _):
        buf_v[pl.ds(i * 16, 16)] = jnp.zeros((16,), jnp.float32)
        return 0

    lax.fori_loop(0, _DSTRIPE // 16, fill_zero, 0)

    stripe = pl.ds(s * _DSTRIPE, _DSTRIPE)
    pltpu.sync_copy(buf_v, deg_sh.at[stripe])
    _load_idx(ei_hbm, 1, wid, dst_v)
    plsc.subcore_barrier()

    def body(g, _):
        sds = []
        for b in range(_NB):
            j = g * _NB + b
            sds.append(
                pltpu.async_copy(ones_v, deg_sh.at[dst_v.at[j]], ssem, add=True)
            )
        for d_ in sds:
            d_.wait()
        return 0

    lax.fori_loop(0, _CPW // _NB, body, 0)

    @pl.when(wid < _XTRA)
    def _():
        pltpu.sync_copy(ones_v, deg_sh.at[dst_v.at[_CPW]], add=True)

    plsc.subcore_barrier()
    pltpu.sync_copy(deg_sh.at[stripe], buf_v)
    pltpu.sync_copy(buf_v, deg_hbm.at[c, stripe])


def _make_deg():
    mesh = plsc.VectorSubcoreMesh(core_axis_name="c", subcore_axis_name="s")
    return pl.kernel(
        _deg_body,
        out_type=jax.ShapeDtypeStruct((_NC, _N_DEG), jnp.float32),
        mesh=mesh,
        compiler_params=pltpu.CompilerParams(use_tc_tiling_on_sc=False),
        scratch_types=[
            pltpu.VMEM((_CPW + 1, _CHUNK), jnp.int32),
            pltpu.VMEM((_CHUNK,), jnp.float32),
            pltpu.VMEM((_DSTRIPE,), jnp.float32),
            pltpu.VMEM_SHARED((_N_DEG,), jnp.float32),
            pltpu.SemaphoreType.DMA,
        ],
    )


def _msg_body(nb, h_hbm, ei_hbm, out_hbm, src_v, dst_v, rows_v, stage_v,
              acc_sh, gsem, ssem):
    c = lax.axis_index("c")
    s = lax.axis_index("s")
    wid = c * _NS + s
    stripe = pl.ds(s * _STRIPE, _STRIPE)

    pltpu.sync_copy(h_hbm.at[stripe], stage_v)
    pltpu.sync_copy(stage_v, acc_sh.at[stripe])
    _load_idx(ei_hbm, 0, wid, src_v)
    _load_idx(ei_hbm, 1, wid, dst_v)
    plsc.subcore_barrier()

    def body(g, _):
        gds = []
        for b in range(nb):
            j = g * nb + b
            gds.append(
                pltpu.async_copy(h_hbm.at[src_v.at[j]], rows_v.at[b], gsem)
            )
        sds = []
        for b in range(nb):
            j = g * nb + b
            gds[b].wait()
            sds.append(
                pltpu.async_copy(
                    rows_v.at[b], acc_sh.at[dst_v.at[j]], ssem, add=True
                )
            )
        for d_ in sds:
            d_.wait()
        return 0

    lax.fori_loop(0, _CPW // nb, body, 0)

    @pl.when(wid < _XTRA)
    def _():
        pltpu.sync_copy(h_hbm.at[src_v.at[_CPW]], rows_v.at[0])
        pltpu.sync_copy(rows_v.at[0], acc_sh.at[dst_v.at[_CPW]], add=True)

    plsc.subcore_barrier()
    pltpu.sync_copy(acc_sh.at[stripe], stage_v)
    pltpu.sync_copy(stage_v, out_hbm.at[c, stripe])


def _make_msg(d):
    mesh = plsc.VectorSubcoreMesh(core_axis_name="c", subcore_axis_name="s")
    return pl.kernel(
        functools.partial(_msg_body, _nb(d)),
        out_type=jax.ShapeDtypeStruct((_NC, _N, d), jnp.float32),
        mesh=mesh,
        compiler_params=pltpu.CompilerParams(use_tc_tiling_on_sc=False),
        scratch_types=[
            pltpu.VMEM((_CPW + 1, _CHUNK), jnp.int32),
            pltpu.VMEM((_CPW + 1, _CHUNK), jnp.int32),
            pltpu.VMEM((_nb(d), _CHUNK, d), jnp.float32),
            pltpu.VMEM((_STRIPE, d), jnp.float32),
            pltpu.VMEM_SHARED((_N, d), jnp.float32),
            pltpu.SemaphoreType.DMA,
            pltpu.SemaphoreType.DMA,
        ],
    )


def _tc_a_body(degt_ref, x_ref, w1_ref, dis_ref, h_ref):
    deg = degt_ref[:, 0:1] + degt_ref[:, 1:2] + 1.0
    dis = lax.rsqrt(deg)
    h = jnp.dot(x_ref[...], w1_ref[...], preferred_element_type=jnp.float32)
    dis_ref[...] = dis
    h_ref[...] = h * dis


_tc_a = pl.pallas_call(
    _tc_a_body,
    out_shape=[
        jax.ShapeDtypeStruct((_N, 1), jnp.float32),
        jax.ShapeDtypeStruct((_N, _D_HID), jnp.float32),
    ],
)


def _tc_b_body(p_ref, h_ref, dis_ref, b1_ref, w2_ref, out_ref):
    dis = dis_ref[...]
    acc = p_ref[0, :, :] + p_ref[1, :, :] - h_ref[...]
    h1 = jnp.maximum(dis * acc + b1_ref[...], 0.0)
    out_ref[...] = (
        jnp.dot(h1, w2_ref[...], preferred_element_type=jnp.float32) * dis
    )


def _tc_c_body(p_ref, h_ref, dis_ref, b2_ref, out_ref):
    out_ref[...] = (
        dis_ref[...] * (p_ref[0, :, :] + p_ref[1, :, :] - h_ref[...])
        + b2_ref[...]
    )


_tc_b = pl.pallas_call(
    _tc_b_body,
    out_shape=jax.ShapeDtypeStruct((_N, _D_OUT), jnp.float32),
)

_tc_c = pl.pallas_call(
    _tc_c_body,
    out_shape=jax.ShapeDtypeStruct((_N, _D_OUT), jnp.float32),
)


def kernel(x, edge_index, W1, b1, W2, b2):
    ei3 = edge_index.reshape(2, _NCHUNKS, _CHUNK)

    degp = _make_deg()(ei3)
    dis, h1s = _tc_a(degp[:, :_N].T, x, W1)
    p1 = _make_msg(_D_HID)(h1s, ei3)
    h2s = _tc_b(p1, h1s, dis, b1.reshape(1, _D_HID), W2)
    p2 = _make_msg(_D_OUT)(h2s, ei3)
    return _tc_c(p2, h2s, dis, b2.reshape(1, _D_OUT))

# --- scband reference (transcript-rebuilt; emitter-appended) ---
"""Pipeline reference for scband-gcnencoder-67654324846925 (READ-ONLY COPY).

The authoritative reference and input builder live on the scoring server;
editing this copy changes nothing except your own understanding.
"""

import jax, jax.numpy as jnp
import numpy as np

N = 10000
E = 320000
D_IN = 128
D_HID = 32
D_OUT = 16


def gcn_conv(x, edge_index, W, b):
    num_nodes = x.shape[0]
    loops = jnp.arange(num_nodes, dtype=edge_index.dtype)
    src = jnp.concatenate([edge_index[0], loops])
    dst = jnp.concatenate([edge_index[1], loops])
    # symmetric normalization deg^{-1/2} (A+I) deg^{-1/2}, deg computed on dst (PyG default)
    deg = jnp.zeros((num_nodes,), x.dtype).at[dst].add(1.0)
    deg_inv_sqrt = jnp.where(deg > 0, 1.0 / jnp.sqrt(deg), 0.0)
    norm = deg_inv_sqrt[src] * deg_inv_sqrt[dst]
    h = x @ W
    msg = h[src] * norm[:, None]
    out = jax.ops.segment_sum(msg, dst, num_segments=num_nodes)
    return out + b


def setup_inputs(seed: int = 0) -> dict:
    key = jax.random.key(seed)
    k1, k2, k3, k4, k5, k6 = jax.random.split(key, 6)
    x = jax.random.normal(k1, (N, D_IN), dtype=jnp.float32)
    edge_index = jax.random.randint(k2, (2, E), 0, N, dtype=jnp.int32)
    W1 = jax.random.normal(k3, (D_IN, D_HID), dtype=jnp.float32) * (1.0 / np.sqrt(D_IN))
    b1 = jnp.zeros((D_HID,), dtype=jnp.float32)
    W2 = jax.random.normal(k4, (D_HID, D_OUT), dtype=jnp.float32) * (1.0 / np.sqrt(D_HID))
    b2 = jnp.zeros((D_OUT,), dtype=jnp.float32)
    return {"x": x, "edge_index": edge_index, "W1": W1, "b1": b1, "W2": W2, "b2": b2}


def reference(x, edge_index, W1, b1, W2, b2):
    h = jax.nn.relu(gcn_conv(x, edge_index, W1, b1))
    return gcn_conv(h, edge_index, W2, b2)

if __name__ == "__main__":
    import jax
    _d = setup_inputs()
    print(jax.jit(kernel)(*tuple(_d.values())))

</pallas_src>

<mosaic_0001>
#map = affine_map<(d0, d1) -> (0, 0, 0)>
#map1 = affine_map<(d0, d1) -> (0, 0)>
module attributes {stable_mosaic.version = 14 : i64} {
  func.func @_deg_body(%arg0: i32, %arg1: i32, %arg2: memref<2x2500x128xi32, #tpu.memory_space<hbm>>, %arg3: memref<2x10240xf32, #tpu.memory_space<hbm>>, %arg4: memref<79x128xi32, #tpu.memory_space<vmem>>, %arg5: memref<128xf32, #tpu.memory_space<vmem>>, %arg6: memref<640xf32, #tpu.memory_space<vmem>>, %arg7: memref<10240xf32, #tpu.memory_space<vmem_shared>>, %arg8: memref<!tpu.dma_semaphore, #tpu.memory_space<semaphore_mem>>) attributes {dimension_semantics = [#tpu.dimension_semantics<core_parallel>, #tpu.dimension_semantics<subcore_parallel>], iteration_bounds = array<i64: 2, 16>, scalar_prefetch = 0 : i64, scratch_operands = 5 : i64, tpu.core_type = #tpu.core_type<sc_vector_subcore>, window_params = [{transform_indices = #map}, {transform_indices = #map1}]} {
    %mul3A = arith.constant 16 : i32
    %mul3A_0 = arith.muli %arg0, %mul3A : i32
    %add3A = arith.addi %mul3A_0, %arg1 : i32
    %scan3A = arith.constant 0 : i32
    %scan3A_1 = arith.constant 0 : i32
    %scan3A_2 = arith.constant 8 : i32
    %scan3A_3 = arith.addi %scan3A_1, %scan3A_2 : i32
    %scan3A_4 = arith.constant 1 : i32
    %scan3A_5 = scf.for %scan3A_35 = %scan3A_1 to %scan3A_3 step %scan3A_4 iter_args(%scan3A_36 = %scan3A) -> (i32)  : i32 {
      %broadcast_in_dim3A = arith.constant 1.000000e+00 : f32
      %broadcast_in_dim3A_37 = vector.broadcast %broadcast_in_dim3A : f32 to vector<16xf32>
      %mul3A_38 = arith.constant 16 : i32
      %mul3A_39 = arith.muli %scan3A_35, %mul3A_38 : i32
      %swap3A = arith.index_cast %mul3A_39 : i32 to index
      %swap3A_40 = tpu.vector_load %arg5[%swap3A] {strides = array<i32>} : memref<128xf32, #tpu.memory_space<vmem>>, vector<16xf32>,
      %swap3A_41 = vector.shape_cast %swap3A_40 : vector<16xf32> to vector<16xf32>
      %swap3A_42 = vector.shape_cast %broadcast_in_dim3A_37 : vector<16xf32> to vector<16xf32>
      tpu.vector_store %arg5[%swap3A], %swap3A_42 {strides = array<i32>} : memref<128xf32, #tpu.memory_space<vmem>>, vector<16xf32>,
      %scan3A_43 = arith.constant 0 : i32
      scf.yield %scan3A_43 : i32
    }
    %scan3A_6 = arith.constant 8 : i32
    %scan3A_7 = arith.constant 0 : i32
    %scan3A_8 = arith.constant 0 : i32
    %scan3A_9 = arith.constant 40 : i32
    %scan3A_10 = arith.addi %scan3A_8, %scan3A_9 : i32
    %scan3A_11 = arith.constant 1 : i32
    %scan3A_12 = scf.for %scan3A_35 = %scan3A_8 to %scan3A_10 step %scan3A_11 iter_args(%scan3A_36 = %scan3A_7) -> (i32)  : i32 {
      %broadcast_in_dim3A = arith.constant 0.000000e+00 : f32
      %broadcast_in_dim3A_37 = vector.broadcast %broadcast_in_dim3A : f32 to vector<16xf32>
      %mul3A_38 = arith.constant 16 : i32
      %mul3A_39 = arith.muli %scan3A_35, %mul3A_38 : i32
      %swap3A = arith.index_cast %mul3A_39 : i32 to index
      %swap3A_40 = tpu.vector_load %arg6[%swap3A] {strides = array<i32>} : memref<640xf32, #tpu.memory_space<vmem>>, vector<16xf32>,
      %swap3A_41 = vector.shape_cast %swap3A_40 : vector<16xf32> to vector<16xf32>
      %swap3A_42 = vector.shape_cast %broadcast_in_dim3A_37 : vector<16xf32> to vector<16xf32>
      tpu.vector_store %arg6[%swap3A], %swap3A_42 {strides = array<i32>} : memref<640xf32, #tpu.memory_space<vmem>>, vector<16xf32>,
      %scan3A_43 = arith.constant 0 : i32
      scf.yield %scan3A_43 : i32
    }
    %scan3A_13 = arith.constant 40 : i32
    %mul3A_14 = arith.constant 640 : i32
    %mul3A_15 = arith.muli %arg1, %mul3A_14 : i32
    "tpu.region"() ({
      %run_scoped3A_35 = tpu.sem_alloc : memref<!tpu.dma_semaphore, #tpu.memory_space<semaphore_mem>>
      %dma_start3A = tpu.memref_slice %arg7[%mul3A_15] : memref<10240xf32, #tpu.memory_space<vmem_shared>> -> memref<640xf32, #tpu.memory_space<vmem_shared>>
      %dma_start3A_36 = tpu.memref_slice %arg7[%mul3A_15] : memref<10240xf32, #tpu.memory_space<vmem_shared>> -> memref<640xf32, #tpu.memory_space<vmem_shared>>
      tpu.enqueue_dma source(%arg6 : memref<640xf32, #tpu.memory_space<vmem>>) target(%dma_start3A_36 : memref<640xf32, #tpu.memory_space<vmem_shared>>) target_semaphore(%run_scoped3A_35 : memref<!tpu.dma_semaphore, #tpu.memory_space<semaphore_mem>>)
      %dma_wait3A = tpu.memref_slice %arg7[%mul3A_15] : memref<10240xf32, #tpu.memory_space<vmem_shared>> -> memref<640xf32, #tpu.memory_space<vmem_shared>>
      %dma_wait3A_37 = tpu.memref_slice %arg7[%mul3A_15] : memref<10240xf32, #tpu.memory_space<vmem_shared>> -> memref<640xf32, #tpu.memory_space<vmem_shared>>
      tpu.wait_dma2 semaphore(%run_scoped3A_35 : memref<!tpu.dma_semaphore, #tpu.memory_space<semaphore_mem>>) src(%arg6 : memref<640xf32, #tpu.memory_space<vmem>>) dst(%dma_wait3A_37 : memref<640xf32, #tpu.memory_space<vmem_shared>>)
      tpu.yield
    }) : () -> ()
    %mul3A_16 = arith.constant 78 : i32
    %mul3A_17 = arith.muli %add3A, %mul3A_16 : i32
    %min3A = arith.constant 4 : i32
    %min3A_18 = arith.minsi %add3A, %min3A : i32
    %add3A_19 = arith.addi %mul3A_17, %min3A_18 : i32
    %run_scoped3A = arith.constant 1 : i32
    "tpu.region"() ({
      %run_scoped3A_35 = tpu.sem_alloc : memref<!tpu.dma_semaphore, #tpu.memory_space<semaphore_mem>>
      %dma_start3A = arith.constant 0 : i32
      %dma_start3A_36 = arith.constant 0 : i32
      %dma_start3A_37 = tpu.memref_slice %arg4[%dma_start3A, %dma_start3A_36] : memref<79x128xi32, #tpu.memory_space<vmem>> -> memref<78x128xi32, #tpu.memory_space<vmem>>
      %dma_start3A_38 = arith.constant 0 : i32
      %dma_start3A_39 = tpu.memref_slice %arg2[%run_scoped3A, %add3A_19, %dma_start3A_38] : memref<2x2500x128xi32, #tpu.memory_space<hbm>> -> memref<1x78x128xi32, #tpu.memory_space<hbm>>
      %dma_start3A_40 = tpu.memref_squeeze %dma_start3A_39 : memref<1x78x128xi32, #tpu.memory_space<hbm>> -> memref<78x128xi32, #tpu.memory_space<hbm>>
      %dma_start3A_41 = arith.constant 0 : i32
      %dma_start3A_42 = arith.constant 0 : i32
      %dma_start3A_43 = tpu.memref_slice %arg4[%dma_start3A_41, %dma_start3A_42] : memref<79x128xi32, #tpu.memory_space<vmem>> -> memref<78x128xi32, #tpu.memory_space<vmem>>
      %dma_start3A_44 = arith.constant 0 : i32
      %dma_start3A_45 = tpu.memref_slice %arg2[%run_scoped3A, %add3A_19, %dma_start3A_44] : memref<2x2500x128xi32, #tpu.memory_space<hbm>> -> memref<1x78x128xi32, #tpu.memory_space<hbm>>
      %dma_start3A_46 = tpu.memref_squeeze %dma_start3A_45 : memref<1x78x128xi32, #tpu.memory_space<hbm>> -> memref<78x128xi32, #tpu.memory_space<hbm>>
      tpu.enqueue_dma source(%dma_start3A_46 : memref<78x128xi32, #tpu.memory_space<hbm>>) target(%dma_start3A_43 : memref<78x128xi32, #tpu.memory_space<vmem>>) target_semaphore(%run_scoped3A_35 : memref<!tpu.dma_semaphore, #tpu.memory_space<semaphore_mem>>)
      %dma_wait3A = arith.constant 0 : i32
      %dma_wait3A_47 = arith.constant 0 : i32
      %dma_wait3A_48 = tpu.memref_slice %arg4[%dma_wait3A, %dma_wait3A_47] : memref<79x128xi32, #tpu.memory_space<vmem>> -> memref<78x128xi32, #tpu.memory_space<vmem>>
      %dma_wait3A_49 = arith.constant 0 : i32
      %dma_wait3A_50 = tpu.memref_slice %arg2[%run_scoped3A, %add3A_19, %dma_wait3A_49] : memref<2x2500x128xi32, #tpu.memory_space<hbm>> -> memref<1x78x128xi32, #tpu.memory_space<hbm>>
      %dma_wait3A_51 = tpu.memref_squeeze %dma_wait3A_50 : memref<1x78x128xi32, #tpu.memory_space<hbm>> -> memref<78x128xi32, #tpu.memory_space<hbm>>
      %dma_wait3A_52 = arith.constant 0 : i32
      %dma_wait3A_53 = arith.constant 0 : i32
      %dma_wait3A_54 = tpu.memref_slice %arg4[%dma_wait3A_52, %dma_wait3A_53] : memref<79x128xi32, #tpu.memory_space<vmem>> -> memref<78x128xi32, #tpu.memory_space<vmem>>
      %dma_wait3A_55 = arith.constant 0 : i32
      %dma_wait3A_56 = tpu.memref_slice %arg2[%run_scoped3A, %add3A_19, %dma_wait3A_55] : memref<2x2500x128xi32, #tpu.memory_space<hbm>> -> memref<1x78x128xi32, #tpu.memory_space<hbm>>
      %dma_wait3A_57 = tpu.memref_squeeze %dma_wait3A_56 : memref<1x78x128xi32, #tpu.memory_space<hbm>> -> memref<78x128xi32, #tpu.memory_space<hbm>>
      tpu.wait_dma2 semaphore(%run_scoped3A_35 : memref<!tpu.dma_semaphore, #tpu.memory_space<semaphore_mem>>) src(%dma_wait3A_57 : memref<78x128xi32, #tpu.memory_space<hbm>>) dst(%dma_wait3A_54 : memref<78x128xi32, #tpu.memory_space<vmem>>)
      tpu.yield
    }) : () -> ()
    %lt3A = arith.constant 4 : i32
    %lt3A_20 = arith.cmpi slt, %add3A, %lt3A : i32
    %convert_element_type3A = arith.extui %lt3A_20 : i1 to i32
    %cond3A = arith.constant 0 : i32
    %cond3A_21 = arith.cmpi ne, %convert_element_type3A, %cond3A : i32
    scf.if %cond3A_21 {
      %add3A_35 = arith.constant 78 : i32
      %add3A_36 = arith.addi %add3A_19, %add3A_35 : i32
      %run_scoped3A_37 = arith.constant 1 : i32
      "tpu.region"() ({
        %run_scoped3A_38 = tpu.sem_alloc : memref<!tpu.dma_semaphore, #tpu.memory_space<semaphore_mem>>
        %dma_start3A = arith.constant 78 : i32
        %dma_start3A_39 = arith.constant 0 : i32
        %dma_start3A_40 = tpu.memref_slice %arg4[%dma_start3A, %dma_start3A_39] : memref<79x128xi32, #tpu.memory_space<vmem>> -> memref<1x128xi32, #tpu.memory_space<vmem>>
        %dma_start3A_41 = arith.constant 0 : i32
        %dma_start3A_42 = tpu.memref_slice %arg2[%run_scoped3A_37, %add3A_36, %dma_start3A_41] : memref<2x2500x128xi32, #tpu.memory_space<hbm>> -> memref<1x1x128xi32, #tpu.memory_space<hbm>>
        %dma_start3A_43 = tpu.memref_squeeze %dma_start3A_42 : memref<1x1x128xi32, #tpu.memory_space<hbm>> -> memref<1x128xi32, #tpu.memory_space<hbm>>
        %dma_start3A_44 = arith.constant 78 : i32
        %dma_start3A_45 = arith.constant 0 : i32
        %dma_start3A_46 = tpu.memref_slice %arg4[%dma_start3A_44, %dma_start3A_45] : memref<79x128xi32, #tpu.memory_space<vmem>> -> memref<1x128xi32, #tpu.memory_space<vmem>>
        %dma_start3A_47 = arith.constant 0 : i32
        %dma_start3A_48 = tpu.memref_slice %arg2[%run_scoped3A_37, %add3A_36, %dma_start3A_47] : memref<2x2500x128xi32, #tpu.memory_space<hbm>> -> memref<1x1x128xi32, #tpu.memory_space<hbm>>
        %dma_start3A_49 = tpu.memref_squeeze %dma_start3A_48 : memref<1x1x128xi32, #tpu.memory_space<hbm>> -> memref<1x128xi32, #tpu.memory_space<hbm>>
        tpu.enqueue_dma source(%dma_start3A_49 : memref<1x128xi32, #tpu.memory_space<hbm>>) target(%dma_start3A_46 : memref<1x128xi32, #tpu.memory_space<vmem>>) target_semaphore(%run_scoped3A_38 : memref<!tpu.dma_semaphore, #tpu.memory_space<semaphore_mem>>)
        %dma_wait3A = arith.constant 78 : i32
        %dma_wait3A_50 = arith.constant 0 : i32
        %dma_wait3A_51 = tpu.memref_slice %arg4[%dma_wait3A, %dma_wait3A_50] : memref<79x128xi32, #tpu.memory_space<vmem>> -> memref<1x128xi32, #tpu.memory_space<vmem>>
        %dma_wait3A_52 = arith.constant 0 : i32
        %dma_wait3A_53 = tpu.memref_slice %arg2[%run_scoped3A_37, %add3A_36, %dma_wait3A_52] : memref<2x2500x128xi32, #tpu.memory_space<hbm>> -> memref<1x1x128xi32, #tpu.memory_space<hbm>>
        %dma_wait3A_54 = tpu.memref_squeeze %dma_wait3A_53 : memref<1x1x128xi32, #tpu.memory_space<hbm>> -> memref<1x128xi32, #tpu.memory_space<hbm>>
        %dma_wait3A_55 = arith.constant 78 : i32
        %dma_wait3A_56 = arith.constant 0 : i32
        %dma_wait3A_57 = tpu.memref_slice %arg4[%dma_wait3A_55, %dma_wait3A_56] : memref<79x128xi32, #tpu.memory_space<vmem>> -> memref<1x128xi32, #tpu.memory_space<vmem>>
        %dma_wait3A_58 = arith.constant 0 : i32
        %dma_wait3A_59 = tpu.memref_slice %arg2[%run_scoped3A_37, %add3A_36, %dma_wait3A_58] : memref<2x2500x128xi32, #tpu.memory_space<hbm>> -> memref<1x1x128xi32, #tpu.memory_space<hbm>>
        %dma_wait3A_60 = tpu.memref_squeeze %dma_wait3A_59 : memref<1x1x128xi32, #tpu.memory_space<hbm>> -> memref<1x128xi32, #tpu.memory_space<hbm>>
        tpu.wait_dma2 semaphore(%run_scoped3A_38 : memref<!tpu.dma_semaphore, #tpu.memory_space<semaphore_mem>>) src(%dma_wait3A_60 : memref<1x128xi32, #tpu.memory_space<hbm>>) dst(%dma_wait3A_57 : memref<1x128xi32, #tpu.memory_space<vmem>>)
        tpu.yield
      }) : () -> ()
    } else {
    }
    %barrier3A = arith.constant 0 : index
    tpu.barrier barrier_id(%barrier3A)
    %scan3A_22 = arith.constant 0 : i32
    %scan3A_23 = arith.constant 0 : i32
    %scan3A_24 = arith.constant 6 : i32
    %scan3A_25 = arith.addi %scan3A_23, %scan3A_24 : i32
    %scan3A_26 = arith.constant 1 : i32
    %scan3A_27 = scf.for %scan3A_35 = %scan3A_23 to %scan3A_25 step %scan3A_26 iter_args(%scan3A_36 = %scan3A_22) -> (i32)  : i32 {
      %mul3A_37 = arith.constant 13 : i32
      %mul3A_38 = arith.muli %scan3A_35, %mul3A_37 : i32
      %add3A_39 = arith.constant 0 : i32
      %add3A_40 = arith.addi %mul3A_38, %add3A_39 : i32
      %dma_start3A = arith.constant 0 : i32
      %dma_start3A_41 = tpu.memref_slice %arg4[%add3A_40, %dma_start3A] : memref<79x128xi32, #tpu.memory_space<vmem>> -> memref<1x128xi32, #tpu.memory_space<vmem>>
      %dma_start3A_42 = tpu.memref_squeeze %dma_start3A_41 : memref<1x128xi32, #tpu.memory_space<vmem>> -> memref<128xi32, #tpu.memory_space<vmem>>
      %dma_start3A_43 = arith.constant 0 : i32
      %dma_start3A_44 = tpu.memref_slice %arg7[%dma_start3A_43] : memref<10240xf32, #tpu.memory_space<vmem_shared>> -> memref<10240xf32, #tpu.memory_space<vmem_shared>>
      tpu.enqueue_indirect_dma source(%arg5 : memref<128xf32, #tpu.memory_space<vmem>>) target(%dma_start3A_44 : memref<10240xf32, #tpu.memory_space<vmem_shared>>) offsets(%dma_start3A_42 : memref<128xi32, #tpu.memory_space<vmem>>) semaphore(%arg8 : memref<!tpu.dma_semaphore, #tpu.memory_space<semaphore_mem>>) {add = true}
      %mul3A_45 = arith.constant 13 : i32
      %mul3A_46 = arith.muli %scan3A_35, %mul3A_45 : i32
      %add3A_47 = arith.constant 1 : i32
      %add3A_48 = arith.addi %mul3A_46, %add3A_47 : i32
      %dma_start3A_49 = arith.constant 0 : i32
      %dma_start3A_50 = tpu.memref_slice %arg4[%add3A_48, %dma_start3A_49] : memref<79x128xi32, #tpu.memory_space<vmem>> -> memref<1x128xi32, #tpu.memory_space<vmem>>
      %dma_start3A_51 = tpu.memref_squeeze %dma_start3A_50 : memref<1x128xi32, #tpu.memory_space<vmem>> -> memref<128xi32, #tpu.memory_space<vmem>>
      %dma_start3A_52 = arith.constant 0 : i32
      %dma_start3A_53 = tpu.memref_slice %arg7[%dma_start3A_52] : memref<10240xf32, #tpu.memory_space<vmem_shared>> -> memref<10240xf32, #tpu.memory_space<vmem_shared>>
      tpu.enqueue_indirect_dma source(%arg5 : memref<128xf32, #tpu.memory_space<vmem>>) target(%dma_start3A_53 : memref<10240xf32, #tpu.memory_space<vmem_shared>>) offsets(%dma_start3A_51 : memref<128xi32, #tpu.memory_space<vmem>>) semaphore(%arg8 : memref<!tpu.dma_semaphore, #tpu.memory_space<semaphore_mem>>) {add = true}
      %mul3A_54 = arith.constant 13 : i32
      %mul3A_55 = arith.muli %scan3A_35, %mul3A_54 : i32
      %add3A_56 = arith.constant 2 : i32
      %add3A_57 = arith.addi %mul3A_55, %add3A_56 : i32
      %dma_start3A_58 = arith.constant 0 : i32
      %dma_start3A_59 = tpu.memref_slice %arg4[%add3A_57, %dma_start3A_58] : memref<79x128xi32, #tpu.memory_space<vmem>> -> memref<1x128xi32, #tpu.memory_space<vmem>>
      %dma_start3A_60 = tpu.memref_squeeze %dma_start3A_59 : memref<1x128xi32, #tpu.memory_space<vmem>> -> memref<128xi32, #tpu.memory_space<vmem>>
      %dma_start3A_61 = arith.constant 0 : i32
      %dma_start3A_62 = tpu.memref_slice %arg7[%dma_start3A_61] : memref<10240xf32, #tpu.memory_space<vmem_shared>> -> memref<10240xf32, #tpu.memory_space<vmem_shared>>
      tpu.enqueue_indirect_dma source(%arg5 : memref<128xf32, #tpu.memory_space<vmem>>) target(%dma_start3A_62 : memref<10240xf32, #tpu.memory_space<vmem_shared>>) offsets(%dma_start3A_60 : memref<128xi32, #tpu.memory_space<vmem>>) semaphore(%arg8 : memref<!tpu.dma_semaphore, #tpu.memory_space<semaphore_mem>>) {add = true}
      %mul3A_63 = arith.constant 13 : i32
      %mul3A_64 = arith.muli %scan3A_35, %mul3A_63 : i32
      %add3A_65 = arith.constant 3 : i32
      %add3A_66 = arith.addi %mul3A_64, %add3A_65 : i32
      %dma_start3A_67 = arith.constant 0 : i32
      %dma_start3A_68 = tpu.memref_slice %arg4[%add3A_66, %dma_start3A_67] : memref<79x128xi32, #tpu.memory_space<vmem>> -> memref<1x128xi32, #tpu.memory_space<vmem>>
      %dma_start3A_69 = tpu.memref_squeeze %dma_start3A_68 : memref<1x128xi32, #tpu.memory_space<vmem>> -> memref<128xi32, #tpu.memory_space<vmem>>
      %dma_start3A_70 = arith.constant 0 : i32
      %dma_start3A_71 = tpu.memref_slice %arg7[%dma_start3A_70] : memref<10240xf32, #tpu.memory_space<vmem_shared>> -> memref<10240xf32, #tpu.memory_space<vmem_shared>>
      tpu.enqueue_indirect_dma source(%arg5 : memref<128xf32, #tpu.memory_space<vmem>>) target(%dma_start3A_71 : memref<10240xf32, #tpu.memory_space<vmem_shared>>) offsets(%dma_start3A_69 : memref<128xi32, #tpu.memory_space<vmem>>) semaphore(%arg8 : memref<!tpu.dma_semaphore, #tpu.memory_space<semaphore_mem>>) {add = true}
      %mul3A_72 = arith.constant 13 : i32
      %mul3A_73 = arith.muli %scan3A_35, %mul3A_72 : i32
      %add3A_74 = arith.constant 4 : i32
      %add3A_75 = arith.addi %mul3A_73, %add3A_74 : i32
      %dma_start3A_76 = arith.constant 0 : i32
      %dma_start3A_77 = tpu.memref_slice %arg4[%add3A_75, %dma_start3A_76] : memref<79x128xi32, #tpu.memory_space<vmem>> -> memref<1x128xi32, #tpu.memory_space<vmem>>
      %dma_start3A_78 = tpu.memref_squeeze %dma_start3A_77 : memref<1x128xi32, #tpu.memory_space<vmem>> -> memref<128xi32, #tpu.memory_space<vmem>>
      %dma_start3A_79 = arith.constant 0 : i32
      %dma_start3A_80 = tpu.memref_slice %arg7[%dma_start3A_79] : memref<10240xf32, #tpu.memory_space<vmem_shared>> -> memref<10240xf32, #tpu.memory_space<vmem_shared>>
      tpu.enqueue_indirect_dma source(%arg5 : memref<128xf32, #tpu.memory_space<vmem>>) target(%dma_start3A_80 : memref<10240xf32, #tpu.memory_space<vmem_shared>>) offsets(%dma_start3A_78 : memref<128xi32, #tpu.memory_space<vmem>>) semaphore(%arg8 : memref<!tpu.dma_semaphore, #tpu.memory_space<semaphore_mem>>) {add = true}
      %mul3A_81 = arith.constant 13 : i32
      %mul3A_82 = arith.muli %scan3A_35, %mul3A_81 : i32
      %add3A_83 = arith.constant 5 : i32
      %add3A_84 = arith.addi %mul3A_82, %add3A_83 : i32
      %dma_start3A_85 = arith.constant 0 : i32
      %dma_start3A_86 = tpu.memref_slice %arg4[%add3A_84, %dma_start3A_85] : memref<79x128xi32, #tpu.memory_space<vmem>> -> memref<1x128xi32, #tpu.memory_space<vmem>>
      %dma_start3A_87 = tpu.memref_squeeze %dma_start3A_86 : memref<1x128xi32, #tpu.memory_space<vmem>> -> memref<128xi32, #tpu.memory_space<vmem>>
      %dma_start3A_88 = arith.constant 0 : i32
      %dma_start3A_89 = tpu.memref_slice %arg7[%dma_start3A_88] : memref<10240xf32, #tpu.memory_space<vmem_shared>> -> memref<10240xf32, #tpu.memory_space<vmem_shared>>
      tpu.enqueue_indirect_dma source(%arg5 : memref<128xf32, #tpu.memory_space<vmem>>) target(%dma_start3A_89 : memref<10240xf32, #tpu.memory_space<vmem_shared>>) offsets(%dma_start3A_87 : memref<128xi32, #tpu.memory_space<vmem>>) semaphore(%arg8 : memref<!tpu.dma_semaphore, #tpu.memory_space<semaphore_mem>>) {add = true}
      %mul3A_90 = arith.constant 13 : i32
      %mul3A_91 = arith.muli %scan3A_35, %mul3A_90 : i32
      %add3A_92 = arith.constant 6 : i32
      %add3A_93 = arith.addi %mul3A_91, %add3A_92 : i32
      %dma_start3A_94 = arith.constant 0 : i32
      %dma_start3A_95 = tpu.memref_slice %arg4[%add3A_93, %dma_start3A_94] : memref<79x128xi32, #tpu.memory_space<vmem>> -> memref<1x128xi32, #tpu.memory_space<vmem>>
      %dma_start3A_96 = tpu.memref_squeeze %dma_start3A_95 : memref<1x128xi32, #tpu.memory_space<vmem>> -> memref<128xi32, #tpu.memory_space<vmem>>
      %dma_start3A_97 = arith.constant 0 : i32
      %dma_start3A_98 = tpu.memref_slice %arg7[%dma_start3A_97] : memref<10240xf32, #tpu.memory_space<vmem_shared>> -> memref<10240xf32, #tpu.memory_space<vmem_shared>>
      tpu.enqueue_indirect_dma source(%arg5 : memref<128xf32, #tpu.memory_space<vmem>>) target(%dma_start3A_98 : memref<10240xf32, #tpu.memory_space<vmem_shared>>) offsets(%dma_start3A_96 : memref<128xi32, #tpu.memory_space<vmem>>) semaphore(%arg8 : memref<!tpu.dma_semaphore, #tpu.memory_space<semaphore_mem>>) {add = true}
      %mul3A_99 = arith.constant 13 : i32
      %mul3A_100 = arith.muli %scan3A_35, %mul3A_99 : i32
      %add3A_101 = arith.constant 7 : i32
      %add3A_102 = arith.addi %mul3A_100, %add3A_101 : i32
      %dma_start3A_103 = arith.constant 0 : i32
      %dma_start3A_104 = tpu.memref_slice %arg4[%add3A_102, %dma_start3A_103] : memref<79x128xi32, #tpu.memory_space<vmem>> -> memref<1x128xi32, #tpu.memory_space<vmem>>
      %dma_start3A_105 = tpu.memref_squeeze %dma_start3A_104 : memref<1x128xi32, #tpu.memory_space<vmem>> -> memref<128xi32, #tpu.memory_space<vmem>>
      %dma_start3A_106 = arith.constant 0 : i32
      %dma_start3A_107 = tpu.memref_slice %arg7[%dma_start3A_106] : memref<10240xf32, #tpu.memory_space<vmem_shared>> -> memref<10240xf32, #tpu.memory_space<vmem_shared>>
      tpu.enqueue_indirect_dma source(%arg5 : memref<128xf32, #tpu.memory_space<vmem>>) target(%dma_start3A_107 : memref<10240xf32, #tpu.memory_space<vmem_shared>>) offsets(%dma_start3A_105 : memref<128xi32, #tpu.memory_space<vmem>>) semaphore(%arg8 : memref<!tpu.dma_semaphore, #tpu.memory_space<semaphore_mem>>) {add = true}
      %mul3A_108 = arith.constant 13 : i32
      %mul3A_109 = arith.muli %scan3A_35, %mul3A_108 : i32
      %add3A_110 = arith.constant 8 : i32
      %add3A_111 = arith.addi %mul3A_109, %add3A_110 : i32
      %dma_start3A_112 = arith.constant 0 : i32
      %dma_start3A_113 = tpu.memref_slice %arg4[%add3A_111, %dma_start3A_112] : memref<79x128xi32, #tpu.memory_space<vmem>> -> memref<1x128xi32, #tpu.memory_space<vmem>>
      %dma_start3A_114 = tpu.memref_squeeze %dma_start3A_113 : memref<1x128xi32, #tpu.memory_space<vmem>> -> memref<128xi32, #tpu.memory_space<vmem>>
      %dma_start3A_115 = arith.constant 0 : i32
      %dma_start3A_116 = tpu.memref_slice %arg7[%dma_start3A_115] : memref<10240xf32, #tpu.memory_space<vmem_shared>> -> memref<10240xf32, #tpu.memory_space<vmem_shared>>
      tpu.enqueue_indirect_dma source(%arg5 : memref<128xf32, #tpu.memory_space<vmem>>) target(%dma_start3A_116 : memref<10240xf32, #tpu.memory_space<vmem_shared>>) offsets(%dma_start3A_114 : memref<128xi32, #tpu.memory_space<vmem>>) semaphore(%arg8 : memref<!tpu.dma_semaphore, #tpu.memory_space<semaphore_mem>>) {add = true}
      %mul3A_117 = arith.constant 13 : i32
      %mul3A_118 = arith.muli %scan3A_35, %mul3A_117 : i32
      %add3A_119 = arith.constant 9 : i32
      %add3A_120 = arith.addi %mul3A_118, %add3A_119 : i32
      %dma_start3A_121 = arith.constant 0 : i32
      %dma_start3A_122 = tpu.memref_slice %arg4[%add3A_120, %dma_start3A_121] : memref<79x128xi32, #tpu.memory_space<vmem>> -> memref<1x128xi32, #tpu.memory_space<vmem>>
      %dma_start3A_123 = tpu.memref_squeeze %dma_start3A_122 : memref<1x128xi32, #tpu.memory_space<vmem>> -> memref<128xi32, #tpu.memory_space<vmem>>
      %dma_start3A_124 = arith.constant 0 : i32
      %dma_start3A_125 = tpu.memref_slice %arg7[%dma_start3A_124] : memref<10240xf32, #tpu.memory_space<vmem_shared>> -> memref<10240xf32, #tpu.memory_space<vmem_shared>>
      tpu.enqueue_indirect_dma source(%arg5 : memref<128xf32, #tpu.memory_space<vmem>>) target(%dma_start3A_125 : memref<10240xf32, #tpu.memory_space<vmem_shared>>) offsets(%dma_start3A_123 : memref<128xi32, #tpu.memory_space<vmem>>) semaphore(%arg8 : memref<!tpu.dma_semaphore, #tpu.memory_space<semaphore_mem>>) {add = true}
      %mul3A_126 = arith.constant 13 : i32
      %mul3A_127 = arith.muli %scan3A_35, %mul3A_126 : i32
      %add3A_128 = arith.constant 10 : i32
      %add3A_129 = arith.addi %mul3A_127, %add3A_128 : i32
      %dma_start3A_130 = arith.constant 0 : i32
      %dma_start3A_131 = tpu.memref_slice %arg4[%add3A_129, %dma_start3A_130] : memref<79x128xi32, #tpu.memory_space<vmem>> -> memref<1x128xi32, #tpu.memory_space<vmem>>
      %dma_start3A_132 = tpu.memref_squeeze %dma_start3A_131 : memref<1x128xi32, #tpu.memory_space<vmem>> -> memref<128xi32, #tpu.memory_space<vmem>>
      %dma_start3A_133 = arith.constant 0 : i32
      %dma_start3A_134 = tpu.memref_slice %arg7[%dma_start3A_133] : memref<10240xf32, #tpu.memory_space<vmem_shared>> -> memref<10240xf32, #tpu.memory_space<vmem_shared>>
      tpu.enqueue_indirect_dma source(%arg5 : memref<128xf32, #tpu.memory_space<vmem>>) target(%dma_start3A_134 : memref<10240xf32, #tpu.memory_space<vmem_shared>>) offsets(%dma_start3A_132 : memref<128xi32, #tpu.memory_space<vmem>>) semaphore(%arg8 : memref<!tpu.dma_semaphore, #tpu.memory_space<semaphore_mem>>) {add = true}
      %mul3A_135 = arith.constant 13 : i32
      %mul3A_136 = arith.muli %scan3A_35, %mul3A_135 : i32
      %add3A_137 = arith.constant 11 : i32
      %add3A_138 = arith.addi %mul3A_136, %add3A_137 : i32
      %dma_start3A_139 = arith.constant 0 : i32
      %dma_start3A_140 = tpu.memref_slice %arg4[%add3A_138, %dma_start3A_139] : memref<79x128xi32, #tpu.memory_space<vmem>> -> memref<1x128xi32, #tpu.memory_space<vmem>>
      %dma_start3A_141 = tpu.memref_squeeze %dma_start3A_140 : memref<1x128xi32, #tpu.memory_space<vmem>> -> memref<128xi32, #tpu.memory_space<vmem>>
      %dma_start3A_142 = arith.constant 0 : i32
      %dma_start3A_143 = tpu.memref_slice %arg7[%dma_start3A_142] : memref<10240xf32, #tpu.memory_space<vmem_shared>> -> memref<10240xf32, #tpu.memory_space<vmem_shared>>
      tpu.enqueue_indirect_dma source(%arg5 : memref<128xf32, #tpu.memory_space<vmem>>) target(%dma_start3A_143 : memref<10240xf32, #tpu.memory_space<vmem_shared>>) offsets(%dma_start3A_141 : memref<128xi32, #tpu.memory_space<vmem>>) semaphore(%arg8 : memref<!tpu.dma_semaphore, #tpu.memory_space<semaphore_mem>>) {add = true}
      %mul3A_144 = arith.constant 13 : i32
      %mul3A_145 = arith.muli %scan3A_35, %mul3A_144 : i32
      %add3A_146 = arith.constant 12 : i32
      %add3A_147 = arith.addi %mul3A_145, %add3A_146 : i32
      %dma_start3A_148 = arith.constant 0 : i32
      %dma_start3A_149 = tpu.memref_slice %arg4[%add3A_147, %dma_start3A_148] : memref<79x128xi32, #tpu.memory_space<vmem>> -> memref<1x128xi32, #tpu.memory_space<vmem>>
      %dma_start3A_150 = tpu.memref_squeeze %dma_start3A_149 : memref<1x128xi32, #tpu.memory_space<vmem>> -> memref<128xi32, #tpu.memory_space<vmem>>
      %dma_start3A_151 = arith.constant 0 : i32
      %dma_start3A_152 = tpu.memref_slice %arg7[%dma_start3A_151] : memref<10240xf32, #tpu.memory_space<vmem_shared>> -> memref<10240xf32, #tpu.memory_space<vmem_shared>>
      tpu.enqueue_indirect_dma source(%arg5 : memref<128xf32, #tpu.memory_space<vmem>>) target(%dma_start3A_152 : memref<10240xf32, #tpu.memory_space<vmem_shared>>) offsets(%dma_start3A_150 : memref<128xi32, #tpu.memory_space<vmem>>) semaphore(%arg8 : memref<!tpu.dma_semaphore, #tpu.memory_space<semaphore_mem>>) {add = true}
      %dma_wait3A = arith.constant 0 : i32
      %dma_wait3A_153 = tpu.memref_slice %arg4[%add3A_40, %dma_wait3A] : memref<79x128xi32, #tpu.memory_space<vmem>> -> memref<1x128xi32, #tpu.memory_space<vmem>>
      %dma_wait3A_154 = tpu.memref_squeeze %dma_wait3A_153 : memref<1x128xi32, #tpu.memory_space<vmem>> -> memref<128xi32, #tpu.memory_space<vmem>>
      %dma_wait3A_155 = arith.constant 0 : i32
      %dma_wait3A_156 = tpu.memref_slice %arg7[%dma_wait3A_155] : memref<10240xf32, #tpu.memory_space<vmem_shared>> -> memref<10240xf32, #tpu.memory_space<vmem_shared>>
      tpu.wait_indirect_dma semaphore(%arg8 : memref<!tpu.dma_semaphore, #tpu.memory_space<semaphore_mem>>) src(%arg5 : memref<128xf32, #tpu.memory_space<vmem>>) dst(%dma_wait3A_156 : memref<10240xf32, #tpu.memory_space<vmem_shared>>)
      %dma_wait3A_157 = arith.constant 0 : i32
      %dma_wait3A_158 = tpu.memref_slice %arg4[%add3A_48, %dma_wait3A_157] : memref<79x128xi32, #tpu.memory_space<vmem>> -> memref<1x128xi32, #tpu.memory_space<vmem>>
      %dma_wait3A_159 = tpu.memref_squeeze %dma_wait3A_158 : memref<1x128xi32, #tpu.memory_space<vmem>> -> memref<128xi32, #tpu.memory_space<vmem>>
      %dma_wait3A_160 = arith.constant 0 : i32
      %dma_wait3A_161 = tpu.memref_slice %arg7[%dma_wait3A_160] : memref<10240xf32, #tpu.memory_space<vmem_shared>> -> memref<10240xf32, #tpu.memory_space<vmem_shared>>
      tpu.wait_indirect_dma semaphore(%arg8 : memref<!tpu.dma_semaphore, #tpu.memory_space<semaphore_mem>>) src(%arg5 : memref<128xf32, #tpu.memory_space<vmem>>) dst(%dma_wait3A_161 : memref<10240xf32, #tpu.memory_space<vmem_shared>>)
      %dma_wait3A_162 = arith.constant 0 : i32
      %dma_wait3A_163 = tpu.memref_slice %arg4[%add3A_57, %dma_wait3A_162] : memref<79x128xi32, #tpu.memory_space<vmem>> -> memref<1x128xi32, #tpu.memory_space<vmem>>
      %dma_wait3A_164 = tpu.memref_squeeze %dma_wait3A_163 : memref<1x128xi32, #tpu.memory_space<vmem>> -> memref<128xi32, #tpu.memory_space<vmem>>
      %dma_wait3A_165 = arith.constant 0 : i32
      %dma_wait3A_166 = tpu.memref_slice %arg7[%dma_wait3A_165] : memref<10240xf32, #tpu.memory_space<vmem_shared>> -> memref<10240xf32, #tpu.memory_space<vmem_shared>>
      tpu.wait_indirect_dma semaphore(%arg8 : memref<!tpu.dma_semaphore, #tpu.memory_space<semaphore_mem>>) src(%arg5 : memref<128xf32, #tpu.memory_space<vmem>>) dst(%dma_wait3A_166 : memref<10240xf32, #tpu.memory_space<vmem_shared>>)
      %dma_wait3A_167 = arith.constant 0 : i32
      %dma_wait3A_168 = tpu.memref_slice %arg4[%add3A_66, %dma_wait3A_167] : memref<79x128xi32, #tpu.memory_space<vmem>> -> memref<1x128xi32, #tpu.memory_space<vmem>>
      %dma_wait3A_169 = tpu.memref_squeeze %dma_wait3A_168 : memref<1x128xi32, #tpu.memory_space<vmem>> -> memref<128xi32, #tpu.memory_space<vmem>>
      %dma_wait3A_170 = arith.constant 0 : i32
      %dma_wait3A_171 = tpu.memref_slice %arg7[%dma_wait3A_170] : memref<10240xf32, #tpu.memory_space<vmem_shared>> -> memref<10240xf32, #tpu.memory_space<vmem_shared>>
      tpu.wait_indirect_dma semaphore(%arg8 : memref<!tpu.dma_semaphore, #tpu.memory_space<semaphore_mem>>) src(%arg5 : memref<128xf32, #tpu.memory_space<vmem>>) dst(%dma_wait3A_171 : memref<10240xf32, #tpu.memory_space<vmem_shared>>)
      %dma_wait3A_172 = arith.constant 0 : i32
      %dma_wait3A_173 = tpu.memref_slice %arg4[%add3A_75, %dma_wait3A_172] : memref<79x128xi32, #tpu.memory_space<vmem>> -> memref<1x128xi32, #tpu.memory_space<vmem>>
      %dma_wait3A_174 = tpu.memref_squeeze %dma_wait3A_173 : memref<1x128xi32, #tpu.memory_space<vmem>> -> memref<128xi32, #tpu.memory_space<vmem>>
      %dma_wait3A_175 = arith.constant 0 : i32
      %dma_wait3A_176 = tpu.memref_slice %arg7[%dma_wait3A_175] : memref<10240xf32, #tpu.memory_space<vmem_shared>> -> memref<10240xf32, #tpu.memory_space<vmem_shared>>
      tpu.wait_indirect_dma semaphore(%arg8 : memref<!tpu.dma_semaphore, #tpu.memory_space<semaphore_mem>>) src(%arg5 : memref<128xf32, #tpu.memory_space<vmem>>) dst(%dma_wait3A_176 : memref<10240xf32, #tpu.memory_space<vmem_shared>>)
      %dma_wait3A_177 = arith.constant 0 : i32
      %dma_wait3A_178 = tpu.memref_slice %arg4[%add3A_84, %dma_wait3A_177] : memref<79x128xi32, #tpu.memory_space<vmem>> -> memref<1x128xi32, #tpu.memory_space<vmem>>
      %dma_wait3A_179 = tpu.memref_squeeze %dma_wait3A_178 : memref<1x128xi32, #tpu.memory_space<vmem>> -> memref<128xi32, #tpu.memory_space<vmem>>
      %dma_wait3A_180 = arith.constant 0 : i32
      %dma_wait3A_181 = tpu.memref_slice %arg7[%dma_wait3A_180] : memref<10240xf32, #tpu.memory_space<vmem_shared>> -> memref<10240xf32, #tpu.memory_space<vmem_shared>>
      tpu.wait_indirect_dma semaphore(%arg8 : memref<!tpu.dma_semaphore, #tpu.memory_space<semaphore_mem>>) src(%arg5 : memref<128xf32, #tpu.memory_space<vmem>>) dst(%dma_wait3A_181 : memref<10240xf32, #tpu.memory_space<vmem_shared>>)
      %dma_wait3A_182 = arith.constant 0 : i32
      %dma_wait3A_183 = tpu.memref_slice %arg4[%add3A_93, %dma_wait3A_182] : memref<79x128xi32, #tpu.memory_space<vmem>> -> memref<1x128xi32, #tpu.memory_space<vmem>>
      %dma_wait3A_184 = tpu.memref_squeeze %dma_wait3A_183 : memref<1x128xi32, #tpu.memory_space<vmem>> -> memref<128xi32, #tpu.memory_space<vmem>>
      %dma_wait3A_185 = arith.constant 0 : i32
      %dma_wait3A_186 = tpu.memref_slice %arg7[%dma_wait3A_185] : memref<10240xf32, #tpu.memory_space<vmem_shared>> -> memref<10240xf32, #tpu.memory_space<vmem_shared>>
      tpu.wait_indirect_dma semaphore(%arg8 : memref<!tpu.dma_semaphore, #tpu.memory_space<semaphore_mem>>) src(%arg5 : memref<128xf32, #tpu.memory_space<vmem>>) dst(%dma_wait3A_186 : memref<10240xf32, #tpu.memory_space<vmem_shared>>)
      %dma_wait3A_187 = arith.constant 0 : i32
      %dma_wait3A_188 = tpu.memref_slice %arg4[%add3A_102, %dma_wait3A_187] : memref<79x128xi32, #tpu.memory_space<vmem>> -> memref<1x128xi32, #tpu.memory_space<vmem>>
      %dma_wait3A_189 = tpu.memref_squeeze %dma_wait3A_188 : memref<1x128xi32, #tpu.memory_space<vmem>> -> memref<128xi32, #tpu.memory_space<vmem>>
      %dma_wait3A_190 = arith.constant 0 : i32
      %dma_wait3A_191 = tpu.memref_slice %arg7[%dma_wait3A_190] : memref<10240xf32, #tpu.memory_space<vmem_shared>> -> memref<10240xf32, #tpu.memory_space<vmem_shared>>
      tpu.wait_indirect_dma semaphore(%arg8 : memref<!tpu.dma_semaphore, #tpu.memory_space<semaphore_mem>>) src(%arg5 : memref<128xf32, #tpu.memory_space<vmem>>) dst(%dma_wait3A_191 : memref<10240xf32, #tpu.memory_space<vmem_shared>>)
      %dma_wait3A_192 = arith.constant 0 : i32
      %dma_wait3A_193 = tpu.memref_slice %arg4[%add3A_111, %dma_wait3A_192] : memref<79x128xi32, #tpu.memory_space<vmem>> -> memref<1x128xi32, #tpu.memory_space<vmem>>
      %dma_wait3A_194 = tpu.memref_squeeze %dma_wait3A_193 : memref<1x128xi32, #tpu.memory_space<vmem>> -> memref<128xi32, #tpu.memory_space<vmem>>
      %dma_wait3A_195 = arith.constant 0 : i32
      %dma_wait3A_196 = tpu.memref_slice %arg7[%dma_wait3A_195] : memref<10240xf32, #tpu.memory_space<vmem_shared>> -> memref<10240xf32, #tpu.memory_space<vmem_shared>>
      tpu.wait_indirect_dma semaphore(%arg8 : memref<!tpu.dma_semaphore, #tpu.memory_space<semaphore_mem>>) src(%arg5 : memref<128xf32, #tpu.memory_space<vmem>>) dst(%dma_wait3A_196 : memref<10240xf32, #tpu.memory_space<vmem_shared>>)
      %dma_wait3A_197 = arith.constant 0 : i32
      %dma_wait3A_198 = tpu.memref_slice %arg4[%add3A_120, %dma_wait3A_197] : memref<79x128xi32, #tpu.memory_space<vmem>> -> memref<1x128xi32, #tpu.memory_space<vmem>>
      %dma_wait3A_199 = tpu.memref_squeeze %dma_wait3A_198 : memref<1x128xi32, #tpu.memory_space<vmem>> -> memref<128xi32, #tpu.memory_space<vmem>>
      %dma_wait3A_200 = arith.constant 0 : i32
      %dma_wait3A_201 = tpu.memref_slice %arg7[%dma_wait3A_200] : memref<10240xf32, #tpu.memory_space<vmem_shared>> -> memref<10240xf32, #tpu.memory_space<vmem_shared>>
      tpu.wait_indirect_dma semaphore(%arg8 : memref<!tpu.dma_semaphore, #tpu.memory_space<semaphore_mem>>) src(%arg5 : memref<128xf32, #tpu.memory_space<vmem>>) dst(%dma_wait3A_201 : memref<10240xf32, #tpu.memory_space<vmem_shared>>)
      %dma_wait3A_202 = arith.constant 0 : i32
      %dma_wait3A_203 = tpu.memref_slice %arg4[%add3A_129, %dma_wait3A_202] : memref<79x128xi32, #tpu.memory_space<vmem>> -> memref<1x128xi32, #tpu.memory_space<vmem>>
      %dma_wait3A_204 = tpu.memref_squeeze %dma_wait3A_203 : memref<1x128xi32, #tpu.memory_space<vmem>> -> memref<128xi32, #tpu.memory_space<vmem>>
      %dma_wait3A_205 = arith.constant 0 : i32
      %dma_wait3A_206 = tpu.memref_slice %arg7[%dma_wait3A_205] : memref<10240xf32, #tpu.memory_space<vmem_shared>> -> memref<10240xf32, #tpu.memory_space<vmem_shared>>
      tpu.wait_indirect_dma semaphore(%arg8 : memref<!tpu.dma_semaphore, #tpu.memory_space<semaphore_mem>>) src(%arg5 : memref<128xf32, #tpu.memory_space<vmem>>) dst(%dma_wait3A_206 : memref<10240xf32, #tpu.memory_space<vmem_shared>>)
      %dma_wait3A_207 = arith.constant 0 : i32
      %dma_wait3A_208 = tpu.memref_slice %arg4[%add3A_138, %dma_wait3A_207] : memref<79x128xi32, #tpu.memory_space<vmem>> -> memref<1x128xi32, #tpu.memory_space<vmem>>
      %dma_wait3A_209 = tpu.memref_squeeze %dma_wait3A_208 : memref<1x128xi32, #tpu.memory_space<vmem>> -> memref<128xi32, #tpu.memory_space<vmem>>
      %dma_wait3A_210 = arith.constant 0 : i32
      %dma_wait3A_211 = tpu.memref_slice %arg7[%dma_wait3A_210] : memref<10240xf32, #tpu.memory_space<vmem_shared>> -> memref<10240xf32, #tpu.memory_space<vmem_shared>>
      tpu.wait_indirect_dma semaphore(%arg8 : memref<!tpu.dma_semaphore, #tpu.memory_space<semaphore_mem>>) src(%arg5 : memref<128xf32, #tpu.memory_space<vmem>>) dst(%dma_wait3A_211 : memref<10240xf32, #tpu.memory_space<vmem_shared>>)
      %dma_wait3A_212 = arith.constant 0 : i32
      %dma_wait3A_213 = tpu.memref_slice %arg4[%add3A_147, %dma_wait3A_212] : memref<79x128xi32, #tpu.memory_space<vmem>> -> memref<1x128xi32, #tpu.memory_space<vmem>>
      %dma_wait3A_214 = tpu.memref_squeeze %dma_wait3A_213 : memref<1x128xi32, #tpu.memory_space<vmem>> -> memref<128xi32, #tpu.memory_space<vmem>>
      %dma_wait3A_215 = arith.constant 0 : i32
      %dma_wait3A_216 = tpu.memref_slice %arg7[%dma_wait3A_215] : memref<10240xf32, #tpu.memory_space<vmem_shared>> -> memref<10240xf32, #tpu.memory_space<vmem_shared>>
      tpu.wait_indirect_dma semaphore(%arg8 : memref<!tpu.dma_semaphore, #tpu.memory_space<semaphore_mem>>) src(%arg5 : memref<128xf32, #tpu.memory_space<vmem>>) dst(%dma_wait3A_216 : memref<10240xf32, #tpu.memory_space<vmem_shared>>)
      %scan3A_217 = arith.constant 0 : i32
      scf.yield %scan3A_217 : i32
    }
    %scan3A_28 = arith.constant 6 : i32
    %lt3A_29 = arith.constant 4 : i32
    %lt3A_30 = arith.cmpi slt, %add3A, %lt3A_29 : i32
    %convert_element_type3A_31 = arith.extui %lt3A_30 : i1 to i32
    %cond3A_32 = arith.constant 0 : i32
    %cond3A_33 = arith.cmpi ne, %convert_element_type3A_31, %cond3A_32 : i32
    scf.if %cond3A_33 {
      %run_scoped3A_35 = arith.constant 78 : i32
      "tpu.region"() ({
        %run_scoped3A_36 = tpu.sem_alloc : memref<!tpu.dma_semaphore, #tpu.memory_space<semaphore_mem>>
        %dma_start3A = arith.constant 0 : i32
        %dma_start3A_37 = tpu.memref_slice %arg4[%run_scoped3A_35, %dma_start3A] : memref<79x128xi32, #tpu.memory_space<vmem>> -> memref<1x128xi32, #tpu.memory_space<vmem>>
        %dma_start3A_38 = tpu.memref_squeeze %dma_start3A_37 : memref<1x128xi32, #tpu.memory_space<vmem>> -> memref<128xi32, #tpu.memory_space<vmem>>
        %dma_start3A_39 = arith.constant 0 : i32
        %dma_start3A_40 = tpu.memref_slice %arg7[%dma_start3A_39] : memref<10240xf32, #tpu.memory_space<vmem_shared>> -> memref<10240xf32, #tpu.memory_space<vmem_shared>>
        tpu.enqueue_indirect_dma source(%arg5 : memref<128xf32, #tpu.memory_space<vmem>>) target(%dma_start3A_40 : memref<10240xf32, #tpu.memory_space<vmem_shared>>) offsets(%dma_start3A_38 : memref<128xi32, #tpu.memory_space<vmem>>) semaphore(%run_scoped3A_36 : memref<!tpu.dma_semaphore, #tpu.memory_space<semaphore_mem>>) {add = true}
        %dma_wait3A = arith.constant 0 : i32
        %dma_wait3A_41 = tpu.memref_slice %arg4[%run_scoped3A_35, %dma_wait3A] : memref<79x128xi32, #tpu.memory_space<vmem>> -> memref<1x128xi32, #tpu.memory_space<vmem>>
        %dma_wait3A_42 = tpu.memref_squeeze %dma_wait3A_41 : memref<1x128xi32, #tpu.memory_space<vmem>> -> memref<128xi32, #tpu.memory_space<vmem>>
        %dma_wait3A_43 = arith.constant 0 : i32
        %dma_wait3A_44 = tpu.memref_slice %arg7[%dma_wait3A_43] : memref<10240xf32, #tpu.memory_space<vmem_shared>> -> memref<10240xf32, #tpu.memory_space<vmem_shared>>
        tpu.wait_indirect_dma semaphore(%run_scoped3A_36 : memref<!tpu.dma_semaphore, #tpu.memory_space<semaphore_mem>>) src(%arg5 : memref<128xf32, #tpu.memory_space<vmem>>) dst(%dma_wait3A_44 : memref<10240xf32, #tpu.memory_space<vmem_shared>>)
        tpu.yield
      }) : () -> ()
    } else {
    }
    %barrier3A_34 = arith.constant 0 : index
    tpu.barrier barrier_id(%barrier3A_34)
    "tpu.region"() ({
      %run_scoped3A_35 = tpu.sem_alloc : memref<!tpu.dma_semaphore, #tpu.memory_space<semaphore_mem>>
      %dma_start3A = tpu.memref_slice %arg7[%mul3A_15] : memref<10240xf32, #tpu.memory_space<vmem_shared>> -> memref<640xf32, #tpu.memory_space<vmem_shared>>
      %dma_start3A_36 = tpu.memref_slice %arg7[%mul3A_15] : memref<10240xf32, #tpu.memory_space<vmem_shared>> -> memref<640xf32, #tpu.memory_space<vmem_shared>>
      tpu.enqueue_dma source(%dma_start3A_36 : memref<640xf32, #tpu.memory_space<vmem_shared>>) target(%arg6 : memref<640xf32, #tpu.memory_space<vmem>>) target_semaphore(%run_scoped3A_35 : memref<!tpu.dma_semaphore, #tpu.memory_space<semaphore_mem>>)
      %dma_wait3A = tpu.memref_slice %arg7[%mul3A_15] : memref<10240xf32, #tpu.memory_space<vmem_shared>> -> memref<640xf32, #tpu.memory_space<vmem_shared>>
      %dma_wait3A_37 = tpu.memref_slice %arg7[%mul3A_15] : memref<10240xf32, #tpu.memory_space<vmem_shared>> -> memref<640xf32, #tpu.memory_space<vmem_shared>>
      tpu.wait_dma2 semaphore(%run_scoped3A_35 : memref<!tpu.dma_semaphore, #tpu.memory_space<semaphore_mem>>) src(%dma_wait3A_37 : memref<640xf32, #tpu.memory_space<vmem_shared>>) dst(%arg6 : memref<640xf32, #tpu.memory_space<vmem>>)
      tpu.yield
    }) : () -> ()
    "tpu.region"() ({
      %run_scoped3A_35 = tpu.sem_alloc : memref<!tpu.dma_semaphore, #tpu.memory_space<semaphore_mem>>
      %dma_start3A = tpu.memref_slice %arg3[%arg0, %mul3A_15] : memref<2x10240xf32, #tpu.memory_space<hbm>> -> memref<1x640xf32, #tpu.memory_space<hbm>>
      %dma_start3A_36 = tpu.memref_squeeze %dma_start3A : memref<1x640xf32, #tpu.memory_space<hbm>> -> memref<640xf32, #tpu.memory_space<hbm>>
      %dma_start3A_37 = tpu.memref_slice %arg3[%arg0, %mul3A_15] : memref<2x10240xf32, #tpu.memory_space<hbm>> -> memref<1x640xf32, #tpu.memory_space<hbm>>
      %dma_start3A_38 = tpu.memref_squeeze %dma_start3A_37 : memref<1x640xf32, #tpu.memory_space<hbm>> -> memref<640xf32, #tpu.memory_space<hbm>>
      tpu.enqueue_dma source(%arg6 : memref<640xf32, #tpu.memory_space<vmem>>) target(%dma_start3A_38 : memref<640xf32, #tpu.memory_space<hbm>>) target_semaphore(%run_scoped3A_35 : memref<!tpu.dma_semaphore, #tpu.memory_space<semaphore_mem>>)
      %dma_wait3A = tpu.memref_slice %arg3[%arg0, %mul3A_15] : memref<2x10240xf32, #tpu.memory_space<hbm>> -> memref<1x640xf32, #tpu.memory_space<hbm>>
      %dma_wait3A_39 = tpu.memref_squeeze %dma_wait3A : memref<1x640xf32, #tpu.memory_space<hbm>> -> memref<640xf32, #tpu.memory_space<hbm>>
      %dma_wait3A_40 = tpu.memref_slice %arg3[%arg0, %mul3A_15] : memref<2x10240xf32, #tpu.memory_space<hbm>> -> memref<1x640xf32, #tpu.memory_space<hbm>>
      %dma_wait3A_41 = tpu.memref_squeeze %dma_wait3A_40 : memref<1x640xf32, #tpu.memory_space<hbm>> -> memref<640xf32, #tpu.memory_space<hbm>>
      tpu.wait_dma2 semaphore(%run_scoped3A_35 : memref<!tpu.dma_semaphore, #tpu.memory_space<semaphore_mem>>) src(%arg6 : memref<640xf32, #tpu.memory_space<vmem>>) dst(%dma_wait3A_41 : memref<640xf32, #tpu.memory_space<hbm>>)
      tpu.yield
    }) : () -> ()
    return
  }
}

#map = affine_map<(d0, d1) -> (0, 0)>
#map1 = affine_map<(d0, d1) -> (0, 0, 0)>
module attributes {stable_mosaic.version = 14 : i64} {
  func.func @_msg_body(%arg0: i32, %arg1: i32, %arg2: memref<10000x16xf32, #tpu.memory_space<hbm>>, %arg3: memref<2x2500x128xi32, #tpu.memory_space<hbm>>, %arg4: memref<2x10000x16xf32, #tpu.memory_space<hbm>>, %arg5: memref<79x128xi32, #tpu.memory_space<vmem>>, %arg6: memref<79x128xi32, #tpu.memory_space<vmem>>, %arg7: memref<26x128x16xf32, #tpu.memory_space<vmem>>, %arg8: memref<625x16xf32, #tpu.memory_space<vmem>>, %arg9: memref<10000x16xf32, #tpu.memory_space<vmem_shared>>, %arg10: memref<!tpu.dma_semaphore, #tpu.memory_space<semaphore_mem>>, %arg11: memref<!tpu.dma_semaphore, #tpu.memory_space<semaphore_mem>>) attributes {dimension_semantics = [#tpu.dimension_semantics<core_parallel>, #tpu.dimension_semantics<subcore_parallel>], iteration_bounds = array<i64: 2, 16>, scalar_prefetch = 0 : i64, scratch_operands = 7 : i64, tpu.core_type = #tpu.core_type<sc_vector_subcore>, window_params = [{transform_indices = #map}, {transform_indices = #map1}, {transform_indices = #map1}]} {
    %mul3A = arith.constant 16 : i32
    %mul3A_0 = arith.muli %arg0, %mul3A : i32
    %add3A = arith.addi %mul3A_0, %arg1 : i32
    %mul3A_1 = arith.constant 625 : i32
    %mul3A_2 = arith.muli %arg1, %mul3A_1 : i32
    "tpu.region"() ({
      %run_scoped3A_32 = tpu.sem_alloc : memref<!tpu.dma_semaphore, #tpu.memory_space<semaphore_mem>>
      %dma_start3A = arith.constant 0 : i32
      %dma_start3A_33 = tpu.memref_slice %arg2[%mul3A_2, %dma_start3A] : memref<10000x16xf32, #tpu.memory_space<hbm>> -> memref<625x16xf32, #tpu.memory_space<hbm>>
      %dma_start3A_34 = arith.constant 0 : i32
      %dma_start3A_35 = tpu.memref_slice %arg2[%mul3A_2, %dma_start3A_34] : memref<10000x16xf32, #tpu.memory_space<hbm>> -> memref<625x16xf32, #tpu.memory_space<hbm>>
      tpu.enqueue_dma source(%dma_start3A_35 : memref<625x16xf32, #tpu.memory_space<hbm>>) target(%arg8 : memref<625x16xf32, #tpu.memory_space<vmem>>) target_semaphore(%run_scoped3A_32 : memref<!tpu.dma_semaphore, #tpu.memory_space<semaphore_mem>>)
      %dma_wait3A = arith.constant 0 : i32
      %dma_wait3A_36 = tpu.memref_slice %arg2[%mul3A_2, %dma_wait3A] : memref<10000x16xf32, #tpu.memory_space<hbm>> -> memref<625x16xf32, #tpu.memory_space<hbm>>
      %dma_wait3A_37 = arith.constant 0 : i32
      %dma_wait3A_38 = tpu.memref_slice %arg2[%mul3A_2, %dma_wait3A_37] : memref<10000x16xf32, #tpu.memory_space<hbm>> -> memref<625x16xf32, #tpu.memory_space<hbm>>
      tpu.wait_dma2 semaphore(%run_scoped3A_32 : memref<!tpu.dma_semaphore, #tpu.memory_space<semaphore_mem>>) src(%dma_wait3A_38 : memref<625x16xf32, #tpu.memory_space<hbm>>) dst(%arg8 : memref<625x16xf32, #tpu.memory_space<vmem>>)
      tpu.yield
    }) : () -> ()
    "tpu.region"() ({
      %run_scoped3A_32 = tpu.sem_alloc : memref<!tpu.dma_semaphore, #tpu.memory_space<semaphore_mem>>
      %dma_start3A = arith.constant 0 : i32
      %dma_start3A_33 = tpu.memref_slice %arg9[%mul3A_2, %dma_start3A] : memref<10000x16xf32, #tpu.memory_space<vmem_shared>> -> memref<625x16xf32, #tpu.memory_space<vmem_shared>>
      %dma_start3A_34 = arith.constant 0 : i32
      %dma_start3A_35 = tpu.memref_slice %arg9[%mul3A_2, %dma_start3A_34] : memref<10000x16xf32, #tpu.memory_space<vmem_shared>> -> memref<625x16xf32, #tpu.memory_space<vmem_shared>>
      tpu.enqueue_dma source(%arg8 : memref<625x16xf32, #tpu.memory_space<vmem>>) target(%dma_start3A_35 : memref<625x16xf32, #tpu.memory_space<vmem_shared>>) target_semaphore(%run_scoped3A_32 : memref<!tpu.dma_semaphore, #tpu.memory_space<semaphore_mem>>)
      %dma_wait3A = arith.constant 0 : i32
      %dma_wait3A_36 = tpu.memref_slice %arg9[%mul3A_2, %dma_wait3A] : memref<10000x16xf32, #tpu.memory_space<vmem_shared>> -> memref<625x16xf32, #tpu.memory_space<vmem_shared>>
      %dma_wait3A_37 = arith.constant 0 : i32
      %dma_wait3A_38 = tpu.memref_slice %arg9[%mul3A_2, %dma_wait3A_37] : memref<10000x16xf32, #tpu.memory_space<vmem_shared>> -> memref<625x16xf32, #tpu.memory_space<vmem_shared>>
      tpu.wait_dma2 semaphore(%run_scoped3A_32 : memref<!tpu.dma_semaphore, #tpu.memory_space<semaphore_mem>>) src(%arg8 : memref<625x16xf32, #tpu.memory_space<vmem>>) dst(%dma_wait3A_38 : memref<625x16xf32, #tpu.memory_space<vmem_shared>>)
      tpu.yield
    }) : () -> ()
    %mul3A_3 = arith.constant 78 : i32
    %mul3A_4 = arith.muli %add3A, %mul3A_3 : i32
    %min3A = arith.constant 4 : i32
    %min3A_5 = arith.minsi %add3A, %min3A : i32
    %add3A_6 = arith.addi %mul3A_4, %min3A_5 : i32
    %run_scoped3A = arith.constant 0 : i32
    "tpu.region"() ({
      %run_scoped3A_32 = tpu.sem_alloc : memref<!tpu.dma_semaphore, #tpu.memory_space<semaphore_mem>>
      %dma_start3A = arith.constant 0 : i32
      %dma_start3A_33 = arith.constant 0 : i32
      %dma_start3A_34 = tpu.memref_slice %arg5[%dma_start3A, %dma_start3A_33] : memref<79x128xi32, #tpu.memory_space<vmem>> -> memref<78x128xi32, #tpu.memory_space<vmem>>
      %dma_start3A_35 = arith.constant 0 : i32
      %dma_start3A_36 = tpu.memref_slice %arg3[%run_scoped3A, %add3A_6, %dma_start3A_35] : memref<2x2500x128xi32, #tpu.memory_space<hbm>> -> memref<1x78x128xi32, #tpu.memory_space<hbm>>
      %dma_start3A_37 = tpu.memref_squeeze %dma_start3A_36 : memref<1x78x128xi32, #tpu.memory_space<hbm>> -> memref<78x128xi32, #tpu.memory_space<hbm>>
      %dma_start3A_38 = arith.constant 0 : i32
      %dma_start3A_39 = arith.constant 0 : i32
      %dma_start3A_40 = tpu.memref_slice %arg5[%dma_start3A_38, %dma_start3A_39] : memref<79x128xi32, #tpu.memory_space<vmem>> -> memref<78x128xi32, #tpu.memory_space<vmem>>
      %dma_start3A_41 = arith.constant 0 : i32
      %dma_start3A_42 = tpu.memref_slice %arg3[%run_scoped3A, %add3A_6, %dma_start3A_41] : memref<2x2500x128xi32, #tpu.memory_space<hbm>> -> memref<1x78x128xi32, #tpu.memory_space<hbm>>
      %dma_start3A_43 = tpu.memref_squeeze %dma_start3A_42 : memref<1x78x128xi32, #tpu.memory_space<hbm>> -> memref<78x128xi32, #tpu.memory_space<hbm>>
      tpu.enqueue_dma source(%dma_start3A_43 : memref<78x128xi32, #tpu.memory_space<hbm>>) target(%dma_start3A_40 : memref<78x128xi32, #tpu.memory_space<vmem>>) target_semaphore(%run_scoped3A_32 : memref<!tpu.dma_semaphore, #tpu.memory_space<semaphore_mem>>)
      %dma_wait3A = arith.constant 0 : i32
      %dma_wait3A_44 = arith.constant 0 : i32
      %dma_wait3A_45 = tpu.memref_slice %arg5[%dma_wait3A, %dma_wait3A_44] : memref<79x128xi32, #tpu.memory_space<vmem>> -> memref<78x128xi32, #tpu.memory_space<vmem>>
      %dma_wait3A_46 = arith.constant 0 : i32
      %dma_wait3A_47 = tpu.memref_slice %arg3[%run_scoped3A, %add3A_6, %dma_wait3A_46] : memref<2x2500x128xi32, #tpu.memory_space<hbm>> -> memref<1x78x128xi32, #tpu.memory_space<hbm>>
      %dma_wait3A_48 = tpu.memref_squeeze %dma_wait3A_47 : memref<1x78x128xi32, #tpu.memory_space<hbm>> -> memref<78x128xi32, #tpu.memory_space<hbm>>
      %dma_wait3A_49 = arith.constant 0 : i32
      %dma_wait3A_50 = arith.constant 0 : i32
      %dma_wait3A_51 = tpu.memref_slice %arg5[%dma_wait3A_49, %dma_wait3A_50] : memref<79x128xi32, #tpu.memory_space<vmem>> -> memref<78x128xi32, #tpu.memory_space<vmem>>
      %dma_wait3A_52 = arith.constant 0 : i32
      %dma_wait3A_53 = tpu.memref_slice %arg3[%run_scoped3A, %add3A_6, %dma_wait3A_52] : memref<2x2500x128xi32, #tpu.memory_space<hbm>> -> memref<1x78x128xi32, #tpu.memory_space<hbm>>
      %dma_wait3A_54 = tpu.memref_squeeze %dma_wait3A_53 : memref<1x78x128xi32, #tpu.memory_space<hbm>> -> memref<78x128xi32, #tpu.memory_space<hbm>>
      tpu.wait_dma2 semaphore(%run_scoped3A_32 : memref<!tpu.dma_semaphore, #tpu.memory_space<semaphore_mem>>) src(%dma_wait3A_54 : memref<78x128xi32, #tpu.memory_space<hbm>>) dst(%dma_wait3A_51 : memref<78x128xi32, #tpu.memory_space<vmem>>)
      tpu.yield
    }) : () -> ()
    %lt3A = arith.constant 4 : i32
    %lt3A_7 = arith.cmpi slt, %add3A, %lt3A : i32
    %convert_element_type3A = arith.extui %lt3A_7 : i1 to i32
    %cond3A = arith.constant 0 : i32
    %cond3A_8 = arith.cmpi ne, %convert_element_type3A, %cond3A : i32
    scf.if %cond3A_8 {
      %add3A_32 = arith.constant 78 : i32
      %add3A_33 = arith.addi %add3A_6, %add3A_32 : i32
      %run_scoped3A_34 = arith.constant 0 : i32
      "tpu.region"() ({
        %run_scoped3A_35 = tpu.sem_alloc : memref<!tpu.dma_semaphore, #tpu.memory_space<semaphore_mem>>
        %dma_start3A = arith.constant 78 : i32
        %dma_start3A_36 = arith.constant 0 : i32
        %dma_start3A_37 = tpu.memref_slice %arg5[%dma_start3A, %dma_start3A_36] : memref<79x128xi32, #tpu.memory_space<vmem>> -> memref<1x128xi32, #tpu.memory_space<vmem>>
        %dma_start3A_38 = arith.constant 0 : i32
        %dma_start3A_39 = tpu.memref_slice %arg3[%run_scoped3A_34, %add3A_33, %dma_start3A_38] : memref<2x2500x128xi32, #tpu.memory_space<hbm>> -> memref<1x1x128xi32, #tpu.memory_space<hbm>>
        %dma_start3A_40 = tpu.memref_squeeze %dma_start3A_39 : memref<1x1x128xi32, #tpu.memory_space<hbm>> -> memref<1x128xi32, #tpu.memory_space<hbm>>
        %dma_start3A_41 = arith.constant 78 : i32
        %dma_start3A_42 = arith.constant 0 : i32
        %dma_start3A_43 = tpu.memref_slice %arg5[%dma_start3A_41, %dma_start3A_42] : memref<79x128xi32, #tpu.memory_space<vmem>> -> memref<1x128xi32, #tpu.memory_space<vmem>>
        %dma_start3A_44 = arith.constant 0 : i32
        %dma_start3A_45 = tpu.memref_slice %arg3[%run_scoped3A_34, %add3A_33, %dma_start3A_44] : memref<2x2500x128xi32, #tpu.memory_space<hbm>> -> memref<1x1x128xi32, #tpu.memory_space<hbm>>
        %dma_start3A_46 = tpu.memref_squeeze %dma_start3A_45 : memref<1x1x128xi32, #tpu.memory_space<hbm>> -> memref<1x128xi32, #tpu.memory_space<hbm>>
        tpu.enqueue_dma source(%dma_start3A_46 : memref<1x128xi32, #tpu.memory_space<hbm>>) target(%dma_start3A_43 : memref<1x128xi32, #tpu.memory_space<vmem>>) target_semaphore(%run_scoped3A_35 : memref<!tpu.dma_semaphore, #tpu.memory_space<semaphore_mem>>)
        %dma_wait3A = arith.constant 78 : i32
        %dma_wait3A_47 = arith.constant 0 : i32
        %dma_wait3A_48 = tpu.memref_slice %arg5[%dma_wait3A, %dma_wait3A_47] : memref<79x128xi32, #tpu.memory_space<vmem>> -> memref<1x128xi32, #tpu.memory_space<vmem>>
        %dma_wait3A_49 = arith.constant 0 : i32
        %dma_wait3A_50 = tpu.memref_slice %arg3[%run_scoped3A_34, %add3A_33, %dma_wait3A_49] : memref<2x2500x128xi32, #tpu.memory_space<hbm>> -> memref<1x1x128xi32, #tpu.memory_space<hbm>>
        %dma_wait3A_51 = tpu.memref_squeeze %dma_wait3A_50 : memref<1x1x128xi32, #tpu.memory_space<hbm>> -> memref<1x128xi32, #tpu.memory_space<hbm>>
        %dma_wait3A_52 = arith.constant 78 : i32
        %dma_wait3A_53 = arith.constant 0 : i32
        %dma_wait3A_54 = tpu.memref_slice %arg5[%dma_wait3A_52, %dma_wait3A_53] : memref<79x128xi32, #tpu.memory_space<vmem>> -> memref<1x128xi32, #tpu.memory_space<vmem>>
        %dma_wait3A_55 = arith.constant 0 : i32
        %dma_wait3A_56 = tpu.memref_slice %arg3[%run_scoped3A_34, %add3A_33, %dma_wait3A_55] : memref<2x2500x128xi32, #tpu.memory_space<hbm>> -> memref<1x1x128xi32, #tpu.memory_space<hbm>>
        %dma_wait3A_57 = tpu.memref_squeeze %dma_wait3A_56 : memref<1x1x128xi32, #tpu.memory_space<hbm>> -> memref<1x128xi32, #tpu.memory_space<hbm>>
        tpu.wait_dma2 semaphore(%run_scoped3A_35 : memref<!tpu.dma_semaphore, #tpu.memory_space<semaphore_mem>>) src(%dma_wait3A_57 : memref<1x128xi32, #tpu.memory_space<hbm>>) dst(%dma_wait3A_54 : memref<1x128xi32, #tpu.memory_space<vmem>>)
        tpu.yield
      }) : () -> ()
    } else {
    }
    %mul3A_9 = arith.constant 78 : i32
    %mul3A_10 = arith.muli %add3A, %mul3A_9 : i32
    %min3A_11 = arith.constant 4 : i32
    %min3A_12 = arith.minsi %add3A, %min3A_11 : i32
    %add3A_13 = arith.addi %mul3A_10, %min3A_12 : i32
    %run_scoped3A_14 = arith.constant 1 : i32
    "tpu.region"() ({
      %run_scoped3A_32 = tpu.sem_alloc : memref<!tpu.dma_semaphore, #tpu.memory_space<semaphore_mem>>
      %dma_start3A = arith.constant 0 : i32
      %dma_start3A_33 = arith.constant 0 : i32
      %dma_start3A_34 = tpu.memref_slice %arg6[%dma_start3A, %dma_start3A_33] : memref<79x128xi32, #tpu.memory_space<vmem>> -> memref<78x128xi32, #tpu.memory_space<vmem>>
      %dma_start3A_35 = arith.constant 0 : i32
      %dma_start3A_36 = tpu.memref_slice %arg3[%run_scoped3A_14, %add3A_13, %dma_start3A_35] : memref<2x2500x128xi32, #tpu.memory_space<hbm>> -> memref<1x78x128xi32, #tpu.memory_space<hbm>>
      %dma_start3A_37 = tpu.memref_squeeze %dma_start3A_36 : memref<1x78x128xi32, #tpu.memory_space<hbm>> -> memref<78x128xi32, #tpu.memory_space<hbm>>
      %dma_start3A_38 = arith.constant 0 : i32
      %dma_start3A_39 = arith.constant 0 : i32
      %dma_start3A_40 = tpu.memref_slice %arg6[%dma_start3A_38, %dma_start3A_39] : memref<79x128xi32, #tpu.memory_space<vmem>> -> memref<78x128xi32, #tpu.memory_space<vmem>>
      %dma_start3A_41 = arith.constant 0 : i32
      %dma_start3A_42 = tpu.memref_slice %arg3[%run_scoped3A_14, %add3A_13, %dma_start3A_41] : memref<2x2500x128xi32, #tpu.memory_space<hbm>> -> memref<1x78x128xi32, #tpu.memory_space<hbm>>
      %dma_start3A_43 = tpu.memref_squeeze %dma_start3A_42 : memref<1x78x128xi32, #tpu.memory_space<hbm>> -> memref<78x128xi32, #tpu.memory_space<hbm>>
      tpu.enqueue_dma source(%dma_start3A_43 : memref<78x128xi32, #tpu.memory_space<hbm>>) target(%dma_start3A_40 : memref<78x128xi32, #tpu.memory_space<vmem>>) target_semaphore(%run_scoped3A_32 : memref<!tpu.dma_semaphore, #tpu.memory_space<semaphore_mem>>)
      %dma_wait3A = arith.constant 0 : i32
      %dma_wait3A_44 = arith.constant 0 : i32
      %dma_wait3A_45 = tpu.memref_slice %arg6[%dma_wait3A, %dma_wait3A_44] : memref<79x128xi32, #tpu.memory_space<vmem>> -> memref<78x128xi32, #tpu.memory_space<vmem>>
      %dma_wait3A_46 = arith.constant 0 : i32
      %dma_wait3A_47 = tpu.memref_slice %arg3[%run_scoped3A_14, %add3A_13, %dma_wait3A_46] : memref<2x2500x128xi32, #tpu.memory_space<hbm>> -> memref<1x78x128xi32, #tpu.memory_space<hbm>>
      %dma_wait3A_48 = tpu.memref_squeeze %dma_wait3A_47 : memref<1x78x128xi32, #tpu.memory_space<hbm>> -> memref<78x128xi32, #tpu.memory_space<hbm>>
      %dma_wait3A_49 = arith.constant 0 : i32
      %dma_wait3A_50 = arith.constant 0 : i32
      %dma_wait3A_51 = tpu.memref_slice %arg6[%dma_wait3A_49, %dma_wait3A_50] : memref<79x128xi32, #tpu.memory_space<vmem>> -> memref<78x128xi32, #tpu.memory_space<vmem>>
      %dma_wait3A_52 = arith.constant 0 : i32
      %dma_wait3A_53 = tpu.memref_slice %arg3[%run_scoped3A_14, %add3A_13, %dma_wait3A_52] : memref<2x2500x128xi32, #tpu.memory_space<hbm>> -> memref<1x78x128xi32, #tpu.memory_space<hbm>>
      %dma_wait3A_54 = tpu.memref_squeeze %dma_wait3A_53 : memref<1x78x128xi32, #tpu.memory_space<hbm>> -> memref<78x128xi32, #tpu.memory_space<hbm>>
      tpu.wait_dma2 semaphore(%run_scoped3A_32 : memref<!tpu.dma_semaphore, #tpu.memory_space<semaphore_mem>>) src(%dma_wait3A_54 : memref<78x128xi32, #tpu.memory_space<hbm>>) dst(%dma_wait3A_51 : memref<78x128xi32, #tpu.memory_space<vmem>>)
      tpu.yield
    }) : () -> ()
    %lt3A_15 = arith.constant 4 : i32
    %lt3A_16 = arith.cmpi slt, %add3A, %lt3A_15 : i32
    %convert_element_type3A_17 = arith.extui %lt3A_16 : i1 to i32
    %cond3A_18 = arith.constant 0 : i32
    %cond3A_19 = arith.cmpi ne, %convert_element_type3A_17, %cond3A_18 : i32
    scf.if %cond3A_19 {
      %add3A_32 = arith.constant 78 : i32
      %add3A_33 = arith.addi %add3A_13, %add3A_32 : i32
      %run_scoped3A_34 = arith.constant 1 : i32
      "tpu.region"() ({
        %run_scoped3A_35 = tpu.sem_alloc : memref<!tpu.dma_semaphore, #tpu.memory_space<semaphore_mem>>
        %dma_start3A = arith.constant 78 : i32
        %dma_start3A_36 = arith.constant 0 : i32
        %dma_start3A_37 = tpu.memref_slice %arg6[%dma_start3A, %dma_start3A_36] : memref<79x128xi32, #tpu.memory_space<vmem>> -> memref<1x128xi32, #tpu.memory_space<vmem>>
        %dma_start3A_38 = arith.constant 0 : i32
        %dma_start3A_39 = tpu.memref_slice %arg3[%run_scoped3A_34, %add3A_33, %dma_start3A_38] : memref<2x2500x128xi32, #tpu.memory_space<hbm>> -> memref<1x1x128xi32, #tpu.memory_space<hbm>>
        %dma_start3A_40 = tpu.memref_squeeze %dma_start3A_39 : memref<1x1x128xi32, #tpu.memory_space<hbm>> -> memref<1x128xi32, #tpu.memory_space<hbm>>
        %dma_start3A_41 = arith.constant 78 : i32
        %dma_start3A_42 = arith.constant 0 : i32
        %dma_start3A_43 = tpu.memref_slice %arg6[%dma_start3A_41, %dma_start3A_42] : memref<79x128xi32, #tpu.memory_space<vmem>> -> memref<1x128xi32, #tpu.memory_space<vmem>>
        %dma_start3A_44 = arith.constant 0 : i32
        %dma_start3A_45 = tpu.memref_slice %arg3[%run_scoped3A_34, %add3A_33, %dma_start3A_44] : memref<2x2500x128xi32, #tpu.memory_space<hbm>> -> memref<1x1x128xi32, #tpu.memory_space<hbm>>
        %dma_start3A_46 = tpu.memref_squeeze %dma_start3A_45 : memref<1x1x128xi32, #tpu.memory_space<hbm>> -> memref<1x128xi32, #tpu.memory_space<hbm>>
        tpu.enqueue_dma source(%dma_start3A_46 : memref<1x128xi32, #tpu.memory_space<hbm>>) target(%dma_start3A_43 : memref<1x128xi32, #tpu.memory_space<vmem>>) target_semaphore(%run_scoped3A_35 : memref<!tpu.dma_semaphore, #tpu.memory_space<semaphore_mem>>)
        %dma_wait3A = arith.constant 78 : i32
        %dma_wait3A_47 = arith.constant 0 : i32
        %dma_wait3A_48 = tpu.memref_slice %arg6[%dma_wait3A, %dma_wait3A_47] : memref<79x128xi32, #tpu.memory_space<vmem>> -> memref<1x128xi32, #tpu.memory_space<vmem>>
        %dma_wait3A_49 = arith.constant 0 : i32
        %dma_wait3A_50 = tpu.memref_slice %arg3[%run_scoped3A_34, %add3A_33, %dma_wait3A_49] : memref<2x2500x128xi32, #tpu.memory_space<hbm>> -> memref<1x1x128xi32, #tpu.memory_space<hbm>>
        %dma_wait3A_51 = tpu.memref_squeeze %dma_wait3A_50 : memref<1x1x128xi32, #tpu.memory_space<hbm>> -> memref<1x128xi32, #tpu.memory_space<hbm>>
        %dma_wait3A_52 = arith.constant 78 : i32
        %dma_wait3A_53 = arith.constant 0 : i32
        %dma_wait3A_54 = tpu.memref_slice %arg6[%dma_wait3A_52, %dma_wait3A_53] : memref<79x128xi32, #tpu.memory_space<vmem>> -> memref<1x128xi32, #tpu.memory_space<vmem>>
        %dma_wait3A_55 = arith.constant 0 : i32
        %dma_wait3A_56 = tpu.memref_slice %arg3[%run_scoped3A_34, %add3A_33, %dma_wait3A_55] : memref<2x2500x128xi32, #tpu.memory_space<hbm>> -> memref<1x1x128xi32, #tpu.memory_space<hbm>>
        %dma_wait3A_57 = tpu.memref_squeeze %dma_wait3A_56 : memref<1x1x128xi32, #tpu.memory_space<hbm>> -> memref<1x128xi32, #tpu.memory_space<hbm>>
        tpu.wait_dma2 semaphore(%run_scoped3A_35 : memref<!tpu.dma_semaphore, #tpu.memory_space<semaphore_mem>>) src(%dma_wait3A_57 : memref<1x128xi32, #tpu.memory_space<hbm>>) dst(%dma_wait3A_54 : memref<1x128xi32, #tpu.memory_space<vmem>>)
        tpu.yield
      }) : () -> ()
    } else {
    }
    %barrier3A = arith.constant 0 : index
    tpu.barrier barrier_id(%barrier3A)
    %scan3A = arith.constant 0 : i32
    %scan3A_20 = arith.constant 0 : i32
    %scan3A_21 = arith.constant 3 : i32
    %scan3A_22 = arith.addi %scan3A_20, %scan3A_21 : i32
    %scan3A_23 = arith.constant 1 : i32
    %scan3A_24 = scf.for %scan3A_32 = %scan3A_20 to %scan3A_22 step %scan3A_23 iter_args(%scan3A_33 = %scan3A) -> (i32)  : i32 {
      %mul3A_34 = arith.constant 26 : i32
      %mul3A_35 = arith.muli %scan3A_32, %mul3A_34 : i32
      %add3A_36 = arith.constant 0 : i32
      %add3A_37 = arith.addi %mul3A_35, %add3A_36 : i32
      %dma_start3A = arith.constant 0 : i32
      %dma_start3A_38 = arith.constant 0 : i32
      %dma_start3A_39 = arith.constant 0 : i32
      %dma_start3A_40 = tpu.memref_slice %arg7[%dma_start3A, %dma_start3A_38, %dma_start3A_39] : memref<26x128x16xf32, #tpu.memory_space<vmem>> -> memref<1x128x16xf32, #tpu.memory_space<vmem>>
      %dma_start3A_41 = tpu.memref_squeeze %dma_start3A_40 : memref<1x128x16xf32, #tpu.memory_space<vmem>> -> memref<128x16xf32, #tpu.memory_space<vmem>>
      %dma_start3A_42 = arith.constant 0 : i32
      %dma_start3A_43 = tpu.memref_slice %arg5[%add3A_37, %dma_start3A_42] : memref<79x128xi32, #tpu.memory_space<vmem>> -> memref<1x128xi32, #tpu.memory_space<vmem>>
      %dma_start3A_44 = tpu.memref_squeeze %dma_start3A_43 : memref<1x128xi32, #tpu.memory_space<vmem>> -> memref<128xi32, #tpu.memory_space<vmem>>
      %dma_start3A_45 = arith.constant 0 : i32
      %dma_start3A_46 = arith.constant 0 : i32
      %dma_start3A_47 = tpu.memref_slice %arg2[%dma_start3A_45, %dma_start3A_46] : memref<10000x16xf32, #tpu.memory_space<hbm>> -> memref<10000x16xf32, #tpu.memory_space<hbm>>
      tpu.enqueue_indirect_dma source(%dma_start3A_47 : memref<10000x16xf32, #tpu.memory_space<hbm>>) target(%dma_start3A_41 : memref<128x16xf32, #tpu.memory_space<vmem>>) offsets(%dma_start3A_44 : memref<128xi32, #tpu.memory_space<vmem>>) semaphore(%arg10 : memref<!tpu.dma_semaphore, #tpu.memory_space<semaphore_mem>>)
      %mul3A_48 = arith.constant 26 : i32
      %mul3A_49 = arith.muli %scan3A_32, %mul3A_48 : i32
      %add3A_50 = arith.constant 1 : i32
      %add3A_51 = arith.addi %mul3A_49, %add3A_50 : i32
      %dma_start3A_52 = arith.constant 1 : i32
      %dma_start3A_53 = arith.constant 0 : i32
      %dma_start3A_54 = arith.constant 0 : i32
      %dma_start3A_55 = tpu.memref_slice %arg7[%dma_start3A_52, %dma_start3A_53, %dma_start3A_54] : memref<26x128x16xf32, #tpu.memory_space<vmem>> -> memref<1x128x16xf32, #tpu.memory_space<vmem>>
      %dma_start3A_56 = tpu.memref_squeeze %dma_start3A_55 : memref<1x128x16xf32, #tpu.memory_space<vmem>> -> memref<128x16xf32, #tpu.memory_space<vmem>>
      %dma_start3A_57 = arith.constant 0 : i32
      %dma_start3A_58 = tpu.memref_slice %arg5[%add3A_51, %dma_start3A_57] : memref<79x128xi32, #tpu.memory_space<vmem>> -> memref<1x128xi32, #tpu.memory_space<vmem>>
      %dma_start3A_59 = tpu.memref_squeeze %dma_start3A_58 : memref<1x128xi32, #tpu.memory_space<vmem>> -> memref<128xi32, #tpu.memory_space<vmem>>
      %dma_start3A_60 = arith.constant 0 : i32
      %dma_start3A_61 = arith.constant 0 : i32
      %dma_start3A_62 = tpu.memref_slice %arg2[%dma_start3A_60, %dma_start3A_61] : memref<10000x16xf32, #tpu.memory_space<hbm>> -> memref<10000x16xf32, #tpu.memory_space<hbm>>
      tpu.enqueue_indirect_dma source(%dma_start3A_62 : memref<10000x16xf32, #tpu.memory_space<hbm>>) target(%dma_start3A_56 : memref<128x16xf32, #tpu.memory_space<vmem>>) offsets(%dma_start3A_59 : memref<128xi32, #tpu.memory_space<vmem>>) semaphore(%arg10 : memref<!tpu.dma_semaphore, #tpu.memory_space<semaphore_mem>>)
      %mul3A_63 = arith.constant 26 : i32
      %mul3A_64 = arith.muli %scan3A_32, %mul3A_63 : i32
      %add3A_65 = arith.constant 2 : i32
      %add3A_66 = arith.addi %mul3A_64, %add3A_65 : i32
      %dma_start3A_67 = arith.constant 2 : i32
      %dma_start3A_68 = arith.constant 0 : i32
      %dma_start3A_69 = arith.constant 0 : i32
      %dma_start3A_70 = tpu.memref_slice %arg7[%dma_start3A_67, %dma_start3A_68, %dma_start3A_69] : memref<26x128x16xf32, #tpu.memory_space<vmem>> -> memref<1x128x16xf32, #tpu.memory_space<vmem>>
      %dma_start3A_71 = tpu.memref_squeeze %dma_start3A_70 : memref<1x128x16xf32, #tpu.memory_space<vmem>> -> memref<128x16xf32, #tpu.memory_space<vmem>>
      %dma_start3A_72 = arith.constant 0 : i32
      %dma_start3A_73 = tpu.memref_slice %arg5[%add3A_66, %dma_start3A_72] : memref<79x128xi32, #tpu.memory_space<vmem>> -> memref<1x128xi32, #tpu.memory_space<vmem>>
      %dma_start3A_74 = tpu.memref_squeeze %dma_start3A_73 : memref<1x128xi32, #tpu.memory_space<vmem>> -> memref<128xi32, #tpu.memory_space<vmem>>
      %dma_start3A_75 = arith.constant 0 : i32
      %dma_start3A_76 = arith.constant 0 : i32
      %dma_start3A_77 = tpu.memref_slice %arg2[%dma_start3A_75, %dma_start3A_76] : memref<10000x16xf32, #tpu.memory_space<hbm>> -> memref<10000x16xf32, #tpu.memory_space<hbm>>
      tpu.enqueue_indirect_dma source(%dma_start3A_77 : memref<10000x16xf32, #tpu.memory_space<hbm>>) target(%dma_start3A_71 : memref<128x16xf32, #tpu.memory_space<vmem>>) offsets(%dma_start3A_74 : memref<128xi32, #tpu.memory_space<vmem>>) semaphore(%arg10 : memref<!tpu.dma_semaphore, #tpu.memory_space<semaphore_mem>>)
      %mul3A_78 = arith.constant 26 : i32
      %mul3A_79 = arith.muli %scan3A_32, %mul3A_78 : i32
      %add3A_80 = arith.constant 3 : i32
      %add3A_81 = arith.addi %mul3A_79, %add3A_80 : i32
      %dma_start3A_82 = arith.constant 3 : i32
      %dma_start3A_83 = arith.constant 0 : i32
      %dma_start3A_84 = arith.constant 0 : i32
      %dma_start3A_85 = tpu.memref_slice %arg7[%dma_start3A_82, %dma_start3A_83, %dma_start3A_84] : memref<26x128x16xf32, #tpu.memory_space<vmem>> -> memref<1x128x16xf32, #tpu.memory_space<vmem>>
      %dma_start3A_86 = tpu.memref_squeeze %dma_start3A_85 : memref<1x128x16xf32, #tpu.memory_space<vmem>> -> memref<128x16xf32, #tpu.memory_space<vmem>>
      %dma_start3A_87 = arith.constant 0 : i32
      %dma_start3A_88 = tpu.memref_slice %arg5[%add3A_81, %dma_start3A_87] : memref<79x128xi32, #tpu.memory_space<vmem>> -> memref<1x128xi32, #tpu.memory_space<vmem>>
      %dma_start3A_89 = tpu.memref_squeeze %dma_start3A_88 : memref<1x128xi32, #tpu.memory_space<vmem>> -> memref<128xi32, #tpu.memory_space<vmem>>
      %dma_start3A_90 = arith.constant 0 : i32
      %dma_start3A_91 = arith.constant 0 : i32
      %dma_start3A_92 = tpu.memref_slice %arg2[%dma_start3A_90, %dma_start3A_91] : memref<10000x16xf32, #tpu.memory_space<hbm>> -> memref<10000x16xf32, #tpu.memory_space<hbm>>
      tpu.enqueue_indirect_dma source(%dma_start3A_92 : memref<10000x16xf32, #tpu.memory_space<hbm>>) target(%dma_start3A_86 : memref<128x16xf32, #tpu.memory_space<vmem>>) offsets(%dma_start3A_89 : memref<128xi32, #tpu.memory_space<vmem>>) semaphore(%arg10 : memref<!tpu.dma_semaphore, #tpu.memory_space<semaphore_mem>>)
      %mul3A_93 = arith.constant 26 : i32
      %mul3A_94 = arith.muli %scan3A_32, %mul3A_93 : i32
      %add3A_95 = arith.constant 4 : i32
      %add3A_96 = arith.addi %mul3A_94, %add3A_95 : i32
      %dma_start3A_97 = arith.constant 4 : i32
      %dma_start3A_98 = arith.constant 0 : i32
      %dma_start3A_99 = arith.constant 0 : i32
      %dma_start3A_100 = tpu.memref_slice %arg7[%dma_start3A_97, %dma_start3A_98, %dma_start3A_99] : memref<26x128x16xf32, #tpu.memory_space<vmem>> -> memref<1x128x16xf32, #tpu.memory_space<vmem>>
      %dma_start3A_101 = tpu.memref_squeeze %dma_start3A_100 : memref<1x128x16xf32, #tpu.memory_space<vmem>> -> memref<128x16xf32, #tpu.memory_space<vmem>>
      %dma_start3A_102 = arith.constant 0 : i32
      %dma_start3A_103 = tpu.memref_slice %arg5[%add3A_96, %dma_start3A_102] : memref<79x128xi32, #tpu.memory_space<vmem>> -> memref<1x128xi32, #tpu.memory_space<vmem>>
      %dma_start3A_104 = tpu.memref_squeeze %dma_start3A_103 : memref<1x128xi32, #tpu.memory_space<vmem>> -> memref<128xi32, #tpu.memory_space<vmem>>
      %dma_start3A_105 = arith.constant 0 : i32
      %dma_start3A_106 = arith.constant 0 : i32
      %dma_start3A_107 = tpu.memref_slice %arg2[%dma_start3A_105, %dma_start3A_106] : memref<10000x16xf32, #tpu.memory_space<hbm>> -> memref<10000x16xf32, #tpu.memory_space<hbm>>
      tpu.enqueue_indirect_dma source(%dma_start3A_107 : memref<10000x16xf32, #tpu.memory_space<hbm>>) target(%dma_start3A_101 : memref<128x16xf32, #tpu.memory_space<vmem>>) offsets(%dma_start3A_104 : memref<128xi32, #tpu.memory_space<vmem>>) semaphore(%arg10 : memref<!tpu.dma_semaphore, #tpu.memory_space<semaphore_mem>>)
      %mul3A_108 = arith.constant 26 : i32
      %mul3A_109 = arith.muli %scan3A_32, %mul3A_108 : i32
      %add3A_110 = arith.constant 5 : i32
      %add3A_111 = arith.addi %mul3A_109, %add3A_110 : i32
      %dma_start3A_112 = arith.constant 5 : i32
      %dma_start3A_113 = arith.constant 0 : i32
      %dma_start3A_114 = arith.constant 0 : i32
      %dma_start3A_115 = tpu.memref_slice %arg7[%dma_start3A_112, %dma_start3A_113, %dma_start3A_114] : memref<26x128x16xf32, #tpu.memory_space<vmem>> -> memref<1x128x16xf32, #tpu.memory_space<vmem>>
      %dma_start3A_116 = tpu.memref_squeeze %dma_start3A_115 : memref<1x128x16xf32, #tpu.memory_space<vmem>> -> memref<128x16xf32, #tpu.memory_space<vmem>>
      %dma_start3A_117 = arith.constant 0 : i32
      %dma_start3A_118 = tpu.memref_slice %arg5[%add3A_111, %dma_start3A_117] : memref<79x128xi32, #tpu.memory_space<vmem>> -> memref<1x128xi32, #tpu.memory_space<vmem>>
      %dma_start3A_119 = tpu.memref_squeeze %dma_start3A_118 : memref<1x128xi32, #tpu.memory_space<vmem>> -> memref<128xi32, #tpu.memory_space<vmem>>
      %dma_start3A_120 = arith.constant 0 : i32
      %dma_start3A_121 = arith.constant 0 : i32
      %dma_start3A_122 = tpu.memref_slice %arg2[%dma_start3A_120, %dma_start3A_121] : memref<10000x16xf32, #tpu.memory_space<hbm>> -> memref<10000x16xf32, #tpu.memory_space<hbm>>
      tpu.enqueue_indirect_dma source(%dma_start3A_122 : memref<10000x16xf32, #tpu.memory_space<hbm>>) target(%dma_start3A_116 : memref<128x16xf32, #tpu.memory_space<vmem>>) offsets(%dma_start3A_119 : memref<128xi32, #tpu.memory_space<vmem>>) semaphore(%arg10 : memref<!tpu.dma_semaphore, #tpu.memory_space<semaphore_mem>>)
      %mul3A_123 = arith.constant 26 : i32
      %mul3A_124 = arith.muli %scan3A_32, %mul3A_123 : i32
      %add3A_125 = arith.constant 6 : i32
      %add3A_126 = arith.addi %mul3A_124, %add3A_125 : i32
      %dma_start3A_127 = arith.constant 6 : i32
      %dma_start3A_128 = arith.constant 0 : i32
      %dma_start3A_129 = arith.constant 0 : i32
      %dma_start3A_130 = tpu.memref_slice %arg7[%dma_start3A_127, %dma_start3A_128, %dma_start3A_129] : memref<26x128x16xf32, #tpu.memory_space<vmem>> -> memref<1x128x16xf32, #tpu.memory_space<vmem>>
      %dma_start3A_131 = tpu.memref_squeeze %dma_start3A_130 : memref<1x128x16xf32, #tpu.memory_space<vmem>> -> memref<128x16xf32, #tpu.memory_space<vmem>>
      %dma_start3A_132 = arith.constant 0 : i32
      %dma_start3A_133 = tpu.memref_slice %arg5[%add3A_126, %dma_start3A_132] : memref<79x128xi32, #tpu.memory_space<vmem>> -> memref<1x128xi32, #tpu.memory_space<vmem>>
      %dma_start3A_134 = tpu.memref_squeeze %dma_start3A_133 : memref<1x128xi32, #tpu.memory_space<vmem>> -> memref<128xi32, #tpu.memory_space<vmem>>
      %dma_start3A_135 = arith.constant 0 : i32
      %dma_start3A_136 = arith.constant 0 : i32
      %dma_start3A_137 = tpu.memref_slice %arg2[%dma_start3A_135, %dma_start3A_136] : memref<10000x16xf32, #tpu.memory_space<hbm>> -> memref<10000x16xf32, #tpu.memory_space<hbm>>
      tpu.enqueue_indirect_dma source(%dma_start3A_137 : memref<10000x16xf32, #tpu.memory_space<hbm>>) target(%dma_start3A_131 : memref<128x16xf32, #tpu.memory_space<vmem>>) offsets(%dma_start3A_134 : memref<128xi32, #tpu.memory_space<vmem>>) semaphore(%arg10 : memref<!tpu.dma_semaphore, #tpu.memory_space<semaphore_mem>>)
      %mul3A_138 = arith.constant 26 : i32
      %mul3A_139 = arith.muli %scan3A_32, %mul3A_138 : i32
      %add3A_140 = arith.constant 7 : i32
      %add3A_141 = arith.addi %mul3A_139, %add3A_140 : i32
      %dma_start3A_142 = arith.constant 7 : i32
      %dma_start3A_143 = arith.constant 0 : i32
      %dma_start3A_144 = arith.constant 0 : i32
      %dma_start3A_145 = tpu.memref_slice %arg7[%dma_start3A_142, %dma_start3A_143, %dma_start3A_144] : memref<26x128x16xf32, #tpu.memory_space<vmem>> -> memref<1x128x16xf32, #tpu.memory_space<vmem>>
      %dma_start3A_146 = tpu.memref_squeeze %dma_start3A_145 : memref<1x128x16xf32, #tpu.memory_space<vmem>> -> memref<128x16xf32, #tpu.memory_space<vmem>>
      %dma_start3A_147 = arith.constant 0 : i32
      %dma_start3A_148 = tpu.memref_slice %arg5[%add3A_141, %dma_start3A_147] : memref<79x128xi32, #tpu.memory_space<vmem>> -> memref<1x128xi32, #tpu.memory_space<vmem>>
      %dma_start3A_149 = tpu.memref_squeeze %dma_start3A_148 : memref<1x128xi32, #tpu.memory_space<vmem>> -> memref<128xi32, #tpu.memory_space<vmem>>
      %dma_start3A_150 = arith.constant 0 : i32
      %dma_start3A_151 = arith.constant 0 : i32
      %dma_start3A_152 = tpu.memref_slice %arg2[%dma_start3A_150, %dma_start3A_151] : memref<10000x16xf32, #tpu.memory_space<hbm>> -> memref<10000x16xf32, #tpu.memory_space<hbm>>
      tpu.enqueue_indirect_dma source(%dma_start3A_152 : memref<10000x16xf32, #tpu.memory_space<hbm>>) target(%dma_start3A_146 : memref<128x16xf32, #tpu.memory_space<vmem>>) offsets(%dma_start3A_149 : memref<128xi32, #tpu.memory_space<vmem>>) semaphore(%arg10 : memref<!tpu.dma_semaphore, #tpu.memory_space<semaphore_mem>>)
      %mul3A_153 = arith.constant 26 : i32
      %mul3A_154 = arith.muli %scan3A_32, %mul3A_153 : i32
      %add3A_155 = arith.constant 8 : i32
      %add3A_156 = arith.addi %mul3A_154, %add3A_155 : i32
      %dma_start3A_157 = arith.constant 8 : i32
      %dma_start3A_158 = arith.constant 0 : i32
      %dma_start3A_159 = arith.constant 0 : i32
      %dma_start3A_160 = tpu.memref_slice %arg7[%dma_start3A_157, %dma_start3A_158, %dma_start3A_159] : memref<26x128x16xf32, #tpu.memory_space<vmem>> -> memref<1x128x16xf32, #tpu.memory_space<vmem>>
      %dma_start3A_161 = tpu.memref_squeeze %dma_start3A_160 : memref<1x128x16xf32, #tpu.memory_space<vmem>> -> memref<128x16xf32, #tpu.memory_space<vmem>>
      %dma_start3A_162 = arith.constant 0 : i32
      %dma_start3A_163 = tpu.memref_slice %arg5[%add3A_156, %dma_start3A_162] : memref<79x128xi32, #tpu.memory_space<vmem>> -> memref<1x128xi32, #tpu.memory_space<vmem>>
      %dma_start3A_164 = tpu.memref_squeeze %dma_start3A_163 : memref<1x128xi32, #tpu.memory_space<vmem>> -> memref<128xi32, #tpu.memory_space<vmem>>
      %dma_start3A_165 = arith.constant 0 : i32
      %dma_start3A_166 = arith.constant 0 : i32
      %dma_start3A_167 = tpu.memref_slice %arg2[%dma_start3A_165, %dma_start3A_166] : memref<10000x16xf32, #tpu.memory_space<hbm>> -> memref<10000x16xf32, #tpu.memory_space<hbm>>
      tpu.enqueue_indirect_dma source(%dma_start3A_167 : memref<10000x16xf32, #tpu.memory_space<hbm>>) target(%dma_start3A_161 : memref<128x16xf32, #tpu.memory_space<vmem>>) offsets(%dma_start3A_164 : memref<128xi32, #tpu.memory_space<vmem>>) semaphore(%arg10 : memref<!tpu.dma_semaphore, #tpu.memory_space<semaphore_mem>>)
      %mul3A_168 = arith.constant 26 : i32
      %mul3A_169 = arith.muli %scan3A_32, %mul3A_168 : i32
      %add3A_170 = arith.constant 9 : i32
      %add3A_171 = arith.addi %mul3A_169, %add3A_170 : i32
      %dma_start3A_172 = arith.constant 9 : i32
      %dma_start3A_173 = arith.constant 0 : i32
      %dma_start3A_174 = arith.constant 0 : i32
      %dma_start3A_175 = tpu.memref_slice %arg7[%dma_start3A_172, %dma_start3A_173, %dma_start3A_174] : memref<26x128x16xf32, #tpu.memory_space<vmem>> -> memref<1x128x16xf32, #tpu.memory_space<vmem>>
      %dma_start3A_176 = tpu.memref_squeeze %dma_start3A_175 : memref<1x128x16xf32, #tpu.memory_space<vmem>> -> memref<128x16xf32, #tpu.memory_space<vmem>>
      %dma_start3A_177 = arith.constant 0 : i32
      %dma_start3A_178 = tpu.memref_slice %arg5[%add3A_171, %dma_start3A_177] : memref<79x128xi32, #tpu.memory_space<vmem>> -> memref<1x128xi32, #tpu.memory_space<vmem>>
      %dma_start3A_179 = tpu.memref_squeeze %dma_start3A_178 : memref<1x128xi32, #tpu.memory_space<vmem>> -> memref<128xi32, #tpu.memory_space<vmem>>
      %dma_start3A_180 = arith.constant 0 : i32
      %dma_start3A_181 = arith.constant 0 : i32
      %dma_start3A_182 = tpu.memref_slice %arg2[%dma_start3A_180, %dma_start3A_181] : memref<10000x16xf32, #tpu.memory_space<hbm>> -> memref<10000x16xf32, #tpu.memory_space<hbm>>
      tpu.enqueue_indirect_dma source(%dma_start3A_182 : memref<10000x16xf32, #tpu.memory_space<hbm>>) target(%dma_start3A_176 : memref<128x16xf32, #tpu.memory_space<vmem>>) offsets(%dma_start3A_179 : memref<128xi32, #tpu.memory_space<vmem>>) semaphore(%arg10 : memref<!tpu.dma_semaphore, #tpu.memory_space<semaphore_mem>>)
      %mul3A_183 = arith.constant 26 : i32
      %mul3A_184 = arith.muli %scan3A_32, %mul3A_183 : i32
      %add3A_185 = arith.constant 10 : i32
      %add3A_186 = arith.addi %mul3A_184, %add3A_185 : i32
      %dma_start3A_187 = arith.constant 10 : i32
      %dma_start3A_188 = arith.constant 0 : i32
      %dma_start3A_189 = arith.constant 0 : i32
      %dma_start3A_190 = tpu.memref_slice %arg7[%dma_start3A_187, %dma_start3A_188, %dma_start3A_189] : memref<26x128x16xf32, #tpu.memory_space<vmem>> -> memref<1x128x16xf32, #tpu.memory_space<vmem>>
      %dma_start3A_191 = tpu.memref_squeeze %dma_start3A_190 : memref<1x128x16xf32, #tpu.memory_space<vmem>> -> memref<128x16xf32, #tpu.memory_space<vmem>>
      %dma_start3A_192 = arith.constant 0 : i32
      %dma_start3A_193 = tpu.memref_slice %arg5[%add3A_186, %dma_start3A_192] : memref<79x128xi32, #tpu.memory_space<vmem>> -> memref<1x128xi32, #tpu.memory_space<vmem>>
      %dma_start3A_194 = tpu.memref_squeeze %dma_start3A_193 : memref<1x128xi32, #tpu.memory_space<vmem>> -> memref<128xi32, #tpu.memory_space<vmem>>
      %dma_start3A_195 = arith.constant 0 : i32
      %dma_start3A_196 = arith.constant 0 : i32
      %dma_start3A_197 = tpu.memref_slice %arg2[%dma_start3A_195, %dma_start3A_196] : memref<10000x16xf32, #tpu.memory_space<hbm>> -> memref<10000x16xf32, #tpu.memory_space<hbm>>
      tpu.enqueue_indirect_dma source(%dma_start3A_197 : memref<10000x16xf32, #tpu.memory_space<hbm>>) target(%dma_start3A_191 : memref<128x16xf32, #tpu.memory_space<vmem>>) offsets(%dma_start3A_194 : memref<128xi32, #tpu.memory_space<vmem>>) semaphore(%arg10 : memref<!tpu.dma_semaphore, #tpu.memory_space<semaphore_mem>>)
      %mul3A_198 = arith.constant 26 : i32
      %mul3A_199 = arith.muli %scan3A_32, %mul3A_198 : i32
      %add3A_200 = arith.constant 11 : i32
      %add3A_201 = arith.addi %mul3A_199, %add3A_200 : i32
      %dma_start3A_202 = arith.constant 11 : i32
      %dma_start3A_203 = arith.constant 0 : i32
      %dma_start3A_204 = arith.constant 0 : i32
      %dma_start3A_205 = tpu.memref_slice %arg7[%dma_start3A_202, %dma_start3A_203, %dma_start3A_204] : memref<26x128x16xf32, #tpu.memory_space<vmem>> -> memref<1x128x16xf32, #tpu.memory_space<vmem>>
      %dma_start3A_206 = tpu.memref_squeeze %dma_start3A_205 : memref<1x128x16xf32, #tpu.memory_space<vmem>> -> memref<128x16xf32, #tpu.memory_space<vmem>>
      %dma_start3A_207 = arith.constant 0 : i32
      %dma_start3A_208 = tpu.memref_slice %arg5[%add3A_201, %dma_start3A_207] : memref<79x128xi32, #tpu.memory_space<vmem>> -> memref<1x128xi32, #tpu.memory_space<vmem>>
      %dma_start3A_209 = tpu.memref_squeeze %dma_start3A_208 : memref<1x128xi32, #tpu.memory_space<vmem>> -> memref<128xi32, #tpu.memory_space<vmem>>
      %dma_start3A_210 = arith.constant 0 : i32
      %dma_start3A_211 = arith.constant 0 : i32
      %dma_start3A_212 = tpu.memref_slice %arg2[%dma_start3A_210, %dma_start3A_211] : memref<10000x16xf32, #tpu.memory_space<hbm>> -> memref<10000x16xf32, #tpu.memory_space<hbm>>
      tpu.enqueue_indirect_dma source(%dma_start3A_212 : memref<10000x16xf32, #tpu.memory_space<hbm>>) target(%dma_start3A_206 : memref<128x16xf32, #tpu.memory_space<vmem>>) offsets(%dma_start3A_209 : memref<128xi32, #tpu.memory_space<vmem>>) semaphore(%arg10 : memref<!tpu.dma_semaphore, #tpu.memory_space<semaphore_mem>>)
      %mul3A_213 = arith.constant 26 : i32
      %mul3A_214 = arith.muli %scan3A_32, %mul3A_213 : i32
      %add3A_215 = arith.constant 12 : i32
      %add3A_216 = arith.addi %mul3A_214, %add3A_215 : i32
      %dma_start3A_217 = arith.constant 12 : i32
      %dma_start3A_218 = arith.constant 0 : i32
      %dma_start3A_219 = arith.constant 0 : i32
      %dma_start3A_220 = tpu.memref_slice %arg7[%dma_start3A_217, %dma_start3A_218, %dma_start3A_219] : memref<26x128x16xf32, #tpu.memory_space<vmem>> -> memref<1x128x16xf32, #tpu.memory_space<vmem>>
      %dma_start3A_221 = tpu.memref_squeeze %dma_start3A_220 : memref<1x128x16xf32, #tpu.memory_space<vmem>> -> memref<128x16xf32, #tpu.memory_space<vmem>>
      %dma_start3A_222 = arith.constant 0 : i32
      %dma_start3A_223 = tpu.memref_slice %arg5[%add3A_216, %dma_start3A_222] : memref<79x128xi32, #tpu.memory_space<vmem>> -> memref<1x128xi32, #tpu.memory_space<vmem>>
      %dma_start3A_224 = tpu.memref_squeeze %dma_start3A_223 : memref<1x128xi32, #tpu.memory_space<vmem>> -> memref<128xi32, #tpu.memory_space<vmem>>
      %dma_start3A_225 = arith.constant 0 : i32
      %dma_start3A_226 = arith.constant 0 : i32
      %dma_start3A_227 = tpu.memref_slice %arg2[%dma_start3A_225, %dma_start3A_226] : memref<10000x16xf32, #tpu.memory_space<hbm>> -> memref<10000x16xf32, #tpu.memory_space<hbm>>
      tpu.enqueue_indirect_dma source(%dma_start3A_227 : memref<10000x16xf32, #tpu.memory_space<hbm>>) target(%dma_start3A_221 : memref<128x16xf32, #tpu.memory_space<vmem>>) offsets(%dma_start3A_224 : memref<128xi32, #tpu.memory_space<vmem>>) semaphore(%arg10 : memref<!tpu.dma_semaphore, #tpu.memory_space<semaphore_mem>>)
      %mul3A_228 = arith.constant 26 : i32
      %mul3A_229 = arith.muli %scan3A_32, %mul3A_228 : i32
      %add3A_230 = arith.constant 13 : i32
      %add3A_231 = arith.addi %mul3A_229, %add3A_230 : i32
      %dma_start3A_232 = arith.constant 13 : i32
      %dma_start3A_233 = arith.constant 0 : i32
      %dma_start3A_234 = arith.constant 0 : i32
      %dma_start3A_235 = tpu.memref_slice %arg7[%dma_start3A_232, %dma_start3A_233, %dma_start3A_234] : memref<26x128x16xf32, #tpu.memory_space<vmem>> -> memref<1x128x16xf32, #tpu.memory_space<vmem>>
      %dma_start3A_236 = tpu.memref_squeeze %dma_start3A_235 : memref<1x128x16xf32, #tpu.memory_space<vmem>> -> memref<128x16xf32, #tpu.memory_space<vmem>>
      %dma_start3A_237 = arith.constant 0 : i32
      %dma_start3A_238 = tpu.memref_slice %arg5[%add3A_231, %dma_start3A_237] : memref<79x128xi32, #tpu.memory_space<vmem>> -> memref<1x128xi32, #tpu.memory_space<vmem>>
      %dma_start3A_239 = tpu.memref_squeeze %dma_start3A_238 : memref<1x128xi32, #tpu.memory_space<vmem>> -> memref<128xi32, #tpu.memory_space<vmem>>
      %dma_start3A_240 = arith.constant 0 : i32
      %dma_start3A_241 = arith.constant 0 : i32
      %dma_start3A_242 = tpu.memref_slice %arg2[%dma_start3A_240, %dma_start3A_241] : memref<10000x16xf32, #tpu.memory_space<hbm>> -> memref<10000x16xf32, #tpu.memory_space<hbm>>
      tpu.enqueue_indirect_dma source(%dma_start3A_242 : memref<10000x16xf32, #tpu.memory_space<hbm>>) target(%dma_start3A_236 : memref<128x16xf32, #tpu.memory_space<vmem>>) offsets(%dma_start3A_239 : memref<128xi32, #tpu.memory_space<vmem>>) semaphore(%arg10 : memref<!tpu.dma_semaphore, #tpu.memory_space<semaphore_mem>>)
      %mul3A_243 = arith.constant 26 : i32
      %mul3A_244 = arith.muli %scan3A_32, %mul3A_243 : i32
      %add3A_245 = arith.constant 14 : i32
      %add3A_246 = arith.addi %mul3A_244, %add3A_245 : i32
      %dma_start3A_247 = arith.constant 14 : i32
      %dma_start3A_248 = arith.constant 0 : i32
      %dma_start3A_249 = arith.constant 0 : i32
      %dma_start3A_250 = tpu.memref_slice %arg7[%dma_start3A_247, %dma_start3A_248, %dma_start3A_249] : memref<26x128x16xf32, #tpu.memory_space<vmem>> -> memref<1x128x16xf32, #tpu.memory_space<vmem>>
      %dma_start3A_251 = tpu.memref_squeeze %dma_start3A_250 : memref<1x128x16xf32, #tpu.memory_space<vmem>> -> memref<128x16xf32, #tpu.memory_space<vmem>>
      %dma_start3A_252 = arith.constant 0 : i32
      %dma_start3A_253 = tpu.memref_slice %arg5[%add3A_246, %dma_start3A_252] : memref<79x128xi32, #tpu.memory_space<vmem>> -> memref<1x128xi32, #tpu.memory_space<vmem>>
      %dma_start3A_254 = tpu.memref_squeeze %dma_start3A_253 : memref<1x128xi32, #tpu.memory_space<vmem>> -> memref<128xi32, #tpu.memory_space<vmem>>
      %dma_start3A_255 = arith.constant 0 : i32
      %dma_start3A_256 = arith.constant 0 : i32
      %dma_start3A_257 = tpu.memref_slice %arg2[%dma_start3A_255, %dma_start3A_256] : memref<10000x16xf32, #tpu.memory_space<hbm>> -> memref<10000x16xf32, #tpu.memory_space<hbm>>
      tpu.enqueue_indirect_dma source(%dma_start3A_257 : memref<10000x16xf32, #tpu.memory_space<hbm>>) target(%dma_start3A_251 : memref<128x16xf32, #tpu.memory_space<vmem>>) offsets(%dma_start3A_254 : memref<128xi32, #tpu.memory_space<vmem>>) semaphore(%arg10 : memref<!tpu.dma_semaphore, #tpu.memory_space<semaphore_mem>>)
      %mul3A_258 = arith.constant 26 : i32
      %mul3A_259 = arith.muli %scan3A_32, %mul3A_258 : i32
      %add3A_260 = arith.constant 15 : i32
      %add3A_261 = arith.addi %mul3A_259, %add3A_260 : i32
      %dma_start3A_262 = arith.constant 15 : i32
      %dma_start3A_263 = arith.constant 0 : i32
      %dma_start3A_264 = arith.constant 0 : i32
      %dma_start3A_265 = tpu.memref_slice %arg7[%dma_start3A_262, %dma_start3A_263, %dma_start3A_264] : memref<26x128x16xf32, #tpu.memory_space<vmem>> -> memref<1x128x16xf32, #tpu.memory_space<vmem>>
      %dma_start3A_266 = tpu.memref_squeeze %dma_start3A_265 : memref<1x128x16xf32, #tpu.memory_space<vmem>> -> memref<128x16xf32, #tpu.memory_space<vmem>>
      %dma_start3A_267 = arith.constant 0 : i32
      %dma_start3A_268 = tpu.memref_slice %arg5[%add3A_261, %dma_start3A_267] : memref<79x128xi32, #tpu.memory_space<vmem>> -> memref<1x128xi32, #tpu.memory_space<vmem>>
      %dma_start3A_269 = tpu.memref_squeeze %dma_start3A_268 : memref<1x128xi32, #tpu.memory_space<vmem>> -> memref<128xi32, #tpu.memory_space<vmem>>
      %dma_start3A_270 = arith.constant 0 : i32
      %dma_start3A_271 = arith.constant 0 : i32
      %dma_start3A_272 = tpu.memref_slice %arg2[%dma_start3A_270, %dma_start3A_271] : memref<10000x16xf32, #tpu.memory_space<hbm>> -> memref<10000x16xf32, #tpu.memory_space<hbm>>
      tpu.enqueue_indirect_dma source(%dma_start3A_272 : memref<10000x16xf32, #tpu.memory_space<hbm>>) target(%dma_start3A_266 : memref<128x16xf32, #tpu.memory_space<vmem>>) offsets(%dma_start3A_269 : memref<128xi32, #tpu.memory_space<vmem>>) semaphore(%arg10 : memref<!tpu.dma_semaphore, #tpu.memory_space<semaphore_mem>>)
      %mul3A_273 = arith.constant 26 : i32
      %mul3A_274 = arith.muli %scan3A_32, %mul3A_273 : i32
      %add3A_275 = arith.constant 16 : i32
      %add3A_276 = arith.addi %mul3A_274, %add3A_275 : i32
      %dma_start3A_277 = arith.constant 16 : i32
      %dma_start3A_278 = arith.constant 0 : i32
      %dma_start3A_279 = arith.constant 0 : i32
      %dma_start3A_280 = tpu.memref_slice %arg7[%dma_start3A_277, %dma_start3A_278, %dma_start3A_279] : memref<26x128x16xf32, #tpu.memory_space<vmem>> -> memref<1x128x16xf32, #tpu.memory_space<vmem>>
      %dma_start3A_281 = tpu.memref_squeeze %dma_start3A_280 : memref<1x128x16xf32, #tpu.memory_space<vmem>> -> memref<128x16xf32, #tpu.memory_space<vmem>>
      %dma_start3A_282 = arith.constant 0 : i32
      %dma_start3A_283 = tpu.memref_slice %arg5[%add3A_276, %dma_start3A_282] : memref<79x128xi32, #tpu.memory_space<vmem>> -> memref<1x128xi32, #tpu.memory_space<vmem>>
      %dma_start3A_284 = tpu.memref_squeeze %dma_start3A_283 : memref<1x128xi32, #tpu.memory_space<vmem>> -> memref<128xi32, #tpu.memory_space<vmem>>
      %dma_start3A_285 = arith.constant 0 : i32
      %dma_start3A_286 = arith.constant 0 : i32
      %dma_start3A_287 = tpu.memref_slice %arg2[%dma_start3A_285, %dma_start3A_286] : memref<10000x16xf32, #tpu.memory_space<hbm>> -> memref<10000x16xf32, #tpu.memory_space<hbm>>
      tpu.enqueue_indirect_dma source(%dma_start3A_287 : memref<10000x16xf32, #tpu.memory_space<hbm>>) target(%dma_start3A_281 : memref<128x16xf32, #tpu.memory_space<vmem>>) offsets(%dma_start3A_284 : memref<128xi32, #tpu.memory_space<vmem>>) semaphore(%arg10 : memref<!tpu.dma_semaphore, #tpu.memory_space<semaphore_mem>>)
      %mul3A_288 = arith.constant 26 : i32
      %mul3A_289 = arith.muli %scan3A_32, %mul3A_288 : i32
      %add3A_290 = arith.constant 17 : i32
      %add3A_291 = arith.addi %mul3A_289, %add3A_290 : i32
      %dma_start3A_292 = arith.constant 17 : i32
      %dma_start3A_293 = arith.constant 0 : i32
      %dma_start3A_294 = arith.constant 0 : i32
      %dma_start3A_295 = tpu.memref_slice %arg7[%dma_start3A_292, %dma_start3A_293, %dma_start3A_294] : memref<26x128x16xf32, #tpu.memory_space<vmem>> -> memref<1x128x16xf32, #tpu.memory_space<vmem>>
      %dma_start3A_296 = tpu.memref_squeeze %dma_start3A_295 : memref<1x128x16xf32, #tpu.memory_space<vmem>> -> memref<128x16xf32, #tpu.memory_space<vmem>>
      %dma_start3A_297 = arith.constant 0 : i32
      %dma_start3A_298 = tpu.memref_slice %arg5[%add3A_291, %dma_start3A_297] : memref<79x128xi32, #tpu.memory_space<vmem>> -> memref<1x128xi32, #tpu.memory_space<vmem>>
      %dma_start3A_299 = tpu.memref_squeeze %dma_start3A_298 : memref<1x128xi32, #tpu.memory_space<vmem>> -> memref<128xi32, #tpu.memory_space<vmem>>
      %dma_start3A_300 = arith.constant 0 : i32
      %dma_start3A_301 = arith.constant 0 : i32
      %dma_start3A_302 = tpu.memref_slice %arg2[%dma_start3A_300, %dma_start3A_301] : memref<10000x16xf32, #tpu.memory_space<hbm>> -> memref<10000x16xf32, #tpu.memory_space<hbm>>
      tpu.enqueue_indirect_dma source(%dma_start3A_302 : memref<10000x16xf32, #tpu.memory_space<hbm>>) target(%dma_start3A_296 : memref<128x16xf32, #tpu.memory_space<vmem>>) offsets(%dma_start3A_299 : memref<128xi32, #tpu.memory_space<vmem>>) semaphore(%arg10 : memref<!tpu.dma_semaphore, #tpu.memory_space<semaphore_mem>>)
      %mul3A_303 = arith.constant 26 : i32
      %mul3A_304 = arith.muli %scan3A_32, %mul3A_303 : i32
      %add3A_305 = arith.constant 18 : i32
      %add3A_306 = arith.addi %mul3A_304, %add3A_305 : i32
      %dma_start3A_307 = arith.constant 18 : i32
      %dma_start3A_308 = arith.constant 0 : i32
      %dma_start3A_309 = arith.constant 0 : i32
      %dma_start3A_310 = tpu.memref_slice %arg7[%dma_start3A_307, %dma_start3A_308, %dma_start3A_309] : memref<26x128x16xf32, #tpu.memory_space<vmem>> -> memref<1x128x16xf32, #tpu.memory_space<vmem>>
      %dma_start3A_311 = tpu.memref_squeeze %dma_start3A_310 : memref<1x128x16xf32, #tpu.memory_space<vmem>> -> memref<128x16xf32, #tpu.memory_space<vmem>>
      %dma_start3A_312 = arith.constant 0 : i32
      %dma_start3A_313 = tpu.memref_slice %arg5[%add3A_306, %dma_start3A_312] : memref<79x128xi32, #tpu.memory_space<vmem>> -> memref<1x128xi32, #tpu.memory_space<vmem>>
      %dma_start3A_314 = tpu.memref_squeeze %dma_start3A_313 : memref<1x128xi32, #tpu.memory_space<vmem>> -> memref<128xi32, #tpu.memory_space<vmem>>
      %dma_start3A_315 = arith.constant 0 : i32
      %dma_start3A_316 = arith.constant 0 : i32
      %dma_start3A_317 = tpu.memref_slice %arg2[%dma_start3A_315, %dma_start3A_316] : memref<10000x16xf32, #tpu.memory_space<hbm>> -> memref<10000x16xf32, #tpu.memory_space<hbm>>
      tpu.enqueue_indirect_dma source(%dma_start3A_317 : memref<10000x16xf32, #tpu.memory_space<hbm>>) target(%dma_start3A_311 : memref<128x16xf32, #tpu.memory_space<vmem>>) offsets(%dma_start3A_314 : memref<128xi32, #tpu.memory_space<vmem>>) semaphore(%arg10 : memref<!tpu.dma_semaphore, #tpu.memory_space<semaphore_mem>>)
      %mul3A_318 = arith.constant 26 : i32
      %mul3A_319 = arith.muli %scan3A_32, %mul3A_318 : i32
      %add3A_320 = arith.constant 19 : i32
      %add3A_321 = arith.addi %mul3A_319, %add3A_320 : i32
      %dma_start3A_322 = arith.constant 19 : i32
      %dma_start3A_323 = arith.constant 0 : i32
      %dma_start3A_324 = arith.constant 0 : i32
      %dma_start3A_325 = tpu.memref_slice %arg7[%dma_start3A_322, %dma_start3A_323, %dma_start3A_324] : memref<26x128x16xf32, #tpu.memory_space<vmem>> -> memref<1x128x16xf32, #tpu.memory_space<vmem>>
      %dma_start3A_326 = tpu.memref_squeeze %dma_start3A_325 : memref<1x128x16xf32, #tpu.memory_space<vmem>> -> memref<128x16xf32, #tpu.memory_space<vmem>>
      %dma_start3A_327 = arith.constant 0 : i32
      %dma_start3A_328 = tpu.memref_slice %arg5[%add3A_321, %dma_start3A_327] : memref<79x128xi32, #tpu.memory_space<vmem>> -> memref<1x128xi32, #tpu.memory_space<vmem>>
      %dma_start3A_329 = tpu.memref_squeeze %dma_start3A_328 : memref<1x128xi32, #tpu.memory_space<vmem>> -> memref<128xi32, #tpu.memory_space<vmem>>
      %dma_start3A_330 = arith.constant 0 : i32
      %dma_start3A_331 = arith.constant 0 : i32
      %dma_start3A_332 = tpu.memref_slice %arg2[%dma_start3A_330, %dma_start3A_331] : memref<10000x16xf32, #tpu.memory_space<hbm>> -> memref<10000x16xf32, #tpu.memory_space<hbm>>
      tpu.enqueue_indirect_dma source(%dma_start3A_332 : memref<10000x16xf32, #tpu.memory_space<hbm>>) target(%dma_start3A_326 : memref<128x16xf32, #tpu.memory_space<vmem>>) offsets(%dma_start3A_329 : memref<128xi32, #tpu.memory_space<vmem>>) semaphore(%arg10 : memref<!tpu.dma_semaphore, #tpu.memory_space<semaphore_mem>>)
      %mul3A_333 = arith.constant 26 : i32
      %mul3A_334 = arith.muli %scan3A_32, %mul3A_333 : i32
      %add3A_335 = arith.constant 20 : i32
      %add3A_336 = arith.addi %mul3A_334, %add3A_335 : i32
      %dma_start3A_337 = arith.constant 20 : i32
      %dma_start3A_338 = arith.constant 0 : i32
      %dma_start3A_339 = arith.constant 0 : i32
      %dma_start3A_340 = tpu.memref_slice %arg7[%dma_start3A_337, %dma_start3A_338, %dma_start3A_339] : memref<26x128x16xf32, #tpu.memory_space<vmem>> -> memref<1x128x16xf32, #tpu.memory_space<vmem>>
      %dma_start3A_341 = tpu.memref_squeeze %dma_start3A_340 : memref<1x128x16xf32, #tpu.memory_space<vmem>> -> memref<128x16xf32, #tpu.memory_space<vmem>>
      %dma_start3A_342 = arith.constant 0 : i32
      %dma_start3A_343 = tpu.memref_slice %arg5[%add3A_336, %dma_start3A_342] : memref<79x128xi32, #tpu.memory_space<vmem>> -> memref<1x128xi32, #tpu.memory_space<vmem>>
      %dma_start3A_344 = tpu.memref_squeeze %dma_start3A_343 : memref<1x128xi32, #tpu.memory_space<vmem>> -> memref<128xi32, #tpu.memory_space<vmem>>
      %dma_start3A_345 = arith.constant 0 : i32
      %dma_start3A_346 = arith.constant 0 : i32
      %dma_start3A_347 = tpu.memref_slice %arg2[%dma_start3A_345, %dma_start3A_346] : memref<10000x16xf32, #tpu.memory_space<hbm>> -> memref<10000x16xf32, #tpu.memory_space<hbm>>
      tpu.enqueue_indirect_dma source(%dma_start3A_347 : memref<10000x16xf32, #tpu.memory_space<hbm>>) target(%dma_start3A_341 : memref<128x16xf32, #tpu.memory_space<vmem>>) offsets(%dma_start3A_344 : memref<128xi32, #tpu.memory_space<vmem>>) semaphore(%arg10 : memref<!tpu.dma_semaphore, #tpu.memory_space<semaphore_mem>>)
      %mul3A_348 = arith.constant 26 : i32
      %mul3A_349 = arith.muli %scan3A_32, %mul3A_348 : i32
      %add3A_350 = arith.constant 21 : i32
      %add3A_351 = arith.addi %mul3A_349, %add3A_350 : i32
      %dma_start3A_352 = arith.constant 21 : i32
      %dma_start3A_353 = arith.constant 0 : i32
      %dma_start3A_354 = arith.constant 0 : i32
      %dma_start3A_355 = tpu.memref_slice %arg7[%dma_start3A_352, %dma_start3A_353, %dma_start3A_354] : memref<26x128x16xf32, #tpu.memory_space<vmem>> -> memref<1x128x16xf32, #tpu.memory_space<vmem>>
      %dma_start3A_356 = tpu.memref_squeeze %dma_start3A_355 : memref<1x128x16xf32, #tpu.memory_space<vmem>> -> memref<128x16xf32, #tpu.memory_space<vmem>>
      %dma_start3A_357 = arith.constant 0 : i32
      %dma_start3A_358 = tpu.memref_slice %arg5[%add3A_351, %dma_start3A_357] : memref<79x128xi32, #tpu.memory_space<vmem>> -> memref<1x128xi32, #tpu.memory_space<vmem>>
      %dma_start3A_359 = tpu.memref_squeeze %dma_start3A_358 : memref<1x128xi32, #tpu.memory_space<vmem>> -> memref<128xi32, #tpu.memory_space<vmem>>
      %dma_start3A_360 = arith.constant 0 : i32
      %dma_start3A_361 = arith.constant 0 : i32
      %dma_start3A_362 = tpu.memref_slice %arg2[%dma_start3A_360, %dma_start3A_361] : memref<10000x16xf32, #tpu.memory_space<hbm>> -> memref<10000x16xf32, #tpu.memory_space<hbm>>
      tpu.enqueue_indirect_dma source(%dma_start3A_362 : memref<10000x16xf32, #tpu.memory_space<hbm>>) target(%dma_start3A_356 : memref<128x16xf32, #tpu.memory_space<vmem>>) offsets(%dma_start3A_359 : memref<128xi32, #tpu.memory_space<vmem>>) semaphore(%arg10 : memref<!tpu.dma_semaphore, #tpu.memory_space<semaphore_mem>>)
      %mul3A_363 = arith.constant 26 : i32
      %mul3A_364 = arith.muli %scan3A_32, %mul3A_363 : i32
      %add3A_365 = arith.constant 22 : i32
      %add3A_366 = arith.addi %mul3A_364, %add3A_365 : i32
      %dma_start3A_367 = arith.constant 22 : i32
      %dma_start3A_368 = arith.constant 0 : i32
      %dma_start3A_369 = arith.constant 0 : i32
      %dma_start3A_370 = tpu.memref_slice %arg7[%dma_start3A_367, %dma_start3A_368, %dma_start3A_369] : memref<26x128x16xf32, #tpu.memory_space<vmem>> -> memref<1x128x16xf32, #tpu.memory_space<vmem>>
      %dma_start3A_371 = tpu.memref_squeeze %dma_start3A_370 : memref<1x128x16xf32, #tpu.memory_space<vmem>> -> memref<128x16xf32, #tpu.memory_space<vmem>>
      %dma_start3A_372 = arith.constant 0 : i32
      %dma_start3A_373 = tpu.memref_slice %arg5[%add3A_366, %dma_start3A_372] : memref<79x128xi32, #tpu.memory_space<vmem>> -> memref<1x128xi32, #tpu.memory_space<vmem>>
      %dma_start3A_374 = tpu.memref_squeeze %dma_start3A_373 : memref<1x128xi32, #tpu.memory_space<vmem>> -> memref<128xi32, #tpu.memory_space<vmem>>
      %dma_start3A_375 = arith.constant 0 : i32
      %dma_start3A_376 = arith.constant 0 : i32
      %dma_start3A_377 = tpu.memref_slice %arg2[%dma_start3A_375, %dma_start3A_376] : memref<10000x16xf32, #tpu.memory_space<hbm>> -> memref<10000x16xf32, #tpu.memory_space<hbm>>
      tpu.enqueue_indirect_dma source(%dma_start3A_377 : memref<10000x16xf32, #tpu.memory_space<hbm>>) target(%dma_start3A_371 : memref<128x16xf32, #tpu.memory_space<vmem>>) offsets(%dma_start3A_374 : memref<128xi32, #tpu.memory_space<vmem>>) semaphore(%arg10 : memref<!tpu.dma_semaphore, #tpu.memory_space<semaphore_mem>>)
      %mul3A_378 = arith.constant 26 : i32
      %mul3A_379 = arith.muli %scan3A_32, %mul3A_378 : i32
      %add3A_380 = arith.constant 23 : i32
      %add3A_381 = arith.addi %mul3A_379, %add3A_380 : i32
      %dma_start3A_382 = arith.constant 23 : i32
      %dma_start3A_383 = arith.constant 0 : i32
      %dma_start3A_384 = arith.constant 0 : i32
      %dma_start3A_385 = tpu.memref_slice %arg7[%dma_start3A_382, %dma_start3A_383, %dma_start3A_384] : memref<26x128x16xf32, #tpu.memory_space<vmem>> -> memref<1x128x16xf32, #tpu.memory_space<vmem>>
      %dma_start3A_386 = tpu.memref_squeeze %dma_start3A_385 : memref<1x128x16xf32, #tpu.memory_space<vmem>> -> memref<128x16xf32, #tpu.memory_space<vmem>>
      %dma_start3A_387 = arith.constant 0 : i32
      %dma_start3A_388 = tpu.memref_slice %arg5[%add3A_381, %dma_start3A_387] : memref<79x128xi32, #tpu.memory_space<vmem>> -> memref<1x128xi32, #tpu.memory_space<vmem>>
      %dma_start3A_389 = tpu.memref_squeeze %dma_start3A_388 : memref<1x128xi32, #tpu.memory_space<vmem>> -> memref<128xi32, #tpu.memory_space<vmem>>
      %dma_start3A_390 = arith.constant 0 : i32
      %dma_start3A_391 = arith.constant 0 : i32
      %dma_start3A_392 = tpu.memref_slice %arg2[%dma_start3A_390, %dma_start3A_391] : memref<10000x16xf32, #tpu.memory_space<hbm>> -> memref<10000x16xf32, #tpu.memory_space<hbm>>
      tpu.enqueue_indirect_dma source(%dma_start3A_392 : memref<10000x16xf32, #tpu.memory_space<hbm>>) target(%dma_start3A_386 : memref<128x16xf32, #tpu.memory_space<vmem>>) offsets(%dma_start3A_389 : memref<128xi32, #tpu.memory_space<vmem>>) semaphore(%arg10 : memref<!tpu.dma_semaphore, #tpu.memory_space<semaphore_mem>>)
      %mul3A_393 = arith.constant 26 : i32
      %mul3A_394 = arith.muli %scan3A_32, %mul3A_393 : i32
      %add3A_395 = arith.constant 24 : i32
      %add3A_396 = arith.addi %mul3A_394, %add3A_395 : i32
      %dma_start3A_397 = arith.constant 24 : i32
      %dma_start3A_398 = arith.constant 0 : i32
      %dma_start3A_399 = arith.constant 0 : i32
      %dma_start3A_400 = tpu.memref_slice %arg7[%dma_start3A_397, %dma_start3A_398, %dma_start3A_399] : memref<26x128x16xf32, #tpu.memory_space<vmem>> -> memref<1x128x16xf32, #tpu.memory_space<vmem>>
      %dma_start3A_401 = tpu.memref_squeeze %dma_start3A_400 : memref<1x128x16xf32, #tpu.memory_space<vmem>> -> memref<128x16xf32, #tpu.memory_space<vmem>>
      %dma_start3A_402 = arith.constant 0 : i32
      %dma_start3A_403 = tpu.memref_slice %arg5[%add3A_396, %dma_start3A_402] : memref<79x128xi32, #tpu.memory_space<vmem>> -> memref<1x128xi32, #tpu.memory_space<vmem>>
      %dma_start3A_404 = tpu.memref_squeeze %dma_start3A_403 : memref<1x128xi32, #tpu.memory_space<vmem>> -> memref<128xi32, #tpu.memory_space<vmem>>
      %dma_start3A_405 = arith.constant 0 : i32
      %dma_start3A_406 = arith.constant 0 : i32
      %dma_start3A_407 = tpu.memref_slice %arg2[%dma_start3A_405, %dma_start3A_406] : memref<10000x16xf32, #tpu.memory_space<hbm>> -> memref<10000x16xf32, #tpu.memory_space<hbm>>
      tpu.enqueue_indirect_dma source(%dma_start3A_407 : memref<10000x16xf32, #tpu.memory_space<hbm>>) target(%dma_start3A_401 : memref<128x16xf32, #tpu.memory_space<vmem>>) offsets(%dma_start3A_404 : memref<128xi32, #tpu.memory_space<vmem>>) semaphore(%arg10 : memref<!tpu.dma_semaphore, #tpu.memory_space<semaphore_mem>>)
      %mul3A_408 = arith.constant 26 : i32
      %mul3A_409 = arith.muli %scan3A_32, %mul3A_408 : i32
      %add3A_410 = arith.constant 25 : i32
      %add3A_411 = arith.addi %mul3A_409, %add3A_410 : i32
      %dma_start3A_412 = arith.constant 25 : i32
      %dma_start3A_413 = arith.constant 0 : i32
      %dma_start3A_414 = arith.constant 0 : i32
      %dma_start3A_415 = tpu.memref_slice %arg7[%dma_start3A_412, %dma_start3A_413, %dma_start3A_414] : memref<26x128x16xf32, #tpu.memory_space<vmem>> -> memref<1x128x16xf32, #tpu.memory_space<vmem>>
      %dma_start3A_416 = tpu.memref_squeeze %dma_start3A_415 : memref<1x128x16xf32, #tpu.memory_space<vmem>> -> memref<128x16xf32, #tpu.memory_space<vmem>>
      %dma_start3A_417 = arith.constant 0 : i32
      %dma_start3A_418 = tpu.memref_slice %arg5[%add3A_411, %dma_start3A_417] : memref<79x128xi32, #tpu.memory_space<vmem>> -> memref<1x128xi32, #tpu.memory_space<vmem>>
      %dma_start3A_419 = tpu.memref_squeeze %dma_start3A_418 : memref<1x128xi32, #tpu.memory_space<vmem>> -> memref<128xi32, #tpu.memory_space<vmem>>
      %dma_start3A_420 = arith.constant 0 : i32
      %dma_start3A_421 = arith.constant 0 : i32
      %dma_start3A_422 = tpu.memref_slice %arg2[%dma_start3A_420, %dma_start3A_421] : memref<10000x16xf32, #tpu.memory_space<hbm>> -> memref<10000x16xf32, #tpu.memory_space<hbm>>
      tpu.enqueue_indirect_dma source(%dma_start3A_422 : memref<10000x16xf32, #tpu.memory_space<hbm>>) target(%dma_start3A_416 : memref<128x16xf32, #tpu.memory_space<vmem>>) offsets(%dma_start3A_419 : memref<128xi32, #tpu.memory_space<vmem>>) semaphore(%arg10 : memref<!tpu.dma_semaphore, #tpu.memory_space<semaphore_mem>>)
      %mul3A_423 = arith.constant 26 : i32
      %mul3A_424 = arith.muli %scan3A_32, %mul3A_423 : i32
      %add3A_425 = arith.constant 0 : i32
      %add3A_426 = arith.addi %mul3A_424, %add3A_425 : i32
      %dma_wait3A = arith.constant 0 : i32
      %dma_wait3A_427 = arith.constant 0 : i32
      %dma_wait3A_428 = arith.constant 0 : i32
      %dma_wait3A_429 = tpu.memref_slice %arg7[%dma_wait3A, %dma_wait3A_427, %dma_wait3A_428] : memref<26x128x16xf32, #tpu.memory_space<vmem>> -> memref<1x128x16xf32, #tpu.memory_space<vmem>>
      %dma_wait3A_430 = tpu.memref_squeeze %dma_wait3A_429 : memref<1x128x16xf32, #tpu.memory_space<vmem>> -> memref<128x16xf32, #tpu.memory_space<vmem>>
      %dma_wait3A_431 = arith.constant 0 : i32
      %dma_wait3A_432 = tpu.memref_slice %arg5[%add3A_37, %dma_wait3A_431] : memref<79x128xi32, #tpu.memory_space<vmem>> -> memref<1x128xi32, #tpu.memory_space<vmem>>
      %dma_wait3A_433 = tpu.memref_squeeze %dma_wait3A_432 : memref<1x128xi32, #tpu.memory_space<vmem>> -> memref<128xi32, #tpu.memory_space<vmem>>
      %dma_wait3A_434 = arith.constant 0 : i32
      %dma_wait3A_435 = arith.constant 0 : i32
      %dma_wait3A_436 = tpu.memref_slice %arg2[%dma_wait3A_434, %dma_wait3A_435] : memref<10000x16xf32, #tpu.memory_space<hbm>> -> memref<10000x16xf32, #tpu.memory_space<hbm>>
      tpu.wait_indirect_dma semaphore(%arg10 : memref<!tpu.dma_semaphore, #tpu.memory_space<semaphore_mem>>) src(%dma_wait3A_436 : memref<10000x16xf32, #tpu.memory_space<hbm>>) dst(%dma_wait3A_430 : memref<128x16xf32, #tpu.memory_space<vmem>>)
      %dma_start3A_437 = arith.constant 0 : i32
      %dma_start3A_438 = arith.constant 0 : i32
      %dma_start3A_439 = arith.constant 0 : i32
      %dma_start3A_440 = tpu.memref_slice %arg7[%dma_start3A_437, %dma_start3A_438, %dma_start3A_439] : memref<26x128x16xf32, #tpu.memory_space<vmem>> -> memref<1x128x16xf32, #tpu.memory_space<vmem>>
      %dma_start3A_441 = tpu.memref_squeeze %dma_start3A_440 : memref<1x128x16xf32, #tpu.memory_space<vmem>> -> memref<128x16xf32, #tpu.memory_space<vmem>>
      %dma_start3A_442 = arith.constant 0 : i32
      %dma_start3A_443 = tpu.memref_slice %arg6[%add3A_426, %dma_start3A_442] : memref<79x128xi32, #tpu.memory_space<vmem>> -> memref<1x128xi32, #tpu.memory_space<vmem>>
      %dma_start3A_444 = tpu.memref_squeeze %dma_start3A_443 : memref<1x128xi32, #tpu.memory_space<vmem>> -> memref<128xi32, #tpu.memory_space<vmem>>
      %dma_start3A_445 = arith.constant 0 : i32
      %dma_start3A_446 = arith.constant 0 : i32
      %dma_start3A_447 = tpu.memref_slice %arg9[%dma_start3A_445, %dma_start3A_446] : memref<10000x16xf32, #tpu.memory_space<vmem_shared>> -> memref<10000x16xf32, #tpu.memory_space<vmem_shared>>
      tpu.enqueue_indirect_dma source(%dma_start3A_441 : memref<128x16xf32, #tpu.memory_space<vmem>>) target(%dma_start3A_447 : memref<10000x16xf32, #tpu.memory_space<vmem_shared>>) offsets(%dma_start3A_444 : memref<128xi32, #tpu.memory_space<vmem>>) semaphore(%arg11 : memref<!tpu.dma_semaphore, #tpu.memory_space<semaphore_mem>>) {add = true}
      %mul3A_448 = arith.constant 26 : i32
      %mul3A_449 = arith.muli %scan3A_32, %mul3A_448 : i32
      %add3A_450 = arith.constant 1 : i32
      %add3A_451 = arith.addi %mul3A_449, %add3A_450 : i32
      %dma_wait3A_452 = arith.constant 1 : i32
      %dma_wait3A_453 = arith.constant 0 : i32
      %dma_wait3A_454 = arith.constant 0 : i32
      %dma_wait3A_455 = tpu.memref_slice %arg7[%dma_wait3A_452, %dma_wait3A_453, %dma_wait3A_454] : memref<26x128x16xf32, #tpu.memory_space<vmem>> -> memref<1x128x16xf32, #tpu.memory_space<vmem>>
      %dma_wait3A_456 = tpu.memref_squeeze %dma_wait3A_455 : memref<1x128x16xf32, #tpu.memory_space<vmem>> -> memref<128x16xf32, #tpu.memory_space<vmem>>
      %dma_wait3A_457 = arith.constant 0 : i32
      %dma_wait3A_458 = tpu.memref_slice %arg5[%add3A_51, %dma_wait3A_457] : memref<79x128xi32, #tpu.memory_space<vmem>> -> memref<1x128xi32, #tpu.memory_space<vmem>>
      %dma_wait3A_459 = tpu.memref_squeeze %dma_wait3A_458 : memref<1x128xi32, #tpu.memory_space<vmem>> -> memref<128xi32, #tpu.memory_space<vmem>>
      %dma_wait3A_460 = arith.constant 0 : i32
      %dma_wait3A_461 = arith.constant 0 : i32
      %dma_wait3A_462 = tpu.memref_slice %arg2[%dma_wait3A_460, %dma_wait3A_461] : memref<10000x16xf32, #tpu.memory_space<hbm>> -> memref<10000x16xf32, #tpu.memory_space<hbm>>
      tpu.wait_indirect_dma semaphore(%arg10 : memref<!tpu.dma_semaphore, #tpu.memory_space<semaphore_mem>>) src(%dma_wait3A_462 : memref<10000x16xf32, #tpu.memory_space<hbm>>) dst(%dma_wait3A_456 : memref<128x16xf32, #tpu.memory_space<vmem>>)
      %dma_start3A_463 = arith.constant 1 : i32
      %dma_start3A_464 = arith.constant 0 : i32
      %dma_start3A_465 = arith.constant 0 : i32
      %dma_start3A_466 = tpu.memref_slice %arg7[%dma_start3A_463, %dma_start3A_464, %dma_start3A_465] : memref<26x128x16xf32, #tpu.memory_space<vmem>> -> memref<1x128x16xf32, #tpu.memory_space<vmem>>
      %dma_start3A_467 = tpu.memref_squeeze %dma_start3A_466 : memref<1x128x16xf32, #tpu.memory_space<vmem>> -> memref<128x16xf32, #tpu.memory_space<vmem>>
      %dma_start3A_468 = arith.constant 0 : i32
      %dma_start3A_469 = tpu.memref_slice %arg6[%add3A_451, %dma_start3A_468] : memref<79x128xi32, #tpu.memory_space<vmem>> -> memref<1x128xi32, #tpu.memory_space<vmem>>
      %dma_start3A_470 = tpu.memref_squeeze %dma_start3A_469 : memref<1x128xi32, #tpu.memory_space<vmem>> -> memref<128xi32, #tpu.memory_space<vmem>>
      %dma_start3A_471 = arith.constant 0 : i32
      %dma_start3A_472 = arith.constant 0 : i32
      %dma_start3A_473 = tpu.memref_slice %arg9[%dma_start3A_471, %dma_start3A_472] : memref<10000x16xf32, #tpu.memory_space<vmem_shared>> -> memref<10000x16xf32, #tpu.memory_space<vmem_shared>>
      tpu.enqueue_indirect_dma source(%dma_start3A_467 : memref<128x16xf32, #tpu.memory_space<vmem>>) target(%dma_start3A_473 : memref<10000x16xf32, #tpu.memory_space<vmem_shared>>) offsets(%dma_start3A_470 : memref<128xi32, #tpu.memory_space<vmem>>) semaphore(%arg11 : memref<!tpu.dma_semaphore, #tpu.memory_space<semaphore_mem>>) {add = true}
      %mul3A_474 = arith.constant 26 : i32
      %mul3A_475 = arith.muli %scan3A_32, %mul3A_474 : i32
      %add3A_476 = arith.constant 2 : i32
      %add3A_477 = arith.addi %mul3A_475, %add3A_476 : i32
      %dma_wait3A_478 = arith.constant 2 : i32
      %dma_wait3A_479 = arith.constant 0 : i32
      %dma_wait3A_480 = arith.constant 0 : i32
      %dma_wait3A_481 = tpu.memref_slice %arg7[%dma_wait3A_478, %dma_wait3A_479, %dma_wait3A_480] : memref<26x128x16xf32, #tpu.memory_space<vmem>> -> memref<1x128x16xf32, #tpu.memory_space<vmem>>
      %dma_wait3A_482 = tpu.memref_squeeze %dma_wait3A_481 : memref<1x128x16xf32, #tpu.memory_space<vmem>> -> memref<128x16xf32, #tpu.memory_space<vmem>>
      %dma_wait3A_483 = arith.constant 0 : i32
      %dma_wait3A_484 = tpu.memref_slice %arg5[%add3A_66, %dma_wait3A_483] : memref<79x128xi32, #tpu.memory_space<vmem>> -> memref<1x128xi32, #tpu.memory_space<vmem>>
      %dma_wait3A_485 = tpu.memref_squeeze %dma_wait3A_484 : memref<1x128xi32, #tpu.memory_space<vmem>> -> memref<128xi32, #tpu.memory_space<vmem>>
      %dma_wait3A_486 = arith.constant 0 : i32
      %dma_wait3A_487 = arith.constant 0 : i32
      %dma_wait3A_488 = tpu.memref_slice %arg2[%dma_wait3A_486, %dma_wait3A_487] : memref<10000x16xf32, #tpu.memory_space<hbm>> -> memref<10000x16xf32, #tpu.memory_space<hbm>>
      tpu.wait_indirect_dma semaphore(%arg10 : memref<!tpu.dma_semaphore, #tpu.memory_space<semaphore_mem>>) src(%dma_wait3A_488 : memref<10000x16xf32, #tpu.memory_space<hbm>>) dst(%dma_wait3A_482 : memref<128x16xf32, #tpu.memory_space<vmem>>)
      %dma_start3A_489 = arith.constant 2 : i32
      %dma_start3A_490 = arith.constant 0 : i32
      %dma_start3A_491 = arith.constant 0 : i32
      %dma_start3A_492 = tpu.memref_slice %arg7[%dma_start3A_489, %dma_start3A_490, %dma_start3A_491] : memref<26x128x16xf32, #tpu.memory_space<vmem>> -> memref<1x128x16xf32, #tpu.memory_space<vmem>>
      %dma_start3A_493 = tpu.memref_squeeze %dma_start3A_492 : memref<1x128x16xf32, #tpu.memory_space<vmem>> -> memref<128x16xf32, #tpu.memory_space<vmem>>
      %dma_start3A_494 = arith.constant 0 : i32
      %dma_start3A_495 = tpu.memref_slice %arg6[%add3A_477, %dma_start3A_494] : memref<79x128xi32, #tpu.memory_space<vmem>> -> memref<1x128xi32, #tpu.memory_space<vmem>>
      %dma_start3A_496 = tpu.memref_squeeze %dma_start3A_495 : memref<1x128xi32, #tpu.memory_space<vmem>> -> memref<128xi32, #tpu.memory_space<vmem>>
      %dma_start3A_497 = arith.constant 0 : i32
      %dma_start3A_498 = arith.constant 0 : i32
      %dma_start3A_499 = tpu.memref_slice %arg9[%dma_start3A_497, %dma_start3A_498] : memref<10000x16xf32, #tpu.memory_space<vmem_shared>> -> memref<10000x16xf32, #tpu.memory_space<vmem_shared>>
      tpu.enqueue_indirect_dma source(%dma_start3A_493 : memref<128x16xf32, #tpu.memory_space<vmem>>) target(%dma_start3A_499 : memref<10000x16xf32, #tpu.memory_space<vmem_shared>>) offsets(%dma_start3A_496 : memref<128xi32, #tpu.memory_space<vmem>>) semaphore(%arg11 : memref<!tpu.dma_semaphore, #tpu.memory_space<semaphore_mem>>) {add = true}
      %mul3A_500 = arith.constant 26 : i32
      %mul3A_501 = arith.muli %scan3A_32, %mul3A_500 : i32
      %add3A_502 = arith.constant 3 : i32
      %add3A_503 = arith.addi %mul3A_501, %add3A_502 : i32
      %dma_wait3A_504 = arith.constant 3 : i32
      %dma_wait3A_505 = arith.constant 0 : i32
      %dma_wait3A_506 = arith.constant 0 : i32
      %dma_wait3A_507 = tpu.memref_slice %arg7[%dma_wait3A_504, %dma_wait3A_505, %dma_wait3A_506] : memref<26x128x16xf32, #tpu.memory_space<vmem>> -> memref<1x128x16xf32, #tpu.memory_space<vmem>>
      %dma_wait3A_508 = tpu.memref_squeeze %dma_wait3A_507 : memref<1x128x16xf32, #tpu.memory_space<vmem>> -> memref<128x16xf32, #tpu.memory_space<vmem>>
      %dma_wait3A_509 = arith.constant 0 : i32
      %dma_wait3A_510 = tpu.memref_slice %arg5[%add3A_81, %dma_wait3A_509] : memref<79x128xi32, #tpu.memory_space<vmem>> -> memref<1x128xi32, #tpu.memory_space<vmem>>
      %dma_wait3A_511 = tpu.memref_squeeze %dma_wait3A_510 : memref<1x128xi32, #tpu.memory_space<vmem>> -> memref<128xi32, #tpu.memory_space<vmem>>
      %dma_wait3A_512 = arith.constant 0 : i32
      %dma_wait3A_513 = arith.constant 0 : i32
      %dma_wait3A_514 = tpu.memref_slice %arg2[%dma_wait3A_512, %dma_wait3A_513] : memref<10000x16xf32, #tpu.memory_space<hbm>> -> memref<10000x16xf32, #tpu.memory_space<hbm>>
      tpu.wait_indirect_dma semaphore(%arg10 : memref<!tpu.dma_semaphore, #tpu.memory_space<semaphore_mem>>) src(%dma_wait3A_514 : memref<10000x16xf32, #tpu.memory_space<hbm>>) dst(%dma_wait3A_508 : memref<128x16xf32, #tpu.memory_space<vmem>>)
      %dma_start3A_515 = arith.constant 3 : i32
      %dma_start3A_516 = arith.constant 0 : i32
      %dma_start3A_517 = arith.constant 0 : i32
      %dma_start3A_518 = tpu.memref_slice %arg7[%dma_start3A_515, %dma_start3A_516, %dma_start3A_517] : memref<26x128x16xf32, #tpu.memory_space<vmem>> -> memref<1x128x16xf32, #tpu.memory_space<vmem>>
      %dma_start3A_519 = tpu.memref_squeeze %dma_start3A_518 : memref<1x128x16xf32, #tpu.memory_space<vmem>> -> memref<128x16xf32, #tpu.memory_space<vmem>>
      %dma_start3A_520 = arith.constant 0 : i32
      %dma_start3A_521 = tpu.memref_slice %arg6[%add3A_503, %dma_start3A_520] : memref<79x128xi32, #tpu.memory_space<vmem>> -> memref<1x128xi32, #tpu.memory_space<vmem>>
      %dma_start3A_522 = tpu.memref_squeeze %dma_start3A_521 : memref<1x128xi32, #tpu.memory_space<vmem>> -> memref<128xi32, #tpu.memory_space<vmem>>
      %dma_start3A_523 = arith.constant 0 : i32
      %dma_start3A_524 = arith.constant 0 : i32
      %dma_start3A_525 = tpu.memref_slice %arg9[%dma_start3A_523, %dma_start3A_524] : memref<10000x16xf32, #tpu.memory_space<vmem_shared>> -> memref<10000x16xf32, #tpu.memory_space<vmem_shared>>
      tpu.enqueue_indirect_dma source(%dma_start3A_519 : memref<128x16xf32, #tpu.memory_space<vmem>>) target(%dma_start3A_525 : memref<10000x16xf32, #tpu.memory_space<vmem_shared>>) offsets(%dma_start3A_522 : memref<128xi32, #tpu.memory_space<vmem>>) semaphore(%arg11 : memref<!tpu.dma_semaphore, #tpu.memory_space<semaphore_mem>>) {add = true}
      %mul3A_526 = arith.constant 26 : i32
      %mul3A_527 = arith.muli %scan3A_32, %mul3A_526 : i32
      %add3A_528 = arith.constant 4 : i32
      %add3A_529 = arith.addi %mul3A_527, %add3A_528 : i32
      %dma_wait3A_530 = arith.constant 4 : i32
      %dma_wait3A_531 = arith.constant 0 : i32
      %dma_wait3A_532 = arith.constant 0 : i32
      %dma_wait3A_533 = tpu.memref_slice %arg7[%dma_wait3A_530, %dma_wait3A_531, %dma_wait3A_532] : memref<26x128x16xf32, #tpu.memory_space<vmem>> -> memref<1x128x16xf32, #tpu.memory_space<vmem>>
      %dma_wait3A_534 = tpu.memref_squeeze %dma_wait3A_533 : memref<1x128x16xf32, #tpu.memory_space<vmem>> -> memref<128x16xf32, #tpu.memory_space<vmem>>
      %dma_wait3A_535 = arith.constant 0 : i32
      %dma_wait3A_536 = tpu.memref_slice %arg5[%add3A_96, %dma_wait3A_535] : memref<79x128xi32, #tpu.memory_space<vmem>> -> memref<1x128xi32, #tpu.memory_space<vmem>>
      %dma_wait3A_537 = tpu.memref_squeeze %dma_wait3A_536 : memref<1x128xi32, #tpu.memory_space<vmem>> -> memref<128xi32, #tpu.memory_space<vmem>>
      %dma_wait3A_538 = arith.constant 0 : i32
      %dma_wait3A_539 = arith.constant 0 : i32
      %dma_wait3A_540 = tpu.memref_slice %arg2[%dma_wait3A_538, %dma_wait3A_539] : memref<10000x16xf32, #tpu.memory_space<hbm>> -> memref<10000x16xf32, #tpu.memory_space<hbm>>
      tpu.wait_indirect_dma semaphore(%arg10 : memref<!tpu.dma_semaphore, #tpu.memory_space<semaphore_mem>>) src(%dma_wait3A_540 : memref<10000x16xf32, #tpu.memory_space<hbm>>) dst(%dma_wait3A_534 : memref<128x16xf32, #tpu.memory_space<vmem>>)
      %dma_start3A_541 = arith.constant 4 : i32
      %dma_start3A_542 = arith.constant 0 : i32
      %dma_start3A_543 = arith.constant 0 : i32
      %dma_start3A_544 = tpu.memref_slice %arg7[%dma_start3A_541, %dma_start3A_542, %dma_start3A_543] : memref<26x128x16xf32, #tpu.memory_space<vmem>> -> memref<1x128x16xf32, #tpu.memory_space<vmem>>
      %dma_start3A_545 = tpu.memref_squeeze %dma_start3A_544 : memref<1x128x16xf32, #tpu.memory_space<vmem>> -> memref<128x16xf32, #tpu.memory_space<vmem>>
      %dma_start3A_546 = arith.constant 0 : i32
      %dma_start3A_547 = tpu.memref_slice %arg6[%add3A_529, %dma_start3A_546] : memref<79x128xi32, #tpu.memory_space<vmem>> -> memref<1x128xi32, #tpu.memory_space<vmem>>
      %dma_start3A_548 = tpu.memref_squeeze %dma_start3A_547 : memref<1x128xi32, #tpu.memory_space<vmem>> -> memref<128xi32, #tpu.memory_space<vmem>>
      %dma_start3A_549 = arith.constant 0 : i32
      %dma_start3A_550 = arith.constant 0 : i32
      %dma_start3A_551 = tpu.memref_slice %arg9[%dma_start3A_549, %dma_start3A_550] : memref<10000x16xf32, #tpu.memory_space<vmem_shared>> -> memref<10000x16xf32, #tpu.memory_space<vmem_shared>>
      tpu.enqueue_indirect_dma source(%dma_start3A_545 : memref<128x16xf32, #tpu.memory_space<vmem>>) target(%dma_start3A_551 : memref<10000x16xf32, #tpu.memory_space<vmem_shared>>) offsets(%dma_start3A_548 : memref<128xi32, #tpu.memory_space<vmem>>) semaphore(%arg11 : memref<!tpu.dma_semaphore, #tpu.memory_space<semaphore_mem>>) {add = true}
      %mul3A_552 = arith.constant 26 : i32
      %mul3A_553 = arith.muli %scan3A_32, %mul3A_552 : i32
      %add3A_554 = arith.constant 5 : i32
      %add3A_555 = arith.addi %mul3A_553, %add3A_554 : i32
      %dma_wait3A_556 = arith.constant 5 : i32
      %dma_wait3A_557 = arith.constant 0 : i32
      %dma_wait3A_558 = arith.constant 0 : i32
      %dma_wait3A_559 = tpu.memref_slice %arg7[%dma_wait3A_556, %dma_wait3A_557, %dma_wait3A_558] : memref<26x128x16xf32, #tpu.memory_space<vmem>> -> memref<1x128x16xf32, #tpu.memory_space<vmem>>
      %dma_wait3A_560 = tpu.memref_squeeze %dma_wait3A_559 : memref<1x128x16xf32, #tpu.memory_space<vmem>> -> memref<128x16xf32, #tpu.memory_space<vmem>>
      %dma_wait3A_561 = arith.constant 0 : i32
      %dma_wait3A_562 = tpu.memref_slice %arg5[%add3A_111, %dma_wait3A_561] : memref<79x128xi32, #tpu.memory_space<vmem>> -> memref<1x128xi32, #tpu.memory_space<vmem>>
      %dma_wait3A_563 = tpu.memref_squeeze %dma_wait3A_562 : memref<1x128xi32, #tpu.memory_space<vmem>> -> memref<128xi32, #tpu.memory_space<vmem>>
      %dma_wait3A_564 = arith.constant 0 : i32
      %dma_wait3A_565 = arith.constant 0 : i32
      %dma_wait3A_566 = tpu.memref_slice %arg2[%dma_wait3A_564, %dma_wait3A_565] : memref<10000x16xf32, #tpu.memory_space<hbm>> -> memref<10000x16xf32, #tpu.memory_space<hbm>>
      tpu.wait_indirect_dma semaphore(%arg10 : memref<!tpu.dma_semaphore, #tpu.memory_space<semaphore_mem>>) src(%dma_wait3A_566 : memref<10000x16xf32, #tpu.memory_space<hbm>>) dst(%dma_wait3A_560 : memref<128x16xf32, #tpu.memory_space<vmem>>)
      %dma_start3A_567 = arith.constant 5 : i32
      %dma_start3A_568 = arith.constant 0 : i32
      %dma_start3A_569 = arith.constant 0 : i32
      %dma_start3A_570 = tpu.memref_slice %arg7[%dma_start3A_567, %dma_start3A_568, %dma_start3A_569] : memref<26x128x16xf32, #tpu.memory_space<vmem>> -> memref<1x128x16xf32, #tpu.memory_space<vmem>>
      %dma_start3A_571 = tpu.memref_squeeze %dma_start3A_570 : memref<1x128x16xf32, #tpu.memory_space<vmem>> -> memref<128x16xf32, #tpu.memory_space<vmem>>
      %dma_start3A_572 = arith.constant 0 : i32
      %dma_start3A_573 = tpu.memref_slice %arg6[%add3A_555, %dma_start3A_572] : memref<79x128xi32, #tpu.memory_space<vmem>> -> memref<1x128xi32, #tpu.memory_space<vmem>>
      %dma_start3A_574 = tpu.memref_squeeze %dma_start3A_573 : memref<1x128xi32, #tpu.memory_space<vmem>> -> memref<128xi32, #tpu.memory_space<vmem>>
      %dma_start3A_575 = arith.constant 0 : i32
      %dma_start3A_576 = arith.constant 0 : i32
      %dma_start3A_577 = tpu.memref_slice %arg9[%dma_start3A_575, %dma_start3A_576] : memref<10000x16xf32, #tpu.memory_space<vmem_shared>> -> memref<10000x16xf32, #tpu.memory_space<vmem_shared>>
      tpu.enqueue_indirect_dma source(%dma_start3A_571 : memref<128x16xf32, #tpu.memory_space<vmem>>) target(%dma_start3A_577 : memref<10000x16xf32, #tpu.memory_space<vmem_shared>>) offsets(%dma_start3A_574 : memref<128xi32, #tpu.memory_space<vmem>>) semaphore(%arg11 : memref<!tpu.dma_semaphore, #tpu.memory_space<semaphore_mem>>) {add = true}
      %mul3A_578 = arith.constant 26 : i32
      %mul3A_579 = arith.muli %scan3A_32, %mul3A_578 : i32
      %add3A_580 = arith.constant 6 : i32
      %add3A_581 = arith.addi %mul3A_579, %add3A_580 : i32
      %dma_wait3A_582 = arith.constant 6 : i32
      %dma_wait3A_583 = arith.constant 0 : i32
      %dma_wait3A_584 = arith.constant 0 : i32
      %dma_wait3A_585 = tpu.memref_slice %arg7[%dma_wait3A_582, %dma_wait3A_583, %dma_wait3A_584] : memref<26x128x16xf32, #tpu.memory_space<vmem>> -> memref<1x128x16xf32, #tpu.memory_space<vmem>>
      %dma_wait3A_586 = tpu.memref_squeeze %dma_wait3A_585 : memref<1x128x16xf32, #tpu.memory_space<vmem>> -> memref<128x16xf32, #tpu.memory_space<vmem>>
      %dma_wait3A_587 = arith.constant 0 : i32
      %dma_wait3A_588 = tpu.memref_slice %arg5[%add3A_126, %dma_wait3A_587] : memref<79x128xi32, #tpu.memory_space<vmem>> -> memref<1x128xi32, #tpu.memory_space<vmem>>
      %dma_wait3A_589 = tpu.memref_squeeze %dma_wait3A_588 : memref<1x128xi32, #tpu.memory_space<vmem>> -> memref<128xi32, #tpu.memory_space<vmem>>
      %dma_wait3A_590 = arith.constant 0 : i32
      %dma_wait3A_591 = arith.constant 0 : i32
      %dma_wait3A_592 = tpu.memref_slice %arg2[%dma_wait3A_590, %dma_wait3A_591] : memref<10000x16xf32, #tpu.memory_space<hbm>> -> memref<10000x16xf32, #tpu.memory_space<hbm>>
      tpu.wait_indirect_dma semaphore(%arg10 : memref<!tpu.dma_semaphore, #tpu.memory_space<semaphore_mem>>) src(%dma_wait3A_592 : memref<10000x16xf32, #tpu.memory_space<hbm>>) dst(%dma_wait3A_586 : memref<128x16xf32, #tpu.memory_space<vmem>>)
      %dma_start3A_593 = arith.constant 6 : i32
      %dma_start3A_594 = arith.constant 0 : i32
      %dma_start3A_595 = arith.constant 0 : i32
      %dma_start3A_596 = tpu.memref_slice %arg7[%dma_start3A_593, %dma_start3A_594, %dma_start3A_595] : memref<26x128x16xf32, #tpu.memory_space<vmem>> -> memref<1x128x16xf32, #tpu.memory_space<vmem>>
      %dma_start3A_597 = tpu.memref_squeeze %dma_start3A_596 : memref<1x128x16xf32, #tpu.memory_space<vmem>> -> memref<128x16xf32, #tpu.memory_space<vmem>>
      %dma_start3A_598 = arith.constant 0 : i32
      %dma_start3A_599 = tpu.memref_slice %arg6[%add3A_581, %dma_start3A_598] : memref<79x128xi32, #tpu.memory_space<vmem>> -> memref<1x128xi32, #tpu.memory_space<vmem>>
      %dma_start3A_600 = tpu.memref_squeeze %dma_start3A_599 : memref<1x128xi32, #tpu.memory_space<vmem>> -> memref<128xi32, #tpu.memory_space<vmem>>
      %dma_start3A_601 = arith.constant 0 : i32
      %dma_start3A_602 = arith.constant 0 : i32
      %dma_start3A_603 = tpu.memref_slice %arg9[%dma_start3A_601, %dma_start3A_602] : memref<10000x16xf32, #tpu.memory_space<vmem_shared>> -> memref<10000x16xf32, #tpu.memory_space<vmem_shared>>
      tpu.enqueue_indirect_dma source(%dma_start3A_597 : memref<128x16xf32, #tpu.memory_space<vmem>>) target(%dma_start3A_603 : memref<10000x16xf32, #tpu.memory_space<vmem_shared>>) offsets(%dma_start3A_600 : memref<128xi32, #tpu.memory_space<vmem>>) semaphore(%arg11 : memref<!tpu.dma_semaphore, #tpu.memory_space<semaphore_mem>>) {add = true}
      %mul3A_604 = arith.constant 26 : i32
      %mul3A_605 = arith.muli %scan3A_32, %mul3A_604 : i32
      %add3A_606 = arith.constant 7 : i32
      %add3A_607 = arith.addi %mul3A_605, %add3A_606 : i32
      %dma_wait3A_608 = arith.constant 7 : i32
      %dma_wait3A_609 = arith.constant 0 : i32
      %dma_wait3A_610 = arith.constant 0 : i32
      %dma_wait3A_611 = tpu.memref_slice %arg7[%dma_wait3A_608, %dma_wait3A_609, %dma_wait3A_610] : memref<26x128x16xf32, #tpu.memory_space<vmem>> -> memref<1x128x16xf32, #tpu.memory_space<vmem>>
      %dma_wait3A_612 = tpu.memref_squeeze %dma_wait3A_611 : memref<1x128x16xf32, #tpu.memory_space<vmem>> -> memref<128x16xf32, #tpu.memory_space<vmem>>
      %dma_wait3A_613 = arith.constant 0 : i32
      %dma_wait3A_614 = tpu.memref_slice %arg5[%add3A_141, %dma_wait3A_613] : memref<79x128xi32, #tpu.memory_space<vmem>> -> memref<1x128xi32, #tpu.memory_space<vmem>>
      %dma_wait3A_615 = tpu.memref_squeeze %dma_wait3A_614 : memref<1x128xi32, #tpu.memory_space<vmem>> -> memref<128xi32, #tpu.memory_space<vmem>>
      %dma_wait3A_616 = arith.constant 0 : i32
      %dma_wait3A_617 = arith.constant 0 : i32
      %dma_wait3A_618 = tpu.memref_slice %arg2[%dma_wait3A_616, %dma_wait3A_617] : memref<10000x16xf32, #tpu.memory_space<hbm>> -> memref<10000x16xf32, #tpu.memory_space<hbm>>
      tpu.wait_indirect_dma semaphore(%arg10 : memref<!tpu.dma_semaphore, #tpu.memory_space<semaphore_mem>>) src(%dma_wait3A_618 : memref<10000x16xf32, #tpu.memory_space<hbm>>) dst(%dma_wait3A_612 : memref<128x16xf32, #tpu.memory_space<vmem>>)
      %dma_start3A_619 = arith.constant 7 : i32
      %dma_start3A_620 = arith.constant 0 : i32
      %dma_start3A_621 = arith.constant 0 : i32
      %dma_start3A_622 = tpu.memref_slice %arg7[%dma_start3A_619, %dma_start3A_620, %dma_start3A_621] : memref<26x128x16xf32, #tpu.memory_space<vmem>> -> memref<1x128x16xf32, #tpu.memory_space<vmem>>
      %dma_start3A_623 = tpu.memref_squeeze %dma_start3A_622 : memref<1x128x16xf32, #tpu.memory_space<vmem>> -> memref<128x16xf32, #tpu.memory_space<vmem>>
      %dma_start3A_624 = arith.constant 0 : i32
      %dma_start3A_625 = tpu.memref_slice %arg6[%add3A_607, %dma_start3A_624] : memref<79x128xi32, #tpu.memory_space<vmem>> -> memref<1x128xi32, #tpu.memory_space<vmem>>
      %dma_start3A_626 = tpu.memref_squeeze %dma_start3A_625 : memref<1x128xi32, #tpu.memory_space<vmem>> -> memref<128xi32, #tpu.memory_space<vmem>>
      %dma_start3A_627 = arith.constant 0 : i32
      %dma_start3A_628 = arith.constant 0 : i32
      %dma_start3A_629 = tpu.memref_slice %arg9[%dma_start3A_627, %dma_start3A_628] : memref<10000x16xf32, #tpu.memory_space<vmem_shared>> -> memref<10000x16xf32, #tpu.memory_space<vmem_shared>>
      tpu.enqueue_indirect_dma source(%dma_start3A_623 : memref<128x16xf32, #tpu.memory_space<vmem>>) target(%dma_start3A_629 : memref<10000x16xf32, #tpu.memory_space<vmem_shared>>) offsets(%dma_start3A_626 : memref<128xi32, #tpu.memory_space<vmem>>) semaphore(%arg11 : memref<!tpu.dma_semaphore, #tpu.memory_space<semaphore_mem>>) {add = true}
      %mul3A_630 = arith.constant 26 : i32
      %mul3A_631 = arith.muli %scan3A_32, %mul3A_630 : i32
      %add3A_632 = arith.constant 8 : i32
      %add3A_633 = arith.addi %mul3A_631, %add3A_632 : i32
      %dma_wait3A_634 = arith.constant 8 : i32
      %dma_wait3A_635 = arith.constant 0 : i32
      %dma_wait3A_636 = arith.constant 0 : i32
      %dma_wait3A_637 = tpu.memref_slice %arg7[%dma_wait3A_634, %dma_wait3A_635, %dma_wait3A_636] : memref<26x128x16xf32, #tpu.memory_space<vmem>> -> memref<1x128x16xf32, #tpu.memory_space<vmem>>
      %dma_wait3A_638 = tpu.memref_squeeze %dma_wait3A_637 : memref<1x128x16xf32, #tpu.memory_space<vmem>> -> memref<128x16xf32, #tpu.memory_space<vmem>>
      %dma_wait3A_639 = arith.constant 0 : i32
      %dma_wait3A_640 = tpu.memref_slice %arg5[%add3A_156, %dma_wait3A_639] : memref<79x128xi32, #tpu.memory_space<vmem>> -> memref<1x128xi32, #tpu.memory_space<vmem>>
      %dma_wait3A_641 = tpu.memref_squeeze %dma_wait3A_640 : memref<1x128xi32, #tpu.memory_space<vmem>> -> memref<128xi32, #tpu.memory_space<vmem>>
      %dma_wait3A_642 = arith.constant 0 : i32
      %dma_wait3A_643 = arith.constant 0 : i32
      %dma_wait3A_644 = tpu.memref_slice %arg2[%dma_wait3A_642, %dma_wait3A_643] : memref<10000x16xf32, #tpu.memory_space<hbm>> -> memref<10000x16xf32, #tpu.memory_space<hbm>>
      tpu.wait_indirect_dma semaphore(%arg10 : memref<!tpu.dma_semaphore, #tpu.memory_space<semaphore_mem>>) src(%dma_wait3A_644 : memref<10000x16xf32, #tpu.memory_space<hbm>>) dst(%dma_wait3A_638 : memref<128x16xf32, #tpu.memory_space<vmem>>)
      %dma_start3A_645 = arith.constant 8 : i32
      %dma_start3A_646 = arith.constant 0 : i32
      %dma_start3A_647 = arith.constant 0 : i32
      %dma_start3A_648 = tpu.memref_slice %arg7[%dma_start3A_645, %dma_start3A_646, %dma_start3A_647] : memref<26x128x16xf32, #tpu.memory_space<vmem>> -> memref<1x128x16xf32, #tpu.memory_space<vmem>>
      %dma_start3A_649 = tpu.memref_squeeze %dma_start3A_648 : memref<1x128x16xf32, #tpu.memory_space<vmem>> -> memref<128x16xf32, #tpu.memory_space<vmem>>
      %dma_start3A_650 = arith.constant 0 : i32
      %dma_start3A_651 = tpu.memref_slice %arg6[%add3A_633, %dma_start3A_650] : memref<79x128xi32, #tpu.memory_space<vmem>> -> memref<1x128xi32, #tpu.memory_space<vmem>>
      %dma_start3A_652 = tpu.memref_squeeze %dma_start3A_651 : memref<1x128xi32, #tpu.memory_space<vmem>> -> memref<128xi32, #tpu.memory_space<vmem>>
      %dma_start3A_653 = arith.constant 0 : i32
      %dma_start3A_654 = arith.constant 0 : i32
      %dma_start3A_655 = tpu.memref_slice %arg9[%dma_start3A_653, %dma_start3A_654] : memref<10000x16xf32, #tpu.memory_space<vmem_shared>> -> memref<10000x16xf32, #tpu.memory_space<vmem_shared>>
      tpu.enqueue_indirect_dma source(%dma_start3A_649 : memref<128x16xf32, #tpu.memory_space<vmem>>) target(%dma_start3A_655 : memref<10000x16xf32, #tpu.memory_space<vmem_shared>>) offsets(%dma_start3A_652 : memref<128xi32, #tpu.memory_space<vmem>>) semaphore(%arg11 : memref<!tpu.dma_semaphore, #tpu.memory_space<semaphore_mem>>) {add = true}
      %mul3A_656 = arith.constant 26 : i32
      %mul3A_657 = arith.muli %scan3A_32, %mul3A_656 : i32
      %add3A_658 = arith.constant 9 : i32
      %add3A_659 = arith.addi %mul3A_657, %add3A_658 : i32
      %dma_wait3A_660 = arith.constant 9 : i32
      %dma_wait3A_661 = arith.constant 0 : i32
      %dma_wait3A_662 = arith.constant 0 : i32
      %dma_wait3A_663 = tpu.memref_slice %arg7[%dma_wait3A_660, %dma_wait3A_661, %dma_wait3A_662] : memref<26x128x16xf32, #tpu.memory_space<vmem>> -> memref<1x128x16xf32, #tpu.memory_space<vmem>>
      %dma_wait3A_664 = tpu.memref_squeeze %dma_wait3A_663 : memref<1x128x16xf32, #tpu.memory_space<vmem>> -> memref<128x16xf32, #tpu.memory_space<vmem>>
      %dma_wait3A_665 = arith.constant 0 : i32
      %dma_wait3A_666 = tpu.memref_slice %arg5[%add3A_171, %dma_wait3A_665] : memref<79x128xi32, #tpu.memory_space<vmem>> -> memref<1x128xi32, #tpu.memory_space<vmem>>
      %dma_wait3A_667 = tpu.memref_squeeze %dma_wait3A_666 : memref<1x128xi32, #tpu.memory_space<vmem>> -> memref<128xi32, #tpu.memory_space<vmem>>
      %dma_wait3A_668 = arith.constant 0 : i32
      %dma_wait3A_669 = arith.constant 0 : i32
      %dma_wait3A_670 = tpu.memref_slice %arg2[%dma_wait3A_668, %dma_wait3A_669] : memref<10000x16xf32, #tpu.memory_space<hbm>> -> memref<10000x16xf32, #tpu.memory_space<hbm>>
      tpu.wait_indirect_dma semaphore(%arg10 : memref<!tpu.dma_semaphore, #tpu.memory_space<semaphore_mem>>) src(%dma_wait3A_670 : memref<10000x16xf32, #tpu.memory_space<hbm>>) dst(%dma_wait3A_664 : memref<128x16xf32, #tpu.memory_space<vmem>>)
      %dma_start3A_671 = arith.constant 9 : i32
      %dma_start3A_672 = arith.constant 0 : i32
      %dma_start3A_673 = arith.constant 0 : i32
      %dma_start3A_674 = tpu.memref_slice %arg7[%dma_start3A_671, %dma_start3A_672, %dma_start3A_673] : memref<26x128x16xf32, #tpu.memory_space<vmem>> -> memref<1x128x16xf32, #tpu.memory_space<vmem>>
      %dma_start3A_675 = tpu.memref_squeeze %dma_start3A_674 : memref<1x128x16xf32, #tpu.memory_space<vmem>> -> memref<128x16xf32, #tpu.memory_space<vmem>>
      %dma_start3A_676 = arith.constant 0 : i32
      %dma_start3A_677 = tpu.memref_slice %arg6[%add3A_659, %dma_start3A_676] : memref<79x128xi32, #tpu.memory_space<vmem>> -> memref<1x128xi32, #tpu.memory_space<vmem>>
      %dma_start3A_678 = tpu.memref_squeeze %dma_start3A_677 : memref<1x128xi32, #tpu.memory_space<vmem>> -> memref<128xi32, #tpu.memory_space<vmem>>
      %dma_start3A_679 = arith.constant 0 : i32
      %dma_start3A_680 = arith.constant 0 : i32
      %dma_start3A_681 = tpu.memref_slice %arg9[%dma_start3A_679, %dma_start3A_680] : memref<10000x16xf32, #tpu.memory_space<vmem_shared>> -> memref<10000x16xf32, #tpu.memory_space<vmem_shared>>
      tpu.enqueue_indirect_dma source(%dma_start3A_675 : memref<128x16xf32, #tpu.memory_space<vmem>>) target(%dma_start3A_681 : memref<10000x16xf32, #tpu.memory_space<vmem_shared>>) offsets(%dma_start3A_678 : memref<128xi32, #tpu.memory_space<vmem>>) semaphore(%arg11 : memref<!tpu.dma_semaphore, #tpu.memory_space<semaphore_mem>>) {add = true}
      %mul3A_682 = arith.constant 26 : i32
      %mul3A_683 = arith.muli %scan3A_32, %mul3A_682 : i32
      %add3A_684 = arith.constant 10 : i32
      %add3A_685 = arith.addi %mul3A_683, %add3A_684 : i32
      %dma_wait3A_686 = arith.constant 10 : i32
      %dma_wait3A_687 = arith.constant 0 : i32
      %dma_wait3A_688 = arith.constant 0 : i32
      %dma_wait3A_689 = tpu.memref_slice %arg7[%dma_wait3A_686, %dma_wait3A_687, %dma_wait3A_688] : memref<26x128x16xf32, #tpu.memory_space<vmem>> -> memref<1x128x16xf32, #tpu.memory_space<vmem>>
      %dma_wait3A_690 = tpu.memref_squeeze %dma_wait3A_689 : memref<1x128x16xf32, #tpu.memory_space<vmem>> -> memref<128x16xf32, #tpu.memory_space<vmem>>
      %dma_wait3A_691 = arith.constant 0 : i32
      %dma_wait3A_692 = tpu.memref_slice %arg5[%add3A_186, %dma_wait3A_691] : memref<79x128xi32, #tpu.memory_space<vmem>> -> memref<1x128xi32, #tpu.memory_space<vmem>>
      %dma_wait3A_693 = tpu.memref_squeeze %dma_wait3A_692 : memref<1x128xi32, #tpu.memory_space<vmem>> -> memref<128xi32, #tpu.memory_space<vmem>>
      %dma_wait3A_694 = arith.constant 0 : i32
      %dma_wait3A_695 = arith.constant 0 : i32
      %dma_wait3A_696 = tpu.memref_slice %arg2[%dma_wait3A_694, %dma_wait3A_695] : memref<10000x16xf32, #tpu.memory_space<hbm>> -> memref<10000x16xf32, #tpu.memory_space<hbm>>
      tpu.wait_indirect_dma semaphore(%arg10 : memref<!tpu.dma_semaphore, #tpu.memory_space<semaphore_mem>>) src(%dma_wait3A_696 : memref<10000x16xf32, #tpu.memory_space<hbm>>) dst(%dma_wait3A_690 : memref<128x16xf32, #tpu.memory_space<vmem>>)
      %dma_start3A_697 = arith.constant 10 : i32
      %dma_start3A_698 = arith.constant 0 : i32
      %dma_start3A_699 = arith.constant 0 : i32
      %dma_start3A_700 = tpu.memref_slice %arg7[%dma_start3A_697, %dma_start3A_698, %dma_start3A_699] : memref<26x128x16xf32, #tpu.memory_space<vmem>> -> memref<1x128x16xf32, #tpu.memory_space<vmem>>
      %dma_start3A_701 = tpu.memref_squeeze %dma_start3A_700 : memref<1x128x16xf32, #tpu.memory_space<vmem>> -> memref<128x16xf32, #tpu.memory_space<vmem>>
      %dma_start3A_702 = arith.constant 0 : i32
      %dma_start3A_703 = tpu.memref_slice %arg6[%add3A_685, %dma_start3A_702] : memref<79x128xi32, #tpu.memory_space<vmem>> -> memref<1x128xi32, #tpu.memory_space<vmem>>
      %dma_start3A_704 = tpu.memref_squeeze %dma_start3A_703 : memref<1x128xi32, #tpu.memory_space<vmem>> -> memref<128xi32, #tpu.memory_space<vmem>>
      %dma_start3A_705 = arith.constant 0 : i32
      %dma_start3A_706 = arith.constant 0 : i32
      %dma_start3A_707 = tpu.memref_slice %arg9[%dma_start3A_705, %dma_start3A_706] : memref<10000x16xf32, #tpu.memory_space<vmem_shared>> -> memref<10000x16xf32, #tpu.memory_space<vmem_shared>>
      tpu.enqueue_indirect_dma source(%dma_start3A_701 : memref<128x16xf32, #tpu.memory_space<vmem>>) target(%dma_start3A_707 : memref<10000x16xf32, #tpu.memory_space<vmem_shared>>) offsets(%dma_start3A_704 : memref<128xi32, #tpu.memory_space<vmem>>) semaphore(%arg11 : memref<!tpu.dma_semaphore, #tpu.memory_space<semaphore_mem>>) {add = true}
      %mul3A_708 = arith.constant 26 : i32
      %mul3A_709 = arith.muli %scan3A_32, %mul3A_708 : i32
      %add3A_710 = arith.constant 11 : i32
      %add3A_711 = arith.addi %mul3A_709, %add3A_710 : i32
      %dma_wait3A_712 = arith.constant 11 : i32
      %dma_wait3A_713 = arith.constant 0 : i32
      %dma_wait3A_714 = arith.constant 0 : i32
      %dma_wait3A_715 = tpu.memref_slice %arg7[%dma_wait3A_712, %dma_wait3A_713, %dma_wait3A_714] : memref<26x128x16xf32, #tpu.memory_space<vmem>> -> memref<1x128x16xf32, #tpu.memory_space<vmem>>
      %dma_wait3A_716 = tpu.memref_squeeze %dma_wait3A_715 : memref<1x128x16xf32, #tpu.memory_space<vmem>> -> memref<128x16xf32, #tpu.memory_space<vmem>>
      %dma_wait3A_717 = arith.constant 0 : i32
      %dma_wait3A_718 = tpu.memref_slice %arg5[%add3A_201, %dma_wait3A_717] : memref<79x128xi32, #tpu.memory_space<vmem>> -> memref<1x128xi32, #tpu.memory_space<vmem>>
      %dma_wait3A_719 = tpu.memref_squeeze %dma_wait3A_718 : memref<1x128xi32, #tpu.memory_space<vmem>> -> memref<128xi32, #tpu.memory_space<vmem>>
      %dma_wait3A_720 = arith.constant 0 : i32
      %dma_wait3A_721 = arith.constant 0 : i32
      %dma_wait3A_722 = tpu.memref_slice %arg2[%dma_wait3A_720, %dma_wait3A_721] : memref<10000x16xf32, #tpu.memory_space<hbm>> -> memref<10000x16xf32, #tpu.memory_space<hbm>>
      tpu.wait_indirect_dma semaphore(%arg10 : memref<!tpu.dma_semaphore, #tpu.memory_space<semaphore_mem>>) src(%dma_wait3A_722 : memref<10000x16xf32, #tpu.memory_space<hbm>>) dst(%dma_wait3A_716 : memref<128x16xf32, #tpu.memory_space<vmem>>)
      %dma_start3A_723 = arith.constant 11 : i32
      %dma_start3A_724 = arith.constant 0 : i32
      %dma_start3A_725 = arith.constant 0 : i32
      %dma_start3A_726 = tpu.memref_slice %arg7[%dma_start3A_723, %dma_start3A_724, %dma_start3A_725] : memref<26x128x16xf32, #tpu.memory_space<vmem>> -> memref<1x128x16xf32, #tpu.memory_space<vmem>>
      %dma_start3A_727 = tpu.memref_squeeze %dma_start3A_726 : memref<1x128x16xf32, #tpu.memory_space<vmem>> -> memref<128x16xf32, #tpu.memory_space<vmem>>
      %dma_start3A_728 = arith.constant 0 : i32
      %dma_start3A_729 = tpu.memref_slice %arg6[%add3A_711, %dma_start3A_728] : memref<79x128xi32, #tpu.memory_space<vmem>> -> memref<1x128xi32, #tpu.memory_space<vmem>>
      %dma_start3A_730 = tpu.memref_squeeze %dma_start3A_729 : memref<1x128xi32, #tpu.memory_space<vmem>> -> memref<128xi32, #tpu.memory_space<vmem>>
      %dma_start3A_731 = arith.constant 0 : i32
      %dma_start3A_732 = arith.constant 0 : i32
      %dma_start3A_733 = tpu.memref_slice %arg9[%dma_start3A_731, %dma_start3A_732] : memref<10000x16xf32, #tpu.memory_space<vmem_shared>> -> memref<10000x16xf32, #tpu.memory_space<vmem_shared>>
      tpu.enqueue_indirect_dma source(%dma_start3A_727 : memref<128x16xf32, #tpu.memory_space<vmem>>) target(%dma_start3A_733 : memref<10000x16xf32, #tpu.memory_space<vmem_shared>>) offsets(%dma_start3A_730 : memref<128xi32, #tpu.memory_space<vmem>>) semaphore(%arg11 : memref<!tpu.dma_semaphore, #tpu.memory_space<semaphore_mem>>) {add = true}
      %mul3A_734 = arith.constant 26 : i32
      %mul3A_735 = arith.muli %scan3A_32, %mul3A_734 : i32
      %add3A_736 = arith.constant 12 : i32
      %add3A_737 = arith.addi %mul3A_735, %add3A_736 : i32
      %dma_wait3A_738 = arith.constant 12 : i32
      %dma_wait3A_739 = arith.constant 0 : i32
      %dma_wait3A_740 = arith.constant 0 : i32
      %dma_wait3A_741 = tpu.memref_slice %arg7[%dma_wait3A_738, %dma_wait3A_739, %dma_wait3A_740] : memref<26x128x16xf32, #tpu.memory_space<vmem>> -> memref<1x128x16xf32, #tpu.memory_space<vmem>>
      %dma_wait3A_742 = tpu.memref_squeeze %dma_wait3A_741 : memref<1x128x16xf32, #tpu.memory_space<vmem>> -> memref<128x16xf32, #tpu.memory_space<vmem>>
      %dma_wait3A_743 = arith.constant 0 : i32
      %dma_wait3A_744 = tpu.memref_slice %arg5[%add3A_216, %dma_wait3A_743] : memref<79x128xi32, #tpu.memory_space<vmem>> -> memref<1x128xi32, #tpu.memory_space<vmem>>
      %dma_wait3A_745 = tpu.memref_squeeze %dma_wait3A_744 : memref<1x128xi32, #tpu.memory_space<vmem>> -> memref<128xi32, #tpu.memory_space<vmem>>
      %dma_wait3A_746 = arith.constant 0 : i32
      %dma_wait3A_747 = arith.constant 0 : i32
      %dma_wait3A_748 = tpu.memref_slice %arg2[%dma_wait3A_746, %dma_wait3A_747] : memref<10000x16xf32, #tpu.memory_space<hbm>> -> memref<10000x16xf32, #tpu.memory_space<hbm>>
      tpu.wait_indirect_dma semaphore(%arg10 : memref<!tpu.dma_semaphore, #tpu.memory_space<semaphore_mem>>) src(%dma_wait3A_748 : memref<10000x16xf32, #tpu.memory_space<hbm>>) dst(%dma_wait3A_742 : memref<128x16xf32, #tpu.memory_space<vmem>>)
      %dma_start3A_749 = arith.constant 12 : i32
      %dma_start3A_750 = arith.constant 0 : i32
      %dma_start3A_751 = arith.constant 0 : i32
      %dma_start3A_752 = tpu.memref_slice %arg7[%dma_start3A_749, %dma_start3A_750, %dma_start3A_751] : memref<26x128x16xf32, #tpu.memory_space<vmem>> -> memref<1x128x16xf32, #tpu.memory_space<vmem>>
      %dma_start3A_753 = tpu.memref_squeeze %dma_start3A_752 : memref<1x128x16xf32, #tpu.memory_space<vmem>> -> memref<128x16xf32, #tpu.memory_space<vmem>>
      %dma_start3A_754 = arith.constant 0 : i32
      %dma_start3A_755 = tpu.memref_slice %arg6[%add3A_737, %dma_start3A_754] : memref<79x128xi32, #tpu.memory_space<vmem>> -> memref<1x128xi32, #tpu.memory_space<vmem>>
      %dma_start3A_756 = tpu.memref_squeeze %dma_start3A_755 : memref<1x128xi32, #tpu.memory_space<vmem>> -> memref<128xi32, #tpu.memory_space<vmem>>
      %dma_start3A_757 = arith.constant 0 : i32
      %dma_start3A_758 = arith.constant 0 : i32
      %dma_start3A_759 = tpu.memref_slice %arg9[%dma_start3A_757, %dma_start3A_758] : memref<10000x16xf32, #tpu.memory_space<vmem_shared>> -> memref<10000x16xf32, #tpu.memory_space<vmem_shared>>
      tpu.enqueue_indirect_dma source(%dma_start3A_753 : memref<128x16xf32, #tpu.memory_space<vmem>>) target(%dma_start3A_759 : memref<10000x16xf32, #tpu.memory_space<vmem_shared>>) offsets(%dma_start3A_756 : memref<128xi32, #tpu.memory_space<vmem>>) semaphore(%arg11 : memref<!tpu.dma_semaphore, #tpu.memory_space<semaphore_mem>>) {add = true}
      %mul3A_760 = arith.constant 26 : i32
      %mul3A_761 = arith.muli %scan3A_32, %mul3A_760 : i32
      %add3A_762 = arith.constant 13 : i32
      %add3A_763 = arith.addi %mul3A_761, %add3A_762 : i32
      %dma_wait3A_764 = arith.constant 13 : i32
      %dma_wait3A_765 = arith.constant 0 : i32
      %dma_wait3A_766 = arith.constant 0 : i32
      %dma_wait3A_767 = tpu.memref_slice %arg7[%dma_wait3A_764, %dma_wait3A_765, %dma_wait3A_766] : memref<26x128x16xf32, #tpu.memory_space<vmem>> -> memref<1x128x16xf32, #tpu.memory_space<vmem>>
      %dma_wait3A_768 = tpu.memref_squeeze %dma_wait3A_767 : memref<1x128x16xf32, #tpu.memory_space<vmem>> -> memref<128x16xf32, #tpu.memory_space<vmem>>
      %dma_wait3A_769 = arith.constant 0 : i32
      %dma_wait3A_770 = tpu.memref_slice %arg5[%add3A_231, %dma_wait3A_769] : memref<79x128xi32, #tpu.memory_space<vmem>> -> memref<1x128xi32, #tpu.memory_space<vmem>>
      %dma_wait3A_771 = tpu.memref_squeeze %dma_wait3A_770 : memref<1x128xi32, #tpu.memory_space<vmem>> -> memref<128xi32, #tpu.memory_space<vmem>>
      %dma_wait3A_772 = arith.constant 0 : i32
      %dma_wait3A_773 = arith.constant 0 : i32
      %dma_wait3A_774 = tpu.memref_slice %arg2[%dma_wait3A_772, %dma_wait3A_773] : memref<10000x16xf32, #tpu.memory_space<hbm>> -> memref<10000x16xf32, #tpu.memory_space<hbm>>
      tpu.wait_indirect_dma semaphore(%arg10 : memref<!tpu.dma_semaphore, #tpu.memory_space<semaphore_mem>>) src(%dma_wait3A_774 : memref<10000x16xf32, #tpu.memory_space<hbm>>) dst(%dma_wait3A_768 : memref<128x16xf32, #tpu.memory_space<vmem>>)
      %dma_start3A_775 = arith.constant 13 : i32
      %dma_start3A_776 = arith.constant 0 : i32
      %dma_start3A_777 = arith.constant 0 : i32
      %dma_start3A_778 = tpu.memref_slice %arg7[%dma_start3A_775, %dma_start3A_776, %dma_start3A_777] : memref<26x128x16xf32, #tpu.memory_space<vmem>> -> memref<1x128x16xf32, #tpu.memory_space<vmem>>
      %dma_start3A_779 = tpu.memref_squeeze %dma_start3A_778 : memref<1x128x16xf32, #tpu.memory_space<vmem>> -> memref<128x16xf32, #tpu.memory_space<vmem>>
      %dma_start3A_780 = arith.constant 0 : i32
      %dma_start3A_781 = tpu.memref_slice %arg6[%add3A_763, %dma_start3A_780] : memref<79x128xi32, #tpu.memory_space<vmem>> -> memref<1x128xi32, #tpu.memory_space<vmem>>
      %dma_start3A_782 = tpu.memref_squeeze %dma_start3A_781 : memref<1x128xi32, #tpu.memory_space<vmem>> -> memref<128xi32, #tpu.memory_space<vmem>>
      %dma_start3A_783 = arith.constant 0 : i32
      %dma_start3A_784 = arith.constant 0 : i32
      %dma_start3A_785 = tpu.memref_slice %arg9[%dma_start3A_783, %dma_start3A_784] : memref<10000x16xf32, #tpu.memory_space<vmem_shared>> -> memref<10000x16xf32, #tpu.memory_space<vmem_shared>>
      tpu.enqueue_indirect_dma source(%dma_start3A_779 : memref<128x16xf32, #tpu.memory_space<vmem>>) target(%dma_start3A_785 : memref<10000x16xf32, #tpu.memory_space<vmem_shared>>) offsets(%dma_start3A_782 : memref<128xi32, #tpu.memory_space<vmem>>) semaphore(%arg11 : memref<!tpu.dma_semaphore, #tpu.memory_space<semaphore_mem>>) {add = true}
      %mul3A_786 = arith.constant 26 : i32
      %mul3A_787 = arith.muli %scan3A_32, %mul3A_786 : i32
      %add3A_788 = arith.constant 14 : i32
      %add3A_789 = arith.addi %mul3A_787, %add3A_788 : i32
      %dma_wait3A_790 = arith.constant 14 : i32
      %dma_wait3A_791 = arith.constant 0 : i32
      %dma_wait3A_792 = arith.constant 0 : i32
      %dma_wait3A_793 = tpu.memref_slice %arg7[%dma_wait3A_790, %dma_wait3A_791, %dma_wait3A_792] : memref<26x128x16xf32, #tpu.memory_space<vmem>> -> memref<1x128x16xf32, #tpu.memory_space<vmem>>
      %dma_wait3A_794 = tpu.memref_squeeze %dma_wait3A_793 : memref<1x128x16xf32, #tpu.memory_space<vmem>> -> memref<128x16xf32, #tpu.memory_space<vmem>>
      %dma_wait3A_795 = arith.constant 0 : i32
      %dma_wait3A_796 = tpu.memref_slice %arg5[%add3A_246, %dma_wait3A_795] : memref<79x128xi32, #tpu.memory_space<vmem>> -> memref<1x128xi32, #tpu.memory_space<vmem>>
      %dma_wait3A_797 = tpu.memref_squeeze %dma_wait3A_796 : memref<1x128xi32, #tpu.memory_space<vmem>> -> memref<128xi32, #tpu.memory_space<vmem>>
      %dma_wait3A_798 = arith.constant 0 : i32
      %dma_wait3A_799 = arith.constant 0 : i32
      %dma_wait3A_800 = tpu.memref_slice %arg2[%dma_wait3A_798, %dma_wait3A_799] : memref<10000x16xf32, #tpu.memory_space<hbm>> -> memref<10000x16xf32, #tpu.memory_space<hbm>>
      tpu.wait_indirect_dma semaphore(%arg10 : memref<!tpu.dma_semaphore, #tpu.memory_space<semaphore_mem>>) src(%dma_wait3A_800 : memref<10000x16xf32, #tpu.memory_space<hbm>>) dst(%dma_wait3A_794 : memref<128x16xf32, #tpu.memory_space<vmem>>)
      %dma_start3A_801 = arith.constant 14 : i32
      %dma_start3A_802 = arith.constant 0 : i32
      %dma_start3A_803 = arith.constant 0 : i32
      %dma_start3A_804 = tpu.memref_slice %arg7[%dma_start3A_801, %dma_start3A_802, %dma_start3A_803] : memref<26x128x16xf32, #tpu.memory_space<vmem>> -> memref<1x128x16xf32, #tpu.memory_space<vmem>>
      %dma_start3A_805 = tpu.memref_squeeze %dma_start3A_804 : memref<1x128x16xf32, #tpu.memory_space<vmem>> -> memref<128x16xf32, #tpu.memory_space<vmem>>
      %dma_start3A_806 = arith.constant 0 : i32
      %dma_start3A_807 = tpu.memref_slice %arg6[%add3A_789, %dma_start3A_806] : memref<79x128xi32, #tpu.memory_space<vmem>> -> memref<1x128xi32, #tpu.memory_space<vmem>>
      %dma_start3A_808 = tpu.memref_squeeze %dma_start3A_807 : memref<1x128xi32, #tpu.memory_space<vmem>> -> memref<128xi32, #tpu.memory_space<vmem>>
      %dma_start3A_809 = arith.constant 0 : i32
      %dma_start3A_810 = arith.constant 0 : i32
      %dma_start3A_811 = tpu.memref_slice %arg9[%dma_start3A_809, %dma_start3A_810] : memref<10000x16xf32, #tpu.memory_space<vmem_shared>> -> memref<10000x16xf32, #tpu.memory_space<vmem_shared>>
      tpu.enqueue_indirect_dma source(%dma_start3A_805 : memref<128x16xf32, #tpu.memory_space<vmem>>) target(%dma_start3A_811 : memref<10000x16xf32, #tpu.memory_space<vmem_shared>>) offsets(%dma_start3A_808 : memref<128xi32, #tpu.memory_space<vmem>>) semaphore(%arg11 : memref<!tpu.dma_semaphore, #tpu.memory_space<semaphore_mem>>) {add = true}
      %mul3A_812 = arith.constant 26 : i32
      %mul3A_813 = arith.muli %scan3A_32, %mul3A_812 : i32
      %add3A_814 = arith.constant 15 : i32
      %add3A_815 = arith.addi %mul3A_813, %add3A_814 : i32
      %dma_wait3A_816 = arith.constant 15 : i32
      %dma_wait3A_817 = arith.constant 0 : i32
      %dma_wait3A_818 = arith.constant 0 : i32
      %dma_wait3A_819 = tpu.memref_slice %arg7[%dma_wait3A_816, %dma_wait3A_817, %dma_wait3A_818] : memref<26x128x16xf32, #tpu.memory_space<vmem>> -> memref<1x128x16xf32, #tpu.memory_space<vmem>>
      %dma_wait3A_820 = tpu.memref_squeeze %dma_wait3A_819 : memref<1x128x16xf32, #tpu.memory_space<vmem>> -> memref<128x16xf32, #tpu.memory_space<vmem>>
      %dma_wait3A_821 = arith.constant 0 : i32
      %dma_wait3A_822 = tpu.memref_slice %arg5[%add3A_261, %dma_wait3A_821] : memref<79x128xi32, #tpu.memory_space<vmem>> -> memref<1x128xi32, #tpu.memory_space<vmem>>
      %dma_wait3A_823 = tpu.memref_squeeze %dma_wait3A_822 : memref<1x128xi32, #tpu.memory_space<vmem>> -> memref<128xi32, #tpu.memory_space<vmem>>
      %dma_wait3A_824 = arith.constant 0 : i32
      %dma_wait3A_825 = arith.constant 0 : i32
      %dma_wait3A_826 = tpu.memref_slice %arg2[%dma_wait3A_824, %dma_wait3A_825] : memref<10000x16xf32, #tpu.memory_space<hbm>> -> memref<10000x16xf32, #tpu.memory_space<hbm>>
      tpu.wait_indirect_dma semaphore(%arg10 : memref<!tpu.dma_semaphore, #tpu.memory_space<semaphore_mem>>) src(%dma_wait3A_826 : memref<10000x16xf32, #tpu.memory_space<hbm>>) dst(%dma_wait3A_820 : memref<128x16xf32, #tpu.memory_space<vmem>>)
      %dma_start3A_827 = arith.constant 15 : i32
      %dma_start3A_828 = arith.constant 0 : i32
      %dma_start3A_829 = arith.constant 0 : i32
      %dma_start3A_830 = tpu.memref_slice %arg7[%dma_start3A_827, %dma_start3A_828, %dma_start3A_829] : memref<26x128x16xf32, #tpu.memory_space<vmem>> -> memref<1x128x16xf32, #tpu.memory_space<vmem>>
      %dma_start3A_831 = tpu.memref_squeeze %dma_start3A_830 : memref<1x128x16xf32, #tpu.memory_space<vmem>> -> memref<128x16xf32, #tpu.memory_space<vmem>>
      %dma_start3A_832 = arith.constant 0 : i32
      %dma_start3A_833 = tpu.memref_slice %arg6[%add3A_815, %dma_start3A_832] : memref<79x128xi32, #tpu.memory_space<vmem>> -> memref<1x128xi32, #tpu.memory_space<vmem>>
      %dma_start3A_834 = tpu.memref_squeeze %dma_start3A_833 : memref<1x128xi32, #tpu.memory_space<vmem>> -> memref<128xi32, #tpu.memory_space<vmem>>
      %dma_start3A_835 = arith.constant 0 : i32
      %dma_start3A_836 = arith.constant 0 : i32
      %dma_start3A_837 = tpu.memref_slice %arg9[%dma_start3A_835, %dma_start3A_836] : memref<10000x16xf32, #tpu.memory_space<vmem_shared>> -> memref<10000x16xf32, #tpu.memory_space<vmem_shared>>
      tpu.enqueue_indirect_dma source(%dma_start3A_831 : memref<128x16xf32, #tpu.memory_space<vmem>>) target(%dma_start3A_837 : memref<10000x16xf32, #tpu.memory_space<vmem_shared>>) offsets(%dma_start3A_834 : memref<128xi32, #tpu.memory_space<vmem>>) semaphore(%arg11 : memref<!tpu.dma_semaphore, #tpu.memory_space<semaphore_mem>>) {add = true}
      %mul3A_838 = arith.constant 26 : i32
      %mul3A_839 = arith.muli %scan3A_32, %mul3A_838 : i32
      %add3A_840 = arith.constant 16 : i32
      %add3A_841 = arith.addi %mul3A_839, %add3A_840 : i32
      %dma_wait3A_842 = arith.constant 16 : i32
      %dma_wait3A_843 = arith.constant 0 : i32
      %dma_wait3A_844 = arith.constant 0 : i32
      %dma_wait3A_845 = tpu.memref_slice %arg7[%dma_wait3A_842, %dma_wait3A_843, %dma_wait3A_844] : memref<26x128x16xf32, #tpu.memory_space<vmem>> -> memref<1x128x16xf32, #tpu.memory_space<vmem>>
      %dma_wait3A_846 = tpu.memref_squeeze %dma_wait3A_845 : memref<1x128x16xf32, #tpu.memory_space<vmem>> -> memref<128x16xf32, #tpu.memory_space<vmem>>
      %dma_wait3A_847 = arith.constant 0 : i32
      %dma_wait3A_848 = tpu.memref_slice %arg5[%add3A_276, %dma_wait3A_847] : memref<79x128xi32, #tpu.memory_space<vmem>> -> memref<1x128xi32, #tpu.memory_space<vmem>>
      %dma_wait3A_849 = tpu.memref_squeeze %dma_wait3A_848 : memref<1x128xi32, #tpu.memory_space<vmem>> -> memref<128xi32, #tpu.memory_space<vmem>>
      %dma_wait3A_850 = arith.constant 0 : i32
      %dma_wait3A_851 = arith.constant 0 : i32
      %dma_wait3A_852 = tpu.memref_slice %arg2[%dma_wait3A_850, %dma_wait3A_851] : memref<10000x16xf32, #tpu.memory_space<hbm>> -> memref<10000x16xf32, #tpu.memory_space<hbm>>
      tpu.wait_indirect_dma semaphore(%arg10 : memref<!tpu.dma_semaphore, #tpu.memory_space<semaphore_mem>>) src(%dma_wait3A_852 : memref<10000x16xf32, #tpu.memory_space<hbm>>) dst(%dma_wait3A_846 : memref<128x16xf32, #tpu.memory_space<vmem>>)
      %dma_start3A_853 = arith.constant 16 : i32
      %dma_start3A_854 = arith.constant 0 : i32
      %dma_start3A_855 = arith.constant 0 : i32
      %dma_start3A_856 = tpu.memref_slice %arg7[%dma_start3A_853, %dma_start3A_854, %dma_start3A_855] : memref<26x128x16xf32, #tpu.memory_space<vmem>> -> memref<1x128x16xf32, #tpu.memory_space<vmem>>
      %dma_start3A_857 = tpu.memref_squeeze %dma_start3A_856 : memref<1x128x16xf32, #tpu.memory_space<vmem>> -> memref<128x16xf32, #tpu.memory_space<vmem>>
      %dma_start3A_858 = arith.constant 0 : i32
      %dma_start3A_859 = tpu.memref_slice %arg6[%add3A_841, %dma_start3A_858] : memref<79x128xi32, #tpu.memory_space<vmem>> -> memref<1x128xi32, #tpu.memory_space<vmem>>
      %dma_start3A_860 = tpu.memref_squeeze %dma_start3A_859 : memref<1x128xi32, #tpu.memory_space<vmem>> -> memref<128xi32, #tpu.memory_space<vmem>>
      %dma_start3A_861 = arith.constant 0 : i32
      %dma_start3A_862 = arith.constant 0 : i32
      %dma_start3A_863 = tpu.memref_slice %arg9[%dma_start3A_861, %dma_start3A_862] : memref<10000x16xf32, #tpu.memory_space<vmem_shared>> -> memref<10000x16xf32, #tpu.memory_space<vmem_shared>>
      tpu.enqueue_indirect_dma source(%dma_start3A_857 : memref<128x16xf32, #tpu.memory_space<vmem>>) target(%dma_start3A_863 : memref<10000x16xf32, #tpu.memory_space<vmem_shared>>) offsets(%dma_start3A_860 : memref<128xi32, #tpu.memory_space<vmem>>) semaphore(%arg11 : memref<!tpu.dma_semaphore, #tpu.memory_space<semaphore_mem>>) {add = true}
      %mul3A_864 = arith.constant 26 : i32
      %mul3A_865 = arith.muli %scan3A_32, %mul3A_864 : i32
      %add3A_866 = arith.constant 17 : i32
      %add3A_867 = arith.addi %mul3A_865, %add3A_866 : i32
      %dma_wait3A_868 = arith.constant 17 : i32
      %dma_wait3A_869 = arith.constant 0 : i32
      %dma_wait3A_870 = arith.constant 0 : i32
      %dma_wait3A_871 = tpu.memref_slice %arg7[%dma_wait3A_868, %dma_wait3A_869, %dma_wait3A_870] : memref<26x128x16xf32, #tpu.memory_space<vmem>> -> memref<1x128x16xf32, #tpu.memory_space<vmem>>
      %dma_wait3A_872 = tpu.memref_squeeze %dma_wait3A_871 : memref<1x128x16xf32, #tpu.memory_space<vmem>> -> memref<128x16xf32, #tpu.memory_space<vmem>>
      %dma_wait3A_873 = arith.constant 0 : i32
      %dma_wait3A_874 = tpu.memref_slice %arg5[%add3A_291, %dma_wait3A_873] : memref<79x128xi32, #tpu.memory_space<vmem>> -> memref<1x128xi32, #tpu.memory_space<vmem>>
      %dma_wait3A_875 = tpu.memref_squeeze %dma_wait3A_874 : memref<1x128xi32, #tpu.memory_space<vmem>> -> memref<128xi32, #tpu.memory_space<vmem>>
      %dma_wait3A_876 = arith.constant 0 : i32
      %dma_wait3A_877 = arith.constant 0 : i32
      %dma_wait3A_878 = tpu.memref_slice %arg2[%dma_wait3A_876, %dma_wait3A_877] : memref<10000x16xf32, #tpu.memory_space<hbm>> -> memref<10000x16xf32, #tpu.memory_space<hbm>>
      tpu.wait_indirect_dma semaphore(%arg10 : memref<!tpu.dma_semaphore, #tpu.memory_space<semaphore_mem>>) src(%dma_wait3A_878 : memref<10000x16xf32, #tpu.memory_space<hbm>>) dst(%dma_wait3A_872 : memref<128x16xf32, #tpu.memory_space<vmem>>)
      %dma_start3A_879 = arith.constant 17 : i32
      %dma_start3A_880 = arith.constant 0 : i32
      %dma_start3A_881 = arith.constant 0 : i32
      %dma_start3A_882 = tpu.memref_slice %arg7[%dma_start3A_879, %dma_start3A_880, %dma_start3A_881] : memref<26x128x16xf32, #tpu.memory_space<vmem>> -> memref<1x128x16xf32, #tpu.memory_space<vmem>>
      %dma_start3A_883 = tpu.memref_squeeze %dma_start3A_882 : memref<1x128x16xf32, #tpu.memory_space<vmem>> -> memref<128x16xf32, #tpu.memory_space<vmem>>
      %dma_start3A_884 = arith.constant 0 : i32
      %dma_start3A_885 = tpu.memref_slice %arg6[%add3A_867, %dma_start3A_884] : memref<79x128xi32, #tpu.memory_space<vmem>> -> memref<1x128xi32, #tpu.memory_space<vmem>>
      %dma_start3A_886 = tpu.memref_squeeze %dma_start3A_885 : memref<1x128xi32, #tpu.memory_space<vmem>> -> memref<128xi32, #tpu.memory_space<vmem>>
      %dma_start3A_887 = arith.constant 0 : i32
      %dma_start3A_888 = arith.constant 0 : i32
      %dma_start3A_889 = tpu.memref_slice %arg9[%dma_start3A_887, %dma_start3A_888] : memref<10000x16xf32, #tpu.memory_space<vmem_shared>> -> memref<10000x16xf32, #tpu.memory_space<vmem_shared>>
      tpu.enqueue_indirect_dma source(%dma_start3A_883 : memref<128x16xf32, #tpu.memory_space<vmem>>) target(%dma_start3A_889 : memref<10000x16xf32, #tpu.memory_space<vmem_shared>>) offsets(%dma_start3A_886 : memref<128xi32, #tpu.memory_space<vmem>>) semaphore(%arg11 : memref<!tpu.dma_semaphore, #tpu.memory_space<semaphore_mem>>) {add = true}
      %mul3A_890 = arith.constant 26 : i32
      %mul3A_891 = arith.muli %scan3A_32, %mul3A_890 : i32
      %add3A_892 = arith.constant 18 : i32
      %add3A_893 = arith.addi %mul3A_891, %add3A_892 : i32
      %dma_wait3A_894 = arith.constant 18 : i32
      %dma_wait3A_895 = arith.constant 0 : i32
      %dma_wait3A_896 = arith.constant 0 : i32
      %dma_wait3A_897 = tpu.memref_slice %arg7[%dma_wait3A_894, %dma_wait3A_895, %dma_wait3A_896] : memref<26x128x16xf32, #tpu.memory_space<vmem>> -> memref<1x128x16xf32, #tpu.memory_space<vmem>>
      %dma_wait3A_898 = tpu.memref_squeeze %dma_wait3A_897 : memref<1x128x16xf32, #tpu.memory_space<vmem>> -> memref<128x16xf32, #tpu.memory_space<vmem>>
      %dma_wait3A_899 = arith.constant 0 : i32
      %dma_wait3A_900 = tpu.memref_slice %arg5[%add3A_306, %dma_wait3A_899] : memref<79x128xi32, #tpu.memory_space<vmem>> -> memref<1x128xi32, #tpu.memory_space<vmem>>
      %dma_wait3A_901 = tpu.memref_squeeze %dma_wait3A_900 : memref<1x128xi32, #tpu.memory_space<vmem>> -> memref<128xi32, #tpu.memory_space<vmem>>
      %dma_wait3A_902 = arith.constant 0 : i32
      %dma_wait3A_903 = arith.constant 0 : i32
      %dma_wait3A_904 = tpu.memref_slice %arg2[%dma_wait3A_902, %dma_wait3A_903] : memref<10000x16xf32, #tpu.memory_space<hbm>> -> memref<10000x16xf32, #tpu.memory_space<hbm>>
      tpu.wait_indirect_dma semaphore(%arg10 : memref<!tpu.dma_semaphore, #tpu.memory_space<semaphore_mem>>) src(%dma_wait3A_904 : memref<10000x16xf32, #tpu.memory_space<hbm>>) dst(%dma_wait3A_898 : memref<128x16xf32, #tpu.memory_space<vmem>>)
      %dma_start3A_905 = arith.constant 18 : i32
      %dma_start3A_906 = arith.constant 0 : i32
      %dma_start3A_907 = arith.constant 0 : i32
      %dma_start3A_908 = tpu.memref_slice %arg7[%dma_start3A_905, %dma_start3A_906, %dma_start3A_907] : memref<26x128x16xf32, #tpu.memory_space<vmem>> -> memref<1x128x16xf32, #tpu.memory_space<vmem>>
      %dma_start3A_909 = tpu.memref_squeeze %dma_start3A_908 : memref<1x128x16xf32, #tpu.memory_space<vmem>> -> memref<128x16xf32, #tpu.memory_space<vmem>>
      %dma_start3A_910 = arith.constant 0 : i32
      %dma_start3A_911 = tpu.memref_slice %arg6[%add3A_893, %dma_start3A_910] : memref<79x128xi32, #tpu.memory_space<vmem>> -> memref<1x128xi32, #tpu.memory_space<vmem>>
      %dma_start3A_912 = tpu.memref_squeeze %dma_start3A_911 : memref<1x128xi32, #tpu.memory_space<vmem>> -> memref<128xi32, #tpu.memory_space<vmem>>
      %dma_start3A_913 = arith.constant 0 : i32
      %dma_start3A_914 = arith.constant 0 : i32
      %dma_start3A_915 = tpu.memref_slice %arg9[%dma_start3A_913, %dma_start3A_914] : memref<10000x16xf32, #tpu.memory_space<vmem_shared>> -> memref<10000x16xf32, #tpu.memory_space<vmem_shared>>
      tpu.enqueue_indirect_dma source(%dma_start3A_909 : memref<128x16xf32, #tpu.memory_space<vmem>>) target(%dma_start3A_915 : memref<10000x16xf32, #tpu.memory_space<vmem_shared>>) offsets(%dma_start3A_912 : memref<128xi32, #tpu.memory_space<vmem>>) semaphore(%arg11 : memref<!tpu.dma_semaphore, #tpu.memory_space<semaphore_mem>>) {add = true}
      %mul3A_916 = arith.constant 26 : i32
      %mul3A_917 = arith.muli %scan3A_32, %mul3A_916 : i32
      %add3A_918 = arith.constant 19 : i32
      %add3A_919 = arith.addi %mul3A_917, %add3A_918 : i32
      %dma_wait3A_920 = arith.constant 19 : i32
      %dma_wait3A_921 = arith.constant 0 : i32
      %dma_wait3A_922 = arith.constant 0 : i32
      %dma_wait3A_923 = tpu.memref_slice %arg7[%dma_wait3A_920, %dma_wait3A_921, %dma_wait3A_922] : memref<26x128x16xf32, #tpu.memory_space<vmem>> -> memref<1x128x16xf32, #tpu.memory_space<vmem>>
      %dma_wait3A_924 = tpu.memref_squeeze %dma_wait3A_923 : memref<1x128x16xf32, #tpu.memory_space<vmem>> -> memref<128x16xf32, #tpu.memory_space<vmem>>
      %dma_wait3A_925 = arith.constant 0 : i32
      %dma_wait3A_926 = tpu.memref_slice %arg5[%add3A_321, %dma_wait3A_925] : memref<79x128xi32, #tpu.memory_space<vmem>> -> memref<1x128xi32, #tpu.memory_space<vmem>>
      %dma_wait3A_927 = tpu.memref_squeeze %dma_wait3A_926 : memref<1x128xi32, #tpu.memory_space<vmem>> -> memref<128xi32, #tpu.memory_space<vmem>>
      %dma_wait3A_928 = arith.constant 0 : i32
      %dma_wait3A_929 = arith.constant 0 : i32
      %dma_wait3A_930 = tpu.memref_slice %arg2[%dma_wait3A_928, %dma_wait3A_929] : memref<10000x16xf32, #tpu.memory_space<hbm>> -> memref<10000x16xf32, #tpu.memory_space<hbm>>
      tpu.wait_indirect_dma semaphore(%arg10 : memref<!tpu.dma_semaphore, #tpu.memory_space<semaphore_mem>>) src(%dma_wait3A_930 : memref<10000x16xf32, #tpu.memory_space<hbm>>) dst(%dma_wait3A_924 : memref<128x16xf32, #tpu.memory_space<vmem>>)
      %dma_start3A_931 = arith.constant 19 : i32
      %dma_start3A_932 = arith.constant 0 : i32
      %dma_start3A_933 = arith.constant 0 : i32
      %dma_start3A_934 = tpu.memref_slice %arg7[%dma_start3A_931, %dma_start3A_932, %dma_start3A_933] : memref<26x128x16xf32, #tpu.memory_space<vmem>> -> memref<1x128x16xf32, #tpu.memory_space<vmem>>
      %dma_start3A_935 = tpu.memref_squeeze %dma_start3A_934 : memref<1x128x16xf32, #tpu.memory_space<vmem>> -> memref<128x16xf32, #tpu.memory_space<vmem>>
      %dma_start3A_936 = arith.constant 0 : i32
      %dma_start3A_937 = tpu.memref_slice %arg6[%add3A_919, %dma_start3A_936] : memref<79x128xi32, #tpu.memory_space<vmem>> -> memref<1x128xi32, #tpu.memory_space<vmem>>
      %dma_start3A_938 = tpu.memref_squeeze %dma_start3A_937 : memref<1x128xi32, #tpu.memory_space<vmem>> -> memref<128xi32, #tpu.memory_space<vmem>>
      %dma_start3A_939 = arith.constant 0 : i32
      %dma_start3A_940 = arith.constant 0 : i32
      %dma_start3A_941 = tpu.memref_slice %arg9[%dma_start3A_939, %dma_start3A_940] : memref<10000x16xf32, #tpu.memory_space<vmem_shared>> -> memref<10000x16xf32, #tpu.memory_space<vmem_shared>>
      tpu.enqueue_indirect_dma source(%dma_start3A_935 : memref<128x16xf32, #tpu.memory_space<vmem>>) target(%dma_start3A_941 : memref<10000x16xf32, #tpu.memory_space<vmem_shared>>) offsets(%dma_start3A_938 : memref<128xi32, #tpu.memory_space<vmem>>) semaphore(%arg11 : memref<!tpu.dma_semaphore, #tpu.memory_space<semaphore_mem>>) {add = true}
      %mul3A_942 = arith.constant 26 : i32
      %mul3A_943 = arith.muli %scan3A_32, %mul3A_942 : i32
      %add3A_944 = arith.constant 20 : i32
      %add3A_945 = arith.addi %mul3A_943, %add3A_944 : i32
      %dma_wait3A_946 = arith.constant 20 : i32
      %dma_wait3A_947 = arith.constant 0 : i32
      %dma_wait3A_948 = arith.constant 0 : i32
      %dma_wait3A_949 = tpu.memref_slice %arg7[%dma_wait3A_946, %dma_wait3A_947, %dma_wait3A_948] : memref<26x128x16xf32, #tpu.memory_space<vmem>> -> memref<1x128x16xf32, #tpu.memory_space<vmem>>
      %dma_wait3A_950 = tpu.memref_squeeze %dma_wait3A_949 : memref<1x128x16xf32, #tpu.memory_space<vmem>> -> memref<128x16xf32, #tpu.memory_space<vmem>>
      %dma_wait3A_951 = arith.constant 0 : i32
      %dma_wait3A_952 = tpu.memref_slice %arg5[%add3A_336, %dma_wait3A_951] : memref<79x128xi32, #tpu.memory_space<vmem>> -> memref<1x128xi32, #tpu.memory_space<vmem>>
      %dma_wait3A_953 = tpu.memref_squeeze %dma_wait3A_952 : memref<1x128xi32, #tpu.memory_space<vmem>> -> memref<128xi32, #tpu.memory_space<vmem>>
      %dma_wait3A_954 = arith.constant 0 : i32
      %dma_wait3A_955 = arith.constant 0 : i32
      %dma_wait3A_956 = tpu.memref_slice %arg2[%dma_wait3A_954, %dma_wait3A_955] : memref<10000x16xf32, #tpu.memory_space<hbm>> -> memref<10000x16xf32, #tpu.memory_space<hbm>>
      tpu.wait_indirect_dma semaphore(%arg10 : memref<!tpu.dma_semaphore, #tpu.memory_space<semaphore_mem>>) src(%dma_wait3A_956 : memref<10000x16xf32, #tpu.memory_space<hbm>>) dst(%dma_wait3A_950 : memref<128x16xf32, #tpu.memory_space<vmem>>)
      %dma_start3A_957 = arith.constant 20 : i32
      %dma_start3A_958 = arith.constant 0 : i32
      %dma_start3A_959 = arith.constant 0 : i32
      %dma_start3A_960 = tpu.memref_slice %arg7[%dma_start3A_957, %dma_start3A_958, %dma_start3A_959] : memref<26x128x16xf32, #tpu.memory_space<vmem>> -> memref<1x128x16xf32, #tpu.memory_space<vmem>>
      %dma_start3A_961 = tpu.memref_squeeze %dma_start3A_960 : memref<1x128x16xf32, #tpu.memory_space<vmem>> -> memref<128x16xf32, #tpu.memory_space<vmem>>
      %dma_start3A_962 = arith.constant 0 : i32
      %dma_start3A_963 = tpu.memref_slice %arg6[%add3A_945, %dma_start3A_962] : memref<79x128xi32, #tpu.memory_space<vmem>> -> memref<1x128xi32, #tpu.memory_space<vmem>>
      %dma_start3A_964 = tpu.memref_squeeze %dma_start3A_963 : memref<1x128xi32, #tpu.memory_space<vmem>> -> memref<128xi32, #tpu.memory_space<vmem>>
      %dma_start3A_965 = arith.constant 0 : i32
      %dma_start3A_966 = arith.constant 0 : i32
      %dma_start3A_967 = tpu.memref_slice %arg9[%dma_start3A_965, %dma_start3A_966] : memref<10000x16xf32, #tpu.memory_space<vmem_shared>> -> memref<10000x16xf32, #tpu.memory_space<vmem_shared>>
      tpu.enqueue_indirect_dma source(%dma_start3A_961 : memref<128x16xf32, #tpu.memory_space<vmem>>) target(%dma_start3A_967 : memref<10000x16xf32, #tpu.memory_space<vmem_shared>>) offsets(%dma_start3A_964 : memref<128xi32, #tpu.memory_space<vmem>>) semaphore(%arg11 : memref<!tpu.dma_semaphore, #tpu.memory_space<semaphore_mem>>) {add = true}
      %mul3A_968 = arith.constant 26 : i32
      %mul3A_969 = arith.muli %scan3A_32, %mul3A_968 : i32
      %add3A_970 = arith.constant 21 : i32
      %add3A_971 = arith.addi %mul3A_969, %add3A_970 : i32
      %dma_wait3A_972 = arith.constant 21 : i32
      %dma_wait3A_973 = arith.constant 0 : i32
      %dma_wait3A_974 = arith.constant 0 : i32
      %dma_wait3A_975 = tpu.memref_slice %arg7[%dma_wait3A_972, %dma_wait3A_973, %dma_wait3A_974] : memref<26x128x16xf32, #tpu.memory_space<vmem>> -> memref<1x128x16xf32, #tpu.memory_space<vmem>>
      %dma_wait3A_976 = tpu.memref_squeeze %dma_wait3A_975 : memref<1x128x16xf32, #tpu.memory_space<vmem>> -> memref<128x16xf32, #tpu.memory_space<vmem>>
      %dma_wait3A_977 = arith.constant 0 : i32
      %dma_wait3A_978 = tpu.memref_slice %arg5[%add3A_351, %dma_wait3A_977] : memref<79x128xi32, #tpu.memory_space<vmem>> -> memref<1x128xi32, #tpu.memory_space<vmem>>
      %dma_wait3A_979 = tpu.memref_squeeze %dma_wait3A_978 : memref<1x128xi32, #tpu.memory_space<vmem>> -> memref<128xi32, #tpu.memory_space<vmem>>
      %dma_wait3A_980 = arith.constant 0 : i32
      %dma_wait3A_981 = arith.constant 0 : i32
      %dma_wait3A_982 = tpu.memref_slice %arg2[%dma_wait3A_980, %dma_wait3A_981] : memref<10000x16xf32, #tpu.memory_space<hbm>> -> memref<10000x16xf32, #tpu.memory_space<hbm>>
      tpu.wait_indirect_dma semaphore(%arg10 : memref<!tpu.dma_semaphore, #tpu.memory_space<semaphore_mem>>) src(%dma_wait3A_982 : memref<10000x16xf32, #tpu.memory_space<hbm>>) dst(%dma_wait3A_976 : memref<128x16xf32, #tpu.memory_space<vmem>>)
      %dma_start3A_983 = arith.constant 21 : i32
      %dma_start3A_984 = arith.constant 0 : i32
      %dma_start3A_985 = arith.constant 0 : i32
      %dma_start3A_986 = tpu.memref_slice %arg7[%dma_start3A_983, %dma_start3A_984, %dma_start3A_985] : memref<26x128x16xf32, #tpu.memory_space<vmem>> -> memref<1x128x16xf32, #tpu.memory_space<vmem>>
      %dma_start3A_987 = tpu.memref_squeeze %dma_start3A_986 : memref<1x128x16xf32, #tpu.memory_space<vmem>> -> memref<128x16xf32, #tpu.memory_space<vmem>>
      %dma_start3A_988 = arith.constant 0 : i32
      %dma_start3A_989 = tpu.memref_slice %arg6[%add3A_971, %dma_start3A_988] : memref<79x128xi32, #tpu.memory_space<vmem>> -> memref<1x128xi32, #tpu.memory_space<vmem>>
      %dma_start3A_990 = tpu.memref_squeeze %dma_start3A_989 : memref<1x128xi32, #tpu.memory_space<vmem>> -> memref<128xi32, #tpu.memory_space<vmem>>
      %dma_start3A_991 = arith.constant 0 : i32
      %dma_start3A_992 = arith.constant 0 : i32
      %dma_start3A_993 = tpu.memref_slice %arg9[%dma_start3A_991, %dma_start3A_992] : memref<10000x16xf32, #tpu.memory_space<vmem_shared>> -> memref<10000x16xf32, #tpu.memory_space<vmem_shared>>
      tpu.enqueue_indirect_dma source(%dma_start3A_987 : memref<128x16xf32, #tpu.memory_space<vmem>>) target(%dma_start3A_993 : memref<10000x16xf32, #tpu.memory_space<vmem_shared>>) offsets(%dma_start3A_990 : memref<128xi32, #tpu.memory_space<vmem>>) semaphore(%arg11 : memref<!tpu.dma_semaphore, #tpu.memory_space<semaphore_mem>>) {add = true}
      %mul3A_994 = arith.constant 26 : i32
      %mul3A_995 = arith.muli %scan3A_32, %mul3A_994 : i32
      %add3A_996 = arith.constant 22 : i32
      %add3A_997 = arith.addi %mul3A_995, %add3A_996 : i32
      %dma_wait3A_998 = arith.constant 22 : i32
      %dma_wait3A_999 = arith.constant 0 : i32
      %dma_wait3A_1000 = arith.constant 0 : i32
      %dma_wait3A_1001 = tpu.memref_slice %arg7[%dma_wait3A_998, %dma_wait3A_999, %dma_wait3A_1000] : memref<26x128x16xf32, #tpu.memory_space<vmem>> -> memref<1x128x16xf32, #tpu.memory_space<vmem>>
      %dma_wait3A_1002 = tpu.memref_squeeze %dma_wait3A_1001 : memref<1x128x16xf32, #tpu.memory_space<vmem>> -> memref<128x16xf32, #tpu.memory_space<vmem>>
      %dma_wait3A_1003 = arith.constant 0 : i32
      %dma_wait3A_1004 = tpu.memref_slice %arg5[%add3A_366, %dma_wait3A_1003] : memref<79x128xi32, #tpu.memory_space<vmem>> -> memref<1x128xi32, #tpu.memory_space<vmem>>
      %dma_wait3A_1005 = tpu.memref_squeeze %dma_wait3A_1004 : memref<1x128xi32, #tpu.memory_space<vmem>> -> memref<128xi32, #tpu.memory_space<vmem>>
      %dma_wait3A_1006 = arith.constant 0 : i32
      %dma_wait3A_1007 = arith.constant 0 : i32
      %dma_wait3A_1008 = tpu.memref_slice %arg2[%dma_wait3A_1006, %dma_wait3A_1007] : memref<10000x16xf32, #tpu.memory_space<hbm>> -> memref<10000x16xf32, #tpu.memory_space<hbm>>
      tpu.wait_indirect_dma semaphore(%arg10 : memref<!tpu.dma_semaphore, #tpu.memory_space<semaphore_mem>>) src(%dma_wait3A_1008 : memref<10000x16xf32, #tpu.memory_space<hbm>>) dst(%dma_wait3A_1002 : memref<128x16xf32, #tpu.memory_space<vmem>>)
      %dma_start3A_1009 = arith.constant 22 : i32
      %dma_start3A_1010 = arith.constant 0 : i32
      %dma_start3A_1011 = arith.constant 0 : i32
      %dma_start3A_1012 = tpu.memref_slice %arg7[%dma_start3A_1009, %dma_start3A_1010, %dma_start3A_1011] : memref<26x128x16xf32, #tpu.memory_space<vmem>> -> memref<1x128x16xf32, #tpu.memory_space<vmem>>
      %dma_start3A_1013 = tpu.memref_squeeze %dma_start3A_1012 : memref<1x128x16xf32, #tpu.memory_space<vmem>> -> memref<128x16xf32, #tpu.memory_space<vmem>>
      %dma_start3A_1014 = arith.constant 0 : i32
      %dma_start3A_1015 = tpu.memref_slice %arg6[%add3A_997, %dma_start3A_1014] : memref<79x128xi32, #tpu.memory_space<vmem>> -> memref<1x128xi32, #tpu.memory_space<vmem>>
      %dma_start3A_1016 = tpu.memref_squeeze %dma_start3A_1015 : memref<1x128xi32, #tpu.memory_space<vmem>> -> memref<128xi32, #tpu.memory_space<vmem>>
      %dma_start3A_1017 = arith.constant 0 : i32
      %dma_start3A_1018 = arith.constant 0 : i32
      %dma_start3A_1019 = tpu.memref_slice %arg9[%dma_start3A_1017, %dma_start3A_1018] : memref<10000x16xf32, #tpu.memory_space<vmem_shared>> -> memref<10000x16xf32, #tpu.memory_space<vmem_shared>>
      tpu.enqueue_indirect_dma source(%dma_start3A_1013 : memref<128x16xf32, #tpu.memory_space<vmem>>) target(%dma_start3A_1019 : memref<10000x16xf32, #tpu.memory_space<vmem_shared>>) offsets(%dma_start3A_1016 : memref<128xi32, #tpu.memory_space<vmem>>) semaphore(%arg11 : memref<!tpu.dma_semaphore, #tpu.memory_space<semaphore_mem>>) {add = true}
      %mul3A_1020 = arith.constant 26 : i32
      %mul3A_1021 = arith.muli %scan3A_32, %mul3A_1020 : i32
      %add3A_1022 = arith.constant 23 : i32
      %add3A_1023 = arith.addi %mul3A_1021, %add3A_1022 : i32
      %dma_wait3A_1024 = arith.constant 23 : i32
      %dma_wait3A_1025 = arith.constant 0 : i32
      %dma_wait3A_1026 = arith.constant 0 : i32
      %dma_wait3A_1027 = tpu.memref_slice %arg7[%dma_wait3A_1024, %dma_wait3A_1025, %dma_wait3A_1026] : memref<26x128x16xf32, #tpu.memory_space<vmem>> -> memref<1x128x16xf32, #tpu.memory_space<vmem>>
      %dma_wait3A_1028 = tpu.memref_squeeze %dma_wait3A_1027 : memref<1x128x16xf32, #tpu.memory_space<vmem>> -> memref<128x16xf32, #tpu.memory_space<vmem>>
      %dma_wait3A_1029 = arith.constant 0 : i32
      %dma_wait3A_1030 = tpu.memref_slice %arg5[%add3A_381, %dma_wait3A_1029] : memref<79x128xi32, #tpu.memory_space<vmem>> -> memref<1x128xi32, #tpu.memory_space<vmem>>
      %dma_wait3A_1031 = tpu.memref_squeeze %dma_wait3A_1030 : memref<1x128xi32, #tpu.memory_space<vmem>> -> memref<128xi32, #tpu.memory_space<vmem>>
      %dma_wait3A_1032 = arith.constant 0 : i32
      %dma_wait3A_1033 = arith.constant 0 : i32
      %dma_wait3A_1034 = tpu.memref_slice %arg2[%dma_wait3A_1032, %dma_wait3A_1033] : memref<10000x16xf32, #tpu.memory_space<hbm>> -> memref<10000x16xf32, #tpu.memory_space<hbm>>
      tpu.wait_indirect_dma semaphore(%arg10 : memref<!tpu.dma_semaphore, #tpu.memory_space<semaphore_mem>>) src(%dma_wait3A_1034 : memref<10000x16xf32, #tpu.memory_space<hbm>>) dst(%dma_wait3A_1028 : memref<128x16xf32, #tpu.memory_space<vmem>>)
      %dma_start3A_1035 = arith.constant 23 : i32
      %dma_start3A_1036 = arith.constant 0 : i32
      %dma_start3A_1037 = arith.constant 0 : i32
      %dma_start3A_1038 = tpu.memref_slice %arg7[%dma_start3A_1035, %dma_start3A_1036, %dma_start3A_1037] : memref<26x128x16xf32, #tpu.memory_space<vmem>> -> memref<1x128x16xf32, #tpu.memory_space<vmem>>
      %dma_start3A_1039 = tpu.memref_squeeze %dma_start3A_1038 : memref<1x128x16xf32, #tpu.memory_space<vmem>> -> memref<128x16xf32, #tpu.memory_space<vmem>>
      %dma_start3A_1040 = arith.constant 0 : i32
      %dma_start3A_1041 = tpu.memref_slice %arg6[%add3A_1023, %dma_start3A_1040] : memref<79x128xi32, #tpu.memory_space<vmem>> -> memref<1x128xi32, #tpu.memory_space<vmem>>
      %dma_start3A_1042 = tpu.memref_squeeze %dma_start3A_1041 : memref<1x128xi32, #tpu.memory_space<vmem>> -> memref<128xi32, #tpu.memory_space<vmem>>
      %dma_start3A_1043 = arith.constant 0 : i32
      %dma_start3A_1044 = arith.constant 0 : i32
      %dma_start3A_1045 = tpu.memref_slice %arg9[%dma_start3A_1043, %dma_start3A_1044] : memref<10000x16xf32, #tpu.memory_space<vmem_shared>> -> memref<10000x16xf32, #tpu.memory_space<vmem_shared>>
      tpu.enqueue_indirect_dma source(%dma_start3A_1039 : memref<128x16xf32, #tpu.memory_space<vmem>>) target(%dma_start3A_1045 : memref<10000x16xf32, #tpu.memory_space<vmem_shared>>) offsets(%dma_start3A_1042 : memref<128xi32, #tpu.memory_space<vmem>>) semaphore(%arg11 : memref<!tpu.dma_semaphore, #tpu.memory_space<semaphore_mem>>) {add = true}
      %mul3A_1046 = arith.constant 26 : i32
      %mul3A_1047 = arith.muli %scan3A_32, %mul3A_1046 : i32
      %add3A_1048 = arith.constant 24 : i32
      %add3A_1049 = arith.addi %mul3A_1047, %add3A_1048 : i32
      %dma_wait3A_1050 = arith.constant 24 : i32
      %dma_wait3A_1051 = arith.constant 0 : i32
      %dma_wait3A_1052 = arith.constant 0 : i32
      %dma_wait3A_1053 = tpu.memref_slice %arg7[%dma_wait3A_1050, %dma_wait3A_1051, %dma_wait3A_1052] : memref<26x128x16xf32, #tpu.memory_space<vmem>> -> memref<1x128x16xf32, #tpu.memory_space<vmem>>
      %dma_wait3A_1054 = tpu.memref_squeeze %dma_wait3A_1053 : memref<1x128x16xf32, #tpu.memory_space<vmem>> -> memref<128x16xf32, #tpu.memory_space<vmem>>
      %dma_wait3A_1055 = arith.constant 0 : i32
      %dma_wait3A_1056 = tpu.memref_slice %arg5[%add3A_396, %dma_wait3A_1055] : memref<79x128xi32, #tpu.memory_space<vmem>> -> memref<1x128xi32, #tpu.memory_space<vmem>>
      %dma_wait3A_1057 = tpu.memref_squeeze %dma_wait3A_1056 : memref<1x128xi32, #tpu.memory_space<vmem>> -> memref<128xi32, #tpu.memory_space<vmem>>
      %dma_wait3A_1058 = arith.constant 0 : i32
      %dma_wait3A_1059 = arith.constant 0 : i32
      %dma_wait3A_1060 = tpu.memref_slice %arg2[%dma_wait3A_1058, %dma_wait3A_1059] : memref<10000x16xf32, #tpu.memory_space<hbm>> -> memref<10000x16xf32, #tpu.memory_space<hbm>>
      tpu.wait_indirect_dma semaphore(%arg10 : memref<!tpu.dma_semaphore, #tpu.memory_space<semaphore_mem>>) src(%dma_wait3A_1060 : memref<10000x16xf32, #tpu.memory_space<hbm>>) dst(%dma_wait3A_1054 : memref<128x16xf32, #tpu.memory_space<vmem>>)
      %dma_start3A_1061 = arith.constant 24 : i32
      %dma_start3A_1062 = arith.constant 0 : i32
      %dma_start3A_1063 = arith.constant 0 : i32
      %dma_start3A_1064 = tpu.memref_slice %arg7[%dma_start3A_1061, %dma_start3A_1062, %dma_start3A_1063] : memref<26x128x16xf32, #tpu.memory_space<vmem>> -> memref<1x128x16xf32, #tpu.memory_space<vmem>>
      %dma_start3A_1065 = tpu.memref_squeeze %dma_start3A_1064 : memref<1x128x16xf32, #tpu.memory_space<vmem>> -> memref<128x16xf32, #tpu.memory_space<vmem>>
      %dma_start3A_1066 = arith.constant 0 : i32
      %dma_start3A_1067 = tpu.memref_slice %arg6[%add3A_1049, %dma_start3A_1066] : memref<79x128xi32, #tpu.memory_space<vmem>> -> memref<1x128xi32, #tpu.memory_space<vmem>>
      %dma_start3A_1068 = tpu.memref_squeeze %dma_start3A_1067 : memref<1x128xi32, #tpu.memory_space<vmem>> -> memref<128xi32, #tpu.memory_space<vmem>>
      %dma_start3A_1069 = arith.constant 0 : i32
      %dma_start3A_1070 = arith.constant 0 : i32
      %dma_start3A_1071 = tpu.memref_slice %arg9[%dma_start3A_1069, %dma_start3A_1070] : memref<10000x16xf32, #tpu.memory_space<vmem_shared>> -> memref<10000x16xf32, #tpu.memory_space<vmem_shared>>
      tpu.enqueue_indirect_dma source(%dma_start3A_1065 : memref<128x16xf32, #tpu.memory_space<vmem>>) target(%dma_start3A_1071 : memref<10000x16xf32, #tpu.memory_space<vmem_shared>>) offsets(%dma_start3A_1068 : memref<128xi32, #tpu.memory_space<vmem>>) semaphore(%arg11 : memref<!tpu.dma_semaphore, #tpu.memory_space<semaphore_mem>>) {add = true}
      %mul3A_1072 = arith.constant 26 : i32
      %mul3A_1073 = arith.muli %scan3A_32, %mul3A_1072 : i32
      %add3A_1074 = arith.constant 25 : i32
      %add3A_1075 = arith.addi %mul3A_1073, %add3A_1074 : i32
      %dma_wait3A_1076 = arith.constant 25 : i32
      %dma_wait3A_1077 = arith.constant 0 : i32
      %dma_wait3A_1078 = arith.constant 0 : i32
      %dma_wait3A_1079 = tpu.memref_slice %arg7[%dma_wait3A_1076, %dma_wait3A_1077, %dma_wait3A_1078] : memref<26x128x16xf32, #tpu.memory_space<vmem>> -> memref<1x128x16xf32, #tpu.memory_space<vmem>>
      %dma_wait3A_1080 = tpu.memref_squeeze %dma_wait3A_1079 : memref<1x128x16xf32, #tpu.memory_space<vmem>> -> memref<128x16xf32, #tpu.memory_space<vmem>>
      %dma_wait3A_1081 = arith.constant 0 : i32
      %dma_wait3A_1082 = tpu.memref_slice %arg5[%add3A_411, %dma_wait3A_1081] : memref<79x128xi32, #tpu.memory_space<vmem>> -> memref<1x128xi32, #tpu.memory_space<vmem>>
      %dma_wait3A_1083 = tpu.memref_squeeze %dma_wait3A_1082 : memref<1x128xi32, #tpu.memory_space<vmem>> -> memref<128xi32, #tpu.memory_space<vmem>>
      %dma_wait3A_1084 = arith.constant 0 : i32
      %dma_wait3A_1085 = arith.constant 0 : i32
      %dma_wait3A_1086 = tpu.memref_slice %arg2[%dma_wait3A_1084, %dma_wait3A_1085] : memref<10000x16xf32, #tpu.memory_space<hbm>> -> memref<10000x16xf32, #tpu.memory_space<hbm>>
      tpu.wait_indirect_dma semaphore(%arg10 : memref<!tpu.dma_semaphore, #tpu.memory_space<semaphore_mem>>) src(%dma_wait3A_1086 : memref<10000x16xf32, #tpu.memory_space<hbm>>) dst(%dma_wait3A_1080 : memref<128x16xf32, #tpu.memory_space<vmem>>)
      %dma_start3A_1087 = arith.constant 25 : i32
      %dma_start3A_1088 = arith.constant 0 : i32
      %dma_start3A_1089 = arith.constant 0 : i32
      %dma_start3A_1090 = tpu.memref_slice %arg7[%dma_start3A_1087, %dma_start3A_1088, %dma_start3A_1089] : memref<26x128x16xf32, #tpu.memory_space<vmem>> -> memref<1x128x16xf32, #tpu.memory_space<vmem>>
      %dma_start3A_1091 = tpu.memref_squeeze %dma_start3A_1090 : memref<1x128x16xf32, #tpu.memory_space<vmem>> -> memref<128x16xf32, #tpu.memory_space<vmem>>
      %dma_start3A_1092 = arith.constant 0 : i32
      %dma_start3A_1093 = tpu.memref_slice %arg6[%add3A_1075, %dma_start3A_1092] : memref<79x128xi32, #tpu.memory_space<vmem>> -> memref<1x128xi32, #tpu.memory_space<vmem>>
      %dma_start3A_1094 = tpu.memref_squeeze %dma_start3A_1093 : memref<1x128xi32, #tpu.memory_space<vmem>> -> memref<128xi32, #tpu.memory_space<vmem>>
      %dma_start3A_1095 = arith.constant 0 : i32
      %dma_start3A_1096 = arith.constant 0 : i32
      %dma_start3A_1097 = tpu.memref_slice %arg9[%dma_start3A_1095, %dma_start3A_1096] : memref<10000x16xf32, #tpu.memory_space<vmem_shared>> -> memref<10000x16xf32, #tpu.memory_space<vmem_shared>>
      tpu.enqueue_indirect_dma source(%dma_start3A_1091 : memref<128x16xf32, #tpu.memory_space<vmem>>) target(%dma_start3A_1097 : memref<10000x16xf32, #tpu.memory_space<vmem_shared>>) offsets(%dma_start3A_1094 : memref<128xi32, #tpu.memory_space<vmem>>) semaphore(%arg11 : memref<!tpu.dma_semaphore, #tpu.memory_space<semaphore_mem>>) {add = true}
      %dma_wait3A_1098 = arith.constant 0 : i32
      %dma_wait3A_1099 = arith.constant 0 : i32
      %dma_wait3A_1100 = arith.constant 0 : i32
      %dma_wait3A_1101 = tpu.memref_slice %arg7[%dma_wait3A_1098, %dma_wait3A_1099, %dma_wait3A_1100] : memref<26x128x16xf32, #tpu.memory_space<vmem>> -> memref<1x128x16xf32, #tpu.memory_space<vmem>>
      %dma_wait3A_1102 = tpu.memref_squeeze %dma_wait3A_1101 : memref<1x128x16xf32, #tpu.memory_space<vmem>> -> memref<128x16xf32, #tpu.memory_space<vmem>>
      %dma_wait3A_1103 = arith.constant 0 : i32
      %dma_wait3A_1104 = tpu.memref_slice %arg6[%add3A_426, %dma_wait3A_1103] : memref<79x128xi32, #tpu.memory_space<vmem>> -> memref<1x128xi32, #tpu.memory_space<vmem>>
      %dma_wait3A_1105 = tpu.memref_squeeze %dma_wait3A_1104 : memref<1x128xi32, #tpu.memory_space<vmem>> -> memref<128xi32, #tpu.memory_space<vmem>>
      %dma_wait3A_1106 = arith.constant 0 : i32
      %dma_wait3A_1107 = arith.constant 0 : i32
      %dma_wait3A_1108 = tpu.memref_slice %arg9[%dma_wait3A_1106, %dma_wait3A_1107] : memref<10000x16xf32, #tpu.memory_space<vmem_shared>> -> memref<10000x16xf32, #tpu.memory_space<vmem_shared>>
      tpu.wait_indirect_dma semaphore(%arg11 : memref<!tpu.dma_semaphore, #tpu.memory_space<semaphore_mem>>) src(%dma_wait3A_1102 : memref<128x16xf32, #tpu.memory_space<vmem>>) dst(%dma_wait3A_1108 : memref<10000x16xf32, #tpu.memory_space<vmem_shared>>)
      %dma_wait3A_1109 = arith.constant 1 : i32
      %dma_wait3A_1110 = arith.constant 0 : i32
      %dma_wait3A_1111 = arith.constant 0 : i32
      %dma_wait3A_1112 = tpu.memref_slice %arg7[%dma_wait3A_1109, %dma_wait3A_1110, %dma_wait3A_1111] : memref<26x128x16xf32, #tpu.memory_space<vmem>> -> memref<1x128x16xf32, #tpu.memory_space<vmem>>
      %dma_wait3A_1113 = tpu.memref_squeeze %dma_wait3A_1112 : memref<1x128x16xf32, #tpu.memory_space<vmem>> -> memref<128x16xf32, #tpu.memory_space<vmem>>
      %dma_wait3A_1114 = arith.constant 0 : i32
      %dma_wait3A_1115 = tpu.memref_slice %arg6[%add3A_451, %dma_wait3A_1114] : memref<79x128xi32, #tpu.memory_space<vmem>> -> memref<1x128xi32, #tpu.memory_space<vmem>>
      %dma_wait3A_1116 = tpu.memref_squeeze %dma_wait3A_1115 : memref<1x128xi32, #tpu.memory_space<vmem>> -> memref<128xi32, #tpu.memory_space<vmem>>
      %dma_wait3A_1117 = arith.constant 0 : i32
      %dma_wait3A_1118 = arith.constant 0 : i32
      %dma_wait3A_1119 = tpu.memref_slice %arg9[%dma_wait3A_1117, %dma_wait3A_1118] : memref<10000x16xf32, #tpu.memory_space<vmem_shared>> -> memref<10000x16xf32, #tpu.memory_space<vmem_shared>>
      tpu.wait_indirect_dma semaphore(%arg11 : memref<!tpu.dma_semaphore, #tpu.memory_space<semaphore_mem>>) src(%dma_wait3A_1113 : memref<128x16xf32, #tpu.memory_space<vmem>>) dst(%dma_wait3A_1119 : memref<10000x16xf32, #tpu.memory_space<vmem_shared>>)
      %dma_wait3A_1120 = arith.constant 2 : i32
      %dma_wait3A_1121 = arith.constant 0 : i32
      %dma_wait3A_1122 = arith.constant 0 : i32
      %dma_wait3A_1123 = tpu.memref_slice %arg7[%dma_wait3A_1120, %dma_wait3A_1121, %dma_wait3A_1122] : memref<26x128x16xf32, #tpu.memory_space<vmem>> -> memref<1x128x16xf32, #tpu.memory_space<vmem>>
      %dma_wait3A_1124 = tpu.memref_squeeze %dma_wait3A_1123 : memref<1x128x16xf32, #tpu.memory_space<vmem>> -> memref<128x16xf32, #tpu.memory_space<vmem>>
      %dma_wait3A_1125 = arith.constant 0 : i32
      %dma_wait3A_1126 = tpu.memref_slice %arg6[%add3A_477, %dma_wait3A_1125] : memref<79x128xi32, #tpu.memory_space<vmem>> -> memref<1x128xi32, #tpu.memory_space<vmem>>
      %dma_wait3A_1127 = tpu.memref_squeeze %dma_wait3A_1126 : memref<1x128xi32, #tpu.memory_space<vmem>> -> memref<128xi32, #tpu.memory_space<vmem>>
      %dma_wait3A_1128 = arith.constant 0 : i32
      %dma_wait3A_1129 = arith.constant 0 : i32
      %dma_wait3A_1130 = tpu.memref_slice %arg9[%dma_wait3A_1128, %dma_wait3A_1129] : memref<10000x16xf32, #tpu.memory_space<vmem_shared>> -> memref<10000x16xf32, #tpu.memory_space<vmem_shared>>
      tpu.wait_indirect_dma semaphore(%arg11 : memref<!tpu.dma_semaphore, #tpu.memory_space<semaphore_mem>>) src(%dma_wait3A_1124 : memref<128x16xf32, #tpu.memory_space<vmem>>) dst(%dma_wait3A_1130 : memref<10000x16xf32, #tpu.memory_space<vmem_shared>>)
      %dma_wait3A_1131 = arith.constant 3 : i32
      %dma_wait3A_1132 = arith.constant 0 : i32
      %dma_wait3A_1133 = arith.constant 0 : i32
      %dma_wait3A_1134 = tpu.memref_slice %arg7[%dma_wait3A_1131, %dma_wait3A_1132, %dma_wait3A_1133] : memref<26x128x16xf32, #tpu.memory_space<vmem>> -> memref<1x128x16xf32, #tpu.memory_space<vmem>>
      %dma_wait3A_1135 = tpu.memref_squeeze %dma_wait3A_1134 : memref<1x128x16xf32, #tpu.memory_space<vmem>> -> memref<128x16xf32, #tpu.memory_space<vmem>>
      %dma_wait3A_1136 = arith.constant 0 : i32
      %dma_wait3A_1137 = tpu.memref_slice %arg6[%add3A_503, %dma_wait3A_1136] : memref<79x128xi32, #tpu.memory_space<vmem>> -> memref<1x128xi32, #tpu.memory_space<vmem>>
      %dma_wait3A_1138 = tpu.memref_squeeze %dma_wait3A_1137 : memref<1x128xi32, #tpu.memory_space<vmem>> -> memref<128xi32, #tpu.memory_space<vmem>>
      %dma_wait3A_1139 = arith.constant 0 : i32
      %dma_wait3A_1140 = arith.constant 0 : i32
      %dma_wait3A_1141 = tpu.memref_slice %arg9[%dma_wait3A_1139, %dma_wait3A_1140] : memref<10000x16xf32, #tpu.memory_space<vmem_shared>> -> memref<10000x16xf32, #tpu.memory_space<vmem_shared>>
      tpu.wait_indirect_dma semaphore(%arg11 : memref<!tpu.dma_semaphore, #tpu.memory_space<semaphore_mem>>) src(%dma_wait3A_1135 : memref<128x16xf32, #tpu.memory_space<vmem>>) dst(%dma_wait3A_1141 : memref<10000x16xf32, #tpu.memory_space<vmem_shared>>)
      %dma_wait3A_1142 = arith.constant 4 : i32
      %dma_wait3A_1143 = arith.constant 0 : i32
      %dma_wait3A_1144 = arith.constant 0 : i32
      %dma_wait3A_1145 = tpu.memref_slice %arg7[%dma_wait3A_1142, %dma_wait3A_1143, %dma_wait3A_1144] : memref<26x128x16xf32, #tpu.memory_space<vmem>> -> memref<1x128x16xf32, #tpu.memory_space<vmem>>
      %dma_wait3A_1146 = tpu.memref_squeeze %dma_wait3A_1145 : memref<1x128x16xf32, #tpu.memory_space<vmem>> -> memref<128x16xf32, #tpu.memory_space<vmem>>
      %dma_wait3A_1147 = arith.constant 0 : i32
      %dma_wait3A_1148 = tpu.memref_slice %arg6[%add3A_529, %dma_wait3A_1147] : memref<79x128xi32, #tpu.memory_space<vmem>> -> memref<1x128xi32, #tpu.memory_space<vmem>>
      %dma_wait3A_1149 = tpu.memref_squeeze %dma_wait3A_1148 : memref<1x128xi32, #tpu.memory_space<vmem>> -> memref<128xi32, #tpu.memory_space<vmem>>
      %dma_wait3A_1150 = arith.constant 0 : i32
      %dma_wait3A_1151 = arith.constant 0 : i32
      %dma_wait3A_1152 = tpu.memref_slice %arg9[%dma_wait3A_1150, %dma_wait3A_1151] : memref<10000x16xf32, #tpu.memory_space<vmem_shared>> -> memref<10000x16xf32, #tpu.memory_space<vmem_shared>>
      tpu.wait_indirect_dma semaphore(%arg11 : memref<!tpu.dma_semaphore, #tpu.memory_space<semaphore_mem>>) src(%dma_wait3A_1146 : memref<128x16xf32, #tpu.memory_space<vmem>>) dst(%dma_wait3A_1152 : memref<10000x16xf32, #tpu.memory_space<vmem_shared>>)
      %dma_wait3A_1153 = arith.constant 5 : i32
      %dma_wait3A_1154 = arith.constant 0 : i32
      %dma_wait3A_1155 = arith.constant 0 : i32
      %dma_wait3A_1156 = tpu.memref_slice %arg7[%dma_wait3A_1153, %dma_wait3A_1154, %dma_wait3A_1155] : memref<26x128x16xf32, #tpu.memory_space<vmem>> -> memref<1x128x16xf32, #tpu.memory_space<vmem>>
      %dma_wait3A_1157 = tpu.memref_squeeze %dma_wait3A_1156 : memref<1x128x16xf32, #tpu.memory_space<vmem>> -> memref<128x16xf32, #tpu.memory_space<vmem>>
      %dma_wait3A_1158 = arith.constant 0 : i32
      %dma_wait3A_1159 = tpu.memref_slice %arg6[%add3A_555, %dma_wait3A_1158] : memref<79x128xi32, #tpu.memory_space<vmem>> -> memref<1x128xi32, #tpu.memory_space<vmem>>
      %dma_wait3A_1160 = tpu.memref_squeeze %dma_wait3A_1159 : memref<1x128xi32, #tpu.memory_space<vmem>> -> memref<128xi32, #tpu.memory_space<vmem>>
      %dma_wait3A_1161 = arith.constant 0 : i32
      %dma_wait3A_1162 = arith.constant 0 : i32
      %dma_wait3A_1163 = tpu.memref_slice %arg9[%dma_wait3A_1161, %dma_wait3A_1162] : memref<10000x16xf32, #tpu.memory_space<vmem_shared>> -> memref<10000x16xf32, #tpu.memory_space<vmem_shared>>
      tpu.wait_indirect_dma semaphore(%arg11 : memref<!tpu.dma_semaphore, #tpu.memory_space<semaphore_mem>>) src(%dma_wait3A_1157 : memref<128x16xf32, #tpu.memory_space<vmem>>) dst(%dma_wait3A_1163 : memref<10000x16xf32, #tpu.memory_space<vmem_shared>>)
      %dma_wait3A_1164 = arith.constant 6 : i32
      %dma_wait3A_1165 = arith.constant 0 : i32
      %dma_wait3A_1166 = arith.constant 0 : i32
      %dma_wait3A_1167 = tpu.memref_slice %arg7[%dma_wait3A_1164, %dma_wait3A_1165, %dma_wait3A_1166] : memref<26x128x16xf32, #tpu.memory_space<vmem>> -> memref<1x128x16xf32, #tpu.memory_space<vmem>>
      %dma_wait3A_1168 = tpu.memref_squeeze %dma_wait3A_1167 : memref<1x128x16xf32, #tpu.memory_space<vmem>> -> memref<128x16xf32, #tpu.memory_space<vmem>>
      %dma_wait3A_1169 = arith.constant 0 : i32
      %dma_wait3A_1170 = tpu.memref_slice %arg6[%add3A_581, %dma_wait3A_1169] : memref<79x128xi32, #tpu.memory_space<vmem>> -> memref<1x128xi32, #tpu.memory_space<vmem>>
      %dma_wait3A_1171 = tpu.memref_squeeze %dma_wait3A_1170 : memref<1x128xi32, #tpu.memory_space<vmem>> -> memref<128xi32, #tpu.memory_space<vmem>>
      %dma_wait3A_1172 = arith.constant 0 : i32
      %dma_wait3A_1173 = arith.constant 0 : i32
      %dma_wait3A_1174 = tpu.memref_slice %arg9[%dma_wait3A_1172, %dma_wait3A_1173] : memref<10000x16xf32, #tpu.memory_space<vmem_shared>> -> memref<10000x16xf32, #tpu.memory_space<vmem_shared>>
      tpu.wait_indirect_dma semaphore(%arg11 : memref<!tpu.dma_semaphore, #tpu.memory_space<semaphore_mem>>) src(%dma_wait3A_1168 : memref<128x16xf32, #tpu.memory_space<vmem>>) dst(%dma_wait3A_1174 : memref<10000x16xf32, #tpu.memory_space<vmem_shared>>)
      %dma_wait3A_1175 = arith.constant 7 : i32
      %dma_wait3A_1176 = arith.constant 0 : i32
      %dma_wait3A_1177 = arith.constant 0 : i32
      %dma_wait3A_1178 = tpu.memref_slice %arg7[%dma_wait3A_1175, %dma_wait3A_1176, %dma_wait3A_1177] : memref<26x128x16xf32, #tpu.memory_space<vmem>> -> memref<1x128x16xf32, #tpu.memory_space<vmem>>
      %dma_wait3A_1179 = tpu.memref_squeeze %dma_wait3A_1178 : memref<1x128x16xf32, #tpu.memory_space<vmem>> -> memref<128x16xf32, #tpu.memory_space<vmem>>
      %dma_wait3A_1180 = arith.constant 0 : i32
      %dma_wait3A_1181 = tpu.memref_slice %arg6[%add3A_607, %dma_wait3A_1180] : memref<79x128xi32, #tpu.memory_space<vmem>> -> memref<1x128xi32, #tpu.memory_space<vmem>>
      %dma_wait3A_1182 = tpu.memref_squeeze %dma_wait3A_1181 : memref<1x128xi32, #tpu.memory_space<vmem>> -> memref<128xi32, #tpu.memory_space<vmem>>
      %dma_wait3A_1183 = arith.constant 0 : i32
      %dma_wait3A_1184 = arith.constant 0 : i32
      %dma_wait3A_1185 = tpu.memref_slice %arg9[%dma_wait3A_1183, %dma_wait3A_1184] : memref<10000x16xf32, #tpu.memory_space<vmem_shared>> -> memref<10000x16xf32, #tpu.memory_space<vmem_shared>>
      tpu.wait_indirect_dma semaphore(%arg11 : memref<!tpu.dma_semaphore, #tpu.memory_space<semaphore_mem>>) src(%dma_wait3A_1179 : memref<128x16xf32, #tpu.memory_space<vmem>>) dst(%dma_wait3A_1185 : memref<10000x16xf32, #tpu.memory_space<vmem_shared>>)
      %dma_wait3A_1186 = arith.constant 8 : i32
      %dma_wait3A_1187 = arith.constant 0 : i32
      %dma_wait3A_1188 = arith.constant 0 : i32
      %dma_wait3A_1189 = tpu.memref_slice %arg7[%dma_wait3A_1186, %dma_wait3A_1187, %dma_wait3A_1188] : memref<26x128x16xf32, #tpu.memory_space<vmem>> -> memref<1x128x16xf32, #tpu.memory_space<vmem>>
      %dma_wait3A_1190 = tpu.memref_squeeze %dma_wait3A_1189 : memref<1x128x16xf32, #tpu.memory_space<vmem>> -> memref<128x16xf32, #tpu.memory_space<vmem>>
      %dma_wait3A_1191 = arith.constant 0 : i32
      %dma_wait3A_1192 = tpu.memref_slice %arg6[%add3A_633, %dma_wait3A_1191] : memref<79x128xi32, #tpu.memory_space<vmem>> -> memref<1x128xi32, #tpu.memory_space<vmem>>
      %dma_wait3A_1193 = tpu.memref_squeeze %dma_wait3A_1192 : memref<1x128xi32, #tpu.memory_space<vmem>> -> memref<128xi32, #tpu.memory_space<vmem>>
      %dma_wait3A_1194 = arith.constant 0 : i32
      %dma_wait3A_1195 = arith.constant 0 : i32
      %dma_wait3A_1196 = tpu.memref_slice %arg9[%dma_wait3A_1194, %dma_wait3A_1195] : memref<10000x16xf32, #tpu.memory_space<vmem_shared>> -> memref<10000x16xf32, #tpu.memory_space<vmem_shared>>
      tpu.wait_indirect_dma semaphore(%arg11 : memref<!tpu.dma_semaphore, #tpu.memory_space<semaphore_mem>>) src(%dma_wait3A_1190 : memref<128x16xf32, #tpu.memory_space<vmem>>) dst(%dma_wait3A_1196 : memref<10000x16xf32, #tpu.memory_space<vmem_shared>>)
      %dma_wait3A_1197 = arith.constant 9 : i32
      %dma_wait3A_1198 = arith.constant 0 : i32
      %dma_wait3A_1199 = arith.constant 0 : i32
      %dma_wait3A_1200 = tpu.memref_slice %arg7[%dma_wait3A_1197, %dma_wait3A_1198, %dma_wait3A_1199] : memref<26x128x16xf32, #tpu.memory_space<vmem>> -> memref<1x128x16xf32, #tpu.memory_space<vmem>>
      %dma_wait3A_1201 = tpu.memref_squeeze %dma_wait3A_1200 : memref<1x128x16xf32, #tpu.memory_space<vmem>> -> memref<128x16xf32, #tpu.memory_space<vmem>>
      %dma_wait3A_1202 = arith.constant 0 : i32
      %dma_wait3A_1203 = tpu.memref_slice %arg6[%add3A_659, %dma_wait3A_1202] : memref<79x128xi32, #tpu.memory_space<vmem>> -> memref<1x128xi32, #tpu.memory_space<vmem>>
      %dma_wait3A_1204 = tpu.memref_squeeze %dma_wait3A_1203 : memref<1x128xi32, #tpu.memory_space<vmem>> -> memref<128xi32, #tpu.memory_space<vmem>>
      %dma_wait3A_1205 = arith.constant 0 : i32
      %dma_wait3A_1206 = arith.constant 0 : i32
      %dma_wait3A_1207 = tpu.memref_slice %arg9[%dma_wait3A_1205, %dma_wait3A_1206] : memref<10000x16xf32, #tpu.memory_space<vmem_shared>> -> memref<10000x16xf32, #tpu.memory_space<vmem_shared>>
      tpu.wait_indirect_dma semaphore(%arg11 : memref<!tpu.dma_semaphore, #tpu.memory_space<semaphore_mem>>) src(%dma_wait3A_1201 : memref<128x16xf32, #tpu.memory_space<vmem>>) dst(%dma_wait3A_1207 : memref<10000x16xf32, #tpu.memory_space<vmem_shared>>)
      %dma_wait3A_1208 = arith.constant 10 : i32
      %dma_wait3A_1209 = arith.constant 0 : i32
      %dma_wait3A_1210 = arith.constant 0 : i32
      %dma_wait3A_1211 = tpu.memref_slice %arg7[%dma_wait3A_1208, %dma_wait3A_1209, %dma_wait3A_1210] : memref<26x128x16xf32, #tpu.memory_space<vmem>> -> memref<1x128x16xf32, #tpu.memory_space<vmem>>
      %dma_wait3A_1212 = tpu.memref_squeeze %dma_wait3A_1211 : memref<1x128x16xf32, #tpu.memory_space<vmem>> -> memref<128x16xf32, #tpu.memory_space<vmem>>
      %dma_wait3A_1213 = arith.constant 0 : i32
      %dma_wait3A_1214 = tpu.memref_slice %arg6[%add3A_685, %dma_wait3A_1213] : memref<79x128xi32, #tpu.memory_space<vmem>> -> memref<1x128xi32, #tpu.memory_space<vmem>>
      %dma_wait3A_1215 = tpu.memref_squeeze %dma_wait3A_1214 : memref<1x128xi32, #tpu.memory_space<vmem>> -> memref<128xi32, #tpu.memory_space<vmem>>
      %dma_wait3A_1216 = arith.constant 0 : i32
      %dma_wait3A_1217 = arith.constant 0 : i32
      %dma_wait3A_1218 = tpu.memref_slice %arg9[%dma_wait3A_1216, %dma_wait3A_1217] : memref<10000x16xf32, #tpu.memory_space<vmem_shared>> -> memref<10000x16xf32, #tpu.memory_space<vmem_shared>>
      tpu.wait_indirect_dma semaphore(%arg11 : memref<!tpu.dma_semaphore, #tpu.memory_space<semaphore_mem>>) src(%dma_wait3A_1212 : memref<128x16xf32, #tpu.memory_space<vmem>>) dst(%dma_wait3A_1218 : memref<10000x16xf32, #tpu.memory_space<vmem_shared>>)
      %dma_wait3A_1219 = arith.constant 11 : i32
      %dma_wait3A_1220 = arith.constant 0 : i32
      %dma_wait3A_1221 = arith.constant 0 : i32
      %dma_wait3A_1222 = tpu.memref_slice %arg7[%dma_wait3A_1219, %dma_wait3A_1220, %dma_wait3A_1221] : memref<26x128x16xf32, #tpu.memory_space<vmem>> -> memref<1x128x16xf32, #tpu.memory_space<vmem>>
      %dma_wait3A_1223 = tpu.memref_squeeze %dma_wait3A_1222 : memref<1x128x16xf32, #tpu.memory_space<vmem>> -> memref<128x16xf32, #tpu.memory_space<vmem>>
      %dma_wait3A_1224 = arith.constant 0 : i32
      %dma_wait3A_1225 = tpu.memref_slice %arg6[%add3A_711, %dma_wait3A_1224] : memref<79x128xi32, #tpu.memory_space<vmem>> -> memref<1x128xi32, #tpu.memory_space<vmem>>
      %dma_wait3A_1226 = tpu.memref_squeeze %dma_wait3A_1225 : memref<1x128xi32, #tpu.memory_space<vmem>> -> memref<128xi32, #tpu.memory_space<vmem>>
      %dma_wait3A_1227 = arith.constant 0 : i32
      %dma_wait3A_1228 = arith.constant 0 : i32
      %dma_wait3A_1229 = tpu.memref_slice %arg9[%dma_wait3A_1227, %dma_wait3A_1228] : memref<10000x16xf32, #tpu.memory_space<vmem_shared>> -> memref<10000x16xf32, #tpu.memory_space<vmem_shared>>
      tpu.wait_indirect_dma semaphore(%arg11 : memref<!tpu.dma_semaphore, #tpu.memory_space<semaphore_mem>>) src(%dma_wait3A_1223 : memref<128x16xf32, #tpu.memory_space<vmem>>) dst(%dma_wait3A_1229 : memref<10000x16xf32, #tpu.memory_space<vmem_shared>>)
      %dma_wait3A_1230 = arith.constant 12 : i32
      %dma_wait3A_1231 = arith.constant 0 : i32
      %dma_wait3A_1232 = arith.constant 0 : i32
      %dma_wait3A_1233 = tpu.memref_slice %arg7[%dma_wait3A_1230, %dma_wait3A_1231, %dma_wait3A_1232] : memref<26x128x16xf32, #tpu.memory_space<vmem>> -> memref<1x128x16xf32, #tpu.memory_space<vmem>>
      %dma_wait3A_1234 = tpu.memref_squeeze %dma_wait3A_1233 : memref<1x128x16xf32, #tpu.memory_space<vmem>> -> memref<128x16xf32, #tpu.memory_space<vmem>>
      %dma_wait3A_1235 = arith.constant 0 : i32
      %dma_wait3A_1236 = tpu.memref_slice %arg6[%add3A_737, %dma_wait3A_1235] : memref<79x128xi32, #tpu.memory_space<vmem>> -> memref<1x128xi32, #tpu.memory_space<vmem>>
      %dma_wait3A_1237 = tpu.memref_squeeze %dma_wait3A_1236 : memref<1x128xi32, #tpu.memory_space<vmem>> -> memref<128xi32, #tpu.memory_space<vmem>>
      %dma_wait3A_1238 = arith.constant 0 : i32
      %dma_wait3A_1239 = arith.constant 0 : i32
      %dma_wait3A_1240 = tpu.memref_slice %arg9[%dma_wait3A_1238, %dma_wait3A_1239] : memref<10000x16xf32, #tpu.memory_space<vmem_shared>> -> memref<10000x16xf32, #tpu.memory_space<vmem_shared>>
      tpu.wait_indirect_dma semaphore(%arg11 : memref<!tpu.dma_semaphore, #tpu.memory_space<semaphore_mem>>) src(%dma_wait3A_1234 : memref<128x16xf32, #tpu.memory_space<vmem>>) dst(%dma_wait3A_1240 : memref<10000x16xf32, #tpu.memory_space<vmem_shared>>)
      %dma_wait3A_1241 = arith.constant 13 : i32
      %dma_wait3A_1242 = arith.constant 0 : i32
      %dma_wait3A_1243 = arith.constant 0 : i32
      %dma_wait3A_1244 = tpu.memref_slice %arg7[%dma_wait3A_1241, %dma_wait3A_1242, %dma_wait3A_1243] : memref<26x128x16xf32, #tpu.memory_space<vmem>> -> memref<1x128x16xf32, #tpu.memory_space<vmem>>
      %dma_wait3A_1245 = tpu.memref_squeeze %dma_wait3A_1244 : memref<1x128x16xf32, #tpu.memory_space<vmem>> -> memref<128x16xf32, #tpu.memory_space<vmem>>
      %dma_wait3A_1246 = arith.constant 0 : i32
      %dma_wait3A_1247 = tpu.memref_slice %arg6[%add3A_763, %dma_wait3A_1246] : memref<79x128xi32, #tpu.memory_space<vmem>> -> memref<1x128xi32, #tpu.memory_space<vmem>>
      %dma_wait3A_1248 = tpu.memref_squeeze %dma_wait3A_1247 : memref<1x128xi32, #tpu.memory_space<vmem>> -> memref<128xi32, #tpu.memory_space<vmem>>
      %dma_wait3A_1249 = arith.constant 0 : i32
      %dma_wait3A_1250 = arith.constant 0 : i32
      %dma_wait3A_1251 = tpu.memref_slice %arg9[%dma_wait3A_1249, %dma_wait3A_1250] : memref<10000x16xf32, #tpu.memory_space<vmem_shared>> -> memref<10000x16xf32, #tpu.memory_space<vmem_shared>>
      tpu.wait_indirect_dma semaphore(%arg11 : memref<!tpu.dma_semaphore, #tpu.memory_space<semaphore_mem>>) src(%dma_wait3A_1245 : memref<128x16xf32, #tpu.memory_space<vmem>>) dst(%dma_wait3A_1251 : memref<10000x16xf32, #tpu.memory_space<vmem_shared>>)
      %dma_wait3A_1252 = arith.constant 14 : i32
      %dma_wait3A_1253 = arith.constant 0 : i32
      %dma_wait3A_1254 = arith.constant 0 : i32
      %dma_wait3A_1255 = tpu.memref_slice %arg7[%dma_wait3A_1252, %dma_wait3A_1253, %dma_wait3A_1254] : memref<26x128x16xf32, #tpu.memory_space<vmem>> -> memref<1x128x16xf32, #tpu.memory_space<vmem>>
      %dma_wait3A_1256 = tpu.memref_squeeze %dma_wait3A_1255 : memref<1x128x16xf32, #tpu.memory_space<vmem>> -> memref<128x16xf32, #tpu.memory_space<vmem>>
      %dma_wait3A_1257 = arith.constant 0 : i32
      %dma_wait3A_1258 = tpu.memref_slice %arg6[%add3A_789, %dma_wait3A_1257] : memref<79x128xi32, #tpu.memory_space<vmem>> -> memref<1x128xi32, #tpu.memory_space<vmem>>
      %dma_wait3A_1259 = tpu.memref_squeeze %dma_wait3A_1258 : memref<1x128xi32, #tpu.memory_space<vmem>> -> memref<128xi32, #tpu.memory_space<vmem>>
      %dma_wait3A_1260 = arith.constant 0 : i32
      %dma_wait3A_1261 = arith.constant 0 : i32
      %dma_wait3A_1262 = tpu.memref_slice %arg9[%dma_wait3A_1260, %dma_wait3A_1261] : memref<10000x16xf32, #tpu.memory_space<vmem_shared>> -> memref<10000x16xf32, #tpu.memory_space<vmem_shared>>
      tpu.wait_indirect_dma semaphore(%arg11 : memref<!tpu.dma_semaphore, #tpu.memory_space<semaphore_mem>>) src(%dma_wait3A_1256 : memref<128x16xf32, #tpu.memory_space<vmem>>) dst(%dma_wait3A_1262 : memref<10000x16xf32, #tpu.memory_space<vmem_shared>>)
      %dma_wait3A_1263 = arith.constant 15 : i32
      %dma_wait3A_1264 = arith.constant 0 : i32
      %dma_wait3A_1265 = arith.constant 0 : i32
      %dma_wait3A_1266 = tpu.memref_slice %arg7[%dma_wait3A_1263, %dma_wait3A_1264, %dma_wait3A_1265] : memref<26x128x16xf32, #tpu.memory_space<vmem>> -> memref<1x128x16xf32, #tpu.memory_space<vmem>>
      %dma_wait3A_1267 = tpu.memref_squeeze %dma_wait3A_1266 : memref<1x128x16xf32, #tpu.memory_space<vmem>> -> memref<128x16xf32, #tpu.memory_space<vmem>>
      %dma_wait3A_1268 = arith.constant 0 : i32
      %dma_wait3A_1269 = tpu.memref_slice %arg6[%add3A_815, %dma_wait3A_1268] : memref<79x128xi32, #tpu.memory_space<vmem>> -> memref<1x128xi32, #tpu.memory_space<vmem>>
      %dma_wait3A_1270 = tpu.memref_squeeze %dma_wait3A_1269 : memref<1x128xi32, #tpu.memory_space<vmem>> -> memref<128xi32, #tpu.memory_space<vmem>>
      %dma_wait3A_1271 = arith.constant 0 : i32
      %dma_wait3A_1272 = arith.constant 0 : i32
      %dma_wait3A_1273 = tpu.memref_slice %arg9[%dma_wait3A_1271, %dma_wait3A_1272] : memref<10000x16xf32, #tpu.memory_space<vmem_shared>> -> memref<10000x16xf32, #tpu.memory_space<vmem_shared>>
      tpu.wait_indirect_dma semaphore(%arg11 : memref<!tpu.dma_semaphore, #tpu.memory_space<semaphore_mem>>) src(%dma_wait3A_1267 : memref<128x16xf32, #tpu.memory_space<vmem>>) dst(%dma_wait3A_1273 : memref<10000x16xf32, #tpu.memory_space<vmem_shared>>)
      %dma_wait3A_1274 = arith.constant 16 : i32
      %dma_wait3A_1275 = arith.constant 0 : i32
      %dma_wait3A_1276 = arith.constant 0 : i32
      %dma_wait3A_1277 = tpu.memref_slice %arg7[%dma_wait3A_1274, %dma_wait3A_1275, %dma_wait3A_1276] : memref<26x128x16xf32, #tpu.memory_space<vmem>> -> memref<1x128x16xf32, #tpu.memory_space<vmem>>
      %dma_wait3A_1278 = tpu.memref_squeeze %dma_wait3A_1277 : memref<1x128x16xf32, #tpu.memory_space<vmem>> -> memref<128x16xf32, #tpu.memory_space<vmem>>
      %dma_wait3A_1279 = arith.constant 0 : i32
      %dma_wait3A_1280 = tpu.memref_slice %arg6[%add3A_841, %dma_wait3A_1279] : memref<79x128xi32, #tpu.memory_space<vmem>> -> memref<1x128xi32, #tpu.memory_space<vmem>>
      %dma_wait3A_1281 = tpu.memref_squeeze %dma_wait3A_1280 : memref<1x128xi32, #tpu.memory_space<vmem>> -> memref<128xi32, #tpu.memory_space<vmem>>
      %dma_wait3A_1282 = arith.constant 0 : i32
      %dma_wait3A_1283 = arith.constant 0 : i32
      %dma_wait3A_1284 = tpu.memref_slice %arg9[%dma_wait3A_1282, %dma_wait3A_1283] : memref<10000x16xf32, #tpu.memory_space<vmem_shared>> -> memref<10000x16xf32, #tpu.memory_space<vmem_shared>>
      tpu.wait_indirect_dma semaphore(%arg11 : memref<!tpu.dma_semaphore, #tpu.memory_space<semaphore_mem>>) src(%dma_wait3A_1278 : memref<128x16xf32, #tpu.memory_space<vmem>>) dst(%dma_wait3A_1284 : memref<10000x16xf32, #tpu.memory_space<vmem_shared>>)
      %dma_wait3A_1285 = arith.constant 17 : i32
      %dma_wait3A_1286 = arith.constant 0 : i32
      %dma_wait3A_1287 = arith.constant 0 : i32
      %dma_wait3A_1288 = tpu.memref_slice %arg7[%dma_wait3A_1285, %dma_wait3A_1286, %dma_wait3A_1287] : memref<26x128x16xf32, #tpu.memory_space<vmem>> -> memref<1x128x16xf32, #tpu.memory_space<vmem>>
      %dma_wait3A_1289 = tpu.memref_squeeze %dma_wait3A_1288 : memref<1x128x16xf32, #tpu.memory_space<vmem>> -> memref<128x16xf32, #tpu.memory_space<vmem>>
      %dma_wait3A_1290 = arith.constant 0 : i32
      %dma_wait3A_1291 = tpu.memref_slice %arg6[%add3A_867, %dma_wait3A_1290] : memref<79x128xi32, #tpu.memory_space<vmem>> -> memref<1x128xi32, #tpu.memory_space<vmem>>
      %dma_wait3A_1292 = tpu.memref_squeeze %dma_wait3A_1291 : memref<1x128xi32, #tpu.memory_space<vmem>> -> memref<128xi32, #tpu.memory_space<vmem>>
      %dma_wait3A_1293 = arith.constant 0 : i32
      %dma_wait3A_1294 = arith.constant 0 : i32
      %dma_wait3A_1295 = tpu.memref_slice %arg9[%dma_wait3A_1293, %dma_wait3A_1294] : memref<10000x16xf32, #tpu.memory_space<vmem_shared>> -> memref<10000x16xf32, #tpu.memory_space<vmem_shared>>
      tpu.wait_indirect_dma semaphore(%arg11 : memref<!tpu.dma_semaphore, #tpu.memory_space<semaphore_mem>>) src(%dma_wait3A_1289 : memref<128x16xf32, #tpu.memory_space<vmem>>) dst(%dma_wait3A_1295 : memref<10000x16xf32, #tpu.memory_space<vmem_shared>>)
      %dma_wait3A_1296 = arith.constant 18 : i32
      %dma_wait3A_1297 = arith.constant 0 : i32
      %dma_wait3A_1298 = arith.constant 0 : i32
      %dma_wait3A_1299 = tpu.memref_slice %arg7[%dma_wait3A_1296, %dma_wait3A_1297, %dma_wait3A_1298] : memref<26x128x16xf32, #tpu.memory_space<vmem>> -> memref<1x128x16xf32, #tpu.memory_space<vmem>>
      %dma_wait3A_1300 = tpu.memref_squeeze %dma_wait3A_1299 : memref<1x128x16xf32, #tpu.memory_space<vmem>> -> memref<128x16xf32, #tpu.memory_space<vmem>>
      %dma_wait3A_1301 = arith.constant 0 : i32
      %dma_wait3A_1302 = tpu.memref_slice %arg6[%add3A_893, %dma_wait3A_1301] : memref<79x128xi32, #tpu.memory_space<vmem>> -> memref<1x128xi32, #tpu.memory_space<vmem>>
      %dma_wait3A_1303 = tpu.memref_squeeze %dma_wait3A_1302 : memref<1x128xi32, #tpu.memory_space<vmem>> -> memref<128xi32, #tpu.memory_space<vmem>>
      %dma_wait3A_1304 = arith.constant 0 : i32
      %dma_wait3A_1305 = arith.constant 0 : i32
      %dma_wait3A_1306 = tpu.memref_slice %arg9[%dma_wait3A_1304, %dma_wait3A_1305] : memref<10000x16xf32, #tpu.memory_space<vmem_shared>> -> memref<10000x16xf32, #tpu.memory_space<vmem_shared>>
      tpu.wait_indirect_dma semaphore(%arg11 : memref<!tpu.dma_semaphore, #tpu.memory_space<semaphore_mem>>) src(%dma_wait3A_1300 : memref<128x16xf32, #tpu.memory_space<vmem>>) dst(%dma_wait3A_1306 : memref<10000x16xf32, #tpu.memory_space<vmem_shared>>)
      %dma_wait3A_1307 = arith.constant 19 : i32
      %dma_wait3A_1308 = arith.constant 0 : i32
      %dma_wait3A_1309 = arith.constant 0 : i32
      %dma_wait3A_1310 = tpu.memref_slice %arg7[%dma_wait3A_1307, %dma_wait3A_1308, %dma_wait3A_1309] : memref<26x128x16xf32, #tpu.memory_space<vmem>> -> memref<1x128x16xf32, #tpu.memory_space<vmem>>
      %dma_wait3A_1311 = tpu.memref_squeeze %dma_wait3A_1310 : memref<1x128x16xf32, #tpu.memory_space<vmem>> -> memref<128x16xf32, #tpu.memory_space<vmem>>
      %dma_wait3A_1312 = arith.constant 0 : i32
      %dma_wait3A_1313 = tpu.memref_slice %arg6[%add3A_919, %dma_wait3A_1312] : memref<79x128xi32, #tpu.memory_space<vmem>> -> memref<1x128xi32, #tpu.memory_space<vmem>>
      %dma_wait3A_1314 = tpu.memref_squeeze %dma_wait3A_1313 : memref<1x128xi32, #tpu.memory_space<vmem>> -> memref<128xi32, #tpu.memory_space<vmem>>
      %dma_wait3A_1315 = arith.constant 0 : i32
      %dma_wait3A_1316 = arith.constant 0 : i32
      %dma_wait3A_1317 = tpu.memref_slice %arg9[%dma_wait3A_1315, %dma_wait3A_1316] : memref<10000x16xf32, #tpu.memory_space<vmem_shared>> -> memref<10000x16xf32, #tpu.memory_space<vmem_shared>>
      tpu.wait_indirect_dma semaphore(%arg11 : memref<!tpu.dma_semaphore, #tpu.memory_space<semaphore_mem>>) src(%dma_wait3A_1311 : memref<128x16xf32, #tpu.memory_space<vmem>>) dst(%dma_wait3A_1317 : memref<10000x16xf32, #tpu.memory_space<vmem_shared>>)
      %dma_wait3A_1318 = arith.constant 20 : i32
      %dma_wait3A_1319 = arith.constant 0 : i32
      %dma_wait3A_1320 = arith.constant 0 : i32
      %dma_wait3A_1321 = tpu.memref_slice %arg7[%dma_wait3A_1318, %dma_wait3A_1319, %dma_wait3A_1320] : memref<26x128x16xf32, #tpu.memory_space<vmem>> -> memref<1x128x16xf32, #tpu.memory_space<vmem>>
      %dma_wait3A_1322 = tpu.memref_squeeze %dma_wait3A_1321 : memref<1x128x16xf32, #tpu.memory_space<vmem>> -> memref<128x16xf32, #tpu.memory_space<vmem>>
      %dma_wait3A_1323 = arith.constant 0 : i32
      %dma_wait3A_1324 = tpu.memref_slice %arg6[%add3A_945, %dma_wait3A_1323] : memref<79x128xi32, #tpu.memory_space<vmem>> -> memref<1x128xi32, #tpu.memory_space<vmem>>
      %dma_wait3A_1325 = tpu.memref_squeeze %dma_wait3A_1324 : memref<1x128xi32, #tpu.memory_space<vmem>> -> memref<128xi32, #tpu.memory_space<vmem>>
      %dma_wait3A_1326 = arith.constant 0 : i32
      %dma_wait3A_1327 = arith.constant 0 : i32
      %dma_wait3A_1328 = tpu.memref_slice %arg9[%dma_wait3A_1326, %dma_wait3A_1327] : memref<10000x16xf32, #tpu.memory_space<vmem_shared>> -> memref<10000x16xf32, #tpu.memory_space<vmem_shared>>
      tpu.wait_indirect_dma semaphore(%arg11 : memref<!tpu.dma_semaphore, #tpu.memory_space<semaphore_mem>>) src(%dma_wait3A_1322 : memref<128x16xf32, #tpu.memory_space<vmem>>) dst(%dma_wait3A_1328 : memref<10000x16xf32, #tpu.memory_space<vmem_shared>>)
      %dma_wait3A_1329 = arith.constant 21 : i32
      %dma_wait3A_1330 = arith.constant 0 : i32
      %dma_wait3A_1331 = arith.constant 0 : i32
      %dma_wait3A_1332 = tpu.memref_slice %arg7[%dma_wait3A_1329, %dma_wait3A_1330, %dma_wait3A_1331] : memref<26x128x16xf32, #tpu.memory_space<vmem>> -> memref<1x128x16xf32, #tpu.memory_space<vmem>>
      %dma_wait3A_1333 = tpu.memref_squeeze %dma_wait3A_1332 : memref<1x128x16xf32, #tpu.memory_space<vmem>> -> memref<128x16xf32, #tpu.memory_space<vmem>>
      %dma_wait3A_1334 = arith.constant 0 : i32
      %dma_wait3A_1335 = tpu.memref_slice %arg6[%add3A_971, %dma_wait3A_1334] : memref<79x128xi32, #tpu.memory_space<vmem>> -> memref<1x128xi32, #tpu.memory_space<vmem>>
      %dma_wait3A_1336 = tpu.memref_squeeze %dma_wait3A_1335 : memref<1x128xi32, #tpu.memory_space<vmem>> -> memref<128xi32, #tpu.memory_space<vmem>>
      %dma_wait3A_1337 = arith.constant 0 : i32
      %dma_wait3A_1338 = arith.constant 0 : i32
      %dma_wait3A_1339 = tpu.memref_slice %arg9[%dma_wait3A_1337, %dma_wait3A_1338] : memref<10000x16xf32, #tpu.memory_space<vmem_shared>> -> memref<10000x16xf32, #tpu.memory_space<vmem_shared>>
      tpu.wait_indirect_dma semaphore(%arg11 : memref<!tpu.dma_semaphore, #tpu.memory_space<semaphore_mem>>) src(%dma_wait3A_1333 : memref<128x16xf32, #tpu.memory_space<vmem>>) dst(%dma_wait3A_1339 : memref<10000x16xf32, #tpu.memory_space<vmem_shared>>)
      %dma_wait3A_1340 = arith.constant 22 : i32
      %dma_wait3A_1341 = arith.constant 0 : i32
      %dma_wait3A_1342 = arith.constant 0 : i32
      %dma_wait3A_1343 = tpu.memref_slice %arg7[%dma_wait3A_1340, %dma_wait3A_1341, %dma_wait3A_1342] : memref<26x128x16xf32, #tpu.memory_space<vmem>> -> memref<1x128x16xf32, #tpu.memory_space<vmem>>
      %dma_wait3A_1344 = tpu.memref_squeeze %dma_wait3A_1343 : memref<1x128x16xf32, #tpu.memory_space<vmem>> -> memref<128x16xf32, #tpu.memory_space<vmem>>
      %dma_wait3A_1345 = arith.constant 0 : i32
      %dma_wait3A_1346 = tpu.memref_slice %arg6[%add3A_997, %dma_wait3A_1345] : memref<79x128xi32, #tpu.memory_space<vmem>> -> memref<1x128xi32, #tpu.memory_space<vmem>>
      %dma_wait3A_1347 = tpu.memref_squeeze %dma_wait3A_1346 : memref<1x128xi32, #tpu.memory_space<vmem>> -> memref<128xi32, #tpu.memory_space<vmem>>
      %dma_wait3A_1348 = arith.constant 0 : i32
      %dma_wait3A_1349 = arith.constant 0 : i32
      %dma_wait3A_1350 = tpu.memref_slice %arg9[%dma_wait3A_1348, %dma_wait3A_1349] : memref<10000x16xf32, #tpu.memory_space<vmem_shared>> -> memref<10000x16xf32, #tpu.memory_space<vmem_shared>>
      tpu.wait_indirect_dma semaphore(%arg11 : memref<!tpu.dma_semaphore, #tpu.memory_space<semaphore_mem>>) src(%dma_wait3A_1344 : memref<128x16xf32, #tpu.memory_space<vmem>>) dst(%dma_wait3A_1350 : memref<10000x16xf32, #tpu.memory_space<vmem_shared>>)
      %dma_wait3A_1351 = arith.constant 23 : i32
      %dma_wait3A_1352 = arith.constant 0 : i32
      %dma_wait3A_1353 = arith.constant 0 : i32
      %dma_wait3A_1354 = tpu.memref_slice %arg7[%dma_wait3A_1351, %dma_wait3A_1352, %dma_wait3A_1353] : memref<26x128x16xf32, #tpu.memory_space<vmem>> -> memref<1x128x16xf32, #tpu.memory_space<vmem>>
      %dma_wait3A_1355 = tpu.memref_squeeze %dma_wait3A_1354 : memref<1x128x16xf32, #tpu.memory_space<vmem>> -> memref<128x16xf32, #tpu.memory_space<vmem>>
      %dma_wait3A_1356 = arith.constant 0 : i32
      %dma_wait3A_1357 = tpu.memref_slice %arg6[%add3A_1023, %dma_wait3A_1356] : memref<79x128xi32, #tpu.memory_space<vmem>> -> memref<1x128xi32, #tpu.memory_space<vmem>>
      %dma_wait3A_1358 = tpu.memref_squeeze %dma_wait3A_1357 : memref<1x128xi32, #tpu.memory_space<vmem>> -> memref<128xi32, #tpu.memory_space<vmem>>
      %dma_wait3A_1359 = arith.constant 0 : i32
      %dma_wait3A_1360 = arith.constant 0 : i32
      %dma_wait3A_1361 = tpu.memref_slice %arg9[%dma_wait3A_1359, %dma_wait3A_1360] : memref<10000x16xf32, #tpu.memory_space<vmem_shared>> -> memref<10000x16xf32, #tpu.memory_space<vmem_shared>>
      tpu.wait_indirect_dma semaphore(%arg11 : memref<!tpu.dma_semaphore, #tpu.memory_space<semaphore_mem>>) src(%dma_wait3A_1355 : memref<128x16xf32, #tpu.memory_space<vmem>>) dst(%dma_wait3A_1361 : memref<10000x16xf32, #tpu.memory_space<vmem_shared>>)
      %dma_wait3A_1362 = arith.constant 24 : i32
      %dma_wait3A_1363 = arith.constant 0 : i32
      %dma_wait3A_1364 = arith.constant 0 : i32
      %dma_wait3A_1365 = tpu.memref_slice %arg7[%dma_wait3A_1362, %dma_wait3A_1363, %dma_wait3A_1364] : memref<26x128x16xf32, #tpu.memory_space<vmem>> -> memref<1x128x16xf32, #tpu.memory_space<vmem>>
      %dma_wait3A_1366 = tpu.memref_squeeze %dma_wait3A_1365 : memref<1x128x16xf32, #tpu.memory_space<vmem>> -> memref<128x16xf32, #tpu.memory_space<vmem>>
      %dma_wait3A_1367 = arith.constant 0 : i32
      %dma_wait3A_1368 = tpu.memref_slice %arg6[%add3A_1049, %dma_wait3A_1367] : memref<79x128xi32, #tpu.memory_space<vmem>> -> memref<1x128xi32, #tpu.memory_space<vmem>>
      %dma_wait3A_1369 = tpu.memref_squeeze %dma_wait3A_1368 : memref<1x128xi32, #tpu.memory_space<vmem>> -> memref<128xi32, #tpu.memory_space<vmem>>
      %dma_wait3A_1370 = arith.constant 0 : i32
      %dma_wait3A_1371 = arith.constant 0 : i32
      %dma_wait3A_1372 = tpu.memref_slice %arg9[%dma_wait3A_1370, %dma_wait3A_1371] : memref<10000x16xf32, #tpu.memory_space<vmem_shared>> -> memref<10000x16xf32, #tpu.memory_space<vmem_shared>>
      tpu.wait_indirect_dma semaphore(%arg11 : memref<!tpu.dma_semaphore, #tpu.memory_space<semaphore_mem>>) src(%dma_wait3A_1366 : memref<128x16xf32, #tpu.memory_space<vmem>>) dst(%dma_wait3A_1372 : memref<10000x16xf32, #tpu.memory_space<vmem_shared>>)
      %dma_wait3A_1373 = arith.constant 25 : i32
      %dma_wait3A_1374 = arith.constant 0 : i32
      %dma_wait3A_1375 = arith.constant 0 : i32
      %dma_wait3A_1376 = tpu.memref_slice %arg7[%dma_wait3A_1373, %dma_wait3A_1374, %dma_wait3A_1375] : memref<26x128x16xf32, #tpu.memory_space<vmem>> -> memref<1x128x16xf32, #tpu.memory_space<vmem>>
      %dma_wait3A_1377 = tpu.memref_squeeze %dma_wait3A_1376 : memref<1x128x16xf32, #tpu.memory_space<vmem>> -> memref<128x16xf32, #tpu.memory_space<vmem>>
      %dma_wait3A_1378 = arith.constant 0 : i32
      %dma_wait3A_1379 = tpu.memref_slice %arg6[%add3A_1075, %dma_wait3A_1378] : memref<79x128xi32, #tpu.memory_space<vmem>> -> memref<1x128xi32, #tpu.memory_space<vmem>>
      %dma_wait3A_1380 = tpu.memref_squeeze %dma_wait3A_1379 : memref<1x128xi32, #tpu.memory_space<vmem>> -> memref<128xi32, #tpu.memory_space<vmem>>
      %dma_wait3A_1381 = arith.constant 0 : i32
      %dma_wait3A_1382 = arith.constant 0 : i32
      %dma_wait3A_1383 = tpu.memref_slice %arg9[%dma_wait3A_1381, %dma_wait3A_1382] : memref<10000x16xf32, #tpu.memory_space<vmem_shared>> -> memref<10000x16xf32, #tpu.memory_space<vmem_shared>>
      tpu.wait_indirect_dma semaphore(%arg11 : memref<!tpu.dma_semaphore, #tpu.memory_space<semaphore_mem>>) src(%dma_wait3A_1377 : memref<128x16xf32, #tpu.memory_space<vmem>>) dst(%dma_wait3A_1383 : memref<10000x16xf32, #tpu.memory_space<vmem_shared>>)
      %scan3A_1384 = arith.constant 0 : i32
      scf.yield %scan3A_1384 : i32
    }
    %scan3A_25 = arith.constant 3 : i32
    %lt3A_26 = arith.constant 4 : i32
    %lt3A_27 = arith.cmpi slt, %add3A, %lt3A_26 : i32
    %convert_element_type3A_28 = arith.extui %lt3A_27 : i1 to i32
    %cond3A_29 = arith.constant 0 : i32
    %cond3A_30 = arith.cmpi ne, %convert_element_type3A_28, %cond3A_29 : i32
    scf.if %cond3A_30 {
      %run_scoped3A_32 = arith.constant 78 : i32
      %run_scoped3A_33 = arith.constant 0 : i32
      "tpu.region"() ({
        %run_scoped3A_36 = tpu.sem_alloc : memref<!tpu.dma_semaphore, #tpu.memory_space<semaphore_mem>>
        %dma_start3A = arith.constant 0 : i32
        %dma_start3A_37 = arith.constant 0 : i32
        %dma_start3A_38 = tpu.memref_slice %arg7[%run_scoped3A_33, %dma_start3A, %dma_start3A_37] : memref<26x128x16xf32, #tpu.memory_space<vmem>> -> memref<1x128x16xf32, #tpu.memory_space<vmem>>
        %dma_start3A_39 = tpu.memref_squeeze %dma_start3A_38 : memref<1x128x16xf32, #tpu.memory_space<vmem>> -> memref<128x16xf32, #tpu.memory_space<vmem>>
        %dma_start3A_40 = arith.constant 0 : i32
        %dma_start3A_41 = tpu.memref_slice %arg5[%run_scoped3A_32, %dma_start3A_40] : memref<79x128xi32, #tpu.memory_space<vmem>> -> memref<1x128xi32, #tpu.memory_space<vmem>>
        %dma_start3A_42 = tpu.memref_squeeze %dma_start3A_41 : memref<1x128xi32, #tpu.memory_space<vmem>> -> memref<128xi32, #tpu.memory_space<vmem>>
        %dma_start3A_43 = arith.constant 0 : i32
        %dma_start3A_44 = arith.constant 0 : i32
        %dma_start3A_45 = tpu.memref_slice %arg2[%dma_start3A_43, %dma_start3A_44] : memref<10000x16xf32, #tpu.memory_space<hbm>> -> memref<10000x16xf32, #tpu.memory_space<hbm>>
        tpu.enqueue_indirect_dma source(%dma_start3A_45 : memref<10000x16xf32, #tpu.memory_space<hbm>>) target(%dma_start3A_39 : memref<128x16xf32, #tpu.memory_space<vmem>>) offsets(%dma_start3A_42 : memref<128xi32, #tpu.memory_space<vmem>>) semaphore(%run_scoped3A_36 : memref<!tpu.dma_semaphore, #tpu.memory_space<semaphore_mem>>)
        %dma_wait3A = arith.constant 0 : i32
        %dma_wait3A_46 = arith.constant 0 : i32
        %dma_wait3A_47 = tpu.memref_slice %arg7[%run_scoped3A_33, %dma_wait3A, %dma_wait3A_46] : memref<26x128x16xf32, #tpu.memory_space<vmem>> -> memref<1x128x16xf32, #tpu.memory_space<vmem>>
        %dma_wait3A_48 = tpu.memref_squeeze %dma_wait3A_47 : memref<1x128x16xf32, #tpu.memory_space<vmem>> -> memref<128x16xf32, #tpu.memory_space<vmem>>
        %dma_wait3A_49 = arith.constant 0 : i32
        %dma_wait3A_50 = tpu.memref_slice %arg5[%run_scoped3A_32, %dma_wait3A_49] : memref<79x128xi32, #tpu.memory_space<vmem>> -> memref<1x128xi32, #tpu.memory_space<vmem>>
        %dma_wait3A_51 = tpu.memref_squeeze %dma_wait3A_50 : memref<1x128xi32, #tpu.memory_space<vmem>> -> memref<128xi32, #tpu.memory_space<vmem>>
        %dma_wait3A_52 = arith.constant 0 : i32
        %dma_wait3A_53 = arith.constant 0 : i32
        %dma_wait3A_54 = tpu.memref_slice %arg2[%dma_wait3A_52, %dma_wait3A_53] : memref<10000x16xf32, #tpu.memory_space<hbm>> -> memref<10000x16xf32, #tpu.memory_space<hbm>>
        tpu.wait_indirect_dma semaphore(%run_scoped3A_36 : memref<!tpu.dma_semaphore, #tpu.memory_space<semaphore_mem>>) src(%dma_wait3A_54 : memref<10000x16xf32, #tpu.memory_space<hbm>>) dst(%dma_wait3A_48 : memref<128x16xf32, #tpu.memory_space<vmem>>)
        tpu.yield
      }) : () -> ()
      %run_scoped3A_34 = arith.constant 0 : i32
      %run_scoped3A_35 = arith.constant 78 : i32
      "tpu.region"() ({
        %run_scoped3A_36 = tpu.sem_alloc : memref<!tpu.dma_semaphore, #tpu.memory_space<semaphore_mem>>
        %dma_start3A = arith.constant 0 : i32
        %dma_start3A_37 = arith.constant 0 : i32
        %dma_start3A_38 = tpu.memref_slice %arg7[%run_scoped3A_34, %dma_start3A, %dma_start3A_37] : memref<26x128x16xf32, #tpu.memory_space<vmem>> -> memref<1x128x16xf32, #tpu.memory_space<vmem>>
        %dma_start3A_39 = tpu.memref_squeeze %dma_start3A_38 : memref<1x128x16xf32, #tpu.memory_space<vmem>> -> memref<128x16xf32, #tpu.memory_space<vmem>>
        %dma_start3A_40 = arith.constant 0 : i32
        %dma_start3A_41 = tpu.memref_slice %arg6[%run_scoped3A_35, %dma_start3A_40] : memref<79x128xi32, #tpu.memory_space<vmem>> -> memref<1x128xi32, #tpu.memory_space<vmem>>
        %dma_start3A_42 = tpu.memref_squeeze %dma_start3A_41 : memref<1x128xi32, #tpu.memory_space<vmem>> -> memref<128xi32, #tpu.memory_space<vmem>>
        %dma_start3A_43 = arith.constant 0 : i32
        %dma_start3A_44 = arith.constant 0 : i32
        %dma_start3A_45 = tpu.memref_slice %arg9[%dma_start3A_43, %dma_start3A_44] : memref<10000x16xf32, #tpu.memory_space<vmem_shared>> -> memref<10000x16xf32, #tpu.memory_space<vmem_shared>>
        tpu.enqueue_indirect_dma source(%dma_start3A_39 : memref<128x16xf32, #tpu.memory_space<vmem>>) target(%dma_start3A_45 : memref<10000x16xf32, #tpu.memory_space<vmem_shared>>) offsets(%dma_start3A_42 : memref<128xi32, #tpu.memory_space<vmem>>) semaphore(%run_scoped3A_36 : memref<!tpu.dma_semaphore, #tpu.memory_space<semaphore_mem>>) {add = true}
        %dma_wait3A = arith.constant 0 : i32
        %dma_wait3A_46 = arith.constant 0 : i32
        %dma_wait3A_47 = tpu.memref_slice %arg7[%run_scoped3A_34, %dma_wait3A, %dma_wait3A_46] : memref<26x128x16xf32, #tpu.memory_space<vmem>> -> memref<1x128x16xf32, #tpu.memory_space<vmem>>
        %dma_wait3A_48 = tpu.memref_squeeze %dma_wait3A_47 : memref<1x128x16xf32, #tpu.memory_space<vmem>> -> memref<128x16xf32, #tpu.memory_space<vmem>>
        %dma_wait3A_49 = arith.constant 0 : i32
        %dma_wait3A_50 = tpu.memref_slice %arg6[%run_scoped3A_35, %dma_wait3A_49] : memref<79x128xi32, #tpu.memory_space<vmem>> -> memref<1x128xi32, #tpu.memory_space<vmem>>
        %dma_wait3A_51 = tpu.memref_squeeze %dma_wait3A_50 : memref<1x128xi32, #tpu.memory_space<vmem>> -> memref<128xi32, #tpu.memory_space<vmem>>
        %dma_wait3A_52 = arith.constant 0 : i32
        %dma_wait3A_53 = arith.constant 0 : i32
        %dma_wait3A_54 = tpu.memref_slice %arg9[%dma_wait3A_52, %dma_wait3A_53] : memref<10000x16xf32, #tpu.memory_space<vmem_shared>> -> memref<10000x16xf32, #tpu.memory_space<vmem_shared>>
        tpu.wait_indirect_dma semaphore(%run_scoped3A_36 : memref<!tpu.dma_semaphore, #tpu.memory_space<semaphore_mem>>) src(%dma_wait3A_48 : memref<128x16xf32, #tpu.memory_space<vmem>>) dst(%dma_wait3A_54 : memref<10000x16xf32, #tpu.memory_space<vmem_shared>>)
        tpu.yield
      }) : () -> ()
    } else {
    }
    %barrier3A_31 = arith.constant 0 : index
    tpu.barrier barrier_id(%barrier3A_31)
    "tpu.region"() ({
      %run_scoped3A_32 = tpu.sem_alloc : memref<!tpu.dma_semaphore, #tpu.memory_space<semaphore_mem>>
      %dma_start3A = arith.constant 0 : i32
      %dma_start3A_33 = tpu.memref_slice %arg9[%mul3A_2, %dma_start3A] : memref<10000x16xf32, #tpu.memory_space<vmem_shared>> -> memref<625x16xf32, #tpu.memory_space<vmem_shared>>
      %dma_start3A_34 = arith.constant 0 : i32
      %dma_start3A_35 = tpu.memref_slice %arg9[%mul3A_2, %dma_start3A_34] : memref<10000x16xf32, #tpu.memory_space<vmem_shared>> -> memref<625x16xf32, #tpu.memory_space<vmem_shared>>
      tpu.enqueue_dma source(%dma_start3A_35 : memref<625x16xf32, #tpu.memory_space<vmem_shared>>) target(%arg8 : memref<625x16xf32, #tpu.memory_space<vmem>>) target_semaphore(%run_scoped3A_32 : memref<!tpu.dma_semaphore, #tpu.memory_space<semaphore_mem>>)
      %dma_wait3A = arith.constant 0 : i32
      %dma_wait3A_36 = tpu.memref_slice %arg9[%mul3A_2, %dma_wait3A] : memref<10000x16xf32, #tpu.memory_space<vmem_shared>> -> memref<625x16xf32, #tpu.memory_space<vmem_shared>>
      %dma_wait3A_37 = arith.constant 0 : i32
      %dma_wait3A_38 = tpu.memref_slice %arg9[%mul3A_2, %dma_wait3A_37] : memref<10000x16xf32, #tpu.memory_space<vmem_shared>> -> memref<625x16xf32, #tpu.memory_space<vmem_shared>>
      tpu.wait_dma2 semaphore(%run_scoped3A_32 : memref<!tpu.dma_semaphore, #tpu.memory_space<semaphore_mem>>) src(%dma_wait3A_38 : memref<625x16xf32, #tpu.memory_space<vmem_shared>>) dst(%arg8 : memref<625x16xf32, #tpu.memory_space<vmem>>)
      tpu.yield
    }) : () -> ()
    "tpu.region"() ({
      %run_scoped3A_32 = tpu.sem_alloc : memref<!tpu.dma_semaphore, #tpu.memory_space<semaphore_mem>>
      %dma_start3A = arith.constant 0 : i32
      %dma_start3A_33 = tpu.memref_slice %arg4[%arg0, %mul3A_2, %dma_start3A] : memref<2x10000x16xf32, #tpu.memory_space<hbm>> -> memref<1x625x16xf32, #tpu.memory_space<hbm>>
      %dma_start3A_34 = tpu.memref_squeeze %dma_start3A_33 : memref<1x625x16xf32, #tpu.memory_space<hbm>> -> memref<625x16xf32, #tpu.memory_space<hbm>>
      %dma_start3A_35 = arith.constant 0 : i32
      %dma_start3A_36 = tpu.memref_slice %arg4[%arg0, %mul3A_2, %dma_start3A_35] : memref<2x10000x16xf32, #tpu.memory_space<hbm>> -> memref<1x625x16xf32, #tpu.memory_space<hbm>>
      %dma_start3A_37 = tpu.memref_squeeze %dma_start3A_36 : memref<1x625x16xf32, #tpu.memory_space<hbm>> -> memref<625x16xf32, #tpu.memory_space<hbm>>
      tpu.enqueue_dma source(%arg8 : memref<625x16xf32, #tpu.memory_space<vmem>>) target(%dma_start3A_37 : memref<625x16xf32, #tpu.memory_space<hbm>>) target_semaphore(%run_scoped3A_32 : memref<!tpu.dma_semaphore, #tpu.memory_space<semaphore_mem>>)
      %dma_wait3A = arith.constant 0 : i32
      %dma_wait3A_38 = tpu.memref_slice %arg4[%arg0, %mul3A_2, %dma_wait3A] : memref<2x10000x16xf32, #tpu.memory_space<hbm>> -> memref<1x625x16xf32, #tpu.memory_space<hbm>>
      %dma_wait3A_39 = tpu.memref_squeeze %dma_wait3A_38 : memref<1x625x16xf32, #tpu.memory_space<hbm>> -> memref<625x16xf32, #tpu.memory_space<hbm>>
      %dma_wait3A_40 = arith.constant 0 : i32
      %dma_wait3A_41 = tpu.memref_slice %arg4[%arg0, %mul3A_2, %dma_wait3A_40] : memref<2x10000x16xf32, #tpu.memory_space<hbm>> -> memref<1x625x16xf32, #tpu.memory_space<hbm>>
      %dma_wait3A_42 = tpu.memref_squeeze %dma_wait3A_41 : memref<1x625x16xf32, #tpu.memory_space<hbm>> -> memref<625x16xf32, #tpu.memory_space<hbm>>
      tpu.wait_dma2 semaphore(%run_scoped3A_32 : memref<!tpu.dma_semaphore, #tpu.memory_space<semaphore_mem>>) src(%arg8 : memref<625x16xf32, #tpu.memory_space<vmem>>) dst(%dma_wait3A_42 : memref<625x16xf32, #tpu.memory_space<hbm>>)
      tpu.yield
    }) : () -> ()
    return
  }
}

#map = affine_map<(d0, d1) -> (0, 0)>
#map1 = affine_map<(d0, d1) -> (0, 0, 0)>
module attributes {stable_mosaic.version = 14 : i64} {
  func.func @_msg_body(%arg0: i32, %arg1: i32, %arg2: memref<10000x32xf32, #tpu.memory_space<hbm>>, %arg3: memref<2x2500x128xi32, #tpu.memory_space<hbm>>, %arg4: memref<2x10000x32xf32, #tpu.memory_space<hbm>>, %arg5: memref<79x128xi32, #tpu.memory_space<vmem>>, %arg6: memref<79x128xi32, #tpu.memory_space<vmem>>, %arg7: memref<13x128x32xf32, #tpu.memory_space<vmem>>, %arg8: memref<625x32xf32, #tpu.memory_space<vmem>>, %arg9: memref<10000x32xf32, #tpu.memory_space<vmem_shared>>, %arg10: memref<!tpu.dma_semaphore, #tpu.memory_space<semaphore_mem>>, %arg11: memref<!tpu.dma_semaphore, #tpu.memory_space<semaphore_mem>>) attributes {dimension_semantics = [#tpu.dimension_semantics<core_parallel>, #tpu.dimension_semantics<subcore_parallel>], iteration_bounds = array<i64: 2, 16>, scalar_prefetch = 0 : i64, scratch_operands = 7 : i64, tpu.core_type = #tpu.core_type<sc_vector_subcore>, window_params = [{transform_indices = #map}, {transform_indices = #map1}, {transform_indices = #map1}]} {
    %mul3A = arith.constant 16 : i32
    %mul3A_0 = arith.muli %arg0, %mul3A : i32
    %add3A = arith.addi %mul3A_0, %arg1 : i32
    %mul3A_1 = arith.constant 625 : i32
    %mul3A_2 = arith.muli %arg1, %mul3A_1 : i32
    "tpu.region"() ({
      %run_scoped3A_32 = tpu.sem_alloc : memref<!tpu.dma_semaphore, #tpu.memory_space<semaphore_mem>>
      %dma_start3A = arith.constant 0 : i32
      %dma_start3A_33 = tpu.memref_slice %arg2[%mul3A_2, %dma_start3A] : memref<10000x32xf32, #tpu.memory_space<hbm>> -> memref<625x32xf32, #tpu.memory_space<hbm>>
      %dma_start3A_34 = arith.constant 0 : i32
      %dma_start3A_35 = tpu.memref_slice %arg2[%mul3A_2, %dma_start3A_34] : memref<10000x32xf32, #tpu.memory_space<hbm>> -> memref<625x32xf32, #tpu.memory_space<hbm>>
      tpu.enqueue_dma source(%dma_start3A_35 : memref<625x32xf32, #tpu.memory_space<hbm>>) target(%arg8 : memref<625x32xf32, #tpu.memory_space<vmem>>) target_semaphore(%run_scoped3A_32 : memref<!tpu.dma_semaphore, #tpu.memory_space<semaphore_mem>>)
      %dma_wait3A = arith.constant 0 : i32
      %dma_wait3A_36 = tpu.memref_slice %arg2[%mul3A_2, %dma_wait3A] : memref<10000x32xf32, #tpu.memory_space<hbm>> -> memref<625x32xf32, #tpu.memory_space<hbm>>
      %dma_wait3A_37 = arith.constant 0 : i32
      %dma_wait3A_38 = tpu.memref_slice %arg2[%mul3A_2, %dma_wait3A_37] : memref<10000x32xf32, #tpu.memory_space<hbm>> -> memref<625x32xf32, #tpu.memory_space<hbm>>
      tpu.wait_dma2 semaphore(%run_scoped3A_32 : memref<!tpu.dma_semaphore, #tpu.memory_space<semaphore_mem>>) src(%dma_wait3A_38 : memref<625x32xf32, #tpu.memory_space<hbm>>) dst(%arg8 : memref<625x32xf32, #tpu.memory_space<vmem>>)
      tpu.yield
    }) : () -> ()
    "tpu.region"() ({
      %run_scoped3A_32 = tpu.sem_alloc : memref<!tpu.dma_semaphore, #tpu.memory_space<semaphore_mem>>
      %dma_start3A = arith.constant 0 : i32
      %dma_start3A_33 = tpu.memref_slice %arg9[%mul3A_2, %dma_start3A] : memref<10000x32xf32, #tpu.memory_space<vmem_shared>> -> memref<625x32xf32, #tpu.memory_space<vmem_shared>>
      %dma_start3A_34 = arith.constant 0 : i32
      %dma_start3A_35 = tpu.memref_slice %arg9[%mul3A_2, %dma_start3A_34] : memref<10000x32xf32, #tpu.memory_space<vmem_shared>> -> memref<625x32xf32, #tpu.memory_space<vmem_shared>>
      tpu.enqueue_dma source(%arg8 : memref<625x32xf32, #tpu.memory_space<vmem>>) target(%dma_start3A_35 : memref<625x32xf32, #tpu.memory_space<vmem_shared>>) target_semaphore(%run_scoped3A_32 : memref<!tpu.dma_semaphore, #tpu.memory_space<semaphore_mem>>)
      %dma_wait3A = arith.constant 0 : i32
      %dma_wait3A_36 = tpu.memref_slice %arg9[%mul3A_2, %dma_wait3A] : memref<10000x32xf32, #tpu.memory_space<vmem_shared>> -> memref<625x32xf32, #tpu.memory_space<vmem_shared>>
      %dma_wait3A_37 = arith.constant 0 : i32
      %dma_wait3A_38 = tpu.memref_slice %arg9[%mul3A_2, %dma_wait3A_37] : memref<10000x32xf32, #tpu.memory_space<vmem_shared>> -> memref<625x32xf32, #tpu.memory_space<vmem_shared>>
      tpu.wait_dma2 semaphore(%run_scoped3A_32 : memref<!tpu.dma_semaphore, #tpu.memory_space<semaphore_mem>>) src(%arg8 : memref<625x32xf32, #tpu.memory_space<vmem>>) dst(%dma_wait3A_38 : memref<625x32xf32, #tpu.memory_space<vmem_shared>>)
      tpu.yield
    }) : () -> ()
    %mul3A_3 = arith.constant 78 : i32
    %mul3A_4 = arith.muli %add3A, %mul3A_3 : i32
    %min3A = arith.constant 4 : i32
    %min3A_5 = arith.minsi %add3A, %min3A : i32
    %add3A_6 = arith.addi %mul3A_4, %min3A_5 : i32
    %run_scoped3A = arith.constant 0 : i32
    "tpu.region"() ({
      %run_scoped3A_32 = tpu.sem_alloc : memref<!tpu.dma_semaphore, #tpu.memory_space<semaphore_mem>>
      %dma_start3A = arith.constant 0 : i32
      %dma_start3A_33 = arith.constant 0 : i32
      %dma_start3A_34 = tpu.memref_slice %arg5[%dma_start3A, %dma_start3A_33] : memref<79x128xi32, #tpu.memory_space<vmem>> -> memref<78x128xi32, #tpu.memory_space<vmem>>
      %dma_start3A_35 = arith.constant 0 : i32
      %dma_start3A_36 = tpu.memref_slice %arg3[%run_scoped3A, %add3A_6, %dma_start3A_35] : memref<2x2500x128xi32, #tpu.memory_space<hbm>> -> memref<1x78x128xi32, #tpu.memory_space<hbm>>
      %dma_start3A_37 = tpu.memref_squeeze %dma_start3A_36 : memref<1x78x128xi32, #tpu.memory_space<hbm>> -> memref<78x128xi32, #tpu.memory_space<hbm>>
      %dma_start3A_38 = arith.constant 0 : i32
      %dma_start3A_39 = arith.constant 0 : i32
      %dma_start3A_40 = tpu.memref_slice %arg5[%dma_start3A_38, %dma_start3A_39] : memref<79x128xi32, #tpu.memory_space<vmem>> -> memref<78x128xi32, #tpu.memory_space<vmem>>
      %dma_start3A_41 = arith.constant 0 : i32
      %dma_start3A_42 = tpu.memref_slice %arg3[%run_scoped3A, %add3A_6, %dma_start3A_41] : memref<2x2500x128xi32, #tpu.memory_space<hbm>> -> memref<1x78x128xi32, #tpu.memory_space<hbm>>
      %dma_start3A_43 = tpu.memref_squeeze %dma_start3A_42 : memref<1x78x128xi32, #tpu.memory_space<hbm>> -> memref<78x128xi32, #tpu.memory_space<hbm>>
      tpu.enqueue_dma source(%dma_start3A_43 : memref<78x128xi32, #tpu.memory_space<hbm>>) target(%dma_start3A_40 : memref<78x128xi32, #tpu.memory_space<vmem>>) target_semaphore(%run_scoped3A_32 : memref<!tpu.dma_semaphore, #tpu.memory_space<semaphore_mem>>)
      %dma_wait3A = arith.constant 0 : i32
      %dma_wait3A_44 = arith.constant 0 : i32
      %dma_wait3A_45 = tpu.memref_slice %arg5[%dma_wait3A, %dma_wait3A_44] : memref<79x128xi32, #tpu.memory_space<vmem>> -> memref<78x128xi32, #tpu.memory_space<vmem>>
      %dma_wait3A_46 = arith.constant 0 : i32
      %dma_wait3A_47 = tpu.memref_slice %arg3[%run_scoped3A, %add3A_6, %dma_wait3A_46] : memref<2x2500x128xi32, #tpu.memory_space<hbm>> -> memref<1x78x128xi32, #tpu.memory_space<hbm>>
      %dma_wait3A_48 = tpu.memref_squeeze %dma_wait3A_47 : memref<1x78x128xi32, #tpu.memory_space<hbm>> -> memref<78x128xi32, #tpu.memory_space<hbm>>
      %dma_wait3A_49 = arith.constant 0 : i32
      %dma_wait3A_50 = arith.constant 0 : i32
      %dma_wait3A_51 = tpu.memref_slice %arg5[%dma_wait3A_49, %dma_wait3A_50] : memref<79x128xi32, #tpu.memory_space<vmem>> -> memref<78x128xi32, #tpu.memory_space<vmem>>
      %dma_wait3A_52 = arith.constant 0 : i32
      %dma_wait3A_53 = tpu.memref_slice %arg3[%run_scoped3A, %add3A_6, %dma_wait3A_52] : memref<2x2500x128xi32, #tpu.memory_space<hbm>> -> memref<1x78x128xi32, #tpu.memory_space<hbm>>
      %dma_wait3A_54 = tpu.memref_squeeze %dma_wait3A_53 : memref<1x78x128xi32, #tpu.memory_space<hbm>> -> memref<78x128xi32, #tpu.memory_space<hbm>>
      tpu.wait_dma2 semaphore(%run_scoped3A_32 : memref<!tpu.dma_semaphore, #tpu.memory_space<semaphore_mem>>) src(%dma_wait3A_54 : memref<78x128xi32, #tpu.memory_space<hbm>>) dst(%dma_wait3A_51 : memref<78x128xi32, #tpu.memory_space<vmem>>)
      tpu.yield
    }) : () -> ()
    %lt3A = arith.constant 4 : i32
    %lt3A_7 = arith.cmpi slt, %add3A, %lt3A : i32
    %convert_element_type3A = arith.extui %lt3A_7 : i1 to i32
    %cond3A = arith.constant 0 : i32
    %cond3A_8 = arith.cmpi ne, %convert_element_type3A, %cond3A : i32
    scf.if %cond3A_8 {
      %add3A_32 = arith.constant 78 : i32
      %add3A_33 = arith.addi %add3A_6, %add3A_32 : i32
      %run_scoped3A_34 = arith.constant 0 : i32
      "tpu.region"() ({
        %run_scoped3A_35 = tpu.sem_alloc : memref<!tpu.dma_semaphore, #tpu.memory_space<semaphore_mem>>
        %dma_start3A = arith.constant 78 : i32
        %dma_start3A_36 = arith.constant 0 : i32
        %dma_start3A_37 = tpu.memref_slice %arg5[%dma_start3A, %dma_start3A_36] : memref<79x128xi32, #tpu.memory_space<vmem>> -> memref<1x128xi32, #tpu.memory_space<vmem>>
        %dma_start3A_38 = arith.constant 0 : i32
        %dma_start3A_39 = tpu.memref_slice %arg3[%run_scoped3A_34, %add3A_33, %dma_start3A_38] : memref<2x2500x128xi32, #tpu.memory_space<hbm>> -> memref<1x1x128xi32, #tpu.memory_space<hbm>>
        %dma_start3A_40 = tpu.memref_squeeze %dma_start3A_39 : memref<1x1x128xi32, #tpu.memory_space<hbm>> -> memref<1x128xi32, #tpu.memory_space<hbm>>
        %dma_start3A_41 = arith.constant 78 : i32
        %dma_start3A_42 = arith.constant 0 : i32
        %dma_start3A_43 = tpu.memref_slice %arg5[%dma_start3A_41, %dma_start3A_42] : memref<79x128xi32, #tpu.memory_space<vmem>> -> memref<1x128xi32, #tpu.memory_space<vmem>>
        %dma_start3A_44 = arith.constant 0 : i32
        %dma_start3A_45 = tpu.memref_slice %arg3[%run_scoped3A_34, %add3A_33, %dma_start3A_44] : memref<2x2500x128xi32, #tpu.memory_space<hbm>> -> memref<1x1x128xi32, #tpu.memory_space<hbm>>
        %dma_start3A_46 = tpu.memref_squeeze %dma_start3A_45 : memref<1x1x128xi32, #tpu.memory_space<hbm>> -> memref<1x128xi32, #tpu.memory_space<hbm>>
        tpu.enqueue_dma source(%dma_start3A_46 : memref<1x128xi32, #tpu.memory_space<hbm>>) target(%dma_start3A_43 : memref<1x128xi32, #tpu.memory_space<vmem>>) target_semaphore(%run_scoped3A_35 : memref<!tpu.dma_semaphore, #tpu.memory_space<semaphore_mem>>)
        %dma_wait3A = arith.constant 78 : i32
        %dma_wait3A_47 = arith.constant 0 : i32
        %dma_wait3A_48 = tpu.memref_slice %arg5[%dma_wait3A, %dma_wait3A_47] : memref<79x128xi32, #tpu.memory_space<vmem>> -> memref<1x128xi32, #tpu.memory_space<vmem>>
        %dma_wait3A_49 = arith.constant 0 : i32
        %dma_wait3A_50 = tpu.memref_slice %arg3[%run_scoped3A_34, %add3A_33, %dma_wait3A_49] : memref<2x2500x128xi32, #tpu.memory_space<hbm>> -> memref<1x1x128xi32, #tpu.memory_space<hbm>>
        %dma_wait3A_51 = tpu.memref_squeeze %dma_wait3A_50 : memref<1x1x128xi32, #tpu.memory_space<hbm>> -> memref<1x128xi32, #tpu.memory_space<hbm>>
        %dma_wait3A_52 = arith.constant 78 : i32
        %dma_wait3A_53 = arith.constant 0 : i32
        %dma_wait3A_54 = tpu.memref_slice %arg5[%dma_wait3A_52, %dma_wait3A_53] : memref<79x128xi32, #tpu.memory_space<vmem>> -> memref<1x128xi32, #tpu.memory_space<vmem>>
        %dma_wait3A_55 = arith.constant 0 : i32
        %dma_wait3A_56 = tpu.memref_slice %arg3[%run_scoped3A_34, %add3A_33, %dma_wait3A_55] : memref<2x2500x128xi32, #tpu.memory_space<hbm>> -> memref<1x1x128xi32, #tpu.memory_space<hbm>>
        %dma_wait3A_57 = tpu.memref_squeeze %dma_wait3A_56 : memref<1x1x128xi32, #tpu.memory_space<hbm>> -> memref<1x128xi32, #tpu.memory_space<hbm>>
        tpu.wait_dma2 semaphore(%run_scoped3A_35 : memref<!tpu.dma_semaphore, #tpu.memory_space<semaphore_mem>>) src(%dma_wait3A_57 : memref<1x128xi32, #tpu.memory_space<hbm>>) dst(%dma_wait3A_54 : memref<1x128xi32, #tpu.memory_space<vmem>>)
        tpu.yield
      }) : () -> ()
    } else {
    }
    %mul3A_9 = arith.constant 78 : i32
    %mul3A_10 = arith.muli %add3A, %mul3A_9 : i32
    %min3A_11 = arith.constant 4 : i32
    %min3A_12 = arith.minsi %add3A, %min3A_11 : i32
    %add3A_13 = arith.addi %mul3A_10, %min3A_12 : i32
    %run_scoped3A_14 = arith.constant 1 : i32
    "tpu.region"() ({
      %run_scoped3A_32 = tpu.sem_alloc : memref<!tpu.dma_semaphore, #tpu.memory_space<semaphore_mem>>
      %dma_start3A = arith.constant 0 : i32
      %dma_start3A_33 = arith.constant 0 : i32
      %dma_start3A_34 = tpu.memref_slice %arg6[%dma_start3A, %dma_start3A_33] : memref<79x128xi32, #tpu.memory_space<vmem>> -> memref<78x128xi32, #tpu.memory_space<vmem>>
      %dma_start3A_35 = arith.constant 0 : i32
      %dma_start3A_36 = tpu.memref_slice %arg3[%run_scoped3A_14, %add3A_13, %dma_start3A_35] : memref<2x2500x128xi32, #tpu.memory_space<hbm>> -> memref<1x78x128xi32, #tpu.memory_space<hbm>>
      %dma_start3A_37 = tpu.memref_squeeze %dma_start3A_36 : memref<1x78x128xi32, #tpu.memory_space<hbm>> -> memref<78x128xi32, #tpu.memory_space<hbm>>
      %dma_start3A_38 = arith.constant 0 : i32
      %dma_start3A_39 = arith.constant 0 : i32
      %dma_start3A_40 = tpu.memref_slice %arg6[%dma_start3A_38, %dma_start3A_39] : memref<79x128xi32, #tpu.memory_space<vmem>> -> memref<78x128xi32, #tpu.memory_space<vmem>>
      %dma_start3A_41 = arith.constant 0 : i32
      %dma_start3A_42 = tpu.memref_slice %arg3[%run_scoped3A_14, %add3A_13, %dma_start3A_41] : memref<2x2500x128xi32, #tpu.memory_space<hbm>> -> memref<1x78x128xi32, #tpu.memory_space<hbm>>
      %dma_start3A_43 = tpu.memref_squeeze %dma_start3A_42 : memref<1x78x128xi32, #tpu.memory_space<hbm>> -> memref<78x128xi32, #tpu.memory_space<hbm>>
      tpu.enqueue_dma source(%dma_start3A_43 : memref<78x128xi32, #tpu.memory_space<hbm>>) target(%dma_start3A_40 : memref<78x128xi32, #tpu.memory_space<vmem>>) target_semaphore(%run_scoped3A_32 : memref<!tpu.dma_semaphore, #tpu.memory_space<semaphore_mem>>)
      %dma_wait3A = arith.constant 0 : i32
      %dma_wait3A_44 = arith.constant 0 : i32
      %dma_wait3A_45 = tpu.memref_slice %arg6[%dma_wait3A, %dma_wait3A_44] : memref<79x128xi32, #tpu.memory_space<vmem>> -> memref<78x128xi32, #tpu.memory_space<vmem>>
      %dma_wait3A_46 = arith.constant 0 : i32
      %dma_wait3A_47 = tpu.memref_slice %arg3[%run_scoped3A_14, %add3A_13, %dma_wait3A_46] : memref<2x2500x128xi32, #tpu.memory_space<hbm>> -> memref<1x78x128xi32, #tpu.memory_space<hbm>>
      %dma_wait3A_48 = tpu.memref_squeeze %dma_wait3A_47 : memref<1x78x128xi32, #tpu.memory_space<hbm>> -> memref<78x128xi32, #tpu.memory_space<hbm>>
      %dma_wait3A_49 = arith.constant 0 : i32
      %dma_wait3A_50 = arith.constant 0 : i32
      %dma_wait3A_51 = tpu.memref_slice %arg6[%dma_wait3A_49, %dma_wait3A_50] : memref<79x128xi32, #tpu.memory_space<vmem>> -> memref<78x128xi32, #tpu.memory_space<vmem>>
      %dma_wait3A_52 = arith.constant 0 : i32
      %dma_wait3A_53 = tpu.memref_slice %arg3[%run_scoped3A_14, %add3A_13, %dma_wait3A_52] : memref<2x2500x128xi32, #tpu.memory_space<hbm>> -> memref<1x78x128xi32, #tpu.memory_space<hbm>>
      %dma_wait3A_54 = tpu.memref_squeeze %dma_wait3A_53 : memref<1x78x128xi32, #tpu.memory_space<hbm>> -> memref<78x128xi32, #tpu.memory_space<hbm>>
      tpu.wait_dma2 semaphore(%run_scoped3A_32 : memref<!tpu.dma_semaphore, #tpu.memory_space<semaphore_mem>>) src(%dma_wait3A_54 : memref<78x128xi32, #tpu.memory_space<hbm>>) dst(%dma_wait3A_51 : memref<78x128xi32, #tpu.memory_space<vmem>>)
      tpu.yield
    }) : () -> ()
    %lt3A_15 = arith.constant 4 : i32
    %lt3A_16 = arith.cmpi slt, %add3A, %lt3A_15 : i32
    %convert_element_type3A_17 = arith.extui %lt3A_16 : i1 to i32
    %cond3A_18 = arith.constant 0 : i32
    %cond3A_19 = arith.cmpi ne, %convert_element_type3A_17, %cond3A_18 : i32
    scf.if %cond3A_19 {
      %add3A_32 = arith.constant 78 : i32
      %add3A_33 = arith.addi %add3A_13, %add3A_32 : i32
      %run_scoped3A_34 = arith.constant 1 : i32
      "tpu.region"() ({
        %run_scoped3A_35 = tpu.sem_alloc : memref<!tpu.dma_semaphore, #tpu.memory_space<semaphore_mem>>
        %dma_start3A = arith.constant 78 : i32
        %dma_start3A_36 = arith.constant 0 : i32
        %dma_start3A_37 = tpu.memref_slice %arg6[%dma_start3A, %dma_start3A_36] : memref<79x128xi32, #tpu.memory_space<vmem>> -> memref<1x128xi32, #tpu.memory_space<vmem>>
        %dma_start3A_38 = arith.constant 0 : i32
        %dma_start3A_39 = tpu.memref_slice %arg3[%run_scoped3A_34, %add3A_33, %dma_start3A_38] : memref<2x2500x128xi32, #tpu.memory_space<hbm>> -> memref<1x1x128xi32, #tpu.memory_space<hbm>>
        %dma_start3A_40 = tpu.memref_squeeze %dma_start3A_39 : memref<1x1x128xi32, #tpu.memory_space<hbm>> -> memref<1x128xi32, #tpu.memory_space<hbm>>
        %dma_start3A_41 = arith.constant 78 : i32
        %dma_start3A_42 = arith.constant 0 : i32
        %dma_start3A_43 = tpu.memref_slice %arg6[%dma_start3A_41, %dma_start3A_42] : memref<79x128xi32, #tpu.memory_space<vmem>> -> memref<1x128xi32, #tpu.memory_space<vmem>>
        %dma_start3A_44 = arith.constant 0 : i32
        %dma_start3A_45 = tpu.memref_slice %arg3[%run_scoped3A_34, %add3A_33, %dma_start3A_44] : memref<2x2500x128xi32, #tpu.memory_space<hbm>> -> memref<1x1x128xi32, #tpu.memory_space<hbm>>
        %dma_start3A_46 = tpu.memref_squeeze %dma_start3A_45 : memref<1x1x128xi32, #tpu.memory_space<hbm>> -> memref<1x128xi32, #tpu.memory_space<hbm>>
        tpu.enqueue_dma source(%dma_start3A_46 : memref<1x128xi32, #tpu.memory_space<hbm>>) target(%dma_start3A_43 : memref<1x128xi32, #tpu.memory_space<vmem>>) target_semaphore(%run_scoped3A_35 : memref<!tpu.dma_semaphore, #tpu.memory_space<semaphore_mem>>)
        %dma_wait3A = arith.constant 78 : i32
        %dma_wait3A_47 = arith.constant 0 : i32
        %dma_wait3A_48 = tpu.memref_slice %arg6[%dma_wait3A, %dma_wait3A_47] : memref<79x128xi32, #tpu.memory_space<vmem>> -> memref<1x128xi32, #tpu.memory_space<vmem>>
        %dma_wait3A_49 = arith.constant 0 : i32
        %dma_wait3A_50 = tpu.memref_slice %arg3[%run_scoped3A_34, %add3A_33, %dma_wait3A_49] : memref<2x2500x128xi32, #tpu.memory_space<hbm>> -> memref<1x1x128xi32, #tpu.memory_space<hbm>>
        %dma_wait3A_51 = tpu.memref_squeeze %dma_wait3A_50 : memref<1x1x128xi32, #tpu.memory_space<hbm>> -> memref<1x128xi32, #tpu.memory_space<hbm>>
        %dma_wait3A_52 = arith.constant 78 : i32
        %dma_wait3A_53 = arith.constant 0 : i32
        %dma_wait3A_54 = tpu.memref_slice %arg6[%dma_wait3A_52, %dma_wait3A_53] : memref<79x128xi32, #tpu.memory_space<vmem>> -> memref<1x128xi32, #tpu.memory_space<vmem>>
        %dma_wait3A_55 = arith.constant 0 : i32
        %dma_wait3A_56 = tpu.memref_slice %arg3[%run_scoped3A_34, %add3A_33, %dma_wait3A_55] : memref<2x2500x128xi32, #tpu.memory_space<hbm>> -> memref<1x1x128xi32, #tpu.memory_space<hbm>>
        %dma_wait3A_57 = tpu.memref_squeeze %dma_wait3A_56 : memref<1x1x128xi32, #tpu.memory_space<hbm>> -> memref<1x128xi32, #tpu.memory_space<hbm>>
        tpu.wait_dma2 semaphore(%run_scoped3A_35 : memref<!tpu.dma_semaphore, #tpu.memory_space<semaphore_mem>>) src(%dma_wait3A_57 : memref<1x128xi32, #tpu.memory_space<hbm>>) dst(%dma_wait3A_54 : memref<1x128xi32, #tpu.memory_space<vmem>>)
        tpu.yield
      }) : () -> ()
    } else {
    }
    %barrier3A = arith.constant 0 : index
    tpu.barrier barrier_id(%barrier3A)
    %scan3A = arith.constant 0 : i32
    %scan3A_20 = arith.constant 0 : i32
    %scan3A_21 = arith.constant 6 : i32
    %scan3A_22 = arith.addi %scan3A_20, %scan3A_21 : i32
    %scan3A_23 = arith.constant 1 : i32
    %scan3A_24 = scf.for %scan3A_32 = %scan3A_20 to %scan3A_22 step %scan3A_23 iter_args(%scan3A_33 = %scan3A) -> (i32)  : i32 {
      %mul3A_34 = arith.constant 13 : i32
      %mul3A_35 = arith.muli %scan3A_32, %mul3A_34 : i32
      %add3A_36 = arith.constant 0 : i32
      %add3A_37 = arith.addi %mul3A_35, %add3A_36 : i32
      %dma_start3A = arith.constant 0 : i32
      %dma_start3A_38 = arith.constant 0 : i32
      %dma_start3A_39 = arith.constant 0 : i32
      %dma_start3A_40 = tpu.memref_slice %arg7[%dma_start3A, %dma_start3A_38, %dma_start3A_39] : memref<13x128x32xf32, #tpu.memory_space<vmem>> -> memref<1x128x32xf32, #tpu.memory_space<vmem>>
      %dma_start3A_41 = tpu.memref_squeeze %dma_start3A_40 : memref<1x128x32xf32, #tpu.memory_space<vmem>> -> memref<128x32xf32, #tpu.memory_space<vmem>>
      %dma_start3A_42 = arith.constant 0 : i32
      %dma_start3A_43 = tpu.memref_slice %arg5[%add3A_37, %dma_start3A_42] : memref<79x128xi32, #tpu.memory_space<vmem>> -> memref<1x128xi32, #tpu.memory_space<vmem>>
      %dma_start3A_44 = tpu.memref_squeeze %dma_start3A_43 : memref<1x128xi32, #tpu.memory_space<vmem>> -> memref<128xi32, #tpu.memory_space<vmem>>
      %dma_start3A_45 = arith.constant 0 : i32
      %dma_start3A_46 = arith.constant 0 : i32
      %dma_start3A_47 = tpu.memref_slice %arg2[%dma_start3A_45, %dma_start3A_46] : memref<10000x32xf32, #tpu.memory_space<hbm>> -> memref<10000x32xf32, #tpu.memory_space<hbm>>
      tpu.enqueue_indirect_dma source(%dma_start3A_47 : memref<10000x32xf32, #tpu.memory_space<hbm>>) target(%dma_start3A_41 : memref<128x32xf32, #tpu.memory_space<vmem>>) offsets(%dma_start3A_44 : memref<128xi32, #tpu.memory_space<vmem>>) semaphore(%arg10 : memref<!tpu.dma_semaphore, #tpu.memory_space<semaphore_mem>>)
      %mul3A_48 = arith.constant 13 : i32
      %mul3A_49 = arith.muli %scan3A_32, %mul3A_48 : i32
      %add3A_50 = arith.constant 1 : i32
      %add3A_51 = arith.addi %mul3A_49, %add3A_50 : i32
      %dma_start3A_52 = arith.constant 1 : i32
      %dma_start3A_53 = arith.constant 0 : i32
      %dma_start3A_54 = arith.constant 0 : i32
      %dma_start3A_55 = tpu.memref_slice %arg7[%dma_start3A_52, %dma_start3A_53, %dma_start3A_54] : memref<13x128x32xf32, #tpu.memory_space<vmem>> -> memref<1x128x32xf32, #tpu.memory_space<vmem>>
      %dma_start3A_56 = tpu.memref_squeeze %dma_start3A_55 : memref<1x128x32xf32, #tpu.memory_space<vmem>> -> memref<128x32xf32, #tpu.memory_space<vmem>>
      %dma_start3A_57 = arith.constant 0 : i32
      %dma_start3A_58 = tpu.memref_slice %arg5[%add3A_51, %dma_start3A_57] : memref<79x128xi32, #tpu.memory_space<vmem>> -> memref<1x128xi32, #tpu.memory_space<vmem>>
      %dma_start3A_59 = tpu.memref_squeeze %dma_start3A_58 : memref<1x128xi32, #tpu.memory_space<vmem>> -> memref<128xi32, #tpu.memory_space<vmem>>
      %dma_start3A_60 = arith.constant 0 : i32
      %dma_start3A_61 = arith.constant 0 : i32
      %dma_start3A_62 = tpu.memref_slice %arg2[%dma_start3A_60, %dma_start3A_61] : memref<10000x32xf32, #tpu.memory_space<hbm>> -> memref<10000x32xf32, #tpu.memory_space<hbm>>
      tpu.enqueue_indirect_dma source(%dma_start3A_62 : memref<10000x32xf32, #tpu.memory_space<hbm>>) target(%dma_start3A_56 : memref<128x32xf32, #tpu.memory_space<vmem>>) offsets(%dma_start3A_59 : memref<128xi32, #tpu.memory_space<vmem>>) semaphore(%arg10 : memref<!tpu.dma_semaphore, #tpu.memory_space<semaphore_mem>>)
      %mul3A_63 = arith.constant 13 : i32
      %mul3A_64 = arith.muli %scan3A_32, %mul3A_63 : i32
      %add3A_65 = arith.constant 2 : i32
      %add3A_66 = arith.addi %mul3A_64, %add3A_65 : i32
      %dma_start3A_67 = arith.constant 2 : i32
      %dma_start3A_68 = arith.constant 0 : i32
      %dma_start3A_69 = arith.constant 0 : i32
      %dma_start3A_70 = tpu.memref_slice %arg7[%dma_start3A_67, %dma_start3A_68, %dma_start3A_69] : memref<13x128x32xf32, #tpu.memory_space<vmem>> -> memref<1x128x32xf32, #tpu.memory_space<vmem>>
      %dma_start3A_71 = tpu.memref_squeeze %dma_start3A_70 : memref<1x128x32xf32, #tpu.memory_space<vmem>> -> memref<128x32xf32, #tpu.memory_space<vmem>>
      %dma_start3A_72 = arith.constant 0 : i32
      %dma_start3A_73 = tpu.memref_slice %arg5[%add3A_66, %dma_start3A_72] : memref<79x128xi32, #tpu.memory_space<vmem>> -> memref<1x128xi32, #tpu.memory_space<vmem>>
      %dma_start3A_74 = tpu.memref_squeeze %dma_start3A_73 : memref<1x128xi32, #tpu.memory_space<vmem>> -> memref<128xi32, #tpu.memory_space<vmem>>
      %dma_start3A_75 = arith.constant 0 : i32
      %dma_start3A_76 = arith.constant 0 : i32
      %dma_start3A_77 = tpu.memref_slice %arg2[%dma_start3A_75, %dma_start3A_76] : memref<10000x32xf32, #tpu.memory_space<hbm>> -> memref<10000x32xf32, #tpu.memory_space<hbm>>
      tpu.enqueue_indirect_dma source(%dma_start3A_77 : memref<10000x32xf32, #tpu.memory_space<hbm>>) target(%dma_start3A_71 : memref<128x32xf32, #tpu.memory_space<vmem>>) offsets(%dma_start3A_74 : memref<128xi32, #tpu.memory_space<vmem>>) semaphore(%arg10 : memref<!tpu.dma_semaphore, #tpu.memory_space<semaphore_mem>>)
      %mul3A_78 = arith.constant 13 : i32
      %mul3A_79 = arith.muli %scan3A_32, %mul3A_78 : i32
      %add3A_80 = arith.constant 3 : i32
      %add3A_81 = arith.addi %mul3A_79, %add3A_80 : i32
      %dma_start3A_82 = arith.constant 3 : i32
      %dma_start3A_83 = arith.constant 0 : i32
      %dma_start3A_84 = arith.constant 0 : i32
      %dma_start3A_85 = tpu.memref_slice %arg7[%dma_start3A_82, %dma_start3A_83, %dma_start3A_84] : memref<13x128x32xf32, #tpu.memory_space<vmem>> -> memref<1x128x32xf32, #tpu.memory_space<vmem>>
      %dma_start3A_86 = tpu.memref_squeeze %dma_start3A_85 : memref<1x128x32xf32, #tpu.memory_space<vmem>> -> memref<128x32xf32, #tpu.memory_space<vmem>>
      %dma_start3A_87 = arith.constant 0 : i32
      %dma_start3A_88 = tpu.memref_slice %arg5[%add3A_81, %dma_start3A_87] : memref<79x128xi32, #tpu.memory_space<vmem>> -> memref<1x128xi32, #tpu.memory_space<vmem>>
      %dma_start3A_89 = tpu.memref_squeeze %dma_start3A_88 : memref<1x128xi32, #tpu.memory_space<vmem>> -> memref<128xi32, #tpu.memory_space<vmem>>
      %dma_start3A_90 = arith.constant 0 : i32
      %dma_start3A_91 = arith.constant 0 : i32
      %dma_start3A_92 = tpu.memref_slice %arg2[%dma_start3A_90, %dma_start3A_91] : memref<10000x32xf32, #tpu.memory_space<hbm>> -> memref<10000x32xf32, #tpu.memory_space<hbm>>
      tpu.enqueue_indirect_dma source(%dma_start3A_92 : memref<10000x32xf32, #tpu.memory_space<hbm>>) target(%dma_start3A_86 : memref<128x32xf32, #tpu.memory_space<vmem>>) offsets(%dma_start3A_89 : memref<128xi32, #tpu.memory_space<vmem>>) semaphore(%arg10 : memref<!tpu.dma_semaphore, #tpu.memory_space<semaphore_mem>>)
      %mul3A_93 = arith.constant 13 : i32
      %mul3A_94 = arith.muli %scan3A_32, %mul3A_93 : i32
      %add3A_95 = arith.constant 4 : i32
      %add3A_96 = arith.addi %mul3A_94, %add3A_95 : i32
      %dma_start3A_97 = arith.constant 4 : i32
      %dma_start3A_98 = arith.constant 0 : i32
      %dma_start3A_99 = arith.constant 0 : i32
      %dma_start3A_100 = tpu.memref_slice %arg7[%dma_start3A_97, %dma_start3A_98, %dma_start3A_99] : memref<13x128x32xf32, #tpu.memory_space<vmem>> -> memref<1x128x32xf32, #tpu.memory_space<vmem>>
      %dma_start3A_101 = tpu.memref_squeeze %dma_start3A_100 : memref<1x128x32xf32, #tpu.memory_space<vmem>> -> memref<128x32xf32, #tpu.memory_space<vmem>>
      %dma_start3A_102 = arith.constant 0 : i32
      %dma_start3A_103 = tpu.memref_slice %arg5[%add3A_96, %dma_start3A_102] : memref<79x128xi32, #tpu.memory_space<vmem>> -> memref<1x128xi32, #tpu.memory_space<vmem>>
      %dma_start3A_104 = tpu.memref_squeeze %dma_start3A_103 : memref<1x128xi32, #tpu.memory_space<vmem>> -> memref<128xi32, #tpu.memory_space<vmem>>
      %dma_start3A_105 = arith.constant 0 : i32
      %dma_start3A_106 = arith.constant 0 : i32
      %dma_start3A_107 = tpu.memref_slice %arg2[%dma_start3A_105, %dma_start3A_106] : memref<10000x32xf32, #tpu.memory_space<hbm>> -> memref<10000x32xf32, #tpu.memory_space<hbm>>
      tpu.enqueue_indirect_dma source(%dma_start3A_107 : memref<10000x32xf32, #tpu.memory_space<hbm>>) target(%dma_start3A_101 : memref<128x32xf32, #tpu.memory_space<vmem>>) offsets(%dma_start3A_104 : memref<128xi32, #tpu.memory_space<vmem>>) semaphore(%arg10 : memref<!tpu.dma_semaphore, #tpu.memory_space<semaphore_mem>>)
      %mul3A_108 = arith.constant 13 : i32
      %mul3A_109 = arith.muli %scan3A_32, %mul3A_108 : i32
      %add3A_110 = arith.constant 5 : i32
      %add3A_111 = arith.addi %mul3A_109, %add3A_110 : i32
      %dma_start3A_112 = arith.constant 5 : i32
      %dma_start3A_113 = arith.constant 0 : i32
      %dma_start3A_114 = arith.constant 0 : i32
      %dma_start3A_115 = tpu.memref_slice %arg7[%dma_start3A_112, %dma_start3A_113, %dma_start3A_114] : memref<13x128x32xf32, #tpu.memory_space<vmem>> -> memref<1x128x32xf32, #tpu.memory_space<vmem>>
      %dma_start3A_116 = tpu.memref_squeeze %dma_start3A_115 : memref<1x128x32xf32, #tpu.memory_space<vmem>> -> memref<128x32xf32, #tpu.memory_space<vmem>>
      %dma_start3A_117 = arith.constant 0 : i32
      %dma_start3A_118 = tpu.memref_slice %arg5[%add3A_111, %dma_start3A_117] : memref<79x128xi32, #tpu.memory_space<vmem>> -> memref<1x128xi32, #tpu.memory_space<vmem>>
      %dma_start3A_119 = tpu.memref_squeeze %dma_start3A_118 : memref<1x128xi32, #tpu.memory_space<vmem>> -> memref<128xi32, #tpu.memory_space<vmem>>
      %dma_start3A_120 = arith.constant 0 : i32
      %dma_start3A_121 = arith.constant 0 : i32
      %dma_start3A_122 = tpu.memref_slice %arg2[%dma_start3A_120, %dma_start3A_121] : memref<10000x32xf32, #tpu.memory_space<hbm>> -> memref<10000x32xf32, #tpu.memory_space<hbm>>
      tpu.enqueue_indirect_dma source(%dma_start3A_122 : memref<10000x32xf32, #tpu.memory_space<hbm>>) target(%dma_start3A_116 : memref<128x32xf32, #tpu.memory_space<vmem>>) offsets(%dma_start3A_119 : memref<128xi32, #tpu.memory_space<vmem>>) semaphore(%arg10 : memref<!tpu.dma_semaphore, #tpu.memory_space<semaphore_mem>>)
      %mul3A_123 = arith.constant 13 : i32
      %mul3A_124 = arith.muli %scan3A_32, %mul3A_123 : i32
      %add3A_125 = arith.constant 6 : i32
      %add3A_126 = arith.addi %mul3A_124, %add3A_125 : i32
      %dma_start3A_127 = arith.constant 6 : i32
      %dma_start3A_128 = arith.constant 0 : i32
      %dma_start3A_129 = arith.constant 0 : i32
      %dma_start3A_130 = tpu.memref_slice %arg7[%dma_start3A_127, %dma_start3A_128, %dma_start3A_129] : memref<13x128x32xf32, #tpu.memory_space<vmem>> -> memref<1x128x32xf32, #tpu.memory_space<vmem>>
      %dma_start3A_131 = tpu.memref_squeeze %dma_start3A_130 : memref<1x128x32xf32, #tpu.memory_space<vmem>> -> memref<128x32xf32, #tpu.memory_space<vmem>>
      %dma_start3A_132 = arith.constant 0 : i32
      %dma_start3A_133 = tpu.memref_slice %arg5[%add3A_126, %dma_start3A_132] : memref<79x128xi32, #tpu.memory_space<vmem>> -> memref<1x128xi32, #tpu.memory_space<vmem>>
      %dma_start3A_134 = tpu.memref_squeeze %dma_start3A_133 : memref<1x128xi32, #tpu.memory_space<vmem>> -> memref<128xi32, #tpu.memory_space<vmem>>
      %dma_start3A_135 = arith.constant 0 : i32
      %dma_start3A_136 = arith.constant 0 : i32
      %dma_start3A_137 = tpu.memref_slice %arg2[%dma_start3A_135, %dma_start3A_136] : memref<10000x32xf32, #tpu.memory_space<hbm>> -> memref<10000x32xf32, #tpu.memory_space<hbm>>
      tpu.enqueue_indirect_dma source(%dma_start3A_137 : memref<10000x32xf32, #tpu.memory_space<hbm>>) target(%dma_start3A_131 : memref<128x32xf32, #tpu.memory_space<vmem>>) offsets(%dma_start3A_134 : memref<128xi32, #tpu.memory_space<vmem>>) semaphore(%arg10 : memref<!tpu.dma_semaphore, #tpu.memory_space<semaphore_mem>>)
      %mul3A_138 = arith.constant 13 : i32
      %mul3A_139 = arith.muli %scan3A_32, %mul3A_138 : i32
      %add3A_140 = arith.constant 7 : i32
      %add3A_141 = arith.addi %mul3A_139, %add3A_140 : i32
      %dma_start3A_142 = arith.constant 7 : i32
      %dma_start3A_143 = arith.constant 0 : i32
      %dma_start3A_144 = arith.constant 0 : i32
      %dma_start3A_145 = tpu.memref_slice %arg7[%dma_start3A_142, %dma_start3A_143, %dma_start3A_144] : memref<13x128x32xf32, #tpu.memory_space<vmem>> -> memref<1x128x32xf32, #tpu.memory_space<vmem>>
      %dma_start3A_146 = tpu.memref_squeeze %dma_start3A_145 : memref<1x128x32xf32, #tpu.memory_space<vmem>> -> memref<128x32xf32, #tpu.memory_space<vmem>>
      %dma_start3A_147 = arith.constant 0 : i32
      %dma_start3A_148 = tpu.memref_slice %arg5[%add3A_141, %dma_start3A_147] : memref<79x128xi32, #tpu.memory_space<vmem>> -> memref<1x128xi32, #tpu.memory_space<vmem>>
      %dma_start3A_149 = tpu.memref_squeeze %dma_start3A_148 : memref<1x128xi32, #tpu.memory_space<vmem>> -> memref<128xi32, #tpu.memory_space<vmem>>
      %dma_start3A_150 = arith.constant 0 : i32
      %dma_start3A_151 = arith.constant 0 : i32
      %dma_start3A_152 = tpu.memref_slice %arg2[%dma_start3A_150, %dma_start3A_151] : memref<10000x32xf32, #tpu.memory_space<hbm>> -> memref<10000x32xf32, #tpu.memory_space<hbm>>
      tpu.enqueue_indirect_dma source(%dma_start3A_152 : memref<10000x32xf32, #tpu.memory_space<hbm>>) target(%dma_start3A_146 : memref<128x32xf32, #tpu.memory_space<vmem>>) offsets(%dma_start3A_149 : memref<128xi32, #tpu.memory_space<vmem>>) semaphore(%arg10 : memref<!tpu.dma_semaphore, #tpu.memory_space<semaphore_mem>>)
      %mul3A_153 = arith.constant 13 : i32
      %mul3A_154 = arith.muli %scan3A_32, %mul3A_153 : i32
      %add3A_155 = arith.constant 8 : i32
      %add3A_156 = arith.addi %mul3A_154, %add3A_155 : i32
      %dma_start3A_157 = arith.constant 8 : i32
      %dma_start3A_158 = arith.constant 0 : i32
      %dma_start3A_159 = arith.constant 0 : i32
      %dma_start3A_160 = tpu.memref_slice %arg7[%dma_start3A_157, %dma_start3A_158, %dma_start3A_159] : memref<13x128x32xf32, #tpu.memory_space<vmem>> -> memref<1x128x32xf32, #tpu.memory_space<vmem>>
      %dma_start3A_161 = tpu.memref_squeeze %dma_start3A_160 : memref<1x128x32xf32, #tpu.memory_space<vmem>> -> memref<128x32xf32, #tpu.memory_space<vmem>>
      %dma_start3A_162 = arith.constant 0 : i32
      %dma_start3A_163 = tpu.memref_slice %arg5[%add3A_156, %dma_start3A_162] : memref<79x128xi32, #tpu.memory_space<vmem>> -> memref<1x128xi32, #tpu.memory_space<vmem>>
      %dma_start3A_164 = tpu.memref_squeeze %dma_start3A_163 : memref<1x128xi32, #tpu.memory_space<vmem>> -> memref<128xi32, #tpu.memory_space<vmem>>
      %dma_start3A_165 = arith.constant 0 : i32
      %dma_start3A_166 = arith.constant 0 : i32
      %dma_start3A_167 = tpu.memref_slice %arg2[%dma_start3A_165, %dma_start3A_166] : memref<10000x32xf32, #tpu.memory_space<hbm>> -> memref<10000x32xf32, #tpu.memory_space<hbm>>
      tpu.enqueue_indirect_dma source(%dma_start3A_167 : memref<10000x32xf32, #tpu.memory_space<hbm>>) target(%dma_start3A_161 : memref<128x32xf32, #tpu.memory_space<vmem>>) offsets(%dma_start3A_164 : memref<128xi32, #tpu.memory_space<vmem>>) semaphore(%arg10 : memref<!tpu.dma_semaphore, #tpu.memory_space<semaphore_mem>>)
      %mul3A_168 = arith.constant 13 : i32
      %mul3A_169 = arith.muli %scan3A_32, %mul3A_168 : i32
      %add3A_170 = arith.constant 9 : i32
      %add3A_171 = arith.addi %mul3A_169, %add3A_170 : i32
      %dma_start3A_172 = arith.constant 9 : i32
      %dma_start3A_173 = arith.constant 0 : i32
      %dma_start3A_174 = arith.constant 0 : i32
      %dma_start3A_175 = tpu.memref_slice %arg7[%dma_start3A_172, %dma_start3A_173, %dma_start3A_174] : memref<13x128x32xf32, #tpu.memory_space<vmem>> -> memref<1x128x32xf32, #tpu.memory_space<vmem>>
      %dma_start3A_176 = tpu.memref_squeeze %dma_start3A_175 : memref<1x128x32xf32, #tpu.memory_space<vmem>> -> memref<128x32xf32, #tpu.memory_space<vmem>>
      %dma_start3A_177 = arith.constant 0 : i32
      %dma_start3A_178 = tpu.memref_slice %arg5[%add3A_171, %dma_start3A_177] : memref<79x128xi32, #tpu.memory_space<vmem>> -> memref<1x128xi32, #tpu.memory_space<vmem>>
      %dma_start3A_179 = tpu.memref_squeeze %dma_start3A_178 : memref<1x128xi32, #tpu.memory_space<vmem>> -> memref<128xi32, #tpu.memory_space<vmem>>
      %dma_start3A_180 = arith.constant 0 : i32
      %dma_start3A_181 = arith.constant 0 : i32
      %dma_start3A_182 = tpu.memref_slice %arg2[%dma_start3A_180, %dma_start3A_181] : memref<10000x32xf32, #tpu.memory_space<hbm>> -> memref<10000x32xf32, #tpu.memory_space<hbm>>
      tpu.enqueue_indirect_dma source(%dma_start3A_182 : memref<10000x32xf32, #tpu.memory_space<hbm>>) target(%dma_start3A_176 : memref<128x32xf32, #tpu.memory_space<vmem>>) offsets(%dma_start3A_179 : memref<128xi32, #tpu.memory_space<vmem>>) semaphore(%arg10 : memref<!tpu.dma_semaphore, #tpu.memory_space<semaphore_mem>>)
      %mul3A_183 = arith.constant 13 : i32
      %mul3A_184 = arith.muli %scan3A_32, %mul3A_183 : i32
      %add3A_185 = arith.constant 10 : i32
      %add3A_186 = arith.addi %mul3A_184, %add3A_185 : i32
      %dma_start3A_187 = arith.constant 10 : i32
      %dma_start3A_188 = arith.constant 0 : i32
      %dma_start3A_189 = arith.constant 0 : i32
      %dma_start3A_190 = tpu.memref_slice %arg7[%dma_start3A_187, %dma_start3A_188, %dma_start3A_189] : memref<13x128x32xf32, #tpu.memory_space<vmem>> -> memref<1x128x32xf32, #tpu.memory_space<vmem>>
      %dma_start3A_191 = tpu.memref_squeeze %dma_start3A_190 : memref<1x128x32xf32, #tpu.memory_space<vmem>> -> memref<128x32xf32, #tpu.memory_space<vmem>>
      %dma_start3A_192 = arith.constant 0 : i32
      %dma_start3A_193 = tpu.memref_slice %arg5[%add3A_186, %dma_start3A_192] : memref<79x128xi32, #tpu.memory_space<vmem>> -> memref<1x128xi32, #tpu.memory_space<vmem>>
      %dma_start3A_194 = tpu.memref_squeeze %dma_start3A_193 : memref<1x128xi32, #tpu.memory_space<vmem>> -> memref<128xi32, #tpu.memory_space<vmem>>
      %dma_start3A_195 = arith.constant 0 : i32
      %dma_start3A_196 = arith.constant 0 : i32
      %dma_start3A_197 = tpu.memref_slice %arg2[%dma_start3A_195, %dma_start3A_196] : memref<10000x32xf32, #tpu.memory_space<hbm>> -> memref<10000x32xf32, #tpu.memory_space<hbm>>
      tpu.enqueue_indirect_dma source(%dma_start3A_197 : memref<10000x32xf32, #tpu.memory_space<hbm>>) target(%dma_start3A_191 : memref<128x32xf32, #tpu.memory_space<vmem>>) offsets(%dma_start3A_194 : memref<128xi32, #tpu.memory_space<vmem>>) semaphore(%arg10 : memref<!tpu.dma_semaphore, #tpu.memory_space<semaphore_mem>>)
      %mul3A_198 = arith.constant 13 : i32
      %mul3A_199 = arith.muli %scan3A_32, %mul3A_198 : i32
      %add3A_200 = arith.constant 11 : i32
      %add3A_201 = arith.addi %mul3A_199, %add3A_200 : i32
      %dma_start3A_202 = arith.constant 11 : i32
      %dma_start3A_203 = arith.constant 0 : i32
      %dma_start3A_204 = arith.constant 0 : i32
      %dma_start3A_205 = tpu.memref_slice %arg7[%dma_start3A_202, %dma_start3A_203, %dma_start3A_204] : memref<13x128x32xf32, #tpu.memory_space<vmem>> -> memref<1x128x32xf32, #tpu.memory_space<vmem>>
      %dma_start3A_206 = tpu.memref_squeeze %dma_start3A_205 : memref<1x128x32xf32, #tpu.memory_space<vmem>> -> memref<128x32xf32, #tpu.memory_space<vmem>>
      %dma_start3A_207 = arith.constant 0 : i32
      %dma_start3A_208 = tpu.memref_slice %arg5[%add3A_201, %dma_start3A_207] : memref<79x128xi32, #tpu.memory_space<vmem>> -> memref<1x128xi32, #tpu.memory_space<vmem>>
      %dma_start3A_209 = tpu.memref_squeeze %dma_start3A_208 : memref<1x128xi32, #tpu.memory_space<vmem>> -> memref<128xi32, #tpu.memory_space<vmem>>
      %dma_start3A_210 = arith.constant 0 : i32
      %dma_start3A_211 = arith.constant 0 : i32
      %dma_start3A_212 = tpu.memref_slice %arg2[%dma_start3A_210, %dma_start3A_211] : memref<10000x32xf32, #tpu.memory_space<hbm>> -> memref<10000x32xf32, #tpu.memory_space<hbm>>
      tpu.enqueue_indirect_dma source(%dma_start3A_212 : memref<10000x32xf32, #tpu.memory_space<hbm>>) target(%dma_start3A_206 : memref<128x32xf32, #tpu.memory_space<vmem>>) offsets(%dma_start3A_209 : memref<128xi32, #tpu.memory_space<vmem>>) semaphore(%arg10 : memref<!tpu.dma_semaphore, #tpu.memory_space<semaphore_mem>>)
      %mul3A_213 = arith.constant 13 : i32
      %mul3A_214 = arith.muli %scan3A_32, %mul3A_213 : i32
      %add3A_215 = arith.constant 12 : i32
      %add3A_216 = arith.addi %mul3A_214, %add3A_215 : i32
      %dma_start3A_217 = arith.constant 12 : i32
      %dma_start3A_218 = arith.constant 0 : i32
      %dma_start3A_219 = arith.constant 0 : i32
      %dma_start3A_220 = tpu.memref_slice %arg7[%dma_start3A_217, %dma_start3A_218, %dma_start3A_219] : memref<13x128x32xf32, #tpu.memory_space<vmem>> -> memref<1x128x32xf32, #tpu.memory_space<vmem>>
      %dma_start3A_221 = tpu.memref_squeeze %dma_start3A_220 : memref<1x128x32xf32, #tpu.memory_space<vmem>> -> memref<128x32xf32, #tpu.memory_space<vmem>>
      %dma_start3A_222 = arith.constant 0 : i32
      %dma_start3A_223 = tpu.memref_slice %arg5[%add3A_216, %dma_start3A_222] : memref<79x128xi32, #tpu.memory_space<vmem>> -> memref<1x128xi32, #tpu.memory_space<vmem>>
      %dma_start3A_224 = tpu.memref_squeeze %dma_start3A_223 : memref<1x128xi32, #tpu.memory_space<vmem>> -> memref<128xi32, #tpu.memory_space<vmem>>
      %dma_start3A_225 = arith.constant 0 : i32
      %dma_start3A_226 = arith.constant 0 : i32
      %dma_start3A_227 = tpu.memref_slice %arg2[%dma_start3A_225, %dma_start3A_226] : memref<10000x32xf32, #tpu.memory_space<hbm>> -> memref<10000x32xf32, #tpu.memory_space<hbm>>
      tpu.enqueue_indirect_dma source(%dma_start3A_227 : memref<10000x32xf32, #tpu.memory_space<hbm>>) target(%dma_start3A_221 : memref<128x32xf32, #tpu.memory_space<vmem>>) offsets(%dma_start3A_224 : memref<128xi32, #tpu.memory_space<vmem>>) semaphore(%arg10 : memref<!tpu.dma_semaphore, #tpu.memory_space<semaphore_mem>>)
      %mul3A_228 = arith.constant 13 : i32
      %mul3A_229 = arith.muli %scan3A_32, %mul3A_228 : i32
      %add3A_230 = arith.constant 0 : i32
      %add3A_231 = arith.addi %mul3A_229, %add3A_230 : i32
      %dma_wait3A = arith.constant 0 : i32
      %dma_wait3A_232 = arith.constant 0 : i32
      %dma_wait3A_233 = arith.constant 0 : i32
      %dma_wait3A_234 = tpu.memref_slice %arg7[%dma_wait3A, %dma_wait3A_232, %dma_wait3A_233] : memref<13x128x32xf32, #tpu.memory_space<vmem>> -> memref<1x128x32xf32, #tpu.memory_space<vmem>>
      %dma_wait3A_235 = tpu.memref_squeeze %dma_wait3A_234 : memref<1x128x32xf32, #tpu.memory_space<vmem>> -> memref<128x32xf32, #tpu.memory_space<vmem>>
      %dma_wait3A_236 = arith.constant 0 : i32
      %dma_wait3A_237 = tpu.memref_slice %arg5[%add3A_37, %dma_wait3A_236] : memref<79x128xi32, #tpu.memory_space<vmem>> -> memref<1x128xi32, #tpu.memory_space<vmem>>
      %dma_wait3A_238 = tpu.memref_squeeze %dma_wait3A_237 : memref<1x128xi32, #tpu.memory_space<vmem>> -> memref<128xi32, #tpu.memory_space<vmem>>
      %dma_wait3A_239 = arith.constant 0 : i32
      %dma_wait3A_240 = arith.constant 0 : i32
      %dma_wait3A_241 = tpu.memref_slice %arg2[%dma_wait3A_239, %dma_wait3A_240] : memref<10000x32xf32, #tpu.memory_space<hbm>> -> memref<10000x32xf32, #tpu.memory_space<hbm>>
      tpu.wait_indirect_dma semaphore(%arg10 : memref<!tpu.dma_semaphore, #tpu.memory_space<semaphore_mem>>) src(%dma_wait3A_241 : memref<10000x32xf32, #tpu.memory_space<hbm>>) dst(%dma_wait3A_235 : memref<128x32xf32, #tpu.memory_space<vmem>>)
      %dma_start3A_242 = arith.constant 0 : i32
      %dma_start3A_243 = arith.constant 0 : i32
      %dma_start3A_244 = arith.constant 0 : i32
      %dma_start3A_245 = tpu.memref_slice %arg7[%dma_start3A_242, %dma_start3A_243, %dma_start3A_244] : memref<13x128x32xf32, #tpu.memory_space<vmem>> -> memref<1x128x32xf32, #tpu.memory_space<vmem>>
      %dma_start3A_246 = tpu.memref_squeeze %dma_start3A_245 : memref<1x128x32xf32, #tpu.memory_space<vmem>> -> memref<128x32xf32, #tpu.memory_space<vmem>>
      %dma_start3A_247 = arith.constant 0 : i32
      %dma_start3A_248 = tpu.memref_slice %arg6[%add3A_231, %dma_start3A_247] : memref<79x128xi32, #tpu.memory_space<vmem>> -> memref<1x128xi32, #tpu.memory_space<vmem>>
      %dma_start3A_249 = tpu.memref_squeeze %dma_start3A_248 : memref<1x128xi32, #tpu.memory_space<vmem>> -> memref<128xi32, #tpu.memory_space<vmem>>
      %dma_start3A_250 = arith.constant 0 : i32
      %dma_start3A_251 = arith.constant 0 : i32
      %dma_start3A_252 = tpu.memref_slice %arg9[%dma_start3A_250, %dma_start3A_251] : memref<10000x32xf32, #tpu.memory_space<vmem_shared>> -> memref<10000x32xf32, #tpu.memory_space<vmem_shared>>
      tpu.enqueue_indirect_dma source(%dma_start3A_246 : memref<128x32xf32, #tpu.memory_space<vmem>>) target(%dma_start3A_252 : memref<10000x32xf32, #tpu.memory_space<vmem_shared>>) offsets(%dma_start3A_249 : memref<128xi32, #tpu.memory_space<vmem>>) semaphore(%arg11 : memref<!tpu.dma_semaphore, #tpu.memory_space<semaphore_mem>>) {add = true}
      %mul3A_253 = arith.constant 13 : i32
      %mul3A_254 = arith.muli %scan3A_32, %mul3A_253 : i32
      %add3A_255 = arith.constant 1 : i32
      %add3A_256 = arith.addi %mul3A_254, %add3A_255 : i32
      %dma_wait3A_257 = arith.constant 1 : i32
      %dma_wait3A_258 = arith.constant 0 : i32
      %dma_wait3A_259 = arith.constant 0 : i32
      %dma_wait3A_260 = tpu.memref_slice %arg7[%dma_wait3A_257, %dma_wait3A_258, %dma_wait3A_259] : memref<13x128x32xf32, #tpu.memory_space<vmem>> -> memref<1x128x32xf32, #tpu.memory_space<vmem>>
      %dma_wait3A_261 = tpu.memref_squeeze %dma_wait3A_260 : memref<1x128x32xf32, #tpu.memory_space<vmem>> -> memref<128x32xf32, #tpu.memory_space<vmem>>
      %dma_wait3A_262 = arith.constant 0 : i32
      %dma_wait3A_263 = tpu.memref_slice %arg5[%add3A_51, %dma_wait3A_262] : memref<79x128xi32, #tpu.memory_space<vmem>> -> memref<1x128xi32, #tpu.memory_space<vmem>>
      %dma_wait3A_264 = tpu.memref_squeeze %dma_wait3A_263 : memref<1x128xi32, #tpu.memory_space<vmem>> -> memref<128xi32, #tpu.memory_space<vmem>>
      %dma_wait3A_265 = arith.constant 0 : i32
      %dma_wait3A_266 = arith.constant 0 : i32
      %dma_wait3A_267 = tpu.memref_slice %arg2[%dma_wait3A_265, %dma_wait3A_266] : memref<10000x32xf32, #tpu.memory_space<hbm>> -> memref<10000x32xf32, #tpu.memory_space<hbm>>
      tpu.wait_indirect_dma semaphore(%arg10 : memref<!tpu.dma_semaphore, #tpu.memory_space<semaphore_mem>>) src(%dma_wait3A_267 : memref<10000x32xf32, #tpu.memory_space<hbm>>) dst(%dma_wait3A_261 : memref<128x32xf32, #tpu.memory_space<vmem>>)
      %dma_start3A_268 = arith.constant 1 : i32
      %dma_start3A_269 = arith.constant 0 : i32
      %dma_start3A_270 = arith.constant 0 : i32
      %dma_start3A_271 = tpu.memref_slice %arg7[%dma_start3A_268, %dma_start3A_269, %dma_start3A_270] : memref<13x128x32xf32, #tpu.memory_space<vmem>> -> memref<1x128x32xf32, #tpu.memory_space<vmem>>
      %dma_start3A_272 = tpu.memref_squeeze %dma_start3A_271 : memref<1x128x32xf32, #tpu.memory_space<vmem>> -> memref<128x32xf32, #tpu.memory_space<vmem>>
      %dma_start3A_273 = arith.constant 0 : i32
      %dma_start3A_274 = tpu.memref_slice %arg6[%add3A_256, %dma_start3A_273] : memref<79x128xi32, #tpu.memory_space<vmem>> -> memref<1x128xi32, #tpu.memory_space<vmem>>
      %dma_start3A_275 = tpu.memref_squeeze %dma_start3A_274 : memref<1x128xi32, #tpu.memory_space<vmem>> -> memref<128xi32, #tpu.memory_space<vmem>>
      %dma_start3A_276 = arith.constant 0 : i32
      %dma_start3A_277 = arith.constant 0 : i32
      %dma_start3A_278 = tpu.memref_slice %arg9[%dma_start3A_276, %dma_start3A_277] : memref<10000x32xf32, #tpu.memory_space<vmem_shared>> -> memref<10000x32xf32, #tpu.memory_space<vmem_shared>>
      tpu.enqueue_indirect_dma source(%dma_start3A_272 : memref<128x32xf32, #tpu.memory_space<vmem>>) target(%dma_start3A_278 : memref<10000x32xf32, #tpu.memory_space<vmem_shared>>) offsets(%dma_start3A_275 : memref<128xi32, #tpu.memory_space<vmem>>) semaphore(%arg11 : memref<!tpu.dma_semaphore, #tpu.memory_space<semaphore_mem>>) {add = true}
      %mul3A_279 = arith.constant 13 : i32
      %mul3A_280 = arith.muli %scan3A_32, %mul3A_279 : i32
      %add3A_281 = arith.constant 2 : i32
      %add3A_282 = arith.addi %mul3A_280, %add3A_281 : i32
      %dma_wait3A_283 = arith.constant 2 : i32
      %dma_wait3A_284 = arith.constant 0 : i32
      %dma_wait3A_285 = arith.constant 0 : i32
      %dma_wait3A_286 = tpu.memref_slice %arg7[%dma_wait3A_283, %dma_wait3A_284, %dma_wait3A_285] : memref<13x128x32xf32, #tpu.memory_space<vmem>> -> memref<1x128x32xf32, #tpu.memory_space<vmem>>
      %dma_wait3A_287 = tpu.memref_squeeze %dma_wait3A_286 : memref<1x128x32xf32, #tpu.memory_space<vmem>> -> memref<128x32xf32, #tpu.memory_space<vmem>>
      %dma_wait3A_288 = arith.constant 0 : i32
      %dma_wait3A_289 = tpu.memref_slice %arg5[%add3A_66, %dma_wait3A_288] : memref<79x128xi32, #tpu.memory_space<vmem>> -> memref<1x128xi32, #tpu.memory_space<vmem>>
      %dma_wait3A_290 = tpu.memref_squeeze %dma_wait3A_289 : memref<1x128xi32, #tpu.memory_space<vmem>> -> memref<128xi32, #tpu.memory_space<vmem>>
      %dma_wait3A_291 = arith.constant 0 : i32
      %dma_wait3A_292 = arith.constant 0 : i32
      %dma_wait3A_293 = tpu.memref_slice %arg2[%dma_wait3A_291, %dma_wait3A_292] : memref<10000x32xf32, #tpu.memory_space<hbm>> -> memref<10000x32xf32, #tpu.memory_space<hbm>>
      tpu.wait_indirect_dma semaphore(%arg10 : memref<!tpu.dma_semaphore, #tpu.memory_space<semaphore_mem>>) src(%dma_wait3A_293 : memref<10000x32xf32, #tpu.memory_space<hbm>>) dst(%dma_wait3A_287 : memref<128x32xf32, #tpu.memory_space<vmem>>)
      %dma_start3A_294 = arith.constant 2 : i32
      %dma_start3A_295 = arith.constant 0 : i32
      %dma_start3A_296 = arith.constant 0 : i32
      %dma_start3A_297 = tpu.memref_slice %arg7[%dma_start3A_294, %dma_start3A_295, %dma_start3A_296] : memref<13x128x32xf32, #tpu.memory_space<vmem>> -> memref<1x128x32xf32, #tpu.memory_space<vmem>>
      %dma_start3A_298 = tpu.memref_squeeze %dma_start3A_297 : memref<1x128x32xf32, #tpu.memory_space<vmem>> -> memref<128x32xf32, #tpu.memory_space<vmem>>
      %dma_start3A_299 = arith.constant 0 : i32
      %dma_start3A_300 = tpu.memref_slice %arg6[%add3A_282, %dma_start3A_299] : memref<79x128xi32, #tpu.memory_space<vmem>> -> memref<1x128xi32, #tpu.memory_space<vmem>>
      %dma_start3A_301 = tpu.memref_squeeze %dma_start3A_300 : memref<1x128xi32, #tpu.memory_space<vmem>> -> memref<128xi32, #tpu.memory_space<vmem>>
      %dma_start3A_302 = arith.constant 0 : i32
      %dma_start3A_303 = arith.constant 0 : i32
      %dma_start3A_304 = tpu.memref_slice %arg9[%dma_start3A_302, %dma_start3A_303] : memref<10000x32xf32, #tpu.memory_space<vmem_shared>> -> memref<10000x32xf32, #tpu.memory_space<vmem_shared>>
      tpu.enqueue_indirect_dma source(%dma_start3A_298 : memref<128x32xf32, #tpu.memory_space<vmem>>) target(%dma_start3A_304 : memref<10000x32xf32, #tpu.memory_space<vmem_shared>>) offsets(%dma_start3A_301 : memref<128xi32, #tpu.memory_space<vmem>>) semaphore(%arg11 : memref<!tpu.dma_semaphore, #tpu.memory_space<semaphore_mem>>) {add = true}
      %mul3A_305 = arith.constant 13 : i32
      %mul3A_306 = arith.muli %scan3A_32, %mul3A_305 : i32
      %add3A_307 = arith.constant 3 : i32
      %add3A_308 = arith.addi %mul3A_306, %add3A_307 : i32
      %dma_wait3A_309 = arith.constant 3 : i32
      %dma_wait3A_310 = arith.constant 0 : i32
      %dma_wait3A_311 = arith.constant 0 : i32
      %dma_wait3A_312 = tpu.memref_slice %arg7[%dma_wait3A_309, %dma_wait3A_310, %dma_wait3A_311] : memref<13x128x32xf32, #tpu.memory_space<vmem>> -> memref<1x128x32xf32, #tpu.memory_space<vmem>>
      %dma_wait3A_313 = tpu.memref_squeeze %dma_wait3A_312 : memref<1x128x32xf32, #tpu.memory_space<vmem>> -> memref<128x32xf32, #tpu.memory_space<vmem>>
      %dma_wait3A_314 = arith.constant 0 : i32
      %dma_wait3A_315 = tpu.memref_slice %arg5[%add3A_81, %dma_wait3A_314] : memref<79x128xi32, #tpu.memory_space<vmem>> -> memref<1x128xi32, #tpu.memory_space<vmem>>
      %dma_wait3A_316 = tpu.memref_squeeze %dma_wait3A_315 : memref<1x128xi32, #tpu.memory_space<vmem>> -> memref<128xi32, #tpu.memory_space<vmem>>
      %dma_wait3A_317 = arith.constant 0 : i32
      %dma_wait3A_318 = arith.constant 0 : i32
      %dma_wait3A_319 = tpu.memref_slice %arg2[%dma_wait3A_317, %dma_wait3A_318] : memref<10000x32xf32, #tpu.memory_space<hbm>> -> memref<10000x32xf32, #tpu.memory_space<hbm>>
      tpu.wait_indirect_dma semaphore(%arg10 : memref<!tpu.dma_semaphore, #tpu.memory_space<semaphore_mem>>) src(%dma_wait3A_319 : memref<10000x32xf32, #tpu.memory_space<hbm>>) dst(%dma_wait3A_313 : memref<128x32xf32, #tpu.memory_space<vmem>>)
      %dma_start3A_320 = arith.constant 3 : i32
      %dma_start3A_321 = arith.constant 0 : i32
      %dma_start3A_322 = arith.constant 0 : i32
      %dma_start3A_323 = tpu.memref_slice %arg7[%dma_start3A_320, %dma_start3A_321, %dma_start3A_322] : memref<13x128x32xf32, #tpu.memory_space<vmem>> -> memref<1x128x32xf32, #tpu.memory_space<vmem>>
      %dma_start3A_324 = tpu.memref_squeeze %dma_start3A_323 : memref<1x128x32xf32, #tpu.memory_space<vmem>> -> memref<128x32xf32, #tpu.memory_space<vmem>>
      %dma_start3A_325 = arith.constant 0 : i32
      %dma_start3A_326 = tpu.memref_slice %arg6[%add3A_308, %dma_start3A_325] : memref<79x128xi32, #tpu.memory_space<vmem>> -> memref<1x128xi32, #tpu.memory_space<vmem>>
      %dma_start3A_327 = tpu.memref_squeeze %dma_start3A_326 : memref<1x128xi32, #tpu.memory_space<vmem>> -> memref<128xi32, #tpu.memory_space<vmem>>
      %dma_start3A_328 = arith.constant 0 : i32
      %dma_start3A_329 = arith.constant 0 : i32
      %dma_start3A_330 = tpu.memref_slice %arg9[%dma_start3A_328, %dma_start3A_329] : memref<10000x32xf32, #tpu.memory_space<vmem_shared>> -> memref<10000x32xf32, #tpu.memory_space<vmem_shared>>
      tpu.enqueue_indirect_dma source(%dma_start3A_324 : memref<128x32xf32, #tpu.memory_space<vmem>>) target(%dma_start3A_330 : memref<10000x32xf32, #tpu.memory_space<vmem_shared>>) offsets(%dma_start3A_327 : memref<128xi32, #tpu.memory_space<vmem>>) semaphore(%arg11 : memref<!tpu.dma_semaphore, #tpu.memory_space<semaphore_mem>>) {add = true}
      %mul3A_331 = arith.constant 13 : i32
      %mul3A_332 = arith.muli %scan3A_32, %mul3A_331 : i32
      %add3A_333 = arith.constant 4 : i32
      %add3A_334 = arith.addi %mul3A_332, %add3A_333 : i32
      %dma_wait3A_335 = arith.constant 4 : i32
      %dma_wait3A_336 = arith.constant 0 : i32
      %dma_wait3A_337 = arith.constant 0 : i32
      %dma_wait3A_338 = tpu.memref_slice %arg7[%dma_wait3A_335, %dma_wait3A_336, %dma_wait3A_337] : memref<13x128x32xf32, #tpu.memory_space<vmem>> -> memref<1x128x32xf32, #tpu.memory_space<vmem>>
      %dma_wait3A_339 = tpu.memref_squeeze %dma_wait3A_338 : memref<1x128x32xf32, #tpu.memory_space<vmem>> -> memref<128x32xf32, #tpu.memory_space<vmem>>
      %dma_wait3A_340 = arith.constant 0 : i32
      %dma_wait3A_341 = tpu.memref_slice %arg5[%add3A_96, %dma_wait3A_340] : memref<79x128xi32, #tpu.memory_space<vmem>> -> memref<1x128xi32, #tpu.memory_space<vmem>>
      %dma_wait3A_342 = tpu.memref_squeeze %dma_wait3A_341 : memref<1x128xi32, #tpu.memory_space<vmem>> -> memref<128xi32, #tpu.memory_space<vmem>>
      %dma_wait3A_343 = arith.constant 0 : i32
      %dma_wait3A_344 = arith.constant 0 : i32
      %dma_wait3A_345 = tpu.memref_slice %arg2[%dma_wait3A_343, %dma_wait3A_344] : memref<10000x32xf32, #tpu.memory_space<hbm>> -> memref<10000x32xf32, #tpu.memory_space<hbm>>
      tpu.wait_indirect_dma semaphore(%arg10 : memref<!tpu.dma_semaphore, #tpu.memory_space<semaphore_mem>>) src(%dma_wait3A_345 : memref<10000x32xf32, #tpu.memory_space<hbm>>) dst(%dma_wait3A_339 : memref<128x32xf32, #tpu.memory_space<vmem>>)
      %dma_start3A_346 = arith.constant 4 : i32
      %dma_start3A_347 = arith.constant 0 : i32
      %dma_start3A_348 = arith.constant 0 : i32
      %dma_start3A_349 = tpu.memref_slice %arg7[%dma_start3A_346, %dma_start3A_347, %dma_start3A_348] : memref<13x128x32xf32, #tpu.memory_space<vmem>> -> memref<1x128x32xf32, #tpu.memory_space<vmem>>
      %dma_start3A_350 = tpu.memref_squeeze %dma_start3A_349 : memref<1x128x32xf32, #tpu.memory_space<vmem>> -> memref<128x32xf32, #tpu.memory_space<vmem>>
      %dma_start3A_351 = arith.constant 0 : i32
      %dma_start3A_352 = tpu.memref_slice %arg6[%add3A_334, %dma_start3A_351] : memref<79x128xi32, #tpu.memory_space<vmem>> -> memref<1x128xi32, #tpu.memory_space<vmem>>
      %dma_start3A_353 = tpu.memref_squeeze %dma_start3A_352 : memref<1x128xi32, #tpu.memory_space<vmem>> -> memref<128xi32, #tpu.memory_space<vmem>>
      %dma_start3A_354 = arith.constant 0 : i32
      %dma_start3A_355 = arith.constant 0 : i32
      %dma_start3A_356 = tpu.memref_slice %arg9[%dma_start3A_354, %dma_start3A_355] : memref<10000x32xf32, #tpu.memory_space<vmem_shared>> -> memref<10000x32xf32, #tpu.memory_space<vmem_shared>>
      tpu.enqueue_indirect_dma source(%dma_start3A_350 : memref<128x32xf32, #tpu.memory_space<vmem>>) target(%dma_start3A_356 : memref<10000x32xf32, #tpu.memory_space<vmem_shared>>) offsets(%dma_start3A_353 : memref<128xi32, #tpu.memory_space<vmem>>) semaphore(%arg11 : memref<!tpu.dma_semaphore, #tpu.memory_space<semaphore_mem>>) {add = true}
      %mul3A_357 = arith.constant 13 : i32
      %mul3A_358 = arith.muli %scan3A_32, %mul3A_357 : i32
      %add3A_359 = arith.constant 5 : i32
      %add3A_360 = arith.addi %mul3A_358, %add3A_359 : i32
      %dma_wait3A_361 = arith.constant 5 : i32
      %dma_wait3A_362 = arith.constant 0 : i32
      %dma_wait3A_363 = arith.constant 0 : i32
      %dma_wait3A_364 = tpu.memref_slice %arg7[%dma_wait3A_361, %dma_wait3A_362, %dma_wait3A_363] : memref<13x128x32xf32, #tpu.memory_space<vmem>> -> memref<1x128x32xf32, #tpu.memory_space<vmem>>
      %dma_wait3A_365 = tpu.memref_squeeze %dma_wait3A_364 : memref<1x128x32xf32, #tpu.memory_space<vmem>> -> memref<128x32xf32, #tpu.memory_space<vmem>>
      %dma_wait3A_366 = arith.constant 0 : i32
      %dma_wait3A_367 = tpu.memref_slice %arg5[%add3A_111, %dma_wait3A_366] : memref<79x128xi32, #tpu.memory_space<vmem>> -> memref<1x128xi32, #tpu.memory_space<vmem>>
      %dma_wait3A_368 = tpu.memref_squeeze %dma_wait3A_367 : memref<1x128xi32, #tpu.memory_space<vmem>> -> memref<128xi32, #tpu.memory_space<vmem>>
      %dma_wait3A_369 = arith.constant 0 : i32
      %dma_wait3A_370 = arith.constant 0 : i32
      %dma_wait3A_371 = tpu.memref_slice %arg2[%dma_wait3A_369, %dma_wait3A_370] : memref<10000x32xf32, #tpu.memory_space<hbm>> -> memref<10000x32xf32, #tpu.memory_space<hbm>>
      tpu.wait_indirect_dma semaphore(%arg10 : memref<!tpu.dma_semaphore, #tpu.memory_space<semaphore_mem>>) src(%dma_wait3A_371 : memref<10000x32xf32, #tpu.memory_space<hbm>>) dst(%dma_wait3A_365 : memref<128x32xf32, #tpu.memory_space<vmem>>)
      %dma_start3A_372 = arith.constant 5 : i32
      %dma_start3A_373 = arith.constant 0 : i32
      %dma_start3A_374 = arith.constant 0 : i32
      %dma_start3A_375 = tpu.memref_slice %arg7[%dma_start3A_372, %dma_start3A_373, %dma_start3A_374] : memref<13x128x32xf32, #tpu.memory_space<vmem>> -> memref<1x128x32xf32, #tpu.memory_space<vmem>>
      %dma_start3A_376 = tpu.memref_squeeze %dma_start3A_375 : memref<1x128x32xf32, #tpu.memory_space<vmem>> -> memref<128x32xf32, #tpu.memory_space<vmem>>
      %dma_start3A_377 = arith.constant 0 : i32
      %dma_start3A_378 = tpu.memref_slice %arg6[%add3A_360, %dma_start3A_377] : memref<79x128xi32, #tpu.memory_space<vmem>> -> memref<1x128xi32, #tpu.memory_space<vmem>>
      %dma_start3A_379 = tpu.memref_squeeze %dma_start3A_378 : memref<1x128xi32, #tpu.memory_space<vmem>> -> memref<128xi32, #tpu.memory_space<vmem>>
      %dma_start3A_380 = arith.constant 0 : i32
      %dma_start3A_381 = arith.constant 0 : i32
      %dma_start3A_382 = tpu.memref_slice %arg9[%dma_start3A_380, %dma_start3A_381] : memref<10000x32xf32, #tpu.memory_space<vmem_shared>> -> memref<10000x32xf32, #tpu.memory_space<vmem_shared>>
      tpu.enqueue_indirect_dma source(%dma_start3A_376 : memref<128x32xf32, #tpu.memory_space<vmem>>) target(%dma_start3A_382 : memref<10000x32xf32, #tpu.memory_space<vmem_shared>>) offsets(%dma_start3A_379 : memref<128xi32, #tpu.memory_space<vmem>>) semaphore(%arg11 : memref<!tpu.dma_semaphore, #tpu.memory_space<semaphore_mem>>) {add = true}
      %mul3A_383 = arith.constant 13 : i32
      %mul3A_384 = arith.muli %scan3A_32, %mul3A_383 : i32
      %add3A_385 = arith.constant 6 : i32
      %add3A_386 = arith.addi %mul3A_384, %add3A_385 : i32
      %dma_wait3A_387 = arith.constant 6 : i32
      %dma_wait3A_388 = arith.constant 0 : i32
      %dma_wait3A_389 = arith.constant 0 : i32
      %dma_wait3A_390 = tpu.memref_slice %arg7[%dma_wait3A_387, %dma_wait3A_388, %dma_wait3A_389] : memref<13x128x32xf32, #tpu.memory_space<vmem>> -> memref<1x128x32xf32, #tpu.memory_space<vmem>>
      %dma_wait3A_391 = tpu.memref_squeeze %dma_wait3A_390 : memref<1x128x32xf32, #tpu.memory_space<vmem>> -> memref<128x32xf32, #tpu.memory_space<vmem>>
      %dma_wait3A_392 = arith.constant 0 : i32
      %dma_wait3A_393 = tpu.memref_slice %arg5[%add3A_126, %dma_wait3A_392] : memref<79x128xi32, #tpu.memory_space<vmem>> -> memref<1x128xi32, #tpu.memory_space<vmem>>
      %dma_wait3A_394 = tpu.memref_squeeze %dma_wait3A_393 : memref<1x128xi32, #tpu.memory_space<vmem>> -> memref<128xi32, #tpu.memory_space<vmem>>
      %dma_wait3A_395 = arith.constant 0 : i32
      %dma_wait3A_396 = arith.constant 0 : i32
      %dma_wait3A_397 = tpu.memref_slice %arg2[%dma_wait3A_395, %dma_wait3A_396] : memref<10000x32xf32, #tpu.memory_space<hbm>> -> memref<10000x32xf32, #tpu.memory_space<hbm>>
      tpu.wait_indirect_dma semaphore(%arg10 : memref<!tpu.dma_semaphore, #tpu.memory_space<semaphore_mem>>) src(%dma_wait3A_397 : memref<10000x32xf32, #tpu.memory_space<hbm>>) dst(%dma_wait3A_391 : memref<128x32xf32, #tpu.memory_space<vmem>>)
      %dma_start3A_398 = arith.constant 6 : i32
      %dma_start3A_399 = arith.constant 0 : i32
      %dma_start3A_400 = arith.constant 0 : i32
      %dma_start3A_401 = tpu.memref_slice %arg7[%dma_start3A_398, %dma_start3A_399, %dma_start3A_400] : memref<13x128x32xf32, #tpu.memory_space<vmem>> -> memref<1x128x32xf32, #tpu.memory_space<vmem>>
      %dma_start3A_402 = tpu.memref_squeeze %dma_start3A_401 : memref<1x128x32xf32, #tpu.memory_space<vmem>> -> memref<128x32xf32, #tpu.memory_space<vmem>>
      %dma_start3A_403 = arith.constant 0 : i32
      %dma_start3A_404 = tpu.memref_slice %arg6[%add3A_386, %dma_start3A_403] : memref<79x128xi32, #tpu.memory_space<vmem>> -> memref<1x128xi32, #tpu.memory_space<vmem>>
      %dma_start3A_405 = tpu.memref_squeeze %dma_start3A_404 : memref<1x128xi32, #tpu.memory_space<vmem>> -> memref<128xi32, #tpu.memory_space<vmem>>
      %dma_start3A_406 = arith.constant 0 : i32
      %dma_start3A_407 = arith.constant 0 : i32
      %dma_start3A_408 = tpu.memref_slice %arg9[%dma_start3A_406, %dma_start3A_407] : memref<10000x32xf32, #tpu.memory_space<vmem_shared>> -> memref<10000x32xf32, #tpu.memory_space<vmem_shared>>
      tpu.enqueue_indirect_dma source(%dma_start3A_402 : memref<128x32xf32, #tpu.memory_space<vmem>>) target(%dma_start3A_408 : memref<10000x32xf32, #tpu.memory_space<vmem_shared>>) offsets(%dma_start3A_405 : memref<128xi32, #tpu.memory_space<vmem>>) semaphore(%arg11 : memref<!tpu.dma_semaphore, #tpu.memory_space<semaphore_mem>>) {add = true}
      %mul3A_409 = arith.constant 13 : i32
      %mul3A_410 = arith.muli %scan3A_32, %mul3A_409 : i32
      %add3A_411 = arith.constant 7 : i32
      %add3A_412 = arith.addi %mul3A_410, %add3A_411 : i32
      %dma_wait3A_413 = arith.constant 7 : i32
      %dma_wait3A_414 = arith.constant 0 : i32
      %dma_wait3A_415 = arith.constant 0 : i32
      %dma_wait3A_416 = tpu.memref_slice %arg7[%dma_wait3A_413, %dma_wait3A_414, %dma_wait3A_415] : memref<13x128x32xf32, #tpu.memory_space<vmem>> -> memref<1x128x32xf32, #tpu.memory_space<vmem>>
      %dma_wait3A_417 = tpu.memref_squeeze %dma_wait3A_416 : memref<1x128x32xf32, #tpu.memory_space<vmem>> -> memref<128x32xf32, #tpu.memory_space<vmem>>
      %dma_wait3A_418 = arith.constant 0 : i32
      %dma_wait3A_419 = tpu.memref_slice %arg5[%add3A_141, %dma_wait3A_418] : memref<79x128xi32, #tpu.memory_space<vmem>> -> memref<1x128xi32, #tpu.memory_space<vmem>>
      %dma_wait3A_420 = tpu.memref_squeeze %dma_wait3A_419 : memref<1x128xi32, #tpu.memory_space<vmem>> -> memref<128xi32, #tpu.memory_space<vmem>>
      %dma_wait3A_421 = arith.constant 0 : i32
      %dma_wait3A_422 = arith.constant 0 : i32
      %dma_wait3A_423 = tpu.memref_slice %arg2[%dma_wait3A_421, %dma_wait3A_422] : memref<10000x32xf32, #tpu.memory_space<hbm>> -> memref<10000x32xf32, #tpu.memory_space<hbm>>
      tpu.wait_indirect_dma semaphore(%arg10 : memref<!tpu.dma_semaphore, #tpu.memory_space<semaphore_mem>>) src(%dma_wait3A_423 : memref<10000x32xf32, #tpu.memory_space<hbm>>) dst(%dma_wait3A_417 : memref<128x32xf32, #tpu.memory_space<vmem>>)
      %dma_start3A_424 = arith.constant 7 : i32
      %dma_start3A_425 = arith.constant 0 : i32
      %dma_start3A_426 = arith.constant 0 : i32
      %dma_start3A_427 = tpu.memref_slice %arg7[%dma_start3A_424, %dma_start3A_425, %dma_start3A_426] : memref<13x128x32xf32, #tpu.memory_space<vmem>> -> memref<1x128x32xf32, #tpu.memory_space<vmem>>
      %dma_start3A_428 = tpu.memref_squeeze %dma_start3A_427 : memref<1x128x32xf32, #tpu.memory_space<vmem>> -> memref<128x32xf32, #tpu.memory_space<vmem>>
      %dma_start3A_429 = arith.constant 0 : i32
      %dma_start3A_430 = tpu.memref_slice %arg6[%add3A_412, %dma_start3A_429] : memref<79x128xi32, #tpu.memory_space<vmem>> -> memref<1x128xi32, #tpu.memory_space<vmem>>
      %dma_start3A_431 = tpu.memref_squeeze %dma_start3A_430 : memref<1x128xi32, #tpu.memory_space<vmem>> -> memref<128xi32, #tpu.memory_space<vmem>>
      %dma_start3A_432 = arith.constant 0 : i32
      %dma_start3A_433 = arith.constant 0 : i32
      %dma_start3A_434 = tpu.memref_slice %arg9[%dma_start3A_432, %dma_start3A_433] : memref<10000x32xf32, #tpu.memory_space<vmem_shared>> -> memref<10000x32xf32, #tpu.memory_space<vmem_shared>>
      tpu.enqueue_indirect_dma source(%dma_start3A_428 : memref<128x32xf32, #tpu.memory_space<vmem>>) target(%dma_start3A_434 : memref<10000x32xf32, #tpu.memory_space<vmem_shared>>) offsets(%dma_start3A_431 : memref<128xi32, #tpu.memory_space<vmem>>) semaphore(%arg11 : memref<!tpu.dma_semaphore, #tpu.memory_space<semaphore_mem>>) {add = true}
      %mul3A_435 = arith.constant 13 : i32
      %mul3A_436 = arith.muli %scan3A_32, %mul3A_435 : i32
      %add3A_437 = arith.constant 8 : i32
      %add3A_438 = arith.addi %mul3A_436, %add3A_437 : i32
      %dma_wait3A_439 = arith.constant 8 : i32
      %dma_wait3A_440 = arith.constant 0 : i32
      %dma_wait3A_441 = arith.constant 0 : i32
      %dma_wait3A_442 = tpu.memref_slice %arg7[%dma_wait3A_439, %dma_wait3A_440, %dma_wait3A_441] : memref<13x128x32xf32, #tpu.memory_space<vmem>> -> memref<1x128x32xf32, #tpu.memory_space<vmem>>
      %dma_wait3A_443 = tpu.memref_squeeze %dma_wait3A_442 : memref<1x128x32xf32, #tpu.memory_space<vmem>> -> memref<128x32xf32, #tpu.memory_space<vmem>>
      %dma_wait3A_444 = arith.constant 0 : i32
      %dma_wait3A_445 = tpu.memref_slice %arg5[%add3A_156, %dma_wait3A_444] : memref<79x128xi32, #tpu.memory_space<vmem>> -> memref<1x128xi32, #tpu.memory_space<vmem>>
      %dma_wait3A_446 = tpu.memref_squeeze %dma_wait3A_445 : memref<1x128xi32, #tpu.memory_space<vmem>> -> memref<128xi32, #tpu.memory_space<vmem>>
      %dma_wait3A_447 = arith.constant 0 : i32
      %dma_wait3A_448 = arith.constant 0 : i32
      %dma_wait3A_449 = tpu.memref_slice %arg2[%dma_wait3A_447, %dma_wait3A_448] : memref<10000x32xf32, #tpu.memory_space<hbm>> -> memref<10000x32xf32, #tpu.memory_space<hbm>>
      tpu.wait_indirect_dma semaphore(%arg10 : memref<!tpu.dma_semaphore, #tpu.memory_space<semaphore_mem>>) src(%dma_wait3A_449 : memref<10000x32xf32, #tpu.memory_space<hbm>>) dst(%dma_wait3A_443 : memref<128x32xf32, #tpu.memory_space<vmem>>)
      %dma_start3A_450 = arith.constant 8 : i32
      %dma_start3A_451 = arith.constant 0 : i32
      %dma_start3A_452 = arith.constant 0 : i32
      %dma_start3A_453 = tpu.memref_slice %arg7[%dma_start3A_450, %dma_start3A_451, %dma_start3A_452] : memref<13x128x32xf32, #tpu.memory_space<vmem>> -> memref<1x128x32xf32, #tpu.memory_space<vmem>>
      %dma_start3A_454 = tpu.memref_squeeze %dma_start3A_453 : memref<1x128x32xf32, #tpu.memory_space<vmem>> -> memref<128x32xf32, #tpu.memory_space<vmem>>
      %dma_start3A_455 = arith.constant 0 : i32
      %dma_start3A_456 = tpu.memref_slice %arg6[%add3A_438, %dma_start3A_455] : memref<79x128xi32, #tpu.memory_space<vmem>> -> memref<1x128xi32, #tpu.memory_space<vmem>>
      %dma_start3A_457 = tpu.memref_squeeze %dma_start3A_456 : memref<1x128xi32, #tpu.memory_space<vmem>> -> memref<128xi32, #tpu.memory_space<vmem>>
      %dma_start3A_458 = arith.constant 0 : i32
      %dma_start3A_459 = arith.constant 0 : i32
      %dma_start3A_460 = tpu.memref_slice %arg9[%dma_start3A_458, %dma_start3A_459] : memref<10000x32xf32, #tpu.memory_space<vmem_shared>> -> memref<10000x32xf32, #tpu.memory_space<vmem_shared>>
      tpu.enqueue_indirect_dma source(%dma_start3A_454 : memref<128x32xf32, #tpu.memory_space<vmem>>) target(%dma_start3A_460 : memref<10000x32xf32, #tpu.memory_space<vmem_shared>>) offsets(%dma_start3A_457 : memref<128xi32, #tpu.memory_space<vmem>>) semaphore(%arg11 : memref<!tpu.dma_semaphore, #tpu.memory_space<semaphore_mem>>) {add = true}
      %mul3A_461 = arith.constant 13 : i32
      %mul3A_462 = arith.muli %scan3A_32, %mul3A_461 : i32
      %add3A_463 = arith.constant 9 : i32
      %add3A_464 = arith.addi %mul3A_462, %add3A_463 : i32
      %dma_wait3A_465 = arith.constant 9 : i32
      %dma_wait3A_466 = arith.constant 0 : i32
      %dma_wait3A_467 = arith.constant 0 : i32
      %dma_wait3A_468 = tpu.memref_slice %arg7[%dma_wait3A_465, %dma_wait3A_466, %dma_wait3A_467] : memref<13x128x32xf32, #tpu.memory_space<vmem>> -> memref<1x128x32xf32, #tpu.memory_space<vmem>>
      %dma_wait3A_469 = tpu.memref_squeeze %dma_wait3A_468 : memref<1x128x32xf32, #tpu.memory_space<vmem>> -> memref<128x32xf32, #tpu.memory_space<vmem>>
      %dma_wait3A_470 = arith.constant 0 : i32
      %dma_wait3A_471 = tpu.memref_slice %arg5[%add3A_171, %dma_wait3A_470] : memref<79x128xi32, #tpu.memory_space<vmem>> -> memref<1x128xi32, #tpu.memory_space<vmem>>
      %dma_wait3A_472 = tpu.memref_squeeze %dma_wait3A_471 : memref<1x128xi32, #tpu.memory_space<vmem>> -> memref<128xi32, #tpu.memory_space<vmem>>
      %dma_wait3A_473 = arith.constant 0 : i32
      %dma_wait3A_474 = arith.constant 0 : i32
      %dma_wait3A_475 = tpu.memref_slice %arg2[%dma_wait3A_473, %dma_wait3A_474] : memref<10000x32xf32, #tpu.memory_space<hbm>> -> memref<10000x32xf32, #tpu.memory_space<hbm>>
      tpu.wait_indirect_dma semaphore(%arg10 : memref<!tpu.dma_semaphore, #tpu.memory_space<semaphore_mem>>) src(%dma_wait3A_475 : memref<10000x32xf32, #tpu.memory_space<hbm>>) dst(%dma_wait3A_469 : memref<128x32xf32, #tpu.memory_space<vmem>>)
      %dma_start3A_476 = arith.constant 9 : i32
      %dma_start3A_477 = arith.constant 0 : i32
      %dma_start3A_478 = arith.constant 0 : i32
      %dma_start3A_479 = tpu.memref_slice %arg7[%dma_start3A_476, %dma_start3A_477, %dma_start3A_478] : memref<13x128x32xf32, #tpu.memory_space<vmem>> -> memref<1x128x32xf32, #tpu.memory_space<vmem>>
      %dma_start3A_480 = tpu.memref_squeeze %dma_start3A_479 : memref<1x128x32xf32, #tpu.memory_space<vmem>> -> memref<128x32xf32, #tpu.memory_space<vmem>>
      %dma_start3A_481 = arith.constant 0 : i32
      %dma_start3A_482 = tpu.memref_slice %arg6[%add3A_464, %dma_start3A_481] : memref<79x128xi32, #tpu.memory_space<vmem>> -> memref<1x128xi32, #tpu.memory_space<vmem>>
      %dma_start3A_483 = tpu.memref_squeeze %dma_start3A_482 : memref<1x128xi32, #tpu.memory_space<vmem>> -> memref<128xi32, #tpu.memory_space<vmem>>
      %dma_start3A_484 = arith.constant 0 : i32
      %dma_start3A_485 = arith.constant 0 : i32
      %dma_start3A_486 = tpu.memref_slice %arg9[%dma_start3A_484, %dma_start3A_485] : memref<10000x32xf32, #tpu.memory_space<vmem_shared>> -> memref<10000x32xf32, #tpu.memory_space<vmem_shared>>
      tpu.enqueue_indirect_dma source(%dma_start3A_480 : memref<128x32xf32, #tpu.memory_space<vmem>>) target(%dma_start3A_486 : memref<10000x32xf32, #tpu.memory_space<vmem_shared>>) offsets(%dma_start3A_483 : memref<128xi32, #tpu.memory_space<vmem>>) semaphore(%arg11 : memref<!tpu.dma_semaphore, #tpu.memory_space<semaphore_mem>>) {add = true}
      %mul3A_487 = arith.constant 13 : i32
      %mul3A_488 = arith.muli %scan3A_32, %mul3A_487 : i32
      %add3A_489 = arith.constant 10 : i32
      %add3A_490 = arith.addi %mul3A_488, %add3A_489 : i32
      %dma_wait3A_491 = arith.constant 10 : i32
      %dma_wait3A_492 = arith.constant 0 : i32
      %dma_wait3A_493 = arith.constant 0 : i32
      %dma_wait3A_494 = tpu.memref_slice %arg7[%dma_wait3A_491, %dma_wait3A_492, %dma_wait3A_493] : memref<13x128x32xf32, #tpu.memory_space<vmem>> -> memref<1x128x32xf32, #tpu.memory_space<vmem>>
      %dma_wait3A_495 = tpu.memref_squeeze %dma_wait3A_494 : memref<1x128x32xf32, #tpu.memory_space<vmem>> -> memref<128x32xf32, #tpu.memory_space<vmem>>
      %dma_wait3A_496 = arith.constant 0 : i32
      %dma_wait3A_497 = tpu.memref_slice %arg5[%add3A_186, %dma_wait3A_496] : memref<79x128xi32, #tpu.memory_space<vmem>> -> memref<1x128xi32, #tpu.memory_space<vmem>>
      %dma_wait3A_498 = tpu.memref_squeeze %dma_wait3A_497 : memref<1x128xi32, #tpu.memory_space<vmem>> -> memref<128xi32, #tpu.memory_space<vmem>>
      %dma_wait3A_499 = arith.constant 0 : i32
      %dma_wait3A_500 = arith.constant 0 : i32
      %dma_wait3A_501 = tpu.memref_slice %arg2[%dma_wait3A_499, %dma_wait3A_500] : memref<10000x32xf32, #tpu.memory_space<hbm>> -> memref<10000x32xf32, #tpu.memory_space<hbm>>
      tpu.wait_indirect_dma semaphore(%arg10 : memref<!tpu.dma_semaphore, #tpu.memory_space<semaphore_mem>>) src(%dma_wait3A_501 : memref<10000x32xf32, #tpu.memory_space<hbm>>) dst(%dma_wait3A_495 : memref<128x32xf32, #tpu.memory_space<vmem>>)
      %dma_start3A_502 = arith.constant 10 : i32
      %dma_start3A_503 = arith.constant 0 : i32
      %dma_start3A_504 = arith.constant 0 : i32
      %dma_start3A_505 = tpu.memref_slice %arg7[%dma_start3A_502, %dma_start3A_503, %dma_start3A_504] : memref<13x128x32xf32, #tpu.memory_space<vmem>> -> memref<1x128x32xf32, #tpu.memory_space<vmem>>
      %dma_start3A_506 = tpu.memref_squeeze %dma_start3A_505 : memref<1x128x32xf32, #tpu.memory_space<vmem>> -> memref<128x32xf32, #tpu.memory_space<vmem>>
      %dma_start3A_507 = arith.constant 0 : i32
      %dma_start3A_508 = tpu.memref_slice %arg6[%add3A_490, %dma_start3A_507] : memref<79x128xi32, #tpu.memory_space<vmem>> -> memref<1x128xi32, #tpu.memory_space<vmem>>
      %dma_start3A_509 = tpu.memref_squeeze %dma_start3A_508 : memref<1x128xi32, #tpu.memory_space<vmem>> -> memref<128xi32, #tpu.memory_space<vmem>>
      %dma_start3A_510 = arith.constant 0 : i32
      %dma_start3A_511 = arith.constant 0 : i32
      %dma_start3A_512 = tpu.memref_slice %arg9[%dma_start3A_510, %dma_start3A_511] : memref<10000x32xf32, #tpu.memory_space<vmem_shared>> -> memref<10000x32xf32, #tpu.memory_space<vmem_shared>>
      tpu.enqueue_indirect_dma source(%dma_start3A_506 : memref<128x32xf32, #tpu.memory_space<vmem>>) target(%dma_start3A_512 : memref<10000x32xf32, #tpu.memory_space<vmem_shared>>) offsets(%dma_start3A_509 : memref<128xi32, #tpu.memory_space<vmem>>) semaphore(%arg11 : memref<!tpu.dma_semaphore, #tpu.memory_space<semaphore_mem>>) {add = true}
      %mul3A_513 = arith.constant 13 : i32
      %mul3A_514 = arith.muli %scan3A_32, %mul3A_513 : i32
      %add3A_515 = arith.constant 11 : i32
      %add3A_516 = arith.addi %mul3A_514, %add3A_515 : i32
      %dma_wait3A_517 = arith.constant 11 : i32
      %dma_wait3A_518 = arith.constant 0 : i32
      %dma_wait3A_519 = arith.constant 0 : i32
      %dma_wait3A_520 = tpu.memref_slice %arg7[%dma_wait3A_517, %dma_wait3A_518, %dma_wait3A_519] : memref<13x128x32xf32, #tpu.memory_space<vmem>> -> memref<1x128x32xf32, #tpu.memory_space<vmem>>
      %dma_wait3A_521 = tpu.memref_squeeze %dma_wait3A_520 : memref<1x128x32xf32, #tpu.memory_space<vmem>> -> memref<128x32xf32, #tpu.memory_space<vmem>>
      %dma_wait3A_522 = arith.constant 0 : i32
      %dma_wait3A_523 = tpu.memref_slice %arg5[%add3A_201, %dma_wait3A_522] : memref<79x128xi32, #tpu.memory_space<vmem>> -> memref<1x128xi32, #tpu.memory_space<vmem>>
      %dma_wait3A_524 = tpu.memref_squeeze %dma_wait3A_523 : memref<1x128xi32, #tpu.memory_space<vmem>> -> memref<128xi32, #tpu.memory_space<vmem>>
      %dma_wait3A_525 = arith.constant 0 : i32
      %dma_wait3A_526 = arith.constant 0 : i32
      %dma_wait3A_527 = tpu.memref_slice %arg2[%dma_wait3A_525, %dma_wait3A_526] : memref<10000x32xf32, #tpu.memory_space<hbm>> -> memref<10000x32xf32, #tpu.memory_space<hbm>>
      tpu.wait_indirect_dma semaphore(%arg10 : memref<!tpu.dma_semaphore, #tpu.memory_space<semaphore_mem>>) src(%dma_wait3A_527 : memref<10000x32xf32, #tpu.memory_space<hbm>>) dst(%dma_wait3A_521 : memref<128x32xf32, #tpu.memory_space<vmem>>)
      %dma_start3A_528 = arith.constant 11 : i32
      %dma_start3A_529 = arith.constant 0 : i32
      %dma_start3A_530 = arith.constant 0 : i32
      %dma_start3A_531 = tpu.memref_slice %arg7[%dma_start3A_528, %dma_start3A_529, %dma_start3A_530] : memref<13x128x32xf32, #tpu.memory_space<vmem>> -> memref<1x128x32xf32, #tpu.memory_space<vmem>>
      %dma_start3A_532 = tpu.memref_squeeze %dma_start3A_531 : memref<1x128x32xf32, #tpu.memory_space<vmem>> -> memref<128x32xf32, #tpu.memory_space<vmem>>
      %dma_start3A_533 = arith.constant 0 : i32
      %dma_start3A_534 = tpu.memref_slice %arg6[%add3A_516, %dma_start3A_533] : memref<79x128xi32, #tpu.memory_space<vmem>> -> memref<1x128xi32, #tpu.memory_space<vmem>>
      %dma_start3A_535 = tpu.memref_squeeze %dma_start3A_534 : memref<1x128xi32, #tpu.memory_space<vmem>> -> memref<128xi32, #tpu.memory_space<vmem>>
      %dma_start3A_536 = arith.constant 0 : i32
      %dma_start3A_537 = arith.constant 0 : i32
      %dma_start3A_538 = tpu.memref_slice %arg9[%dma_start3A_536, %dma_start3A_537] : memref<10000x32xf32, #tpu.memory_space<vmem_shared>> -> memref<10000x32xf32, #tpu.memory_space<vmem_shared>>
      tpu.enqueue_indirect_dma source(%dma_start3A_532 : memref<128x32xf32, #tpu.memory_space<vmem>>) target(%dma_start3A_538 : memref<10000x32xf32, #tpu.memory_space<vmem_shared>>) offsets(%dma_start3A_535 : memref<128xi32, #tpu.memory_space<vmem>>) semaphore(%arg11 : memref<!tpu.dma_semaphore, #tpu.memory_space<semaphore_mem>>) {add = true}
      %mul3A_539 = arith.constant 13 : i32
      %mul3A_540 = arith.muli %scan3A_32, %mul3A_539 : i32
      %add3A_541 = arith.constant 12 : i32
      %add3A_542 = arith.addi %mul3A_540, %add3A_541 : i32
      %dma_wait3A_543 = arith.constant 12 : i32
      %dma_wait3A_544 = arith.constant 0 : i32
      %dma_wait3A_545 = arith.constant 0 : i32
      %dma_wait3A_546 = tpu.memref_slice %arg7[%dma_wait3A_543, %dma_wait3A_544, %dma_wait3A_545] : memref<13x128x32xf32, #tpu.memory_space<vmem>> -> memref<1x128x32xf32, #tpu.memory_space<vmem>>
      %dma_wait3A_547 = tpu.memref_squeeze %dma_wait3A_546 : memref<1x128x32xf32, #tpu.memory_space<vmem>> -> memref<128x32xf32, #tpu.memory_space<vmem>>
      %dma_wait3A_548 = arith.constant 0 : i32
      %dma_wait3A_549 = tpu.memref_slice %arg5[%add3A_216, %dma_wait3A_548] : memref<79x128xi32, #tpu.memory_space<vmem>> -> memref<1x128xi32, #tpu.memory_space<vmem>>
      %dma_wait3A_550 = tpu.memref_squeeze %dma_wait3A_549 : memref<1x128xi32, #tpu.memory_space<vmem>> -> memref<128xi32, #tpu.memory_space<vmem>>
      %dma_wait3A_551 = arith.constant 0 : i32
      %dma_wait3A_552 = arith.constant 0 : i32
      %dma_wait3A_553 = tpu.memref_slice %arg2[%dma_wait3A_551, %dma_wait3A_552] : memref<10000x32xf32, #tpu.memory_space<hbm>> -> memref<10000x32xf32, #tpu.memory_space<hbm>>
      tpu.wait_indirect_dma semaphore(%arg10 : memref<!tpu.dma_semaphore, #tpu.memory_space<semaphore_mem>>) src(%dma_wait3A_553 : memref<10000x32xf32, #tpu.memory_space<hbm>>) dst(%dma_wait3A_547 : memref<128x32xf32, #tpu.memory_space<vmem>>)
      %dma_start3A_554 = arith.constant 12 : i32
      %dma_start3A_555 = arith.constant 0 : i32
      %dma_start3A_556 = arith.constant 0 : i32
      %dma_start3A_557 = tpu.memref_slice %arg7[%dma_start3A_554, %dma_start3A_555, %dma_start3A_556] : memref<13x128x32xf32, #tpu.memory_space<vmem>> -> memref<1x128x32xf32, #tpu.memory_space<vmem>>
      %dma_start3A_558 = tpu.memref_squeeze %dma_start3A_557 : memref<1x128x32xf32, #tpu.memory_space<vmem>> -> memref<128x32xf32, #tpu.memory_space<vmem>>
      %dma_start3A_559 = arith.constant 0 : i32
      %dma_start3A_560 = tpu.memref_slice %arg6[%add3A_542, %dma_start3A_559] : memref<79x128xi32, #tpu.memory_space<vmem>> -> memref<1x128xi32, #tpu.memory_space<vmem>>
      %dma_start3A_561 = tpu.memref_squeeze %dma_start3A_560 : memref<1x128xi32, #tpu.memory_space<vmem>> -> memref<128xi32, #tpu.memory_space<vmem>>
      %dma_start3A_562 = arith.constant 0 : i32
      %dma_start3A_563 = arith.constant 0 : i32
      %dma_start3A_564 = tpu.memref_slice %arg9[%dma_start3A_562, %dma_start3A_563] : memref<10000x32xf32, #tpu.memory_space<vmem_shared>> -> memref<10000x32xf32, #tpu.memory_space<vmem_shared>>
      tpu.enqueue_indirect_dma source(%dma_start3A_558 : memref<128x32xf32, #tpu.memory_space<vmem>>) target(%dma_start3A_564 : memref<10000x32xf32, #tpu.memory_space<vmem_shared>>) offsets(%dma_start3A_561 : memref<128xi32, #tpu.memory_space<vmem>>) semaphore(%arg11 : memref<!tpu.dma_semaphore, #tpu.memory_space<semaphore_mem>>) {add = true}
      %dma_wait3A_565 = arith.constant 0 : i32
      %dma_wait3A_566 = arith.constant 0 : i32
      %dma_wait3A_567 = arith.constant 0 : i32
      %dma_wait3A_568 = tpu.memref_slice %arg7[%dma_wait3A_565, %dma_wait3A_566, %dma_wait3A_567] : memref<13x128x32xf32, #tpu.memory_space<vmem>> -> memref<1x128x32xf32, #tpu.memory_space<vmem>>
      %dma_wait3A_569 = tpu.memref_squeeze %dma_wait3A_568 : memref<1x128x32xf32, #tpu.memory_space<vmem>> -> memref<128x32xf32, #tpu.memory_space<vmem>>
      %dma_wait3A_570 = arith.constant 0 : i32
      %dma_wait3A_571 = tpu.memref_slice %arg6[%add3A_231, %dma_wait3A_570] : memref<79x128xi32, #tpu.memory_space<vmem>> -> memref<1x128xi32, #tpu.memory_space<vmem>>
      %dma_wait3A_572 = tpu.memref_squeeze %dma_wait3A_571 : memref<1x128xi32, #tpu.memory_space<vmem>> -> memref<128xi32, #tpu.memory_space<vmem>>
      %dma_wait3A_573 = arith.constant 0 : i32
      %dma_wait3A_574 = arith.constant 0 : i32
      %dma_wait3A_575 = tpu.memref_slice %arg9[%dma_wait3A_573, %dma_wait3A_574] : memref<10000x32xf32, #tpu.memory_space<vmem_shared>> -> memref<10000x32xf32, #tpu.memory_space<vmem_shared>>
      tpu.wait_indirect_dma semaphore(%arg11 : memref<!tpu.dma_semaphore, #tpu.memory_space<semaphore_mem>>) src(%dma_wait3A_569 : memref<128x32xf32, #tpu.memory_space<vmem>>) dst(%dma_wait3A_575 : memref<10000x32xf32, #tpu.memory_space<vmem_shared>>)
      %dma_wait3A_576 = arith.constant 1 : i32
      %dma_wait3A_577 = arith.constant 0 : i32
      %dma_wait3A_578 = arith.constant 0 : i32
      %dma_wait3A_579 = tpu.memref_slice %arg7[%dma_wait3A_576, %dma_wait3A_577, %dma_wait3A_578] : memref<13x128x32xf32, #tpu.memory_space<vmem>> -> memref<1x128x32xf32, #tpu.memory_space<vmem>>
      %dma_wait3A_580 = tpu.memref_squeeze %dma_wait3A_579 : memref<1x128x32xf32, #tpu.memory_space<vmem>> -> memref<128x32xf32, #tpu.memory_space<vmem>>
      %dma_wait3A_581 = arith.constant 0 : i32
      %dma_wait3A_582 = tpu.memref_slice %arg6[%add3A_256, %dma_wait3A_581] : memref<79x128xi32, #tpu.memory_space<vmem>> -> memref<1x128xi32, #tpu.memory_space<vmem>>
      %dma_wait3A_583 = tpu.memref_squeeze %dma_wait3A_582 : memref<1x128xi32, #tpu.memory_space<vmem>> -> memref<128xi32, #tpu.memory_space<vmem>>
      %dma_wait3A_584 = arith.constant 0 : i32
      %dma_wait3A_585 = arith.constant 0 : i32
      %dma_wait3A_586 = tpu.memref_slice %arg9[%dma_wait3A_584, %dma_wait3A_585] : memref<10000x32xf32, #tpu.memory_space<vmem_shared>> -> memref<10000x32xf32, #tpu.memory_space<vmem_shared>>
      tpu.wait_indirect_dma semaphore(%arg11 : memref<!tpu.dma_semaphore, #tpu.memory_space<semaphore_mem>>) src(%dma_wait3A_580 : memref<128x32xf32, #tpu.memory_space<vmem>>) dst(%dma_wait3A_586 : memref<10000x32xf32, #tpu.memory_space<vmem_shared>>)
      %dma_wait3A_587 = arith.constant 2 : i32
      %dma_wait3A_588 = arith.constant 0 : i32
      %dma_wait3A_589 = arith.constant 0 : i32
      %dma_wait3A_590 = tpu.memref_slice %arg7[%dma_wait3A_587, %dma_wait3A_588, %dma_wait3A_589] : memref<13x128x32xf32, #tpu.memory_space<vmem>> -> memref<1x128x32xf32, #tpu.memory_space<vmem>>
      %dma_wait3A_591 = tpu.memref_squeeze %dma_wait3A_590 : memref<1x128x32xf32, #tpu.memory_space<vmem>> -> memref<128x32xf32, #tpu.memory_space<vmem>>
      %dma_wait3A_592 = arith.constant 0 : i32
      %dma_wait3A_593 = tpu.memref_slice %arg6[%add3A_282, %dma_wait3A_592] : memref<79x128xi32, #tpu.memory_space<vmem>> -> memref<1x128xi32, #tpu.memory_space<vmem>>
      %dma_wait3A_594 = tpu.memref_squeeze %dma_wait3A_593 : memref<1x128xi32, #tpu.memory_space<vmem>> -> memref<128xi32, #tpu.memory_space<vmem>>
      %dma_wait3A_595 = arith.constant 0 : i32
      %dma_wait3A_596 = arith.constant 0 : i32
      %dma_wait3A_597 = tpu.memref_slice %arg9[%dma_wait3A_595, %dma_wait3A_596] : memref<10000x32xf32, #tpu.memory_space<vmem_shared>> -> memref<10000x32xf32, #tpu.memory_space<vmem_shared>>
      tpu.wait_indirect_dma semaphore(%arg11 : memref<!tpu.dma_semaphore, #tpu.memory_space<semaphore_mem>>) src(%dma_wait3A_591 : memref<128x32xf32, #tpu.memory_space<vmem>>) dst(%dma_wait3A_597 : memref<10000x32xf32, #tpu.memory_space<vmem_shared>>)
      %dma_wait3A_598 = arith.constant 3 : i32
      %dma_wait3A_599 = arith.constant 0 : i32
      %dma_wait3A_600 = arith.constant 0 : i32
      %dma_wait3A_601 = tpu.memref_slice %arg7[%dma_wait3A_598, %dma_wait3A_599, %dma_wait3A_600] : memref<13x128x32xf32, #tpu.memory_space<vmem>> -> memref<1x128x32xf32, #tpu.memory_space<vmem>>
      %dma_wait3A_602 = tpu.memref_squeeze %dma_wait3A_601 : memref<1x128x32xf32, #tpu.memory_space<vmem>> -> memref<128x32xf32, #tpu.memory_space<vmem>>
      %dma_wait3A_603 = arith.constant 0 : i32
      %dma_wait3A_604 = tpu.memref_slice %arg6[%add3A_308, %dma_wait3A_603] : memref<79x128xi32, #tpu.memory_space<vmem>> -> memref<1x128xi32, #tpu.memory_space<vmem>>
      %dma_wait3A_605 = tpu.memref_squeeze %dma_wait3A_604 : memref<1x128xi32, #tpu.memory_space<vmem>> -> memref<128xi32, #tpu.memory_space<vmem>>
      %dma_wait3A_606 = arith.constant 0 : i32
      %dma_wait3A_607 = arith.constant 0 : i32
      %dma_wait3A_608 = tpu.memref_slice %arg9[%dma_wait3A_606, %dma_wait3A_607] : memref<10000x32xf32, #tpu.memory_space<vmem_shared>> -> memref<10000x32xf32, #tpu.memory_space<vmem_shared>>
      tpu.wait_indirect_dma semaphore(%arg11 : memref<!tpu.dma_semaphore, #tpu.memory_space<semaphore_mem>>) src(%dma_wait3A_602 : memref<128x32xf32, #tpu.memory_space<vmem>>) dst(%dma_wait3A_608 : memref<10000x32xf32, #tpu.memory_space<vmem_shared>>)
      %dma_wait3A_609 = arith.constant 4 : i32
      %dma_wait3A_610 = arith.constant 0 : i32
      %dma_wait3A_611 = arith.constant 0 : i32
      %dma_wait3A_612 = tpu.memref_slice %arg7[%dma_wait3A_609, %dma_wait3A_610, %dma_wait3A_611] : memref<13x128x32xf32, #tpu.memory_space<vmem>> -> memref<1x128x32xf32, #tpu.memory_space<vmem>>
      %dma_wait3A_613 = tpu.memref_squeeze %dma_wait3A_612 : memref<1x128x32xf32, #tpu.memory_space<vmem>> -> memref<128x32xf32, #tpu.memory_space<vmem>>
      %dma_wait3A_614 = arith.constant 0 : i32
      %dma_wait3A_615 = tpu.memref_slice %arg6[%add3A_334, %dma_wait3A_614] : memref<79x128xi32, #tpu.memory_space<vmem>> -> memref<1x128xi32, #tpu.memory_space<vmem>>
      %dma_wait3A_616 = tpu.memref_squeeze %dma_wait3A_615 : memref<1x128xi32, #tpu.memory_space<vmem>> -> memref<128xi32, #tpu.memory_space<vmem>>
      %dma_wait3A_617 = arith.constant 0 : i32
      %dma_wait3A_618 = arith.constant 0 : i32
      %dma_wait3A_619 = tpu.memref_slice %arg9[%dma_wait3A_617, %dma_wait3A_618] : memref<10000x32xf32, #tpu.memory_space<vmem_shared>> -> memref<10000x32xf32, #tpu.memory_space<vmem_shared>>
      tpu.wait_indirect_dma semaphore(%arg11 : memref<!tpu.dma_semaphore, #tpu.memory_space<semaphore_mem>>) src(%dma_wait3A_613 : memref<128x32xf32, #tpu.memory_space<vmem>>) dst(%dma_wait3A_619 : memref<10000x32xf32, #tpu.memory_space<vmem_shared>>)
      %dma_wait3A_620 = arith.constant 5 : i32
      %dma_wait3A_621 = arith.constant 0 : i32
      %dma_wait3A_622 = arith.constant 0 : i32
      %dma_wait3A_623 = tpu.memref_slice %arg7[%dma_wait3A_620, %dma_wait3A_621, %dma_wait3A_622] : memref<13x128x32xf32, #tpu.memory_space<vmem>> -> memref<1x128x32xf32, #tpu.memory_space<vmem>>
      %dma_wait3A_624 = tpu.memref_squeeze %dma_wait3A_623 : memref<1x128x32xf32, #tpu.memory_space<vmem>> -> memref<128x32xf32, #tpu.memory_space<vmem>>
      %dma_wait3A_625 = arith.constant 0 : i32
      %dma_wait3A_626 = tpu.memref_slice %arg6[%add3A_360, %dma_wait3A_625] : memref<79x128xi32, #tpu.memory_space<vmem>> -> memref<1x128xi32, #tpu.memory_space<vmem>>
      %dma_wait3A_627 = tpu.memref_squeeze %dma_wait3A_626 : memref<1x128xi32, #tpu.memory_space<vmem>> -> memref<128xi32, #tpu.memory_space<vmem>>
      %dma_wait3A_628 = arith.constant 0 : i32
      %dma_wait3A_629 = arith.constant 0 : i32
      %dma_wait3A_630 = tpu.memref_slice %arg9[%dma_wait3A_628, %dma_wait3A_629] : memref<10000x32xf32, #tpu.memory_space<vmem_shared>> -> memref<10000x32xf32, #tpu.memory_space<vmem_shared>>
      tpu.wait_indirect_dma semaphore(%arg11 : memref<!tpu.dma_semaphore, #tpu.memory_space<semaphore_mem>>) src(%dma_wait3A_624 : memref<128x32xf32, #tpu.memory_space<vmem>>) dst(%dma_wait3A_630 : memref<10000x32xf32, #tpu.memory_space<vmem_shared>>)
      %dma_wait3A_631 = arith.constant 6 : i32
      %dma_wait3A_632 = arith.constant 0 : i32
      %dma_wait3A_633 = arith.constant 0 : i32
      %dma_wait3A_634 = tpu.memref_slice %arg7[%dma_wait3A_631, %dma_wait3A_632, %dma_wait3A_633] : memref<13x128x32xf32, #tpu.memory_space<vmem>> -> memref<1x128x32xf32, #tpu.memory_space<vmem>>
      %dma_wait3A_635 = tpu.memref_squeeze %dma_wait3A_634 : memref<1x128x32xf32, #tpu.memory_space<vmem>> -> memref<128x32xf32, #tpu.memory_space<vmem>>
      %dma_wait3A_636 = arith.constant 0 : i32
      %dma_wait3A_637 = tpu.memref_slice %arg6[%add3A_386, %dma_wait3A_636] : memref<79x128xi32, #tpu.memory_space<vmem>> -> memref<1x128xi32, #tpu.memory_space<vmem>>
      %dma_wait3A_638 = tpu.memref_squeeze %dma_wait3A_637 : memref<1x128xi32, #tpu.memory_space<vmem>> -> memref<128xi32, #tpu.memory_space<vmem>>
      %dma_wait3A_639 = arith.constant 0 : i32
      %dma_wait3A_640 = arith.constant 0 : i32
      %dma_wait3A_641 = tpu.memref_slice %arg9[%dma_wait3A_639, %dma_wait3A_640] : memref<10000x32xf32, #tpu.memory_space<vmem_shared>> -> memref<10000x32xf32, #tpu.memory_space<vmem_shared>>
      tpu.wait_indirect_dma semaphore(%arg11 : memref<!tpu.dma_semaphore, #tpu.memory_space<semaphore_mem>>) src(%dma_wait3A_635 : memref<128x32xf32, #tpu.memory_space<vmem>>) dst(%dma_wait3A_641 : memref<10000x32xf32, #tpu.memory_space<vmem_shared>>)
      %dma_wait3A_642 = arith.constant 7 : i32
      %dma_wait3A_643 = arith.constant 0 : i32
      %dma_wait3A_644 = arith.constant 0 : i32
      %dma_wait3A_645 = tpu.memref_slice %arg7[%dma_wait3A_642, %dma_wait3A_643, %dma_wait3A_644] : memref<13x128x32xf32, #tpu.memory_space<vmem>> -> memref<1x128x32xf32, #tpu.memory_space<vmem>>
      %dma_wait3A_646 = tpu.memref_squeeze %dma_wait3A_645 : memref<1x128x32xf32, #tpu.memory_space<vmem>> -> memref<128x32xf32, #tpu.memory_space<vmem>>
      %dma_wait3A_647 = arith.constant 0 : i32
      %dma_wait3A_648 = tpu.memref_slice %arg6[%add3A_412, %dma_wait3A_647] : memref<79x128xi32, #tpu.memory_space<vmem>> -> memref<1x128xi32, #tpu.memory_space<vmem>>
      %dma_wait3A_649 = tpu.memref_squeeze %dma_wait3A_648 : memref<1x128xi32, #tpu.memory_space<vmem>> -> memref<128xi32, #tpu.memory_space<vmem>>
      %dma_wait3A_650 = arith.constant 0 : i32
      %dma_wait3A_651 = arith.constant 0 : i32
      %dma_wait3A_652 = tpu.memref_slice %arg9[%dma_wait3A_650, %dma_wait3A_651] : memref<10000x32xf32, #tpu.memory_space<vmem_shared>> -> memref<10000x32xf32, #tpu.memory_space<vmem_shared>>
      tpu.wait_indirect_dma semaphore(%arg11 : memref<!tpu.dma_semaphore, #tpu.memory_space<semaphore_mem>>) src(%dma_wait3A_646 : memref<128x32xf32, #tpu.memory_space<vmem>>) dst(%dma_wait3A_652 : memref<10000x32xf32, #tpu.memory_space<vmem_shared>>)
      %dma_wait3A_653 = arith.constant 8 : i32
      %dma_wait3A_654 = arith.constant 0 : i32
      %dma_wait3A_655 = arith.constant 0 : i32
      %dma_wait3A_656 = tpu.memref_slice %arg7[%dma_wait3A_653, %dma_wait3A_654, %dma_wait3A_655] : memref<13x128x32xf32, #tpu.memory_space<vmem>> -> memref<1x128x32xf32, #tpu.memory_space<vmem>>
      %dma_wait3A_657 = tpu.memref_squeeze %dma_wait3A_656 : memref<1x128x32xf32, #tpu.memory_space<vmem>> -> memref<128x32xf32, #tpu.memory_space<vmem>>
      %dma_wait3A_658 = arith.constant 0 : i32
      %dma_wait3A_659 = tpu.memref_slice %arg6[%add3A_438, %dma_wait3A_658] : memref<79x128xi32, #tpu.memory_space<vmem>> -> memref<1x128xi32, #tpu.memory_space<vmem>>
      %dma_wait3A_660 = tpu.memref_squeeze %dma_wait3A_659 : memref<1x128xi32, #tpu.memory_space<vmem>> -> memref<128xi32, #tpu.memory_space<vmem>>
      %dma_wait3A_661 = arith.constant 0 : i32
      %dma_wait3A_662 = arith.constant 0 : i32
      %dma_wait3A_663 = tpu.memref_slice %arg9[%dma_wait3A_661, %dma_wait3A_662] : memref<10000x32xf32, #tpu.memory_space<vmem_shared>> -> memref<10000x32xf32, #tpu.memory_space<vmem_shared>>
      tpu.wait_indirect_dma semaphore(%arg11 : memref<!tpu.dma_semaphore, #tpu.memory_space<semaphore_mem>>) src(%dma_wait3A_657 : memref<128x32xf32, #tpu.memory_space<vmem>>) dst(%dma_wait3A_663 : memref<10000x32xf32, #tpu.memory_space<vmem_shared>>)
      %dma_wait3A_664 = arith.constant 9 : i32
      %dma_wait3A_665 = arith.constant 0 : i32
      %dma_wait3A_666 = arith.constant 0 : i32
      %dma_wait3A_667 = tpu.memref_slice %arg7[%dma_wait3A_664, %dma_wait3A_665, %dma_wait3A_666] : memref<13x128x32xf32, #tpu.memory_space<vmem>> -> memref<1x128x32xf32, #tpu.memory_space<vmem>>
      %dma_wait3A_668 = tpu.memref_squeeze %dma_wait3A_667 : memref<1x128x32xf32, #tpu.memory_space<vmem>> -> memref<128x32xf32, #tpu.memory_space<vmem>>
      %dma_wait3A_669 = arith.constant 0 : i32
      %dma_wait3A_670 = tpu.memref_slice %arg6[%add3A_464, %dma_wait3A_669] : memref<79x128xi32, #tpu.memory_space<vmem>> -> memref<1x128xi32, #tpu.memory_space<vmem>>
      %dma_wait3A_671 = tpu.memref_squeeze %dma_wait3A_670 : memref<1x128xi32, #tpu.memory_space<vmem>> -> memref<128xi32, #tpu.memory_space<vmem>>
      %dma_wait3A_672 = arith.constant 0 : i32
      %dma_wait3A_673 = arith.constant 0 : i32
      %dma_wait3A_674 = tpu.memref_slice %arg9[%dma_wait3A_672, %dma_wait3A_673] : memref<10000x32xf32, #tpu.memory_space<vmem_shared>> -> memref<10000x32xf32, #tpu.memory_space<vmem_shared>>
      tpu.wait_indirect_dma semaphore(%arg11 : memref<!tpu.dma_semaphore, #tpu.memory_space<semaphore_mem>>) src(%dma_wait3A_668 : memref<128x32xf32, #tpu.memory_space<vmem>>) dst(%dma_wait3A_674 : memref<10000x32xf32, #tpu.memory_space<vmem_shared>>)
      %dma_wait3A_675 = arith.constant 10 : i32
      %dma_wait3A_676 = arith.constant 0 : i32
      %dma_wait3A_677 = arith.constant 0 : i32
      %dma_wait3A_678 = tpu.memref_slice %arg7[%dma_wait3A_675, %dma_wait3A_676, %dma_wait3A_677] : memref<13x128x32xf32, #tpu.memory_space<vmem>> -> memref<1x128x32xf32, #tpu.memory_space<vmem>>
      %dma_wait3A_679 = tpu.memref_squeeze %dma_wait3A_678 : memref<1x128x32xf32, #tpu.memory_space<vmem>> -> memref<128x32xf32, #tpu.memory_space<vmem>>
      %dma_wait3A_680 = arith.constant 0 : i32
      %dma_wait3A_681 = tpu.memref_slice %arg6[%add3A_490, %dma_wait3A_680] : memref<79x128xi32, #tpu.memory_space<vmem>> -> memref<1x128xi32, #tpu.memory_space<vmem>>
      %dma_wait3A_682 = tpu.memref_squeeze %dma_wait3A_681 : memref<1x128xi32, #tpu.memory_space<vmem>> -> memref<128xi32, #tpu.memory_space<vmem>>
      %dma_wait3A_683 = arith.constant 0 : i32
      %dma_wait3A_684 = arith.constant 0 : i32
      %dma_wait3A_685 = tpu.memref_slice %arg9[%dma_wait3A_683, %dma_wait3A_684] : memref<10000x32xf32, #tpu.memory_space<vmem_shared>> -> memref<10000x32xf32, #tpu.memory_space<vmem_shared>>
      tpu.wait_indirect_dma semaphore(%arg11 : memref<!tpu.dma_semaphore, #tpu.memory_space<semaphore_mem>>) src(%dma_wait3A_679 : memref<128x32xf32, #tpu.memory_space<vmem>>) dst(%dma_wait3A_685 : memref<10000x32xf32, #tpu.memory_space<vmem_shared>>)
      %dma_wait3A_686 = arith.constant 11 : i32
      %dma_wait3A_687 = arith.constant 0 : i32
      %dma_wait3A_688 = arith.constant 0 : i32
      %dma_wait3A_689 = tpu.memref_slice %arg7[%dma_wait3A_686, %dma_wait3A_687, %dma_wait3A_688] : memref<13x128x32xf32, #tpu.memory_space<vmem>> -> memref<1x128x32xf32, #tpu.memory_space<vmem>>
      %dma_wait3A_690 = tpu.memref_squeeze %dma_wait3A_689 : memref<1x128x32xf32, #tpu.memory_space<vmem>> -> memref<128x32xf32, #tpu.memory_space<vmem>>
      %dma_wait3A_691 = arith.constant 0 : i32
      %dma_wait3A_692 = tpu.memref_slice %arg6[%add3A_516, %dma_wait3A_691] : memref<79x128xi32, #tpu.memory_space<vmem>> -> memref<1x128xi32, #tpu.memory_space<vmem>>
      %dma_wait3A_693 = tpu.memref_squeeze %dma_wait3A_692 : memref<1x128xi32, #tpu.memory_space<vmem>> -> memref<128xi32, #tpu.memory_space<vmem>>
      %dma_wait3A_694 = arith.constant 0 : i32
      %dma_wait3A_695 = arith.constant 0 : i32
      %dma_wait3A_696 = tpu.memref_slice %arg9[%dma_wait3A_694, %dma_wait3A_695] : memref<10000x32xf32, #tpu.memory_space<vmem_shared>> -> memref<10000x32xf32, #tpu.memory_space<vmem_shared>>
      tpu.wait_indirect_dma semaphore(%arg11 : memref<!tpu.dma_semaphore, #tpu.memory_space<semaphore_mem>>) src(%dma_wait3A_690 : memref<128x32xf32, #tpu.memory_space<vmem>>) dst(%dma_wait3A_696 : memref<10000x32xf32, #tpu.memory_space<vmem_shared>>)
      %dma_wait3A_697 = arith.constant 12 : i32
      %dma_wait3A_698 = arith.constant 0 : i32
      %dma_wait3A_699 = arith.constant 0 : i32
      %dma_wait3A_700 = tpu.memref_slice %arg7[%dma_wait3A_697, %dma_wait3A_698, %dma_wait3A_699] : memref<13x128x32xf32, #tpu.memory_space<vmem>> -> memref<1x128x32xf32, #tpu.memory_space<vmem>>
      %dma_wait3A_701 = tpu.memref_squeeze %dma_wait3A_700 : memref<1x128x32xf32, #tpu.memory_space<vmem>> -> memref<128x32xf32, #tpu.memory_space<vmem>>
      %dma_wait3A_702 = arith.constant 0 : i32
      %dma_wait3A_703 = tpu.memref_slice %arg6[%add3A_542, %dma_wait3A_702] : memref<79x128xi32, #tpu.memory_space<vmem>> -> memref<1x128xi32, #tpu.memory_space<vmem>>
      %dma_wait3A_704 = tpu.memref_squeeze %dma_wait3A_703 : memref<1x128xi32, #tpu.memory_space<vmem>> -> memref<128xi32, #tpu.memory_space<vmem>>
      %dma_wait3A_705 = arith.constant 0 : i32
      %dma_wait3A_706 = arith.constant 0 : i32
      %dma_wait3A_707 = tpu.memref_slice %arg9[%dma_wait3A_705, %dma_wait3A_706] : memref<10000x32xf32, #tpu.memory_space<vmem_shared>> -> memref<10000x32xf32, #tpu.memory_space<vmem_shared>>
      tpu.wait_indirect_dma semaphore(%arg11 : memref<!tpu.dma_semaphore, #tpu.memory_space<semaphore_mem>>) src(%dma_wait3A_701 : memref<128x32xf32, #tpu.memory_space<vmem>>) dst(%dma_wait3A_707 : memref<10000x32xf32, #tpu.memory_space<vmem_shared>>)
      %scan3A_708 = arith.constant 0 : i32
      scf.yield %scan3A_708 : i32
    }
    %scan3A_25 = arith.constant 6 : i32
    %lt3A_26 = arith.constant 4 : i32
    %lt3A_27 = arith.cmpi slt, %add3A, %lt3A_26 : i32
    %convert_element_type3A_28 = arith.extui %lt3A_27 : i1 to i32
    %cond3A_29 = arith.constant 0 : i32
    %cond3A_30 = arith.cmpi ne, %convert_element_type3A_28, %cond3A_29 : i32
    scf.if %cond3A_30 {
      %run_scoped3A_32 = arith.constant 78 : i32
      %run_scoped3A_33 = arith.constant 0 : i32
      "tpu.region"() ({
        %run_scoped3A_36 = tpu.sem_alloc : memref<!tpu.dma_semaphore, #tpu.memory_space<semaphore_mem>>
        %dma_start3A = arith.constant 0 : i32
        %dma_start3A_37 = arith.constant 0 : i32
        %dma_start3A_38 = tpu.memref_slice %arg7[%run_scoped3A_33, %dma_start3A, %dma_start3A_37] : memref<13x128x32xf32, #tpu.memory_space<vmem>> -> memref<1x128x32xf32, #tpu.memory_space<vmem>>
        %dma_start3A_39 = tpu.memref_squeeze %dma_start3A_38 : memref<1x128x32xf32, #tpu.memory_space<vmem>> -> memref<128x32xf32, #tpu.memory_space<vmem>>
        %dma_start3A_40 = arith.constant 0 : i32
        %dma_start3A_41 = tpu.memref_slice %arg5[%run_scoped3A_32, %dma_start3A_40] : memref<79x128xi32, #tpu.memory_space<vmem>> -> memref<1x128xi32, #tpu.memory_space<vmem>>
        %dma_start3A_42 = tpu.memref_squeeze %dma_start3A_41 : memref<1x128xi32, #tpu.memory_space<vmem>> -> memref<128xi32, #tpu.memory_space<vmem>>
        %dma_start3A_43 = arith.constant 0 : i32
        %dma_start3A_44 = arith.constant 0 : i32
        %dma_start3A_45 = tpu.memref_slice %arg2[%dma_start3A_43, %dma_start3A_44] : memref<10000x32xf32, #tpu.memory_space<hbm>> -> memref<10000x32xf32, #tpu.memory_space<hbm>>
        tpu.enqueue_indirect_dma source(%dma_start3A_45 : memref<10000x32xf32, #tpu.memory_space<hbm>>) target(%dma_start3A_39 : memref<128x32xf32, #tpu.memory_space<vmem>>) offsets(%dma_start3A_42 : memref<128xi32, #tpu.memory_space<vmem>>) semaphore(%run_scoped3A_36 : memref<!tpu.dma_semaphore, #tpu.memory_space<semaphore_mem>>)
        %dma_wait3A = arith.constant 0 : i32
        %dma_wait3A_46 = arith.constant 0 : i32
        %dma_wait3A_47 = tpu.memref_slice %arg7[%run_scoped3A_33, %dma_wait3A, %dma_wait3A_46] : memref<13x128x32xf32, #tpu.memory_space<vmem>> -> memref<1x128x32xf32, #tpu.memory_space<vmem>>
        %dma_wait3A_48 = tpu.memref_squeeze %dma_wait3A_47 : memref<1x128x32xf32, #tpu.memory_space<vmem>> -> memref<128x32xf32, #tpu.memory_space<vmem>>
        %dma_wait3A_49 = arith.constant 0 : i32
        %dma_wait3A_50 = tpu.memref_slice %arg5[%run_scoped3A_32, %dma_wait3A_49] : memref<79x128xi32, #tpu.memory_space<vmem>> -> memref<1x128xi32, #tpu.memory_space<vmem>>
        %dma_wait3A_51 = tpu.memref_squeeze %dma_wait3A_50 : memref<1x128xi32, #tpu.memory_space<vmem>> -> memref<128xi32, #tpu.memory_space<vmem>>
        %dma_wait3A_52 = arith.constant 0 : i32
        %dma_wait3A_53 = arith.constant 0 : i32
        %dma_wait3A_54 = tpu.memref_slice %arg2[%dma_wait3A_52, %dma_wait3A_53] : memref<10000x32xf32, #tpu.memory_space<hbm>> -> memref<10000x32xf32, #tpu.memory_space<hbm>>
        tpu.wait_indirect_dma semaphore(%run_scoped3A_36 : memref<!tpu.dma_semaphore, #tpu.memory_space<semaphore_mem>>) src(%dma_wait3A_54 : memref<10000x32xf32, #tpu.memory_space<hbm>>) dst(%dma_wait3A_48 : memref<128x32xf32, #tpu.memory_space<vmem>>)
        tpu.yield
      }) : () -> ()
      %run_scoped3A_34 = arith.constant 0 : i32
      %run_scoped3A_35 = arith.constant 78 : i32
      "tpu.region"() ({
        %run_scoped3A_36 = tpu.sem_alloc : memref<!tpu.dma_semaphore, #tpu.memory_space<semaphore_mem>>
        %dma_start3A = arith.constant 0 : i32
        %dma_start3A_37 = arith.constant 0 : i32
        %dma_start3A_38 = tpu.memref_slice %arg7[%run_scoped3A_34, %dma_start3A, %dma_start3A_37] : memref<13x128x32xf32, #tpu.memory_space<vmem>> -> memref<1x128x32xf32, #tpu.memory_space<vmem>>
        %dma_start3A_39 = tpu.memref_squeeze %dma_start3A_38 : memref<1x128x32xf32, #tpu.memory_space<vmem>> -> memref<128x32xf32, #tpu.memory_space<vmem>>
        %dma_start3A_40 = arith.constant 0 : i32
        %dma_start3A_41 = tpu.memref_slice %arg6[%run_scoped3A_35, %dma_start3A_40] : memref<79x128xi32, #tpu.memory_space<vmem>> -> memref<1x128xi32, #tpu.memory_space<vmem>>
        %dma_start3A_42 = tpu.memref_squeeze %dma_start3A_41 : memref<1x128xi32, #tpu.memory_space<vmem>> -> memref<128xi32, #tpu.memory_space<vmem>>
        %dma_start3A_43 = arith.constant 0 : i32
        %dma_start3A_44 = arith.constant 0 : i32
        %dma_start3A_45 = tpu.memref_slice %arg9[%dma_start3A_43, %dma_start3A_44] : memref<10000x32xf32, #tpu.memory_space<vmem_shared>> -> memref<10000x32xf32, #tpu.memory_space<vmem_shared>>
        tpu.enqueue_indirect_dma source(%dma_start3A_39 : memref<128x32xf32, #tpu.memory_space<vmem>>) target(%dma_start3A_45 : memref<10000x32xf32, #tpu.memory_space<vmem_shared>>) offsets(%dma_start3A_42 : memref<128xi32, #tpu.memory_space<vmem>>) semaphore(%run_scoped3A_36 : memref<!tpu.dma_semaphore, #tpu.memory_space<semaphore_mem>>) {add = true}
        %dma_wait3A = arith.constant 0 : i32
        %dma_wait3A_46 = arith.constant 0 : i32
        %dma_wait3A_47 = tpu.memref_slice %arg7[%run_scoped3A_34, %dma_wait3A, %dma_wait3A_46] : memref<13x128x32xf32, #tpu.memory_space<vmem>> -> memref<1x128x32xf32, #tpu.memory_space<vmem>>
        %dma_wait3A_48 = tpu.memref_squeeze %dma_wait3A_47 : memref<1x128x32xf32, #tpu.memory_space<vmem>> -> memref<128x32xf32, #tpu.memory_space<vmem>>
        %dma_wait3A_49 = arith.constant 0 : i32
        %dma_wait3A_50 = tpu.memref_slice %arg6[%run_scoped3A_35, %dma_wait3A_49] : memref<79x128xi32, #tpu.memory_space<vmem>> -> memref<1x128xi32, #tpu.memory_space<vmem>>
        %dma_wait3A_51 = tpu.memref_squeeze %dma_wait3A_50 : memref<1x128xi32, #tpu.memory_space<vmem>> -> memref<128xi32, #tpu.memory_space<vmem>>
        %dma_wait3A_52 = arith.constant 0 : i32
        %dma_wait3A_53 = arith.constant 0 : i32
        %dma_wait3A_54 = tpu.memref_slice %arg9[%dma_wait3A_52, %dma_wait3A_53] : memref<10000x32xf32, #tpu.memory_space<vmem_shared>> -> memref<10000x32xf32, #tpu.memory_space<vmem_shared>>
        tpu.wait_indirect_dma semaphore(%run_scoped3A_36 : memref<!tpu.dma_semaphore, #tpu.memory_space<semaphore_mem>>) src(%dma_wait3A_48 : memref<128x32xf32, #tpu.memory_space<vmem>>) dst(%dma_wait3A_54 : memref<10000x32xf32, #tpu.memory_space<vmem_shared>>)
        tpu.yield
      }) : () -> ()
    } else {
    }
    %barrier3A_31 = arith.constant 0 : index
    tpu.barrier barrier_id(%barrier3A_31)
    "tpu.region"() ({
      %run_scoped3A_32 = tpu.sem_alloc : memref<!tpu.dma_semaphore, #tpu.memory_space<semaphore_mem>>
      %dma_start3A = arith.constant 0 : i32
      %dma_start3A_33 = tpu.memref_slice %arg9[%mul3A_2, %dma_start3A] : memref<10000x32xf32, #tpu.memory_space<vmem_shared>> -> memref<625x32xf32, #tpu.memory_space<vmem_shared>>
      %dma_start3A_34 = arith.constant 0 : i32
      %dma_start3A_35 = tpu.memref_slice %arg9[%mul3A_2, %dma_start3A_34] : memref<10000x32xf32, #tpu.memory_space<vmem_shared>> -> memref<625x32xf32, #tpu.memory_space<vmem_shared>>
      tpu.enqueue_dma source(%dma_start3A_35 : memref<625x32xf32, #tpu.memory_space<vmem_shared>>) target(%arg8 : memref<625x32xf32, #tpu.memory_space<vmem>>) target_semaphore(%run_scoped3A_32 : memref<!tpu.dma_semaphore, #tpu.memory_space<semaphore_mem>>)
      %dma_wait3A = arith.constant 0 : i32
      %dma_wait3A_36 = tpu.memref_slice %arg9[%mul3A_2, %dma_wait3A] : memref<10000x32xf32, #tpu.memory_space<vmem_shared>> -> memref<625x32xf32, #tpu.memory_space<vmem_shared>>
      %dma_wait3A_37 = arith.constant 0 : i32
      %dma_wait3A_38 = tpu.memref_slice %arg9[%mul3A_2, %dma_wait3A_37] : memref<10000x32xf32, #tpu.memory_space<vmem_shared>> -> memref<625x32xf32, #tpu.memory_space<vmem_shared>>
      tpu.wait_dma2 semaphore(%run_scoped3A_32 : memref<!tpu.dma_semaphore, #tpu.memory_space<semaphore_mem>>) src(%dma_wait3A_38 : memref<625x32xf32, #tpu.memory_space<vmem_shared>>) dst(%arg8 : memref<625x32xf32, #tpu.memory_space<vmem>>)
      tpu.yield
    }) : () -> ()
    "tpu.region"() ({
      %run_scoped3A_32 = tpu.sem_alloc : memref<!tpu.dma_semaphore, #tpu.memory_space<semaphore_mem>>
      %dma_start3A = arith.constant 0 : i32
      %dma_start3A_33 = tpu.memref_slice %arg4[%arg0, %mul3A_2, %dma_start3A] : memref<2x10000x32xf32, #tpu.memory_space<hbm>> -> memref<1x625x32xf32, #tpu.memory_space<hbm>>
      %dma_start3A_34 = tpu.memref_squeeze %dma_start3A_33 : memref<1x625x32xf32, #tpu.memory_space<hbm>> -> memref<625x32xf32, #tpu.memory_space<hbm>>
      %dma_start3A_35 = arith.constant 0 : i32
      %dma_start3A_36 = tpu.memref_slice %arg4[%arg0, %mul3A_2, %dma_start3A_35] : memref<2x10000x32xf32, #tpu.memory_space<hbm>> -> memref<1x625x32xf32, #tpu.memory_space<hbm>>
      %dma_start3A_37 = tpu.memref_squeeze %dma_start3A_36 : memref<1x625x32xf32, #tpu.memory_space<hbm>> -> memref<625x32xf32, #tpu.memory_space<hbm>>
      tpu.enqueue_dma source(%arg8 : memref<625x32xf32, #tpu.memory_space<vmem>>) target(%dma_start3A_37 : memref<625x32xf32, #tpu.memory_space<hbm>>) target_semaphore(%run_scoped3A_32 : memref<!tpu.dma_semaphore, #tpu.memory_space<semaphore_mem>>)
      %dma_wait3A = arith.constant 0 : i32
      %dma_wait3A_38 = tpu.memref_slice %arg4[%arg0, %mul3A_2, %dma_wait3A] : memref<2x10000x32xf32, #tpu.memory_space<hbm>> -> memref<1x625x32xf32, #tpu.memory_space<hbm>>
      %dma_wait3A_39 = tpu.memref_squeeze %dma_wait3A_38 : memref<1x625x32xf32, #tpu.memory_space<hbm>> -> memref<625x32xf32, #tpu.memory_space<hbm>>
      %dma_wait3A_40 = arith.constant 0 : i32
      %dma_wait3A_41 = tpu.memref_slice %arg4[%arg0, %mul3A_2, %dma_wait3A_40] : memref<2x10000x32xf32, #tpu.memory_space<hbm>> -> memref<1x625x32xf32, #tpu.memory_space<hbm>>
      %dma_wait3A_42 = tpu.memref_squeeze %dma_wait3A_41 : memref<1x625x32xf32, #tpu.memory_space<hbm>> -> memref<625x32xf32, #tpu.memory_space<hbm>>
      tpu.wait_dma2 semaphore(%run_scoped3A_32 : memref<!tpu.dma_semaphore, #tpu.memory_space<semaphore_mem>>) src(%arg8 : memref<625x32xf32, #tpu.memory_space<vmem>>) dst(%dma_wait3A_42 : memref<625x32xf32, #tpu.memory_space<hbm>>)
      tpu.yield
    }) : () -> ()
    return
  }
}

module attributes {stable_mosaic.version = 14 : i64} {
  func.func @_tc_a_body(%arg0: memref<10000x2xf32, #tpu.memory_space<vmem>>, %arg1: memref<10000x128xf32, #tpu.memory_space<vmem>>, %arg2: memref<128x32xf32, #tpu.memory_space<vmem>>, %arg3: memref<10000x1xf32, #tpu.memory_space<vmem>>, %arg4: memref<10000x32xf32, #tpu.memory_space<vmem>>) attributes {dimension_semantics = [], scalar_prefetch = 0 : i64, scratch_operands = 0 : i64, tpu.core_type = #tpu.core_type<tc>} {
    %get3A = arith.constant 0 : index
    %get3A_0 = arith.constant 0 : index
    %get3A_1 = vector.load %arg0[%get3A, %get3A_0] : memref<10000x2xf32, #tpu.memory_space<vmem>>, vector<10000x1xf32>
    %get3A_2 = arith.constant 0 : index
    %get3A_3 = arith.constant 1 : index
    %get3A_4 = vector.load %arg0[%get3A_2, %get3A_3] : memref<10000x2xf32, #tpu.memory_space<vmem>>, vector<10000x1xf32>
    %add3A = arith.addf %get3A_1, %get3A_4 : vector<10000x1xf32>
    %add3A_5 = arith.constant 1.000000e+00 : f32
    %add3A_6 = vector.broadcast %add3A_5 : f32 to vector<10000x1xf32>
    %add3A_7 = arith.addf %add3A, %add3A_6 : vector<10000x1xf32>
    %rsqrt3A = math.rsqrt %add3A_7 : vector<10000x1xf32>
    %get3A_8 = arith.constant 0 : index
    %get3A_9 = arith.constant 0 : index
    %get3A_10 = vector.load %arg1[%get3A_8, %get3A_9] : memref<10000x128xf32, #tpu.memory_space<vmem>>, vector<10000x128xf32>
    %get3A_11 = arith.constant 0 : index
    %get3A_12 = arith.constant 0 : index
    %get3A_13 = vector.load %arg2[%get3A_11, %get3A_12] : memref<128x32xf32, #tpu.memory_space<vmem>>, vector<128x32xf32>
    %dot_general3A = arith.constant dense<0.000000e+00> : vector<10000x32xf32>
    %dot_general3A_14 = tpu.matmul %get3A_10, %get3A_13, %dot_general3A {dimension_numbers = #tpu.dot_dimension_numbers<[1], [0], [0], [1], [0, 0, 1, 1], [], []>, transpose_lhs_hint = false} : vector<10000x128xf32>, vector<128x32xf32>, vector<10000x32xf32> -> vector<10000x32xf32>
    %swap3A = arith.constant 0 : index
    %swap3A_15 = arith.constant 0 : index
    %swap3A_16 = vector.load %arg3[%swap3A, %swap3A_15] : memref<10000x1xf32, #tpu.memory_space<vmem>>, vector<10000x1xf32>
    tpu.vector_store %arg3[%swap3A, %swap3A_15], %rsqrt3A {strides = array<i32>} : memref<10000x1xf32, #tpu.memory_space<vmem>>, vector<10000x1xf32>,
    %mul3A = vector.broadcast %rsqrt3A : vector<10000x1xf32> to vector<10000x32xf32>
    %mul3A_17 = arith.mulf %dot_general3A_14, %mul3A : vector<10000x32xf32>
    %swap3A_18 = arith.constant 0 : index
    %swap3A_19 = arith.constant 0 : index
    %swap3A_20 = vector.load %arg4[%swap3A_18, %swap3A_19] : memref<10000x32xf32, #tpu.memory_space<vmem>>, vector<10000x32xf32>
    tpu.vector_store %arg4[%swap3A_18, %swap3A_19], %mul3A_17 {strides = array<i32>} : memref<10000x32xf32, #tpu.memory_space<vmem>>, vector<10000x32xf32>,
    return
  }
}

module attributes {stable_mosaic.version = 14 : i64} {
  func.func @_tc_b_body(%arg0: memref<2x10000x32xf32, #tpu.memory_space<vmem>>, %arg1: memref<10000x32xf32, #tpu.memory_space<vmem>>, %arg2: memref<10000x1xf32, #tpu.memory_space<vmem>>, %arg3: memref<1x32xf32, #tpu.memory_space<vmem>>, %arg4: memref<32x16xf32, #tpu.memory_space<vmem>>, %arg5: memref<10000x16xf32, #tpu.memory_space<vmem>>) attributes {dimension_semantics = [], scalar_prefetch = 0 : i64, scratch_operands = 0 : i64, tpu.core_type = #tpu.core_type<tc>} {
    %get3A = arith.constant 0 : index
    %get3A_0 = arith.constant 0 : index
    %get3A_1 = vector.load %arg2[%get3A, %get3A_0] : memref<10000x1xf32, #tpu.memory_space<vmem>>, vector<10000x1xf32>
    %get3A_2 = arith.constant 0 : index
    %get3A_3 = arith.constant 0 : index
    %get3A_4 = arith.constant 0 : index
    %get3A_5 = vector.load %arg0[%get3A_2, %get3A_3, %get3A_4] : memref<2x10000x32xf32, #tpu.memory_space<vmem>>, vector<1x10000x32xf32>
    %get3A_6 = vector.shape_cast %get3A_5 : vector<1x10000x32xf32> to vector<10000x32xf32>
    %get3A_7 = arith.constant 1 : index
    %get3A_8 = arith.constant 0 : index
    %get3A_9 = arith.constant 0 : index
    %get3A_10 = vector.load %arg0[%get3A_7, %get3A_8, %get3A_9] : memref<2x10000x32xf32, #tpu.memory_space<vmem>>, vector<1x10000x32xf32>
    %get3A_11 = vector.shape_cast %get3A_10 : vector<1x10000x32xf32> to vector<10000x32xf32>
    %add3A = arith.addf %get3A_6, %get3A_11 : vector<10000x32xf32>
    %get3A_12 = arith.constant 0 : index
    %get3A_13 = arith.constant 0 : index
    %get3A_14 = vector.load %arg1[%get3A_12, %get3A_13] : memref<10000x32xf32, #tpu.memory_space<vmem>>, vector<10000x32xf32>
    %sub3A = arith.subf %add3A, %get3A_14 : vector<10000x32xf32>
    %mul3A = vector.broadcast %get3A_1 : vector<10000x1xf32> to vector<10000x32xf32>
    %mul3A_15 = arith.mulf %mul3A, %sub3A : vector<10000x32xf32>
    %get3A_16 = arith.constant 0 : index
    %get3A_17 = arith.constant 0 : index
    %get3A_18 = vector.load %arg3[%get3A_16, %get3A_17] : memref<1x32xf32, #tpu.memory_space<vmem>>, vector<1x32xf32>
    %add3A_19 = vector.broadcast %get3A_18 : vector<1x32xf32> to vector<10000x32xf32>
    %add3A_20 = arith.addf %mul3A_15, %add3A_19 : vector<10000x32xf32>
    %max3A = arith.constant 0.000000e+00 : f32
    %max3A_21 = vector.broadcast %max3A : f32 to vector<10000x32xf32>
    %max3A_22 = arith.maximumf %add3A_20, %max3A_21 : vector<10000x32xf32>
    %get3A_23 = arith.constant 0 : index
    %get3A_24 = arith.constant 0 : index
    %get3A_25 = vector.load %arg4[%get3A_23, %get3A_24] : memref<32x16xf32, #tpu.memory_space<vmem>>, vector<32x16xf32>
    %dot_general3A = arith.constant dense<0.000000e+00> : vector<10000x16xf32>
    %dot_general3A_26 = tpu.matmul %max3A_22, %get3A_25, %dot_general3A {dimension_numbers = #tpu.dot_dimension_numbers<[1], [0], [0], [1], [0, 0, 1, 1], [], []>, transpose_lhs_hint = false} : vector<10000x32xf32>, vector<32x16xf32>, vector<10000x16xf32> -> vector<10000x16xf32>
    %mul3A_27 = vector.broadcast %get3A_1 : vector<10000x1xf32> to vector<10000x16xf32>
    %mul3A_28 = arith.mulf %dot_general3A_26, %mul3A_27 : vector<10000x16xf32>
    %swap3A = arith.constant 0 : index
    %swap3A_29 = arith.constant 0 : index
    %swap3A_30 = vector.load %arg5[%swap3A, %swap3A_29] : memref<10000x16xf32, #tpu.memory_space<vmem>>, vector<10000x16xf32>
    tpu.vector_store %arg5[%swap3A, %swap3A_29], %mul3A_28 {strides = array<i32>} : memref<10000x16xf32, #tpu.memory_space<vmem>>, vector<10000x16xf32>,
    return
  }
}

module attributes {stable_mosaic.version = 14 : i64} {
  func.func @_tc_c_body(%arg0: memref<2x10000x16xf32, #tpu.memory_space<vmem>>, %arg1: memref<10000x16xf32, #tpu.memory_space<vmem>>, %arg2: memref<10000x1xf32, #tpu.memory_space<vmem>>, %arg3: memref<1x16xf32, #tpu.memory_space<vmem>>, %arg4: memref<10000x16xf32, #tpu.memory_space<vmem>>) attributes {dimension_semantics = [], scalar_prefetch = 0 : i64, scratch_operands = 0 : i64, tpu.core_type = #tpu.core_type<tc>} {
    %get3A = arith.constant 0 : index
    %get3A_0 = arith.constant 0 : index
    %get3A_1 = vector.load %arg2[%get3A, %get3A_0] : memref<10000x1xf32, #tpu.memory_space<vmem>>, vector<10000x1xf32>
    %get3A_2 = arith.constant 0 : index
    %get3A_3 = arith.constant 0 : index
    %get3A_4 = arith.constant 0 : index
    %get3A_5 = vector.load %arg0[%get3A_2, %get3A_3, %get3A_4] : memref<2x10000x16xf32, #tpu.memory_space<vmem>>, vector<1x10000x16xf32>
    %get3A_6 = vector.shape_cast %get3A_5 : vector<1x10000x16xf32> to vector<10000x16xf32>
    %get3A_7 = arith.constant 1 : index
    %get3A_8 = arith.constant 0 : index
    %get3A_9 = arith.constant 0 : index
    %get3A_10 = vector.load %arg0[%get3A_7, %get3A_8, %get3A_9] : memref<2x10000x16xf32, #tpu.memory_space<vmem>>, vector<1x10000x16xf32>
    %get3A_11 = vector.shape_cast %get3A_10 : vector<1x10000x16xf32> to vector<10000x16xf32>
    %add3A = arith.addf %get3A_6, %get3A_11 : vector<10000x16xf32>
    %get3A_12 = arith.constant 0 : index
    %get3A_13 = arith.constant 0 : index
    %get3A_14 = vector.load %arg1[%get3A_12, %get3A_13] : memref<10000x16xf32, #tpu.memory_space<vmem>>, vector<10000x16xf32>
    %sub3A = arith.subf %add3A, %get3A_14 : vector<10000x16xf32>
    %mul3A = vector.broadcast %get3A_1 : vector<10000x1xf32> to vector<10000x16xf32>
    %mul3A_15 = arith.mulf %mul3A, %sub3A : vector<10000x16xf32>
    %get3A_16 = arith.constant 0 : index
    %get3A_17 = arith.constant 0 : index
    %get3A_18 = vector.load %arg3[%get3A_16, %get3A_17] : memref<1x16xf32, #tpu.memory_space<vmem>>, vector<1x16xf32>
    %add3A_19 = vector.broadcast %get3A_18 : vector<1x16xf32> to vector<10000x16xf32>
    %add3A_20 = arith.addf %mul3A_15, %add3A_19 : vector<10000x16xf32>
    %swap3A = arith.constant 0 : index
    %swap3A_21 = arith.constant 0 : index
    %swap3A_22 = vector.load %arg4[%swap3A, %swap3A_21] : memref<10000x16xf32, #tpu.memory_space<vmem>>, vector<10000x16xf32>
    tpu.vector_store %arg4[%swap3A, %swap3A_21], %add3A_20 {strides = array<i32>} : memref<10000x16xf32, #tpu.memory_space<vmem>>, vector<10000x16xf32>,
    return
  }
}

</mosaic_0001>

<sc_bundles>
// kernel: kernel.11.cloned.1.call-start
scs
__scs_entry_jumppad:
0x0: {  	(pc) =	sbr.rel $0x88, $3  }
0x1: {  	(tag) =	ssettag $0x0;
	lr =	simm.s32 $0x1  }
0x2: {  	[smem:$0x3F9B] =	sst lr;
	_ =	strace $0xD0000000  }
0x3: {  	_ = 	snop  }
0x4: {  	_ = 	snop  }
0x5: {  	_ = 	snop  }
0x6: {  	_ = 	snop  }
0x7: {  	_ = 	snop  }
__scs_overlays_trampoline_lowered:
0x8: {  	[smem:$0x3FAA] =	sst s0  }
0x9: {  	[smem:$0x3FAB] =	sst s1  }
0xa: {  	[smem:$0x3FAC] =	sst s2  }
0xb: {  	[smem:$0x3FAD] =	sst s3  }
0xc: {  	[smem:$0x3FAE] =	sst s4  }
0xd: {  	[smem:$0x3FAF] =	sst s5  }
0xe: {  	[smem:$0x3FB0] =	sst s6  }
0xf: {  	[smem:$0x3FB1] =	sst s7  }
0x10: {  	[smem:$0x3FB2] =	sst s8  }
0x11: {  	[smem:$0x3FB3] =	sst s9;
	s0 =	simm.s32 @!p0 $0x0  }
0x12: {  	s1 =	sld [smem:$0x3F99];
	s0 =	simm.s32 @p0 $0x1  }
0x13: {  	[smem:$0x3FB4] =	sst s0;
	s0 =	simm.s32 @!p1 $0x0  }
0x14: {  	s2 =	sld [smem:$0x3F98];
	s0 =	simm.s32 @p1 $0x1  }
0x15: {  	[smem:$0x3FB5] =	sst s0;
	s0 =	simm.s32 @!p2 $0x0  }
0x16: {  	s3 =	sld [smem:$0x3FDB];
	s0 =	simm.s32 @p2 $0x1  }
0x17: {  	s4 =	simm.s32 $0x1BF5;
	[smem:$0x3FB7] =	sst s0  }
0x18: {  	s0 =	sld [smem:$0x3F9A];
	_ =	swait.ge [sflag:s4], $0x0  }
0x19: {  	s7 =	sld [smem:$0x3F9B]  }
0x1a: {  	s8 =	sadd.s32 $0xFFFFE003, lr  }
0x1b: {  	s9 =	sadd.s32 $0xFFFFFEF7, lr;
	s5 =	simm.s32 $0xFFFFFFFF;
	p2 =	slt.u32 s8, $0xFFFFF086  }
0x1c: {  	p1 =	slt.u32 s9, $0xF7A;
	s5 =	simm.s32 @!p2 $0x0  }
0x1d: {  	s5 =	simm.s32 @p1 $0x1;
	p0 =	seq.s32 s7, s2  }
0x1e: {  	s7 =	smul.u32 @!p0 $0xF7A, s2;
	p2 =	seq.s32 @!p0 s5, $0x0  }
0x1f: {  	s9 =	smul.u32 $0xF7A, s1;
	s8 =	simm.s32 @!p0 $0x1BF5;
	p2 =	por !p2, p0  }
0x20: {  	[sflag:s8] =	ssyncset.s32 @!p0 $0xFFFFF086;
	s6 =	sadd.s32 @!p0 s3, s7;
	s7 =	simm.s32 @!p0 $0x108  }
0x21: {  	s3 =	sadd.s32 s3, s9;
	s6 =	sadd.s32 @!p0 $0x88, s6;
	s7 =	simm.s32 @p2 $0x1082  }
0x22: {  	[simem:s7], [sflag:s8] =	dma.local @!p0 [hbm:s6], $0xF7A  }
0x23: {  	s9 =	sor.u32 $0xD0000000, s2;
	s6 =	simm.s32 $0x108;
	_ =	swait.ge @!p0 [sflag:s8], $0x0  }
0x24: {  	s3 =	sadd.s32 $0x88, s3;
	s6 =	simm.s32 @!p1 $0x1082;
	[sflag:s4] =	ssyncset.s32 $0xFFFFF086  }
0x25: {  	[simem:s6], [sflag:s4] =	dma.local [hbm:s3], $0xF7A  }
0x26: {  	[smem:$0x3F9B] =	sst s1;
	(tag) =	ssettag s2;
	_ =	strace s9  }
0x27: {  	s1 =	sld [smem:$0x3FAB]  }
0x28: {  	s2 =	sld [smem:$0x3FAC]  }
0x29: {  	s4 =	sld [smem:$0x3FAE]  }
0x2a: {  	p0 =	seq.s32 s5, $0x0;
	s5 =	sld [smem:$0x3FAF]  }
0x2b: {  	s6 =	sld [smem:$0x3FB0]  }
0x2c: {  	s7 =	sld [smem:$0x3FB1]  }
0x2d: {  	s3 =	simm.s32 $0x108;
	s8 =	sld [smem:$0x3FB2]  }
0x2e: {  	s3 =	simm.s32 @!p0 $0x1082;
	s9 =	sld [smem:$0x3FB3]  }
0x2f: {  	lr =	sadd.s32 s0, s3;
	s0 =	sld [smem:$0x3FAA]  }
0x30: {  	s3 =	sld [smem:$0x3FAD]  }
0x31: {  	[smem:$0x3FB6] =	sst s10  }
0x32: {  	s10 =	sld [smem:$0x3FB4];
	_ =	sdelay $0x3  }
0x33: {  	p0 =	seq.s32 s10, $0x1;
	s10 =	sld [smem:$0x3FB6];
	_ =	sdelay $0x3  }
0x34: {  	[smem:$0x3FB6] =	sst s10  }
0x35: {  	s10 =	sld [smem:$0x3FB5];
	_ =	sdelay $0x3  }
0x36: {  	p1 =	seq.s32 s10, $0x1;
	s10 =	sld [smem:$0x3FB6];
	_ =	sdelay $0x3  }
0x37: {  	[smem:$0x3FB6] =	sst s10  }
0x38: {  	s10 =	sld [smem:$0x3FB7]  }
0x39: {  	_ = 	snop;
	(pc) =	sbr.ind lr, $3  }
0x3a: {  	_ = 	snop  }
0x3b: {  	_ = 	snop  }
0x3c: {  	p2 =	seq.s32 s10, $0x1;
	s10 =	sld [smem:$0x3FB6]  }
0x3d: {  	_ =	shalt  }
0x3e: {  	_ =	shalt  }
0x3f: {  	_ =	shalt  }
0x40: {  	_ =	shalt  }
0x41: {  	_ =	shalt  }
0x42: {  	_ =	shalt  }
0x43: {  	_ =	shalt  }
0x44: {  	_ =	shalt  }
0x45: {  	_ =	shalt  }
0x46: {  	_ =	shalt  }
0x47: {  	_ =	shalt  }
0x48: {  	_ =	shalt  }
0x49: {  	_ =	shalt  }
0x4a: {  	_ =	shalt  }
0x4b: {  	_ =	shalt  }
0x4c: {  	_ =	shalt  }
0x4d: {  	_ =	shalt  }
0x4e: {  	_ =	shalt  }
0x4f: {  	_ =	shalt  }
0x50: {  	_ =	shalt  }
0x51: {  	_ =	shalt  }
0x52: {  	_ =	shalt  }
0x53: {  	_ =	shalt  }
0x54: {  	_ =	shalt  }
0x55: {  	_ =	shalt  }
0x56: {  	_ =	shalt  }
0x57: {  	_ =	shalt  }
0x58: {  	_ =	shalt  }
0x59: {  	_ =	shalt  }
0x5a: {  	_ =	shalt  }
0x5b: {  	_ =	shalt  }
0x5c: {  	_ =	shalt  }
0x5d: {  	_ =	shalt  }
0x5e: {  	_ =	shalt  }
0x5f: {  	_ =	shalt  }
0x60: {  	_ =	shalt  }
0x61: {  	_ =	shalt  }
0x62: {  	_ =	shalt  }
0x63: {  	_ =	shalt  }
0x64: {  	_ =	shalt  }
0x65: {  	_ =	shalt  }
0x66: {  	_ =	shalt  }
0x67: {  	_ =	shalt  }
0x68: {  	_ =	shalt  }
0x69: {  	_ =	shalt  }
0x6a: {  	_ =	shalt  }
0x6b: {  	_ =	shalt  }
0x6c: {  	_ =	shalt  }
0x6d: {  	_ =	shalt  }
0x6e: {  	_ =	shalt  }
0x6f: {  	_ =	shalt  }
0x70: {  	_ =	shalt  }
0x71: {  	_ =	shalt  }
0x72: {  	_ =	shalt  }
0x73: {  	_ =	shalt  }
0x74: {  	_ =	shalt  }
0x75: {  	_ =	shalt  }
0x76: {  	_ =	shalt  }
0x77: {  	_ =	shalt  }
0x78: {  	_ =	shalt  }
0x79: {  	_ =	shalt  }
0x7a: {  	_ =	shalt  }
0x7b: {  	_ =	shalt  }
0x7c: {  	_ =	shalt  }
0x7d: {  	_ =	shalt  }
0x7e: {  	_ =	shalt  }
0x7f: {  	_ =	shalt  }
0x80: {  	_ =	shalt  }
0x81: {  	_ =	shalt  }
0x82: {  	_ =	shalt  }
0x83: {  	_ =	shalt  }
0x84: {  	_ =	shalt  }
0x85: {  	_ =	shalt  }
0x86: {  	_ =	shalt  }
0x87: {  	_ =	shalt  }
.Lfunc_end0:
.L_simem_size_0:
called_computation.1_lowered:
.L_overlay_start_0:
0x88: {  	s2 =	sld [smem:$0x3FD9]  }
0x89: {  	s3 =	sld [smem:$0x3FFE];
	_ =	sdelay $0x1  }
0x8a: {  	s1 =	srdreg.scid  }
0x8b: {  	s0 =	sand.u32 $0x1, s1  }
0x8c: {  	s16 =	sshll.u32 s0, $0xA;
	s2 =	sadd.s32 s3, s2  }
0x8d: {  	s2 =	sadd.s32 s2, s16  }
0x8e: {  	[smem:$0x3FC2] =	sst s2  }
0x8f: {  	_ = 	snop  }
0x90: {  	(tm) =	ssettm $0x1  }
0x91: {  	s17 =	sld [smem:$0x3FFB];
	_ =	sdelay $0x3  }
0x92: {  	_ =	strace s17  }
0x93: {  	s2 =	sld [smem:$0x3FFC];
	_ =	sdelay $0x3  }
0x94: {  	_ =	strace s2  }
0x95: {  	s2 =	sld [smem:$0x3FFD];
	_ =	sdelay $0x3  }
0x96: {  	_ =	strace s2  }
0x97: {  	_ =	strace $0x8FFFFFFF  }
0x98: {  	s18 =	sld [smem:$0x3FDB];
	_ =	sdelay $0x1  }
0x99: {  	s19 =	simm.s32 $_scs_section_size  }
0x9a: {  	s4 =	simm.s32 $_size__tile_overlayer_lowered;
	s5 =	simm.s32 $_tile_overlayer_lowered  }
0x9b: {  	s22 =	simm.s32 $0x1BFF;
	s21 =	sshll.u32 s5, $0x1;
	s2 =	sadd.s32 s19, s18  }
0x9c: {  	s6 =	simm.s32 $0x0;
	s20 =	sshll.u32 s4, $0x1;
	s4 =	sadd.s32 s21, s2  }
0x9d: {  	[timem:s6], [sflag:s22] =	dma.local [hbm:s4], s20  }
0x9e: {  	_ =	swait.ge [sflag:s22], s20  }
0x9f: {  	s3 =	ssub.s32 $0x0, s20;
	[sflag:s22] =	ssyncset.done $0x0  }
0xa0: {  	[sflag:s22] =	ssyncadd.s32 s3;
	_ =	sdelay $0x1  }
0xa1: {  	s23 =	simm.s32 $0x1B8B  }
0xa2: {  	_ =	swait.ge [sflag:s23], $0x1  }
0xa3: {  	[sflag:s23] =	ssyncset.done $0x0  }
0xa4: {  	s25 =	simm.s32 $0x1B8E;
	s24 =	sld [smem:$0x3FFE];
	[sflag:s23] =	ssyncadd.s32 $0xFFFFFFFF  }
0xa5: {  	s26 =	simm.s32 $execute0_lowered;
	[smem:$0x3FD2] =	sst s25  }
0xa6: {  	s4 =	sshll.u32 s26, $0x1;
	_ =	strace $0x80000049;
	[dreg:$0x1] =	wrdreg $0xFFFFFFFF  }
0xa7: {  	s28 =	simm.s32 $_size_execute0_lowered;
	s2 =	sadd.s32 s2, s4;
	[dreg:$0x0] =	wrdreg $0x0  }
0xa8: {  	s4 =	sshll.u32 s28, $0x1;
	[dreg:$0x2] =	wrdreg s2  }
0xa9: {  	[dreg:$0x3] =	wrdreg s4  }
0xaa: {  	[dreg:$0x4] =	wrdreg $0xC0  }
0xab: {  	_ =	task [dreg:s6], $0x5FFFF  }
0xac: {  	[dreg:$0x1] =	wrdreg $0xFFFFFFFF  }
0xad: {  	[dreg:$0x0] =	wrdreg $0x60  }
0xae: {  	[dreg:$0x2] =	wrdreg s24  }
0xaf: {  	[dreg:$0x3] =	wrdreg $0x16D200  }
0xb0: {  	[dreg:$0x4] =	wrdreg $0x9  }
0xb1: {  	_ =	task.clear_ibuf [dreg:s6], $0x5FFFF;
	_ =	strace $0x90000049  }
0xb2: {  	s29 =	simm.s32 $0x9;
	_ =	strace $0x8000004B  }
0xb3: {  	_ =	swait.ge [sflag:s29], $0x1  }
0xb4: {  	[sflag:s29] =	ssyncadd.s32 $0xFFFFFFFF  }
0xb5: {  	_ =	strace $0x9000004B  }
0xb6: {  	_ =	sfence  }
0xb7: {  	s30 =	sld [smem:$0x0];
	_ =	sdelay $0x2  }
0xb8: {  	s31 =	sshll.u32 s1, $0xD;
	s1 =	sshrl.u32 s1, $0x2  }
0xb9: {  	s3 =	sand.u32 $0x4000, s31;
	s1 =	sadd.s32 s1, s30  }
0xba: {  	s0 =	sor.u32 s3, s0;
	s1 =	sshll.u32 s1, $0x11  }
0xbb: {  	s0 =	sor.u32 s1, s0  }
0xbc: {  	s0 =	sadd.s32 $0x8F2B, s0  }
0xbd: {  	[sflag:s0] =	ssyncadd.remote.s32 $0x1  }
0xbe: {  	_ =	sfence.sel $0xFFFF  }
0xbf: {  	[dreg:$0x0] =	wrdreg $0xFFFFFFFF;
	(pc) =	sbr.abs _section_cstart, $3  }
0xc0: {  	[dreg:$0x1] =	wrdreg $0xFFFFFFFF  }
0xc1: {  	_ =	task.clear_ibuf [dreg:s6], $0x2FFFF;
	_ =	strace $0x9FFFFFFF  }
0xc2: {  	(tm) =	ssettm $0x7FFFFFFF  }
0xc3: {  	_ =	shalt  }
tec
execute0_lowered:
.L_overlay_start_1:
0x0: {  	(tag) =	ssettag $0x1  }
0x1: {  	s0 =	srdreg.scid;
	s1 =	rddreg [dreg:$0x0]  }
0x2: {  	s7 =	stileid.u32;
	s2 =	rddreg [dreg:$0x1];
	s13 =	simm.s32 $0x11F00  }
0x3: {  	s14 =	simm.s32 $0x3;
	s15 =	simm.s32 $0x80;
	s16 =	simm.s32 $0x4F00  }
0x4: {  	s17 =	simm.s32 $0x5F00;
	s18 =	simm.s32 $0x6F00;
	s19 =	simm.s32 $0x7F00  }
0x5: {  	s20 =	simm.s32 $0x8F00;
	s21 =	simm.s32 $0x9F00;
	s28 =	simm.s32 $0xFF00  }
0x6: {  	s29 =	simm.s32 $0x10F00;
	s30 =	simm.s32 $0x1;
	s0 =	sand.u32 $0x1, s0  }
0x7: {  	s31 =	simm.s32 $0x2;
	s3 =	sshll.u32 s0, $0x4;
	s8 =	smul.u32 $0x4E200, s0  }
0x8: {  	s0 =	ssub.s32 $0x2, s0;
	s5 =	sor.u32 s7, s3;
	s7 =	smul.u32 $0x4E20, s7  }
0x9: {  	s3 =	simm.s32 $0x0;
	s23 =	sshrl.u32 s0, $0x1;
	s4 =	smul.u32 $0x4E, s5  }
0xa: {  	s6 =	smin.u32 s5, $0x4;
	[smem:$0x7FF] =	sst s3;
	s0 =	ssub.s32 s0, s23  }
0xb: {  	p0 =	sgt.u32 s5, $0x3;
	s23 =	simm.s32 $0xBF00;
	_ =	strace $0x8000004A  }
0xc: {  	s22 =	sadd.s32 s7, s8;
	s10 =	sshrl.u32 s7, $0x3;
	s6 =	sadd.s32 s6, s4  }
0xd: {  	s12 =	smax.u32 s0, $0x1;
	s4 =	sadd.s32 $0x15800, s1;
	s6 =	sshll.u32 s6, $0x4  }
0xe: {  	s24 =	sadd.s32 s4, s10;
	s9 =	sadd.s32 s6, s1;
	s6 =	sshrl.u32 s22, $0x3  }
0xf: {  	[dreg:$0x3] =	wrdreg s24;
	s22 =	simm.s32 $0xAF00;
	s24 =	simm.s32 $0xCF00  }
0x10: {  	s1 =	sadd.s32 s6, s1;
	s6 =	sadd.s32 s7, s2;
	s25 =	sadd.s32 $0x1E00, s9  }
0x11: {  	s8 =	sadd.s32 $0xBA40, s9;
	s26 =	sadd.s32 $0x22E0, s9;
	[dreg:$0x4] =	wrdreg s25  }
0x12: {  	s10 =	sadd.s32 $0xBF20, s9;
	[dreg:$0x5] =	wrdreg s26;
	s11 =	sadd.s32 $0x1F600, s1  }
0x13: {  	s25 =	simm.s32 $0xDF00;
	s26 =	simm.s32 $0xEF00;
	s1 =	simm.s32 $0x0  }
.LBB2_1:
0x14: {  	s0 =	rddreg [dreg:$0x3]  }
0x15: {  	[tilespmem:s13], [sflag:$0x3] =	stream.linear.gather [hbm4b:s0+s3], $0x4E20, $0x38;
	[tilespmem:$0x1BB40] =	vst v63  }
0x16: {  	_ =	swait.ge [sflag:s14], $0x4E20  }
0x17: {  	[sflag:s14] =	ssyncset.done $0x0  }
0x18: {  	[sflag:s14] =	ssyncadd.s32 $0xFFFFB1E0  }
0x19: {  	[spmem:s6] =	stream.linear.scatter [tilespmem:s13], [sflag:$0x3], $0x4E20, $0x38;
	[tilespmem:$0x1BB40] =	vst v63  }
0x1a: {  	_ =	swait.ge [sflag:s14], $0x4E20  }
0x1b: {  	[sflag:s14] =	ssyncset.done $0x0  }
0x1c: {  	s5 =	rddreg [dreg:$0x4];
	[sflag:s14] =	ssyncadd.s32 $0xFFFFB1E0  }
0x1d: {  	[tilespmem:s3], [sflag:$0x3] =	stream.linear.gather [hbm4b:s5+s3], $0x2700, $0x38;
	[tilespmem:$0x1BB40] =	vst v63  }
0x1e: {  	_ =	swait.ge [sflag:s14], $0x2700  }
0x1f: {  	[sflag:s14] =	ssyncset.done $0x0  }
0x20: {  	s0 =	simm.s32 @p0 $0x0;
	s5 =	simm.s32 @p0 $0x2780;
	[sflag:s14] =	ssyncadd.s32 $0xFFFFD900  }
0x21: {  	[tilespmem:s5], [sflag:$0x3] =	stream.linear.gather @p0 [hbm4b:s8+s0], $0x2700, $0x38;
	[tilespmem:$0x1BB40] =	vst v63  }
0x22: {  	s0 =	simm.s32 @p0 $0x3  }
0x23: {  	_ =	swait.ge @p0 [sflag:s0], $0x2700  }
0x24: {  	s5 =	simm.s32 @!p0 $0x2700;
	[sflag:s0] =	ssyncset.done @p0 $0x0  }
0x25: {  	s7 =	rddreg [dreg:$0x5];
	[sflag:s0] =	ssyncadd.s32 @p0 $0xFFFFD900;
	s0 =	simm.s32 @!p0 $0x0  }
0x26: {  	[tilespmem:s5], [sflag:$0x3] =	stream.linear.gather @!p0 [hbm4b:s7+s0], $0x80, $0x38;
	[tilespmem:$0x1BB40] =	vst v63  }
0x27: {  	s5 =	simm.s32 @!p0 $0x3  }
0x28: {  	_ =	swait.ge @!p0 [sflag:s5], $0x80  }
0x29: {  	[sflag:s5] =	ssyncset.done @!p0 $0x0  }
0x2a: {  	s7 =	simm.s32 @!p0 $0x2780;
	[sflag:s5] =	ssyncadd.s32 @!p0 $0xFFFFFF80  }
0x2b: {  	[tilespmem:s7], [sflag:$0x3] =	stream.linear.gather @!p0 [hbm4b:s8+s0], $0x2700, $0x38;
	[tilespmem:$0x1BB40] =	vst v63  }
0x2c: {  	_ =	swait.ge @!p0 [sflag:s5], $0x2700  }
0x2d: {  	[sflag:s5] =	ssyncset.done @!p0 $0x0  }
0x2e: {  	s7 =	simm.s32 @!p0 $0x4E80;
	[sflag:s5] =	ssyncadd.s32 @!p0 $0xFFFFD900  }
0x2f: {  	[tilespmem:s7], [sflag:$0x3] =	stream.linear.gather @!p0 [hbm4b:s10+s0], $0x80, $0x38;
	[tilespmem:$0x1BB40] =	vst v63  }
0x30: {  	_ =	swait.ge @!p0 [sflag:s5], $0x80  }
0x31: {  	[sflag:s5] =	ssyncset.done @!p0 $0x0  }
0x32: {  	[sflag:s5] =	ssyncadd.s32 @!p0 $0xFFFFFF80  }
0x33: {  	s7 =	simm.s32 $0x0;
	[bflag:$0x0] =	sbarrier.arrive $0xFFFF  }
0x34: {  	[tilespmem:s16], [sflag:$0x1] =	stream.indirect.gather [hbm4b:s4+s15], $0x20, s7, s15, $0xb8;
	[tilespmem:$0x1BB40] =	vst v63  }
0x35: {  	s9 =	simm.s32 $0x80  }
0x36: {  	[tilespmem:s17], [sflag:$0x1] =	stream.indirect.gather [hbm4b:s4+s15], $0x20, s9, s15, $0xb8;
	[tilespmem:$0x1BB40] =	vst v63  }
0x37: {  	s5 =	simm.s32 $0x100  }
0x38: {  	[tilespmem:s18], [sflag:$0x1] =	stream.indirect.gather [hbm4b:s4+s15], $0x20, s5, s15, $0xb8;
	[tilespmem:$0x1BB40] =	vst v63  }
0x39: {  	s7 =	simm.s32 $0x180  }
0x3a: {  	[tilespmem:s19], [sflag:$0x1] =	stream.indirect.gather [hbm4b:s4+s15], $0x20, s7, s15, $0xb8;
	[tilespmem:$0x1BB40] =	vst v63  }
0x3b: {  	s9 =	simm.s32 $0x200  }
0x3c: {  	[tilespmem:s20], [sflag:$0x1] =	stream.indirect.gather [hbm4b:s4+s15], $0x20, s9, s15, $0xb8;
	[tilespmem:$0x1BB40] =	vst v63  }
0x3d: {  	s5 =	simm.s32 $0x280  }
0x3e: {  	[tilespmem:s21], [sflag:$0x1] =	stream.indirect.gather [hbm4b:s4+s15], $0x20, s5, s15, $0xb8;
	[tilespmem:$0x1BB40] =	vst v63  }
0x3f: {  	s7 =	simm.s32 $0x300  }
0x40: {  	[tilespmem:s22], [sflag:$0x1] =	stream.indirect.gather [hbm4b:s4+s15], $0x20, s7, s15, $0xb8;
	[tilespmem:$0x1BB40] =	vst v63  }
0x41: {  	s9 =	simm.s32 $0x380  }
0x42: {  	[tilespmem:s23], [sflag:$0x1] =	stream.indirect.gather [hbm4b:s4+s15], $0x20, s9, s15, $0xb8;
	[tilespmem:$0x1BB40] =	vst v63  }
0x43: {  	s5 =	simm.s32 $0x400  }
0x44: {  	[tilespmem:s24], [sflag:$0x1] =	stream.indirect.gather [hbm4b:s4+s15], $0x20, s5, s15, $0xb8;
	[tilespmem:$0x1BB40] =	vst v63  }
0x45: {  	s7 =	simm.s32 $0x480  }
0x46: {  	[tilespmem:s25], [sflag:$0x1] =	stream.indirect.gather [hbm4b:s4+s15], $0x20, s7, s15, $0xb8;
	[tilespmem:$0x1BB40] =	vst v63  }
0x47: {  	s9 =	simm.s32 $0x500  }
0x48: {  	[tilespmem:s26], [sflag:$0x1] =	stream.indirect.gather [hbm4b:s4+s15], $0x20, s9, s15, $0xb8;
	[tilespmem:$0x1BB40] =	vst v63  }
0x49: {  	s5 =	simm.s32 $0x580  }
0x4a: {  	[tilespmem:s28], [sflag:$0x1] =	stream.indirect.gather [hbm4b:s4+s15], $0x20, s5, s15, $0xb8;
	[tilespmem:$0x1BB40] =	vst v63  }
0x4b: {  	s7 =	simm.s32 $0x600  }
0x4c: {  	[tilespmem:s29], [sflag:$0x1] =	stream.indirect.gather [hbm4b:s4+s15], $0x20, s7, s15, $0xb8;
	[tilespmem:$0x1BB40] =	vst v63  }
0x4d: {  	_ =	swait.ge [sflag:s30], $0x1000  }
0x4e: {  	[sflag:s30] =	ssyncset.done $0x0  }
0x4f: {  	s9 =	simm.s32 $0x2780;
	[sflag:s30] =	ssyncadd.s32 $0xFFFFF000  }
0x50: {  	[spmem:s2] =	stream.indirect.scatter.add.f32 [tilespmem:s16], [sflag:$0x2], $0x20, s9, s15, $0xb8;
	[tilespmem:$0x1BB40] =	vst v63  }
0x51: {  	_ =	swait.ge [sflag:s30], $0x1000  }
0x52: {  	[sflag:s30] =	ssyncset.done $0x0  }
0x53: {  	s5 =	simm.s32 $0x2800;
	[sflag:s30] =	ssyncadd.s32 $0xFFFFF000  }
0x54: {  	[spmem:s2] =	stream.indirect.scatter.add.f32 [tilespmem:s17], [sflag:$0x2], $0x20, s5, s15, $0xb8;
	[tilespmem:$0x1BB40] =	vst v63  }
0x55: {  	_ =	swait.ge [sflag:s30], $0x1000  }
0x56: {  	[sflag:s30] =	ssyncset.done $0x0  }
0x57: {  	s7 =	simm.s32 $0x2880;
	[sflag:s30] =	ssyncadd.s32 $0xFFFFF000  }
0x58: {  	[spmem:s2] =	stream.indirect.scatter.add.f32 [tilespmem:s18], [sflag:$0x2], $0x20, s7, s15, $0xb8;
	[tilespmem:$0x1BB40] =	vst v63  }
0x59: {  	_ =	swait.ge [sflag:s30], $0x1000  }
0x5a: {  	[sflag:s30] =	ssyncset.done $0x0  }
0x5b: {  	s9 =	simm.s32 $0x2900;
	[sflag:s30] =	ssyncadd.s32 $0xFFFFF000  }
0x5c: {  	[spmem:s2] =	stream.indirect.scatter.add.f32 [tilespmem:s19], [sflag:$0x2], $0x20, s9, s15, $0xb8;
	[tilespmem:$0x1BB40] =	vst v63  }
0x5d: {  	_ =	swait.ge [sflag:s30], $0x1000  }
0x5e: {  	[sflag:s30] =	ssyncset.done $0x0  }
0x5f: {  	s5 =	simm.s32 $0x2980;
	[sflag:s30] =	ssyncadd.s32 $0xFFFFF000  }
0x60: {  	[spmem:s2] =	stream.indirect.scatter.add.f32 [tilespmem:s20], [sflag:$0x2], $0x20, s5, s15, $0xb8;
	[tilespmem:$0x1BB40] =	vst v63  }
0x61: {  	_ =	swait.ge [sflag:s30], $0x1000  }
0x62: {  	[sflag:s30] =	ssyncset.done $0x0  }
0x63: {  	s7 =	simm.s32 $0x2A00;
	[sflag:s30] =	ssyncadd.s32 $0xFFFFF000  }
0x64: {  	[spmem:s2] =	stream.indirect.scatter.add.f32 [tilespmem:s21], [sflag:$0x2], $0x20, s7, s15, $0xb8;
	[tilespmem:$0x1BB40] =	vst v63  }
0x65: {  	_ =	swait.ge [sflag:s30], $0x1000  }
0x66: {  	[sflag:s30] =	ssyncset.done $0x0  }
0x67: {  	s9 =	simm.s32 $0x2A80;
	[sflag:s30] =	ssyncadd.s32 $0xFFFFF000  }
0x68: {  	[spmem:s2] =	stream.indirect.scatter.add.f32 [tilespmem:s22], [sflag:$0x2], $0x20, s9, s15, $0xb8;
	[tilespmem:$0x1BB40] =	vst v63  }
0x69: {  	_ =	swait.ge [sflag:s30], $0x1000  }
0x6a: {  	[sflag:s30] =	ssyncset.done $0x0  }
0x6b: {  	s5 =	simm.s32 $0x2B00;
	[sflag:s30] =	ssyncadd.s32 $0xFFFFF000  }
0x6c: {  	[spmem:s2] =	stream.indirect.scatter.add.f32 [tilespmem:s23], [sflag:$0x2], $0x20, s5, s15, $0xb8;
	[tilespmem:$0x1BB40] =	vst v63  }
0x6d: {  	_ =	swait.ge [sflag:s30], $0x1000  }
0x6e: {  	[sflag:s30] =	ssyncset.done $0x0  }
0x6f: {  	s7 =	simm.s32 $0x2B80;
	[sflag:s30] =	ssyncadd.s32 $0xFFFFF000  }
0x70: {  	[spmem:s2] =	stream.indirect.scatter.add.f32 [tilespmem:s24], [sflag:$0x2], $0x20, s7, s15, $0xb8;
	[tilespmem:$0x1BB40] =	vst v63  }
0x71: {  	_ =	swait.ge [sflag:s30], $0x1000  }
0x72: {  	[sflag:s30] =	ssyncset.done $0x0  }
0x73: {  	s9 =	simm.s32 $0x2C00;
	[sflag:s30] =	ssyncadd.s32 $0xFFFFF000  }
0x74: {  	[spmem:s2] =	stream.indirect.scatter.add.f32 [tilespmem:s25], [sflag:$0x2], $0x20, s9, s15, $0xb8;
	[tilespmem:$0x1BB40] =	vst v63  }
0x75: {  	_ =	swait.ge [sflag:s30], $0x1000  }
0x76: {  	[sflag:s30] =	ssyncset.done $0x0  }
0x77: {  	s5 =	simm.s32 $0x2C80;
	[sflag:s30] =	ssyncadd.s32 $0xFFFFF000  }
0x78: {  	[spmem:s2] =	stream.indirect.scatter.add.f32 [tilespmem:s26], [sflag:$0x2], $0x20, s5, s15, $0xb8;
	[tilespmem:$0x1BB40] =	vst v63  }
0x79: {  	_ =	swait.ge [sflag:s30], $0x1000  }
0x7a: {  	[sflag:s30] =	ssyncset.done $0x0  }
0x7b: {  	s7 =	simm.s32 $0x2D00;
	[sflag:s30] =	ssyncadd.s32 $0xFFFFF000  }
0x7c: {  	[spmem:s2] =	stream.indirect.scatter.add.f32 [tilespmem:s28], [sflag:$0x2], $0x20, s7, s15, $0xb8;
	[tilespmem:$0x1BB40] =	vst v63  }
0x7d: {  	_ =	swait.ge [sflag:s30], $0x1000  }
0x7e: {  	[sflag:s30] =	ssyncset.done $0x0  }
0x7f: {  	s9 =	simm.s32 $0x2D80;
	[sflag:s30] =	ssyncadd.s32 $0xFFFFF000  }
0x80: {  	[spmem:s2] =	stream.indirect.scatter.add.f32 [tilespmem:s29], [sflag:$0x2], $0x20, s9, s15, $0xb8;
	[tilespmem:$0x1BB40] =	vst v63  }
0x81: {  	_ =	swait.ge [sflag:s31], $0x1000  }
0x82: {  	[sflag:s31] =	ssyncset.done $0x0  }
0x83: {  	[sflag:s31] =	ssyncadd.s32 $0xFFFFF000  }
0x84: {  	_ =	swait.ge [sflag:s31], $0x1000  }
0x85: {  	[sflag:s31] =	ssyncset.done $0x0  }
0x86: {  	[sflag:s31] =	ssyncadd.s32 $0xFFFFF000  }
0x87: {  	_ =	swait.ge [sflag:s31], $0x1000  }
0x88: {  	[sflag:s31] =	ssyncset.done $0x0  }
0x89: {  	[sflag:s31] =	ssyncadd.s32 $0xFFFFF000  }
0x8a: {  	_ =	swait.ge [sflag:s31], $0x1000  }
0x8b: {  	[sflag:s31] =	ssyncset.done $0x0  }
0x8c: {  	[sflag:s31] =	ssyncadd.s32 $0xFFFFF000  }
0x8d: {  	_ =	swait.ge [sflag:s31], $0x1000  }
0x8e: {  	[sflag:s31] =	ssyncset.done $0x0  }
0x8f: {  	[sflag:s31] =	ssyncadd.s32 $0xFFFFF000  }
0x90: {  	_ =	swait.ge [sflag:s31], $0x1000  }
0x91: {  	[sflag:s31] =	ssyncset.done $0x0  }
0x92: {  	[sflag:s31] =	ssyncadd.s32 $0xFFFFF000  }
0x93: {  	_ =	swait.ge [sflag:s31], $0x1000  }
0x94: {  	[sflag:s31] =	ssyncset.done $0x0  }
0x95: {  	[sflag:s31] =	ssyncadd.s32 $0xFFFFF000  }
0x96: {  	_ =	swait.ge [sflag:s31], $0x1000  }
0x97: {  	[sflag:s31] =	ssyncset.done $0x0  }
0x98: {  	[sflag:s31] =	ssyncadd.s32 $0xFFFFF000  }
0x99: {  	_ =	swait.ge [sflag:s31], $0x1000  }
0x9a: {  	[sflag:s31] =	ssyncset.done $0x0  }
0x9b: {  	[sflag:s31] =	ssyncadd.s32 $0xFFFFF000  }
0x9c: {  	_ =	swait.ge [sflag:s31], $0x1000  }
0x9d: {  	[sflag:s31] =	ssyncset.done $0x0  }
0x9e: {  	[sflag:s31] =	ssyncadd.s32 $0xFFFFF000  }
0x9f: {  	_ =	swait.ge [sflag:s31], $0x1000  }
0xa0: {  	[sflag:s31] =	ssyncset.done $0x0  }
0xa1: {  	[sflag:s31] =	ssyncadd.s32 $0xFFFFF000  }
0xa2: {  	_ =	swait.ge [sflag:s31], $0x1000  }
0xa3: {  	[sflag:s31] =	ssyncset.done $0x0  }
0xa4: {  	[sflag:s31] =	ssyncadd.s32 $0xFFFFF000  }
0xa5: {  	_ =	swait.ge [sflag:s31], $0x1000  }
0xa6: {  	s0 =	simm.s32 $0x1A00;
	s5 =	simm.s32 $0x3400;
	[sflag:s31] =	ssyncset.done $0x0  }
.LBB2_2:
0xa7: {  	s7 =	sshra.s32 s0, $0x2  }
0xa8: {  	[sflag:s31] =	ssyncadd.s32 $0xFFFFF000;
	s0 =	smov.u32 s5;
	s9 =	sadd.s32 $0x1A00, s5  }
0xa9: {  	[tilespmem:s16], [sflag:$0x1] =	stream.indirect.gather [hbm4b:s4+s15], $0x20, s7, s15, $0xb8;
	[tilespmem:$0x1BB40] =	vst v63  }
0xaa: {  	p1 =	sne.s32 s5, $0x8200;
	s5 =	sadd.s32 $0x80, s7  }
0xab: {  	[tilespmem:s17], [sflag:$0x1] =	stream.indirect.gather [hbm4b:s4+s15], $0x20, s5, s15, $0xb8;
	[tilespmem:$0x1BB40] =	vst v63  }
0xac: {  	s5 =	sadd.s32 $0x100, s7  }
0xad: {  	[tilespmem:s18], [sflag:$0x1] =	stream.indirect.gather [hbm4b:s4+s15], $0x20, s5, s15, $0xb8;
	[tilespmem:$0x1BB40] =	vst v63  }
0xae: {  	s5 =	sadd.s32 $0x180, s7  }
0xaf: {  	[tilespmem:s19], [sflag:$0x1] =	stream.indirect.gather [hbm4b:s4+s15], $0x20, s5, s15, $0xb8;
	[tilespmem:$0x1BB40] =	vst v63  }
0xb0: {  	s5 =	sadd.s32 $0x200, s7  }
0xb1: {  	[tilespmem:s20], [sflag:$0x1] =	stream.indirect.gather [hbm4b:s4+s15], $0x20, s5, s15, $0xb8;
	[tilespmem:$0x1BB40] =	vst v63  }
0xb2: {  	s5 =	sadd.s32 $0x280, s7  }
0xb3: {  	[tilespmem:s21], [sflag:$0x1] =	stream.indirect.gather [hbm4b:s4+s15], $0x20, s5, s15, $0xb8;
	[tilespmem:$0x1BB40] =	vst v63  }
0xb4: {  	s5 =	sadd.s32 $0x300, s7  }
0xb5: {  	[tilespmem:s22], [sflag:$0x1] =	stream.indirect.gather [hbm4b:s4+s15], $0x20, s5, s15, $0xb8;
	[tilespmem:$0x1BB40] =	vst v63  }
0xb6: {  	s5 =	sadd.s32 $0x380, s7  }
0xb7: {  	[tilespmem:s23], [sflag:$0x1] =	stream.indirect.gather [hbm4b:s4+s15], $0x20, s5, s15, $0xb8;
	[tilespmem:$0x1BB40] =	vst v63  }
0xb8: {  	s5 =	sadd.s32 $0x400, s7  }
0xb9: {  	[tilespmem:s24], [sflag:$0x1] =	stream.indirect.gather [hbm4b:s4+s15], $0x20, s5, s15, $0xb8;
	[tilespmem:$0x1BB40] =	vst v63  }
0xba: {  	s5 =	sadd.s32 $0x480, s7  }
0xbb: {  	[tilespmem:s25], [sflag:$0x1] =	stream.indirect.gather [hbm4b:s4+s15], $0x20, s5, s15, $0xb8;
	[tilespmem:$0x1BB40] =	vst v63  }
0xbc: {  	s5 =	sadd.s32 $0x500, s7  }
0xbd: {  	[tilespmem:s26], [sflag:$0x1] =	stream.indirect.gather [hbm4b:s4+s15], $0x20, s5, s15, $0xb8;
	[tilespmem:$0x1BB40] =	vst v63  }
0xbe: {  	s5 =	sadd.s32 $0x580, s7  }
0xbf: {  	[tilespmem:s28], [sflag:$0x1] =	stream.indirect.gather [hbm4b:s4+s15], $0x20, s5, s15, $0xb8;
	[tilespmem:$0x1BB40] =	vst v63  }
0xc0: {  	s5 =	sadd.s32 $0x600, s7  }
0xc1: {  	[tilespmem:s29], [sflag:$0x1] =	stream.indirect.gather [hbm4b:s4+s15], $0x20, s5, s15, $0xb8;
	[tilespmem:$0x1BB40] =	vst v63  }
0xc2: {  	_ =	swait.ge [sflag:s30], $0x1000  }
0xc3: {  	[sflag:s30] =	ssyncset.done $0x0  }
0xc4: {  	s5 =	sadd.s32 $0x2780, s7;
	[sflag:s30] =	ssyncadd.s32 $0xFFFFF000  }
0xc5: {  	[spmem:s2] =	stream.indirect.scatter.add.f32 [tilespmem:s16], [sflag:$0x2], $0x20, s5, s15, $0xb8;
	[tilespmem:$0x1BB40] =	vst v63  }
0xc6: {  	_ =	swait.ge [sflag:s30], $0x1000  }
0xc7: {  	[sflag:s30] =	ssyncset.done $0x0  }
0xc8: {  	s5 =	sadd.s32 $0x2800, s7;
	[sflag:s30] =	ssyncadd.s32 $0xFFFFF000  }
0xc9: {  	[spmem:s2] =	stream.indirect.scatter.add.f32 [tilespmem:s17], [sflag:$0x2], $0x20, s5, s15, $0xb8;
	[tilespmem:$0x1BB40] =	vst v63  }
0xca: {  	_ =	swait.ge [sflag:s30], $0x1000  }
0xcb: {  	[sflag:s30] =	ssyncset.done $0x0  }
0xcc: {  	s5 =	sadd.s32 $0x2880, s7;
	[sflag:s30] =	ssyncadd.s32 $0xFFFFF000  }
0xcd: {  	[spmem:s2] =	stream.indirect.scatter.add.f32 [tilespmem:s18], [sflag:$0x2], $0x20, s5, s15, $0xb8;
	[tilespmem:$0x1BB40] =	vst v63  }
0xce: {  	_ =	swait.ge [sflag:s30], $0x1000  }
0xcf: {  	[sflag:s30] =	ssyncset.done $0x0  }
0xd0: {  	s5 =	sadd.s32 $0x2900, s7;
	[sflag:s30] =	ssyncadd.s32 $0xFFFFF000  }
0xd1: {  	[spmem:s2] =	stream.indirect.scatter.add.f32 [tilespmem:s19], [sflag:$0x2], $0x20, s5, s15, $0xb8;
	[tilespmem:$0x1BB40] =	vst v63  }
0xd2: {  	_ =	swait.ge [sflag:s30], $0x1000  }
0xd3: {  	[sflag:s30] =	ssyncset.done $0x0  }
0xd4: {  	s5 =	sadd.s32 $0x2980, s7;
	[sflag:s30] =	ssyncadd.s32 $0xFFFFF000  }
0xd5: {  	[spmem:s2] =	stream.indirect.scatter.add.f32 [tilespmem:s20], [sflag:$0x2], $0x20, s5, s15, $0xb8;
	[tilespmem:$0x1BB40] =	vst v63  }
0xd6: {  	_ =	swait.ge [sflag:s30], $0x1000  }
0xd7: {  	[sflag:s30] =	ssyncset.done $0x0  }
0xd8: {  	s5 =	sadd.s32 $0x2A00, s7;
	[sflag:s30] =	ssyncadd.s32 $0xFFFFF000  }
0xd9: {  	[spmem:s2] =	stream.indirect.scatter.add.f32 [tilespmem:s21], [sflag:$0x2], $0x20, s5, s15, $0xb8;
	[tilespmem:$0x1BB40] =	vst v63  }
0xda: {  	_ =	swait.ge [sflag:s30], $0x1000  }
0xdb: {  	[sflag:s30] =	ssyncset.done $0x0  }
0xdc: {  	s5 =	sadd.s32 $0x2A80, s7;
	[sflag:s30] =	ssyncadd.s32 $0xFFFFF000  }
0xdd: {  	[spmem:s2] =	stream.indirect.scatter.add.f32 [tilespmem:s22], [sflag:$0x2], $0x20, s5, s15, $0xb8;
	[tilespmem:$0x1BB40] =	vst v63  }
0xde: {  	_ =	swait.ge [sflag:s30], $0x1000  }
0xdf: {  	[sflag:s30] =	ssyncset.done $0x0  }
0xe0: {  	s5 =	sadd.s32 $0x2B00, s7;
	[sflag:s30] =	ssyncadd.s32 $0xFFFFF000  }
0xe1: {  	[spmem:s2] =	stream.indirect.scatter.add.f32 [tilespmem:s23], [sflag:$0x2], $0x20, s5, s15, $0xb8;
	[tilespmem:$0x1BB40] =	vst v63  }
0xe2: {  	_ =	swait.ge [sflag:s30], $0x1000  }
0xe3: {  	[sflag:s30] =	ssyncset.done $0x0  }
0xe4: {  	s5 =	sadd.s32 $0x2B80, s7;
	[sflag:s30] =	ssyncadd.s32 $0xFFFFF000  }
0xe5: {  	[spmem:s2] =	stream.indirect.scatter.add.f32 [tilespmem:s24], [sflag:$0x2], $0x20, s5, s15, $0xb8;
	[tilespmem:$0x1BB40] =	vst v63  }
0xe6: {  	_ =	swait.ge [sflag:s30], $0x1000  }
0xe7: {  	[sflag:s30] =	ssyncset.done $0x0  }
0xe8: {  	s5 =	sadd.s32 $0x2C00, s7;
	[sflag:s30] =	ssyncadd.s32 $0xFFFFF000  }
0xe9: {  	[spmem:s2] =	stream.indirect.scatter.add.f32 [tilespmem:s25], [sflag:$0x2], $0x20, s5, s15, $0xb8;
	[tilespmem:$0x1BB40] =	vst v63  }
0xea: {  	_ =	swait.ge [sflag:s30], $0x1000  }
0xeb: {  	[sflag:s30] =	ssyncset.done $0x0  }
0xec: {  	s5 =	sadd.s32 $0x2C80, s7;
	[sflag:s30] =	ssyncadd.s32 $0xFFFFF000  }
0xed: {  	[spmem:s2] =	stream.indirect.scatter.add.f32 [tilespmem:s26], [sflag:$0x2], $0x20, s5, s15, $0xb8;
	[tilespmem:$0x1BB40] =	vst v63  }
0xee: {  	_ =	swait.ge [sflag:s30], $0x1000  }
0xef: {  	[sflag:s30] =	ssyncset.done $0x0  }
0xf0: {  	s5 =	sadd.s32 $0x2D00, s7;
	[sflag:s30] =	ssyncadd.s32 $0xFFFFF000  }
0xf1: {  	[spmem:s2] =	stream.indirect.scatter.add.f32 [tilespmem:s28], [sflag:$0x2], $0x20, s5, s15, $0xb8;
	[tilespmem:$0x1BB40] =	vst v63  }
0xf2: {  	_ =	swait.ge [sflag:s30], $0x1000  }
0xf3: {  	[sflag:s30] =	ssyncset.done $0x0  }
0xf4: {  	s5 =	sadd.s32 $0x2D80, s7;
	[sflag:s30] =	ssyncadd.s32 $0xFFFFF000  }
0xf5: {  	[spmem:s2] =	stream.indirect.scatter.add.f32 [tilespmem:s29], [sflag:$0x2], $0x20, s5, s15, $0xb8;
	[tilespmem:$0x1BB40] =	vst v63  }
0xf6: {  	_ =	swait.ge [sflag:s31], $0x1000  }
0xf7: {  	[sflag:s31] =	ssyncset.done $0x0  }
0xf8: {  	[sflag:s31] =	ssyncadd.s32 $0xFFFFF000  }
0xf9: {  	_ =	swait.ge [sflag:s31], $0x1000  }
0xfa: {  	[sflag:s31] =	ssyncset.done $0x0  }
0xfb: {  	[sflag:s31] =	ssyncadd.s32 $0xFFFFF000  }
0xfc: {  	_ =	swait.ge [sflag:s31], $0x1000  }
0xfd: {  	[sflag:s31] =	ssyncset.done $0x0  }
0xfe: {  	[sflag:s31] =	ssyncadd.s32 $0xFFFFF000  }
0xff: {  	_ =	swait.ge [sflag:s31], $0x1000  }
0x100: {  	[sflag:s31] =	ssyncset.done $0x0  }
0x101: {  	[sflag:s31] =	ssyncadd.s32 $0xFFFFF000  }
0x102: {  	_ =	swait.ge [sflag:s31], $0x1000  }
0x103: {  	[sflag:s31] =	ssyncset.done $0x0  }
0x104: {  	[sflag:s31] =	ssyncadd.s32 $0xFFFFF000  }
0x105: {  	_ =	swait.ge [sflag:s31], $0x1000  }
0x106: {  	[sflag:s31] =	ssyncset.done $0x0  }
0x107: {  	[sflag:s31] =	ssyncadd.s32 $0xFFFFF000  }
0x108: {  	_ =	swait.ge [sflag:s31], $0x1000  }
0x109: {  	[sflag:s31] =	ssyncset.done $0x0  }
0x10a: {  	[sflag:s31] =	ssyncadd.s32 $0xFFFFF000  }
0x10b: {  	_ =	swait.ge [sflag:s31], $0x1000  }
0x10c: {  	[sflag:s31] =	ssyncset.done $0x0  }
0x10d: {  	[sflag:s31] =	ssyncadd.s32 $0xFFFFF000  }
0x10e: {  	_ =	swait.ge [sflag:s31], $0x1000  }
0x10f: {  	[sflag:s31] =	ssyncset.done $0x0  }
0x110: {  	[sflag:s31] =	ssyncadd.s32 $0xFFFFF000  }
0x111: {  	_ =	swait.ge [sflag:s31], $0x1000  }
0x112: {  	[sflag:s31] =	ssyncset.done $0x0  }
0x113: {  	[sflag:s31] =	ssyncadd.s32 $0xFFFFF000  }
0x114: {  	_ =	swait.ge [sflag:s31], $0x1000  }
0x115: {  	[sflag:s31] =	ssyncset.done $0x0  }
0x116: {  	[sflag:s31] =	ssyncadd.s32 $0xFFFFF000  }
.Ltmp0:
0x117: {  	_ =	swait.ge [sflag:s31], $0x1000;
	(pc) =	sbr.rel @p1 .LBB2_2-.Ltmp0, $4  }
0x118: {  	[sflag:s31] =	ssyncset.done $0x0  }
0x119: {  	[sflag:s31] =	ssyncadd.s32 $0xFFFFF000  }
0x11a: {  	_ =	swait.ge [sflag:s31], $0x1000  }
0x11b: {  	s5 =	smov.u32 s9;
	[sflag:s31] =	ssyncset.done $0x0  }
0x11c: {  	s0 =	sshra.s32 s0, $0x2;
	[sflag:s31] =	ssyncadd.s32 $0xFFFFF000  }
0x11d: {  	[tilespmem:s16], [sflag:$0x1] =	stream.indirect.gather [hbm4b:s4+s15], $0x20, s0, s15, $0xb8;
	[tilespmem:$0x1BB40] =	vst v63  }
0x11e: {  	s5 =	sadd.s32 $0x80, s0  }
0x11f: {  	[tilespmem:s17], [sflag:$0x1] =	stream.indirect.gather [hbm4b:s4+s15], $0x20, s5, s15, $0xb8;
	[tilespmem:$0x1BB40] =	vst v63  }
0x120: {  	s9 =	sadd.s32 $0x100, s0  }
0x121: {  	[tilespmem:s18], [sflag:$0x1] =	stream.indirect.gather [hbm4b:s4+s15], $0x20, s9, s15, $0xb8;
	[tilespmem:$0x1BB40] =	vst v63  }
0x122: {  	s7 =	sadd.s32 $0x180, s0  }
0x123: {  	[tilespmem:s19], [sflag:$0x1] =	stream.indirect.gather [hbm4b:s4+s15], $0x20, s7, s15, $0xb8;
	[tilespmem:$0x1BB40] =	vst v63  }
0x124: {  	s9 =	sadd.s32 $0x200, s0  }
0x125: {  	[tilespmem:s20], [sflag:$0x1] =	stream.indirect.gather [hbm4b:s4+s15], $0x20, s9, s15, $0xb8;
	[tilespmem:$0x1BB40] =	vst v63  }
0x126: {  	s7 =	sadd.s32 $0x280, s0  }
0x127: {  	[tilespmem:s21], [sflag:$0x1] =	stream.indirect.gather [hbm4b:s4+s15], $0x20, s7, s15, $0xb8;
	[tilespmem:$0x1BB40] =	vst v63  }
0x128: {  	s9 =	sadd.s32 $0x300, s0  }
0x129: {  	[tilespmem:s22], [sflag:$0x1] =	stream.indirect.gather [hbm4b:s4+s15], $0x20, s9, s15, $0xb8;
	[tilespmem:$0x1BB40] =	vst v63  }
0x12a: {  	s7 =	sadd.s32 $0x380, s0  }
0x12b: {  	[tilespmem:s23], [sflag:$0x1] =	stream.indirect.gather [hbm4b:s4+s15], $0x20, s7, s15, $0xb8;
	[tilespmem:$0x1BB40] =	vst v63  }
0x12c: {  	s9 =	sadd.s32 $0x400, s0  }
0x12d: {  	[tilespmem:s24], [sflag:$0x1] =	stream.indirect.gather [hbm4b:s4+s15], $0x20, s9, s15, $0xb8;
	[tilespmem:$0x1BB40] =	vst v63  }
0x12e: {  	s7 =	sadd.s32 $0x480, s0  }
0x12f: {  	[tilespmem:s25], [sflag:$0x1] =	stream.indirect.gather [hbm4b:s4+s15], $0x20, s7, s15, $0xb8;
	[tilespmem:$0x1BB40] =	vst v63  }
0x130: {  	s9 =	sadd.s32 $0x500, s0  }
0x131: {  	[tilespmem:s26], [sflag:$0x1] =	stream.indirect.gather [hbm4b:s4+s15], $0x20, s9, s15, $0xb8;
	[tilespmem:$0x1BB40] =	vst v63  }
0x132: {  	s7 =	sadd.s32 $0x580, s0  }
0x133: {  	[tilespmem:s28], [sflag:$0x1] =	stream.indirect.gather [hbm4b:s4+s15], $0x20, s7, s15, $0xb8;
	[tilespmem:$0x1BB40] =	vst v63  }
0x134: {  	s9 =	sadd.s32 $0x600, s0  }
0x135: {  	[tilespmem:s29], [sflag:$0x1] =	stream.indirect.gather [hbm4b:s4+s15], $0x20, s9, s15, $0xb8;
	[tilespmem:$0x1BB40] =	vst v63  }
0x136: {  	_ =	swait.ge [sflag:s30], $0x1000  }
0x137: {  	[sflag:s30] =	ssyncset.done $0x0  }
0x138: {  	s7 =	sadd.s32 $0x2780, s0;
	[sflag:s30] =	ssyncadd.s32 $0xFFFFF000  }
0x139: {  	[spmem:s2] =	stream.indirect.scatter.add.f32 [tilespmem:s16], [sflag:$0x2], $0x20, s7, s15, $0xb8;
	[tilespmem:$0x1BB40] =	vst v63  }
0x13a: {  	_ =	swait.ge [sflag:s30], $0x1000  }
0x13b: {  	[sflag:s30] =	ssyncset.done $0x0  }
0x13c: {  	s9 =	sadd.s32 $0x2800, s0;
	[sflag:s30] =	ssyncadd.s32 $0xFFFFF000  }
0x13d: {  	[spmem:s2] =	stream.indirect.scatter.add.f32 [tilespmem:s17], [sflag:$0x2], $0x20, s9, s15, $0xb8;
	[tilespmem:$0x1BB40] =	vst v63  }
0x13e: {  	_ =	swait.ge [sflag:s30], $0x1000  }
0x13f: {  	[sflag:s30] =	ssyncset.done $0x0  }
0x140: {  	s7 =	sadd.s32 $0x2880, s0;
	[sflag:s30] =	ssyncadd.s32 $0xFFFFF000  }
0x141: {  	[spmem:s2] =	stream.indirect.scatter.add.f32 [tilespmem:s18], [sflag:$0x2], $0x20, s7, s15, $0xb8;
	[tilespmem:$0x1BB40] =	vst v63  }
0x142: {  	_ =	swait.ge [sflag:s30], $0x1000  }
0x143: {  	[sflag:s30] =	ssyncset.done $0x0  }
0x144: {  	s9 =	sadd.s32 $0x2900, s0;
	[sflag:s30] =	ssyncadd.s32 $0xFFFFF000  }
0x145: {  	[spmem:s2] =	stream.indirect.scatter.add.f32 [tilespmem:s19], [sflag:$0x2], $0x20, s9, s15, $0xb8;
	[tilespmem:$0x1BB40] =	vst v63  }
0x146: {  	_ =	swait.ge [sflag:s30], $0x1000  }
0x147: {  	[sflag:s30] =	ssyncset.done $0x0  }
0x148: {  	s7 =	sadd.s32 $0x2980, s0;
	[sflag:s30] =	ssyncadd.s32 $0xFFFFF000  }
0x149: {  	[spmem:s2] =	stream.indirect.scatter.add.f32 [tilespmem:s20], [sflag:$0x2], $0x20, s7, s15, $0xb8;
	[tilespmem:$0x1BB40] =	vst v63  }
0x14a: {  	_ =	swait.ge [sflag:s30], $0x1000  }
0x14b: {  	[sflag:s30] =	ssyncset.done $0x0  }
0x14c: {  	s9 =	sadd.s32 $0x2A00, s0;
	[sflag:s30] =	ssyncadd.s32 $0xFFFFF000  }
0x14d: {  	[spmem:s2] =	stream.indirect.scatter.add.f32 [tilespmem:s21], [sflag:$0x2], $0x20, s9, s15, $0xb8;
	[tilespmem:$0x1BB40] =	vst v63  }
0x14e: {  	_ =	swait.ge [sflag:s30], $0x1000  }
0x14f: {  	[sflag:s30] =	ssyncset.done $0x0  }
0x150: {  	s7 =	sadd.s32 $0x2A80, s0;
	[sflag:s30] =	ssyncadd.s32 $0xFFFFF000  }
0x151: {  	[spmem:s2] =	stream.indirect.scatter.add.f32 [tilespmem:s22], [sflag:$0x2], $0x20, s7, s15, $0xb8;
	[tilespmem:$0x1BB40] =	vst v63  }
0x152: {  	_ =	swait.ge [sflag:s30], $0x1000  }
0x153: {  	[sflag:s30] =	ssyncset.done $0x0  }
0x154: {  	s9 =	sadd.s32 $0x2B00, s0;
	[sflag:s30] =	ssyncadd.s32 $0xFFFFF000  }
0x155: {  	[spmem:s2] =	stream.indirect.scatter.add.f32 [tilespmem:s23], [sflag:$0x2], $0x20, s9, s15, $0xb8;
	[tilespmem:$0x1BB40] =	vst v63  }
0x156: {  	_ =	swait.ge [sflag:s30], $0x1000  }
0x157: {  	[sflag:s30] =	ssyncset.done $0x0  }
0x158: {  	s7 =	sadd.s32 $0x2B80, s0;
	[sflag:s30] =	ssyncadd.s32 $0xFFFFF000  }
0x159: {  	[spmem:s2] =	stream.indirect.scatter.add.f32 [tilespmem:s24], [sflag:$0x2], $0x20, s7, s15, $0xb8;
	[tilespmem:$0x1BB40] =	vst v63  }
0x15a: {  	_ =	swait.ge [sflag:s30], $0x1000  }
0x15b: {  	[sflag:s30] =	ssyncset.done $0x0  }
0x15c: {  	s9 =	sadd.s32 $0x2C00, s0;
	[sflag:s30] =	ssyncadd.s32 $0xFFFFF000  }
0x15d: {  	[spmem:s2] =	stream.indirect.scatter.add.f32 [tilespmem:s25], [sflag:$0x2], $0x20, s9, s15, $0xb8;
	[tilespmem:$0x1BB40] =	vst v63  }
0x15e: {  	_ =	swait.ge [sflag:s30], $0x1000  }
0x15f: {  	[sflag:s30] =	ssyncset.done $0x0  }
0x160: {  	s7 =	sadd.s32 $0x2C80, s0;
	[sflag:s30] =	ssyncadd.s32 $0xFFFFF000  }
0x161: {  	[spmem:s2] =	stream.indirect.scatter.add.f32 [tilespmem:s26], [sflag:$0x2], $0x20, s7, s15, $0xb8;
	[tilespmem:$0x1BB40] =	vst v63  }
0x162: {  	_ =	swait.ge [sflag:s30], $0x1000  }
0x163: {  	[sflag:s30] =	ssyncset.done $0x0  }
0x164: {  	s9 =	sadd.s32 $0x2D00, s0;
	[sflag:s30] =	ssyncadd.s32 $0xFFFFF000  }
0x165: {  	[spmem:s2] =	stream.indirect.scatter.add.f32 [tilespmem:s28], [sflag:$0x2], $0x20, s9, s15, $0xb8;
	[tilespmem:$0x1BB40] =	vst v63  }
0x166: {  	_ =	swait.ge [sflag:s30], $0x1000  }
0x167: {  	[sflag:s30] =	ssyncset.done $0x0  }
0x168: {  	s0 =	sadd.s32 $0x2D80, s0;
	[sflag:s30] =	ssyncadd.s32 $0xFFFFF000  }
0x169: {  	[spmem:s2] =	stream.indirect.scatter.add.f32 [tilespmem:s29], [sflag:$0x2], $0x20, s0, s15, $0xb8;
	[tilespmem:$0x1BB40] =	vst v63  }
0x16a: {  	_ =	swait.ge [sflag:s31], $0x1000  }
0x16b: {  	[sflag:s31] =	ssyncset.done $0x0  }
0x16c: {  	[sflag:s31] =	ssyncadd.s32 $0xFFFFF000  }
0x16d: {  	_ =	swait.ge [sflag:s31], $0x1000  }
0x16e: {  	[sflag:s31] =	ssyncset.done $0x0  }
0x16f: {  	[sflag:s31] =	ssyncadd.s32 $0xFFFFF000  }
0x170: {  	_ =	swait.ge [sflag:s31], $0x1000  }
0x171: {  	[sflag:s31] =	ssyncset.done $0x0  }
0x172: {  	[sflag:s31] =	ssyncadd.s32 $0xFFFFF000  }
0x173: {  	_ =	swait.ge [sflag:s31], $0x1000  }
0x174: {  	[sflag:s31] =	ssyncset.done $0x0  }
0x175: {  	[sflag:s31] =	ssyncadd.s32 $0xFFFFF000  }
0x176: {  	_ =	swait.ge [sflag:s31], $0x1000  }
0x177: {  	[sflag:s31] =	ssyncset.done $0x0  }
0x178: {  	[sflag:s31] =	ssyncadd.s32 $0xFFFFF000  }
0x179: {  	_ =	swait.ge [sflag:s31], $0x1000  }
0x17a: {  	[sflag:s31] =	ssyncset.done $0x0  }
0x17b: {  	[sflag:s31] =	ssyncadd.s32 $0xFFFFF000  }
0x17c: {  	_ =	swait.ge [sflag:s31], $0x1000  }
0x17d: {  	[sflag:s31] =	ssyncset.done $0x0  }
0x17e: {  	[sflag:s31] =	ssyncadd.s32 $0xFFFFF000  }
0x17f: {  	_ =	swait.ge [sflag:s31], $0x1000  }
0x180: {  	[sflag:s31] =	ssyncset.done $0x0  }
0x181: {  	[sflag:s31] =	ssyncadd.s32 $0xFFFFF000  }
0x182: {  	_ =	swait.ge [sflag:s31], $0x1000  }
0x183: {  	[sflag:s31] =	ssyncset.done $0x0  }
0x184: {  	[sflag:s31] =	ssyncadd.s32 $0xFFFFF000  }
0x185: {  	_ =	swait.ge [sflag:s31], $0x1000  }
0x186: {  	[sflag:s31] =	ssyncset.done $0x0  }
0x187: {  	[sflag:s31] =	ssyncadd.s32 $0xFFFFF000  }
0x188: {  	_ =	swait.ge [sflag:s31], $0x1000  }
0x189: {  	[sflag:s31] =	ssyncset.done $0x0  }
0x18a: {  	[sflag:s31] =	ssyncadd.s32 $0xFFFFF000  }
0x18b: {  	_ =	swait.ge [sflag:s31], $0x1000  }
0x18c: {  	[sflag:s31] =	ssyncset.done $0x0  }
0x18d: {  	[sflag:s31] =	ssyncadd.s32 $0xFFFFF000  }
0x18e: {  	_ =	swait.ge [sflag:s31], $0x1000  }
0x18f: {  	s5 =	simm.s32 @!p0 $0x2700;
	[sflag:s31] =	ssyncset.done $0x0  }
0x190: {  	s7 =	simm.s32 @!p0 $0x4F00;
	s0 =	simm.s32 @!p0 $0x80;
	[sflag:s31] =	ssyncadd.s32 $0xFFFFF000  }
0x191: {  	[tilespmem:s7], [sflag:$0x3] =	stream.indirect.gather @!p0 [hbm4b:s4+s0], $0x20, s5, s0, $0xb8;
	[tilespmem:$0x1BB40] =	vst v63  }
0x192: {  	s5 =	simm.s32 @!p0 $0x3  }
0x193: {  	_ =	swait.ge @!p0 [sflag:s5], $0x1000  }
0x194: {  	[sflag:s5] =	ssyncset.done @!p0 $0x0  }
0x195: {  	s9 =	simm.s32 @!p0 $0x4E80;
	[sflag:s5] =	ssyncadd.s32 @!p0 $0xFFFFF000  }
0x196: {  	[spmem:s2] =	stream.indirect.scatter.add.f32 @!p0 [tilespmem:s7], [sflag:$0x3], $0x20, s9, s0, $0xb8;
	[tilespmem:$0x1BB40] =	vst v63  }
0x197: {  	_ =	swait.ge @!p0 [sflag:s5], $0x1000  }
0x198: {  	[sflag:s5] =	ssyncset.done @!p0 $0x0  }
0x199: {  	[sflag:s5] =	ssyncadd.s32 @!p0 $0xFFFFF000  }
0x19a: {  	[bflag:$0x0] =	sbarrier.arrive $0xFFFF  }
0x19b: {  	[tilespmem:s13], [sflag:$0x3] =	stream.linear.gather [spmem:s6], $0x4E20, $0x38;
	[tilespmem:$0x1BB40] =	vst v63  }
0x19c: {  	s1 =	sadd.s32 $0x1, s1;
	_ =	swait.ge [sflag:s14], $0x4E20  }
0x19d: {  	p1 =	sne.s32 s1, s12;
	[sflag:s14] =	ssyncset.done $0x0  }
.Ltmp1:
0x19e: {  	[sflag:s14] =	ssyncadd.s32 $0xFFFFB1E0;
	(pc) =	sbr.rel @p1 .LBB2_1-.Ltmp1, $4  }
0x19f: {  	[hbm4b:s11+s3] =	stream.linear.scatter [tilespmem:s13], [sflag:$0x3], $0x4E20, $0x38;
	[tilespmem:$0x1BB40] =	vst v63  }
0x1a0: {  	_ =	swait.ge [sflag:s14], $0x4E20  }
0x1a1: {  	[sflag:s14] =	ssyncset.done $0x0  }
0x1a2: {  	[sflag:s14] =	ssyncadd.s32 $0xFFFFB1E0  }
0x1a3: {  	_ =	sfence.sel $0x180000  }
0x1a4: {  	[bflag:$0x0] =	sbarrier.arrive $0xFFFF  }
0x1a5: {  	_ =	strace $0x9000004A  }
0x1a6: {  	s0 =	stileid.u32;
	[bflag:$0x2] =	sbarrier.arrive $0xFFFF  }
0x1a7: {  	p0 =	sne.s32 s0, $0x0;
	s0 =	rddreg [dreg:$0x2]  }
0x1a8: {  	s0 =	sadd.s32 @!p0 $0x100000, s0  }
0x1a9: {  	[sflag:s0] =	ssyncadd.tile.s32 @!p0 $0x1;
	_ =	shalt  }
.Lfunc_end2:
_tile_overlayer_lowered:
.L_overlay_start_2:
0x1aa: {  	(tag) =	ssettag $0x2  }
0x1ab: {  	s0 =	rddreg [dreg:$0x0];
	s2 =	stileid.u32  }
0x1ac: {  	s1 =	rddreg [dreg:$0x1];
	p0 =	sne.s32 s2, $0x0  }
0x1ad: {  	s3 =	rddreg [dreg:$0x2];
	[bflag:$0x3] =	sbarrier.arrive $0xFFFF;
	s2 =	simm.s32 @!p0 $0x1C03  }
0x1ae: {  	[timem:s3], [sflag:s2] =	dma.local @!p0 [hbm:s0], s1  }
0x1af: {  	s0 =	simm.s32 @!p0 $0x3  }
0x1b0: {  	_ =	swait.ge @!p0 [sflag:s0], s1  }
0x1b1: {  	s1 =	ssub.s32 @!p0 $0x0, s1;
	[sflag:s0] =	ssyncset.done @!p0 $0x0  }
0x1b2: {  	[sflag:s0] =	ssyncadd.s32 @!p0 s1  }
0x1b3: {  	[bflag:$0x3] =	sbarrier.arrive $0xFFFF  }
0x1b4: {  	_ =	shalt  }

// kernel: kernel.14.cloned.1.call-start
scs
__scs_entry_jumppad:
0x0: {  	(pc) =	sbr.rel $0x88, $3  }
0x1: {  	(tag) =	ssettag $0x0;
	lr =	simm.s32 $0x1  }
0x2: {  	[smem:$0x3F9B] =	sst lr;
	_ =	strace $0xD0000000  }
0x3: {  	_ = 	snop  }
0x4: {  	_ = 	snop  }
0x5: {  	_ = 	snop  }
0x6: {  	_ = 	snop  }
0x7: {  	_ = 	snop  }
__scs_overlays_trampoline_lowered:
0x8: {  	[smem:$0x3FAA] =	sst s0  }
0x9: {  	[smem:$0x3FAB] =	sst s1  }
0xa: {  	[smem:$0x3FAC] =	sst s2  }
0xb: {  	[smem:$0x3FAD] =	sst s3  }
0xc: {  	[smem:$0x3FAE] =	sst s4  }
0xd: {  	[smem:$0x3FAF] =	sst s5  }
0xe: {  	[smem:$0x3FB0] =	sst s6  }
0xf: {  	[smem:$0x3FB1] =	sst s7  }
0x10: {  	[smem:$0x3FB2] =	sst s8  }
0x11: {  	[smem:$0x3FB3] =	sst s9;
	s0 =	simm.s32 @!p0 $0x0  }
0x12: {  	s1 =	sld [smem:$0x3F99];
	s0 =	simm.s32 @p0 $0x1  }
0x13: {  	[smem:$0x3FB4] =	sst s0;
	s0 =	simm.s32 @!p1 $0x0  }
0x14: {  	s2 =	sld [smem:$0x3F98];
	s0 =	simm.s32 @p1 $0x1  }
0x15: {  	[smem:$0x3FB5] =	sst s0;
	s0 =	simm.s32 @!p2 $0x0  }
0x16: {  	s3 =	sld [smem:$0x3FDB];
	s0 =	simm.s32 @p2 $0x1  }
0x17: {  	s4 =	simm.s32 $0x1BF5;
	[smem:$0x3FB7] =	sst s0  }
0x18: {  	s0 =	sld [smem:$0x3F9A];
	_ =	swait.ge [sflag:s4], $0x0  }
0x19: {  	s7 =	sld [smem:$0x3F9B]  }
0x1a: {  	s8 =	sadd.s32 $0xFFFFE003, lr  }
0x1b: {  	s9 =	sadd.s32 $0xFFFFFEF7, lr;
	s5 =	simm.s32 $0xFFFFFFFF;
	p2 =	slt.u32 s8, $0xFFFFF086  }
0x1c: {  	p1 =	slt.u32 s9, $0xF7A;
	s5 =	simm.s32 @!p2 $0x0  }
0x1d: {  	s5 =	simm.s32 @p1 $0x1;
	p0 =	seq.s32 s7, s2  }
0x1e: {  	s7 =	smul.u32 @!p0 $0xF7A, s2;
	p2 =	seq.s32 @!p0 s5, $0x0  }
0x1f: {  	s9 =	smul.u32 $0xF7A, s1;
	s8 =	simm.s32 @!p0 $0x1BF5;
	p2 =	por !p2, p0  }
0x20: {  	[sflag:s8] =	ssyncset.s32 @!p0 $0xFFFFF086;
	s6 =	sadd.s32 @!p0 s3, s7;
	s7 =	simm.s32 @!p0 $0x108  }
0x21: {  	s3 =	sadd.s32 s3, s9;
	s6 =	sadd.s32 @!p0 $0x88, s6;
	s7 =	simm.s32 @p2 $0x1082  }
0x22: {  	[simem:s7], [sflag:s8] =	dma.local @!p0 [hbm:s6], $0xF7A  }
0x23: {  	s9 =	sor.u32 $0xD0000000, s2;
	s6 =	simm.s32 $0x108;
	_ =	swait.ge @!p0 [sflag:s8], $0x0  }
0x24: {  	s3 =	sadd.s32 $0x88, s3;
	s6 =	simm.s32 @!p1 $0x1082;
	[sflag:s4] =	ssyncset.s32 $0xFFFFF086  }
0x25: {  	[simem:s6], [sflag:s4] =	dma.local [hbm:s3], $0xF7A  }
0x26: {  	[smem:$0x3F9B] =	sst s1;
	(tag) =	ssettag s2;
	_ =	strace s9  }
0x27: {  	s1 =	sld [smem:$0x3FAB]  }
0x28: {  	s2 =	sld [smem:$0x3FAC]  }
0x29: {  	s4 =	sld [smem:$0x3FAE]  }
0x2a: {  	p0 =	seq.s32 s5, $0x0;
	s5 =	sld [smem:$0x3FAF]  }
0x2b: {  	s6 =	sld [smem:$0x3FB0]  }
0x2c: {  	s7 =	sld [smem:$0x3FB1]  }
0x2d: {  	s3 =	simm.s32 $0x108;
	s8 =	sld [smem:$0x3FB2]  }
0x2e: {  	s3 =	simm.s32 @!p0 $0x1082;
	s9 =	sld [smem:$0x3FB3]  }
0x2f: {  	lr =	sadd.s32 s0, s3;
	s0 =	sld [smem:$0x3FAA]  }
0x30: {  	s3 =	sld [smem:$0x3FAD]  }
0x31: {  	[smem:$0x3FB6] =	sst s10  }
0x32: {  	s10 =	sld [smem:$0x3FB4];
	_ =	sdelay $0x3  }
0x33: {  	p0 =	seq.s32 s10, $0x1;
	s10 =	sld [smem:$0x3FB6];
	_ =	sdelay $0x3  }
0x34: {  	[smem:$0x3FB6] =	sst s10  }
0x35: {  	s10 =	sld [smem:$0x3FB5];
	_ =	sdelay $0x3  }
0x36: {  	p1 =	seq.s32 s10, $0x1;
	s10 =	sld [smem:$0x3FB6];
	_ =	sdelay $0x3  }
0x37: {  	[smem:$0x3FB6] =	sst s10  }
0x38: {  	s10 =	sld [smem:$0x3FB7]  }
0x39: {  	_ = 	snop;
	(pc) =	sbr.ind lr, $3  }
0x3a: {  	_ = 	snop  }
0x3b: {  	_ = 	snop  }
0x3c: {  	p2 =	seq.s32 s10, $0x1;
	s10 =	sld [smem:$0x3FB6]  }
0x3d: {  	_ =	shalt  }
0x3e: {  	_ =	shalt  }
0x3f: {  	_ =	shalt  }
0x40: {  	_ =	shalt  }
0x41: {  	_ =	shalt  }
0x42: {  	_ =	shalt  }
0x43: {  	_ =	shalt  }
0x44: {  	_ =	shalt  }
0x45: {  	_ =	shalt  }
0x46: {  	_ =	shalt  }
0x47: {  	_ =	shalt  }
0x48: {  	_ =	shalt  }
0x49: {  	_ =	shalt  }
0x4a: {  	_ =	shalt  }
0x4b: {  	_ =	shalt  }
0x4c: {  	_ =	shalt  }
0x4d: {  	_ =	shalt  }
0x4e: {  	_ =	shalt  }
0x4f: {  	_ =	shalt  }
0x50: {  	_ =	shalt  }
0x51: {  	_ =	shalt  }
0x52: {  	_ =	shalt  }
0x53: {  	_ =	shalt  }
0x54: {  	_ =	shalt  }
0x55: {  	_ =	shalt  }
0x56: {  	_ =	shalt  }
0x57: {  	_ =	shalt  }
0x58: {  	_ =	shalt  }
0x59: {  	_ =	shalt  }
0x5a: {  	_ =	shalt  }
0x5b: {  	_ =	shalt  }
0x5c: {  	_ =	shalt  }
0x5d: {  	_ =	shalt  }
0x5e: {  	_ =	shalt  }
0x5f: {  	_ =	shalt  }
0x60: {  	_ =	shalt  }
0x61: {  	_ =	shalt  }
0x62: {  	_ =	shalt  }
0x63: {  	_ =	shalt  }
0x64: {  	_ =	shalt  }
0x65: {  	_ =	shalt  }
0x66: {  	_ =	shalt  }
0x67: {  	_ =	shalt  }
0x68: {  	_ =	shalt  }
0x69: {  	_ =	shalt  }
0x6a: {  	_ =	shalt  }
0x6b: {  	_ =	shalt  }
0x6c: {  	_ =	shalt  }
0x6d: {  	_ =	shalt  }
0x6e: {  	_ =	shalt  }
0x6f: {  	_ =	shalt  }
0x70: {  	_ =	shalt  }
0x71: {  	_ =	shalt  }
0x72: {  	_ =	shalt  }
0x73: {  	_ =	shalt  }
0x74: {  	_ =	shalt  }
0x75: {  	_ =	shalt  }
0x76: {  	_ =	shalt  }
0x77: {  	_ =	shalt  }
0x78: {  	_ =	shalt  }
0x79: {  	_ =	shalt  }
0x7a: {  	_ =	shalt  }
0x7b: {  	_ =	shalt  }
0x7c: {  	_ =	shalt  }
0x7d: {  	_ =	shalt  }
0x7e: {  	_ =	shalt  }
0x7f: {  	_ =	shalt  }
0x80: {  	_ =	shalt  }
0x81: {  	_ =	shalt  }
0x82: {  	_ =	shalt  }
0x83: {  	_ =	shalt  }
0x84: {  	_ =	shalt  }
0x85: {  	_ =	shalt  }
0x86: {  	_ =	shalt  }
0x87: {  	_ =	shalt  }
.Lfunc_end0:
.L_simem_size_0:
called_computation.2_lowered:
.L_overlay_start_0:
0x88: {  	s2 =	sld [smem:$0x3FD9]  }
0x89: {  	s3 =	sld [smem:$0x3FFE];
	_ =	sdelay $0x1  }
0x8a: {  	s1 =	srdreg.scid  }
0x8b: {  	s0 =	sand.u32 $0x1, s1  }
0x8c: {  	s17 =	sshll.u32 s0, $0xA;
	s2 =	sadd.s32 s3, s2  }
0x8d: {  	s2 =	sadd.s32 s2, s17  }
0x8e: {  	[smem:$0x3FC2] =	sst s2  }
0x8f: {  	_ = 	snop  }
0x90: {  	s2 =	sld [smem:$0x3FD0];
	(tm) =	ssettm $0x1  }
0x91: {  	s18 =	sld [smem:$0x3FFB];
	_ =	sdelay $0x3  }
0x92: {  	_ =	strace s18  }
0x93: {  	s3 =	sld [smem:$0x3FFC];
	_ =	sdelay $0x3  }
0x94: {  	_ =	strace s3  }
0x95: {  	s3 =	sld [smem:$0x3FFD];
	_ =	sdelay $0x3  }
0x96: {  	_ =	strace s3  }
0x97: {  	_ =	strace $0x8FFFFFFF  }
0x98: {  	s19 =	sld [smem:$0x3FDB];
	_ =	sdelay $0x1  }
0x99: {  	s4 =	simm.s32 $_scs_section_size  }
0x9a: {  	s5 =	simm.s32 $_size__tile_overlayer_lowered;
	s6 =	simm.s32 $_tile_overlayer_lowered  }
0x9b: {  	s22 =	simm.s32 $0x1BFF;
	s21 =	sshll.u32 s6, $0x1;
	s3 =	sadd.s32 s4, s19  }
0x9c: {  	s7 =	simm.s32 $0x0;
	s20 =	sshll.u32 s5, $0x1;
	s5 =	sadd.s32 s21, s3  }
0x9d: {  	[timem:s7], [sflag:s22] =	dma.local [hbm:s5], s20  }
0x9e: {  	_ =	swait.ge [sflag:s22], s20  }
0x9f: {  	s4 =	ssub.s32 $0x0, s20;
	[sflag:s22] =	ssyncset.done $0x0  }
0xa0: {  	[sflag:s22] =	ssyncadd.s32 s4;
	_ =	sdelay $0x1  }
0xa1: {  	s23 =	simm.s32 $0x1B8B  }
0xa2: {  	_ =	swait.ge [sflag:s23], $0x1  }
0xa3: {  	[sflag:s23] =	ssyncset.done $0x0  }
0xa4: {  	s25 =	simm.s32 $0x1B8E;
	s24 =	sld [smem:$0x3FFE];
	[sflag:s23] =	ssyncadd.s32 $0xFFFFFFFF  }
0xa5: {  	s26 =	simm.s32 $execute0_lowered;
	[smem:$0x3FD2] =	sst s25  }
0xa6: {  	s5 =	sshll.u32 s26, $0x1;
	_ =	strace $0x8000004C;
	[dreg:$0x1] =	wrdreg $0xFFFFFFFF  }
0xa7: {  	s28 =	simm.s32 $_size_execute0_lowered;
	s3 =	sadd.s32 s3, s5;
	[dreg:$0x0] =	wrdreg $0x0  }
0xa8: {  	s5 =	sshll.u32 s28, $0x1;
	[dreg:$0x2] =	wrdreg s3  }
0xa9: {  	[dreg:$0x3] =	wrdreg s5  }
0xaa: {  	[dreg:$0x4] =	wrdreg $0xC0  }
0xab: {  	_ =	task [dreg:s7], $0x5FFFF  }
0xac: {  	[dreg:$0x1] =	wrdreg $0xFFFFFFFF  }
0xad: {  	[dreg:$0x0] =	wrdreg $0x60  }
0xae: {  	[dreg:$0x2] =	wrdreg s2  }
0xaf: {  	[dreg:$0x3] =	wrdreg s24  }
0xb0: {  	[dreg:$0x4] =	wrdreg $0x146100  }
0xb1: {  	[dreg:$0x5] =	wrdreg $0x9  }
0xb2: {  	_ =	task.clear_ibuf [dreg:s7], $0x6FFFF;
	_ =	strace $0x9000004C  }
0xb3: {  	s29 =	simm.s32 $0x9;
	_ =	strace $0x8000004E  }
0xb4: {  	_ =	swait.ge [sflag:s29], $0x1  }
0xb5: {  	[sflag:s29] =	ssyncadd.s32 $0xFFFFFFFF  }
0xb6: {  	_ =	strace $0x9000004E  }
0xb7: {  	_ =	sfence  }
0xb8: {  	s30 =	sld [smem:$0x0];
	_ =	sdelay $0x2  }
0xb9: {  	s31 =	sshll.u32 s1, $0xD;
	s1 =	sshrl.u32 s1, $0x2  }
0xba: {  	s3 =	sand.u32 $0x4000, s31;
	s1 =	sadd.s32 s1, s30  }
0xbb: {  	s0 =	sor.u32 s3, s0;
	s1 =	sshll.u32 s1, $0x11  }
0xbc: {  	s0 =	sor.u32 s1, s0  }
0xbd: {  	s0 =	sadd.s32 $0x8F2B, s0  }
0xbe: {  	[sflag:s0] =	ssyncadd.remote.s32 $0x1  }
0xbf: {  	_ =	sfence.sel $0xFFFF  }
0xc0: {  	[dreg:$0x0] =	wrdreg $0xFFFFFFFF;
	(pc) =	sbr.abs _section_cstart, $3  }
0xc1: {  	[dreg:$0x1] =	wrdreg $0xFFFFFFFF  }
0xc2: {  	_ =	task.clear_ibuf [dreg:s7], $0x2FFFF;
	_ =	strace $0x9FFFFFFF  }
0xc3: {  	(tm) =	ssettm $0x7FFFFFFF  }
tec
execute0_lowered:
.L_overlay_start_1:
0x0: {  	(tag) =	ssettag $0x1  }
0x1: {  	s1 =	rddreg [dreg:$0x0]  }
0x2: {  	s0 =	srdreg.scid;
	s4 =	rddreg [dreg:$0x1]  }
0x3: {  	s3 =	rddreg [dreg:$0x2];
	s9 =	simm.s32 $0x0;
	s0 =	sand.u32 $0x1, s0  }
0x4: {  	s6 =	stileid.u32;
	[smem:$0x7FF] =	sst s9;
	s2 =	sshll.u32 s0, $0x4  }
0x5: {  	s8 =	smul.u32 $0x27100, s0;
	_ =	strace $0x8000004D;
	s0 =	ssub.s32 $0x2, s0  }
0x6: {  	s2 =	sor.u32 s6, s2;
	s6 =	smul.u32 $0x2710, s6;
	s25 =	sshrl.u32 s0, $0x1  }
0x7: {  	s5 =	smul.u32 $0x4E, s2;
	s7 =	smin.u32 s2, $0x4;
	s0 =	ssub.s32 s0, s25  }
0x8: {  	s24 =	sadd.s32 s6, s8;
	s26 =	sshrl.u32 s6, $0x3;
	s0 =	smax.u32 s0, $0x1  }
0x9: {  	s5 =	sadd.s32 s7, s5;
	s28 =	sadd.s32 s1, s26;
	[dreg:$0xb] =	wrdreg s0  }
0xa: {  	s7 =	sshrl.u32 s24, $0x3;
	s5 =	sshll.u32 s5, $0x4;
	[dreg:$0x4] =	wrdreg s28  }
0xb: {  	s5 =	sadd.s32 s5, s4;
	s4 =	sadd.s32 s7, s4;
	s7 =	sadd.s32 s6, s3  }
0xc: {  	s29 =	sadd.s32 $0x1E00, s5;
	[dreg:$0x5] =	wrdreg s7  }
0xd: {  	s16 =	simm.s32 $0x11F00;
	s30 =	sadd.s32 $0xBA40, s5;
	[dreg:$0x6] =	wrdreg s29  }
0xe: {  	s15 =	simm.s32 $0x80;
	s31 =	sadd.s32 $0x22E0, s5;
	[dreg:$0x7] =	wrdreg s30  }
0xf: {  	s14 =	simm.s32 $0x2;
	s5 =	sadd.s32 $0xBF20, s5;
	[dreg:$0x8] =	wrdreg s31  }
0x10: {  	p0 =	sgt.u32 s2, $0x3;
	s4 =	sadd.s32 $0x15800, s4;
	[dreg:$0x9] =	wrdreg s5  }
0x11: {  	s8 =	simm.s32 $0x1;
	s0 =	simm.s32 $0x0;
	[dreg:$0xa] =	wrdreg s4  }
.LBB2_1:
0x12: {  	[dreg:$0xc] =	wrdreg s0  }
0x13: {  	s18 =	simm.s32 $0x3;
	s17 =	rddreg [dreg:$0x4]  }
0x14: {  	[tilespmem:s16], [sflag:$0x3] =	stream.linear.gather [hbm4b:s17+s9], $0x2710, $0x38;
	[tilespmem:$0x16D20] =	vst v63  }
0x15: {  	_ =	swait.ge [sflag:s18], $0x2710  }
0x16: {  	[sflag:s18] =	ssyncset.done $0x0  }
0x17: {  	[sflag:s18] =	ssyncadd.s32 $0xFFFFD8F0  }
0x18: {  	[spmem:s7] =	stream.linear.scatter [tilespmem:s16], [sflag:$0x3], $0x2710, $0x38;
	[tilespmem:$0x16D20] =	vst v63  }
0x19: {  	_ =	swait.ge [sflag:s18], $0x2710  }
0x1a: {  	[sflag:s18] =	ssyncset.done $0x0  }
0x1b: {  	s31 =	rddreg [dreg:$0x6];
	[sflag:s18] =	ssyncadd.s32 $0xFFFFD8F0  }
0x1c: {  	[tilespmem:s9], [sflag:$0x3] =	stream.linear.gather [hbm4b:s31+s9], $0x2700, $0x38;
	[tilespmem:$0x16D20] =	vst v63  }
0x1d: {  	_ =	swait.ge [sflag:s18], $0x2700  }
0x1e: {  	s17 =	simm.s32 @p0 $0x2780;
	[sflag:s18] =	ssyncset.done $0x0  }
0x1f: {  	s16 =	simm.s32 @p0 $0x0;
	[sflag:s18] =	ssyncadd.s32 $0xFFFFD900;
	s18 =	rddreg [dreg:$0x7]  }
0x20: {  	[tilespmem:s17], [sflag:$0x3] =	stream.linear.gather @p0 [hbm4b:s18+s16], $0x2700, $0x38;
	[tilespmem:$0x16D20] =	vst v63  }
0x21: {  	s16 =	simm.s32 @p0 $0x3  }
0x22: {  	_ =	swait.ge @p0 [sflag:s16], $0x2700  }
0x23: {  	s0 =	simm.s32 @!p0 $0x0;
	[sflag:s16] =	ssyncset.done @p0 $0x0  }
0x24: {  	s17 =	simm.s32 @!p0 $0x2700;
	[sflag:s16] =	ssyncadd.s32 @p0 $0xFFFFD900;
	s16 =	rddreg [dreg:$0x8]  }
0x25: {  	[tilespmem:s17], [sflag:$0x3] =	stream.linear.gather @!p0 [hbm4b:s16+s0], $0x80, $0x38;
	[tilespmem:$0x16D20] =	vst v63  }
0x26: {  	s17 =	simm.s32 @!p0 $0x3  }
0x27: {  	_ =	swait.ge @!p0 [sflag:s17], $0x80  }
0x28: {  	[sflag:s17] =	ssyncset.done @!p0 $0x0  }
0x29: {  	s16 =	simm.s32 @!p0 $0x2780;
	[sflag:s17] =	ssyncadd.s32 @!p0 $0xFFFFFF80  }
0x2a: {  	[tilespmem:s16], [sflag:$0x3] =	stream.linear.gather @!p0 [hbm4b:s18+s0], $0x2700, $0x38;
	[tilespmem:$0x16D20] =	vst v63  }
0x2b: {  	_ =	swait.ge @!p0 [sflag:s17], $0x2700  }
0x2c: {  	[sflag:s17] =	ssyncset.done @!p0 $0x0  }
0x2d: {  	s16 =	simm.s32 @!p0 $0x4E80;
	s18 =	rddreg [dreg:$0x9];
	[sflag:s17] =	ssyncadd.s32 @!p0 $0xFFFFD900  }
0x2e: {  	[tilespmem:s16], [sflag:$0x3] =	stream.linear.gather @!p0 [hbm4b:s18+s0], $0x80, $0x38;
	[tilespmem:$0x16D20] =	vst v63  }
0x2f: {  	_ =	swait.ge @!p0 [sflag:s17], $0x80  }
0x30: {  	[sflag:s17] =	ssyncset.done @!p0 $0x0  }
0x31: {  	[sflag:s17] =	ssyncadd.s32 @!p0 $0xFFFFFF80  }
0x32: {  	s0 =	simm.s32 $0x0;
	s17 =	simm.s32 $0x4F00;
	[bflag:$0x0] =	sbarrier.arrive $0xFFFF  }
0x33: {  	[tilespmem:s17], [sflag:$0x1] =	stream.indirect.gather [hbm4b:s1+s15], $0x10, s0, s15, $0xb8;
	[tilespmem:$0x16D20] =	vst v63  }
0x34: {  	s2 =	simm.s32 $0x80;
	s18 =	simm.s32 $0x5700  }
0x35: {  	[tilespmem:s18], [sflag:$0x1] =	stream.indirect.gather [hbm4b:s1+s15], $0x10, s2, s15, $0xb8;
	[tilespmem:$0x16D20] =	vst v63  }
0x36: {  	s4 =	simm.s32 $0x100;
	s22 =	simm.s32 $0x5F00  }
0x37: {  	[tilespmem:s22], [sflag:$0x1] =	stream.indirect.gather [hbm4b:s1+s15], $0x10, s4, s15, $0xb8;
	[tilespmem:$0x16D20] =	vst v63  }
0x38: {  	s5 =	simm.s32 $0x180;
	s23 =	simm.s32 $0x6700  }
0x39: {  	[tilespmem:s23], [sflag:$0x1] =	stream.indirect.gather [hbm4b:s1+s15], $0x10, s5, s15, $0xb8;
	[tilespmem:$0x16D20] =	vst v63  }
0x3a: {  	s6 =	simm.s32 $0x200;
	s24 =	simm.s32 $0x6F00  }
0x3b: {  	[tilespmem:s24], [sflag:$0x1] =	stream.indirect.gather [hbm4b:s1+s15], $0x10, s6, s15, $0xb8;
	[tilespmem:$0x16D20] =	vst v63  }
0x3c: {  	s25 =	simm.s32 $0x7700;
	s7 =	simm.s32 $0x280  }
0x3d: {  	[tilespmem:s25], [sflag:$0x1] =	stream.indirect.gather [hbm4b:s1+s15], $0x10, s7, s15, $0xb8;
	[tilespmem:$0x16D20] =	vst v63  }
0x3e: {  	s26 =	simm.s32 $0x7F00;
	s9 =	simm.s32 $0x300  }
0x3f: {  	[tilespmem:s26], [sflag:$0x1] =	stream.indirect.gather [hbm4b:s1+s15], $0x10, s9, s15, $0xb8;
	[tilespmem:$0x16D20] =	vst v63  }
0x40: {  	s10 =	simm.s32 $0x380;
	s28 =	simm.s32 $0x8700  }
0x41: {  	[tilespmem:s28], [sflag:$0x1] =	stream.indirect.gather [hbm4b:s1+s15], $0x10, s10, s15, $0xb8;
	[tilespmem:$0x16D20] =	vst v63  }
0x42: {  	s11 =	simm.s32 $0x400;
	s29 =	simm.s32 $0x8F00  }
0x43: {  	[tilespmem:s29], [sflag:$0x1] =	stream.indirect.gather [hbm4b:s1+s15], $0x10, s11, s15, $0xb8;
	[tilespmem:$0x16D20] =	vst v63  }
0x44: {  	s12 =	simm.s32 $0x480;
	s2 =	simm.s32 $0x9700  }
0x45: {  	[tilespmem:s2], [sflag:$0x1] =	stream.indirect.gather [hbm4b:s1+s15], $0x10, s12, s15, $0xb8;
	[tilespmem:$0x16D20] =	vst v63  }
0x46: {  	s13 =	simm.s32 $0x500;
	s0 =	simm.s32 $0x9F00  }
0x47: {  	[tilespmem:s0], [sflag:$0x1] =	stream.indirect.gather [hbm4b:s1+s15], $0x10, s13, s15, $0xb8;
	[tilespmem:$0x16D20] =	vst v63  }
0x48: {  	s19 =	simm.s32 $0x580;
	s5 =	simm.s32 $0xA700  }
0x49: {  	[tilespmem:s5], [sflag:$0x1] =	stream.indirect.gather [hbm4b:s1+s15], $0x10, s19, s15, $0xb8;
	[tilespmem:$0x16D20] =	vst v63  }
0x4a: {  	s20 =	simm.s32 $0x600;
	s7 =	simm.s32 $0xAF00  }
0x4b: {  	[tilespmem:s7], [sflag:$0x1] =	stream.indirect.gather [hbm4b:s1+s15], $0x10, s20, s15, $0xb8;
	[tilespmem:$0x16D20] =	vst v63  }
0x4c: {  	s21 =	simm.s32 $0x680;
	s9 =	simm.s32 $0xB700  }
0x4d: {  	[tilespmem:s9], [sflag:$0x1] =	stream.indirect.gather [hbm4b:s1+s15], $0x10, s21, s15, $0xb8;
	[tilespmem:$0x16D20] =	vst v63  }
0x4e: {  	s30 =	simm.s32 $0x700;
	s10 =	simm.s32 $0xBF00  }
0x4f: {  	[tilespmem:s10], [sflag:$0x1] =	stream.indirect.gather [hbm4b:s1+s15], $0x10, s30, s15, $0xb8;
	[tilespmem:$0x16D20] =	vst v63  }
0x50: {  	s31 =	simm.s32 $0x780;
	s11 =	simm.s32 $0xC700  }
0x51: {  	[tilespmem:s11], [sflag:$0x1] =	stream.indirect.gather [hbm4b:s1+s15], $0x10, s31, s15, $0xb8;
	[tilespmem:$0x16D20] =	vst v63  }
0x52: {  	s4 =	simm.s32 $0x800;
	s12 =	simm.s32 $0xCF00  }
0x53: {  	[tilespmem:s12], [sflag:$0x1] =	stream.indirect.gather [hbm4b:s1+s15], $0x10, s4, s15, $0xb8;
	[tilespmem:$0x16D20] =	vst v63  }
0x54: {  	s6 =	simm.s32 $0x880;
	s4 =	simm.s32 $0xD700  }
0x55: {  	[tilespmem:s4], [sflag:$0x1] =	stream.indirect.gather [hbm4b:s1+s15], $0x10, s6, s15, $0xb8;
	[tilespmem:$0x16D20] =	vst v63  }
0x56: {  	s13 =	simm.s32 $0x900;
	s6 =	simm.s32 $0xDF00  }
0x57: {  	[tilespmem:s6], [sflag:$0x1] =	stream.indirect.gather [hbm4b:s1+s15], $0x10, s13, s15, $0xb8;
	[tilespmem:$0x16D20] =	vst v63  }
0x58: {  	s19 =	simm.s32 $0x980;
	s13 =	simm.s32 $0xE700  }
0x59: {  	[tilespmem:s13], [sflag:$0x1] =	stream.indirect.gather [hbm4b:s1+s15], $0x10, s19, s15, $0xb8;
	[tilespmem:$0x16D20] =	vst v63  }
0x5a: {  	s20 =	simm.s32 $0xA00;
	s19 =	simm.s32 $0xEF00  }
0x5b: {  	[tilespmem:s19], [sflag:$0x1] =	stream.indirect.gather [hbm4b:s1+s15], $0x10, s20, s15, $0xb8;
	[tilespmem:$0x16D20] =	vst v63  }
0x5c: {  	s21 =	simm.s32 $0xA80;
	s20 =	simm.s32 $0xF700  }
0x5d: {  	[tilespmem:s20], [sflag:$0x1] =	stream.indirect.gather [hbm4b:s1+s15], $0x10, s21, s15, $0xb8;
	[tilespmem:$0x16D20] =	vst v63  }
0x5e: {  	s30 =	simm.s32 $0xB00;
	s21 =	simm.s32 $0xFF00  }
0x5f: {  	[tilespmem:s21], [sflag:$0x1] =	stream.indirect.gather [hbm4b:s1+s15], $0x10, s30, s15, $0xb8;
	[tilespmem:$0x16D20] =	vst v63  }
0x60: {  	s31 =	simm.s32 $0xB80;
	s30 =	simm.s32 $0x10700  }
0x61: {  	[tilespmem:s30], [sflag:$0x1] =	stream.indirect.gather [hbm4b:s1+s15], $0x10, s31, s15, $0xb8;
	[tilespmem:$0x16D20] =	vst v63  }
0x62: {  	s16 =	simm.s32 $0xC00;
	s31 =	simm.s32 $0x10F00  }
0x63: {  	[tilespmem:s31], [sflag:$0x1] =	stream.indirect.gather [hbm4b:s1+s15], $0x10, s16, s15, $0xb8;
	[tilespmem:$0x16D20] =	vst v63  }
0x64: {  	s16 =	simm.s32 $0xC80;
	s31 =	simm.s32 $0x11700  }
0x65: {  	[tilespmem:s31], [sflag:$0x1] =	stream.indirect.gather [hbm4b:s1+s15], $0x10, s16, s15, $0xb8;
	[tilespmem:$0x16D20] =	vst v63  }
0x66: {  	_ =	swait.ge [sflag:s8], $0x800  }
0x67: {  	[sflag:s8] =	ssyncset.done $0x0  }
0x68: {  	s16 =	simm.s32 $0x2780;
	[sflag:s8] =	ssyncadd.s32 $0xFFFFF800  }
0x69: {  	[spmem:s3] =	stream.indirect.scatter.add.f32 [tilespmem:s17], [sflag:$0x2], $0x10, s16, s15, $0xb8;
	[tilespmem:$0x16D20] =	vst v63  }
0x6a: {  	_ =	swait.ge [sflag:s8], $0x800  }
0x6b: {  	[sflag:s8] =	ssyncset.done $0x0  }
0x6c: {  	s17 =	simm.s32 $0x2800;
	[sflag:s8] =	ssyncadd.s32 $0xFFFFF800  }
0x6d: {  	[spmem:s3] =	stream.indirect.scatter.add.f32 [tilespmem:s18], [sflag:$0x2], $0x10, s17, s15, $0xb8;
	[tilespmem:$0x16D20] =	vst v63  }
0x6e: {  	_ =	swait.ge [sflag:s8], $0x800  }
0x6f: {  	[sflag:s8] =	ssyncset.done $0x0  }
0x70: {  	s17 =	simm.s32 $0x2880;
	[sflag:s8] =	ssyncadd.s32 $0xFFFFF800  }
0x71: {  	[spmem:s3] =	stream.indirect.scatter.add.f32 [tilespmem:s22], [sflag:$0x2], $0x10, s17, s15, $0xb8;
	[tilespmem:$0x16D20] =	vst v63  }
0x72: {  	_ =	swait.ge [sflag:s8], $0x800  }
0x73: {  	[sflag:s8] =	ssyncset.done $0x0  }
0x74: {  	s18 =	simm.s32 $0x2900;
	[sflag:s8] =	ssyncadd.s32 $0xFFFFF800  }
0x75: {  	[spmem:s3] =	stream.indirect.scatter.add.f32 [tilespmem:s23], [sflag:$0x2], $0x10, s18, s15, $0xb8;
	[tilespmem:$0x16D20] =	vst v63  }
0x76: {  	_ =	swait.ge [sflag:s8], $0x800  }
0x77: {  	[sflag:s8] =	ssyncset.done $0x0  }
0x78: {  	s22 =	simm.s32 $0x2980;
	[sflag:s8] =	ssyncadd.s32 $0xFFFFF800  }
0x79: {  	[spmem:s3] =	stream.indirect.scatter.add.f32 [tilespmem:s24], [sflag:$0x2], $0x10, s22, s15, $0xb8;
	[tilespmem:$0x16D20] =	vst v63  }
0x7a: {  	_ =	swait.ge [sflag:s8], $0x800  }
0x7b: {  	[sflag:s8] =	ssyncset.done $0x0  }
0x7c: {  	s23 =	simm.s32 $0x2A00;
	[sflag:s8] =	ssyncadd.s32 $0xFFFFF800  }
0x7d: {  	[spmem:s3] =	stream.indirect.scatter.add.f32 [tilespmem:s25], [sflag:$0x2], $0x10, s23, s15, $0xb8;
	[tilespmem:$0x16D20] =	vst v63  }
0x7e: {  	_ =	swait.ge [sflag:s8], $0x800  }
0x7f: {  	[sflag:s8] =	ssyncset.done $0x0  }
0x80: {  	s24 =	simm.s32 $0x2A80;
	[sflag:s8] =	ssyncadd.s32 $0xFFFFF800  }
0x81: {  	[spmem:s3] =	stream.indirect.scatter.add.f32 [tilespmem:s26], [sflag:$0x2], $0x10, s24, s15, $0xb8;
	[tilespmem:$0x16D20] =	vst v63  }
0x82: {  	_ =	swait.ge [sflag:s8], $0x800  }
0x83: {  	[sflag:s8] =	ssyncset.done $0x0  }
0x84: {  	s25 =	simm.s32 $0x2B00;
	[sflag:s8] =	ssyncadd.s32 $0xFFFFF800  }
0x85: {  	[spmem:s3] =	stream.indirect.scatter.add.f32 [tilespmem:s28], [sflag:$0x2], $0x10, s25, s15, $0xb8;
	[tilespmem:$0x16D20] =	vst v63  }
0x86: {  	_ =	swait.ge [sflag:s8], $0x800  }
0x87: {  	[sflag:s8] =	ssyncset.done $0x0  }
0x88: {  	s26 =	simm.s32 $0x2B80;
	[sflag:s8] =	ssyncadd.s32 $0xFFFFF800  }
0x89: {  	[spmem:s3] =	stream.indirect.scatter.add.f32 [tilespmem:s29], [sflag:$0x2], $0x10, s26, s15, $0xb8;
	[tilespmem:$0x16D20] =	vst v63  }
0x8a: {  	_ =	swait.ge [sflag:s8], $0x800  }
0x8b: {  	[sflag:s8] =	ssyncset.done $0x0  }
0x8c: {  	s28 =	simm.s32 $0x2C00;
	[sflag:s8] =	ssyncadd.s32 $0xFFFFF800  }
0x8d: {  	[spmem:s3] =	stream.indirect.scatter.add.f32 [tilespmem:s2], [sflag:$0x2], $0x10, s28, s15, $0xb8;
	[tilespmem:$0x16D20] =	vst v63  }
0x8e: {  	_ =	swait.ge [sflag:s8], $0x800  }
0x8f: {  	[sflag:s8] =	ssyncset.done $0x0  }
0x90: {  	s29 =	simm.s32 $0x2C80;
	[sflag:s8] =	ssyncadd.s32 $0xFFFFF800  }
0x91: {  	[spmem:s3] =	stream.indirect.scatter.add.f32 [tilespmem:s0], [sflag:$0x2], $0x10, s29, s15, $0xb8;
	[tilespmem:$0x16D20] =	vst v63  }
0x92: {  	_ =	swait.ge [sflag:s8], $0x800  }
0x93: {  	[sflag:s8] =	ssyncset.done $0x0  }
0x94: {  	s2 =	simm.s32 $0x2D00;
	[sflag:s8] =	ssyncadd.s32 $0xFFFFF800  }
0x95: {  	[spmem:s3] =	stream.indirect.scatter.add.f32 [tilespmem:s5], [sflag:$0x2], $0x10, s2, s15, $0xb8;
	[tilespmem:$0x16D20] =	vst v63  }
0x96: {  	_ =	swait.ge [sflag:s8], $0x800  }
0x97: {  	[sflag:s8] =	ssyncset.done $0x0  }
0x98: {  	s5 =	simm.s32 $0x2D80;
	[sflag:s8] =	ssyncadd.s32 $0xFFFFF800  }
0x99: {  	[spmem:s3] =	stream.indirect.scatter.add.f32 [tilespmem:s7], [sflag:$0x2], $0x10, s5, s15, $0xb8;
	[tilespmem:$0x16D20] =	vst v63  }
0x9a: {  	_ =	swait.ge [sflag:s8], $0x800  }
0x9b: {  	[sflag:s8] =	ssyncset.done $0x0  }
0x9c: {  	s7 =	simm.s32 $0x2E00;
	[sflag:s8] =	ssyncadd.s32 $0xFFFFF800  }
0x9d: {  	[spmem:s3] =	stream.indirect.scatter.add.f32 [tilespmem:s9], [sflag:$0x2], $0x10, s7, s15, $0xb8;
	[tilespmem:$0x16D20] =	vst v63  }
0x9e: {  	_ =	swait.ge [sflag:s8], $0x800  }
0x9f: {  	[sflag:s8] =	ssyncset.done $0x0  }
0xa0: {  	s9 =	simm.s32 $0x2E80;
	[sflag:s8] =	ssyncadd.s32 $0xFFFFF800  }
0xa1: {  	[spmem:s3] =	stream.indirect.scatter.add.f32 [tilespmem:s10], [sflag:$0x2], $0x10, s9, s15, $0xb8;
	[tilespmem:$0x16D20] =	vst v63  }
0xa2: {  	_ =	swait.ge [sflag:s8], $0x800  }
0xa3: {  	[sflag:s8] =	ssyncset.done $0x0  }
0xa4: {  	s10 =	simm.s32 $0x2F00;
	[sflag:s8] =	ssyncadd.s32 $0xFFFFF800  }
0xa5: {  	[spmem:s3] =	stream.indirect.scatter.add.f32 [tilespmem:s11], [sflag:$0x2], $0x10, s10, s15, $0xb8;
	[tilespmem:$0x16D20] =	vst v63  }
0xa6: {  	_ =	swait.ge [sflag:s8], $0x800  }
0xa7: {  	[sflag:s8] =	ssyncset.done $0x0  }
0xa8: {  	s11 =	simm.s32 $0x2F80;
	[sflag:s8] =	ssyncadd.s32 $0xFFFFF800  }
0xa9: {  	[spmem:s3] =	stream.indirect.scatter.add.f32 [tilespmem:s12], [sflag:$0x2], $0x10, s11, s15, $0xb8;
	[tilespmem:$0x16D20] =	vst v63  }
0xaa: {  	_ =	swait.ge [sflag:s8], $0x800  }
0xab: {  	[sflag:s8] =	ssyncset.done $0x0  }
0xac: {  	s17 =	simm.s32 $0x3000;
	[sflag:s8] =	ssyncadd.s32 $0xFFFFF800  }
0xad: {  	[spmem:s3] =	stream.indirect.scatter.add.f32 [tilespmem:s4], [sflag:$0x2], $0x10, s17, s15, $0xb8;
	[tilespmem:$0x16D20] =	vst v63  }
0xae: {  	_ =	swait.ge [sflag:s8], $0x800  }
0xaf: {  	[sflag:s8] =	ssyncset.done $0x0  }
0xb0: {  	s18 =	simm.s32 $0x3080;
	[sflag:s8] =	ssyncadd.s32 $0xFFFFF800  }
0xb1: {  	[spmem:s3] =	stream.indirect.scatter.add.f32 [tilespmem:s6], [sflag:$0x2], $0x10, s18, s15, $0xb8;
	[tilespmem:$0x16D20] =	vst v63  }
0xb2: {  	_ =	swait.ge [sflag:s8], $0x800  }
0xb3: {  	[sflag:s8] =	ssyncset.done $0x0  }
0xb4: {  	s22 =	simm.s32 $0x3100;
	[sflag:s8] =	ssyncadd.s32 $0xFFFFF800  }
0xb5: {  	[spmem:s3] =	stream.indirect.scatter.add.f32 [tilespmem:s13], [sflag:$0x2], $0x10, s22, s15, $0xb8;
	[tilespmem:$0x16D20] =	vst v63  }
0xb6: {  	_ =	swait.ge [sflag:s8], $0x800  }
0xb7: {  	[sflag:s8] =	ssyncset.done $0x0  }
0xb8: {  	s23 =	simm.s32 $0x3180;
	[sflag:s8] =	ssyncadd.s32 $0xFFFFF800  }
0xb9: {  	[spmem:s3] =	stream.indirect.scatter.add.f32 [tilespmem:s19], [sflag:$0x2], $0x10, s23, s15, $0xb8;
	[tilespmem:$0x16D20] =	vst v63  }
0xba: {  	_ =	swait.ge [sflag:s8], $0x800  }
0xbb: {  	[sflag:s8] =	ssyncset.done $0x0  }
0xbc: {  	s24 =	simm.s32 $0x3200;
	[sflag:s8] =	ssyncadd.s32 $0xFFFFF800  }
0xbd: {  	[spmem:s3] =	stream.indirect.scatter.add.f32 [tilespmem:s20], [sflag:$0x2], $0x10, s24, s15, $0xb8;
	[tilespmem:$0x16D20] =	vst v63  }
0xbe: {  	_ =	swait.ge [sflag:s8], $0x800  }
0xbf: {  	[sflag:s8] =	ssyncset.done $0x0  }
0xc0: {  	s25 =	simm.s32 $0x3280;
	[sflag:s8] =	ssyncadd.s32 $0xFFFFF800  }
0xc1: {  	[spmem:s3] =	stream.indirect.scatter.add.f32 [tilespmem:s21], [sflag:$0x2], $0x10, s25, s15, $0xb8;
	[tilespmem:$0x16D20] =	vst v63  }
0xc2: {  	_ =	swait.ge [sflag:s8], $0x800  }
0xc3: {  	[sflag:s8] =	ssyncset.done $0x0  }
0xc4: {  	s26 =	simm.s32 $0x3300;
	[sflag:s8] =	ssyncadd.s32 $0xFFFFF800  }
0xc5: {  	[spmem:s3] =	stream.indirect.scatter.add.f32 [tilespmem:s30], [sflag:$0x2], $0x10, s26, s15, $0xb8;
	[tilespmem:$0x16D20] =	vst v63  }
0xc6: {  	_ =	swait.ge [sflag:s8], $0x800  }
0xc7: {  	[sflag:s8] =	ssyncset.done $0x0  }
0xc8: {  	s28 =	simm.s32 $0x3380;
	s29 =	simm.s32 $0x10F00;
	[sflag:s8] =	ssyncadd.s32 $0xFFFFF800  }
0xc9: {  	[spmem:s3] =	stream.indirect.scatter.add.f32 [tilespmem:s29], [sflag:$0x2], $0x10, s28, s15, $0xb8;
	[tilespmem:$0x16D20] =	vst v63  }
0xca: {  	_ =	swait.ge [sflag:s8], $0x800  }
0xcb: {  	[sflag:s8] =	ssyncset.done $0x0  }
0xcc: {  	s31 =	simm.s32 $0x11700;
	s30 =	simm.s32 $0x3400;
	[sflag:s8] =	ssyncadd.s32 $0xFFFFF800  }
0xcd: {  	[spmem:s3] =	stream.indirect.scatter.add.f32 [tilespmem:s31], [sflag:$0x2], $0x10, s30, s15, $0xb8;
	[tilespmem:$0x16D20] =	vst v63  }
0xce: {  	_ =	swait.ge [sflag:s14], $0x800  }
0xcf: {  	[sflag:s14] =	ssyncset.done $0x0  }
0xd0: {  	[sflag:s14] =	ssyncadd.s32 $0xFFFFF800  }
0xd1: {  	_ =	swait.ge [sflag:s14], $0x800  }
0xd2: {  	[sflag:s14] =	ssyncset.done $0x0  }
0xd3: {  	[sflag:s14] =	ssyncadd.s32 $0xFFFFF800  }
0xd4: {  	_ =	swait.ge [sflag:s14], $0x800  }
0xd5: {  	[sflag:s14] =	ssyncset.done $0x0  }
0xd6: {  	[sflag:s14] =	ssyncadd.s32 $0xFFFFF800  }
0xd7: {  	_ =	swait.ge [sflag:s14], $0x800  }
0xd8: {  	[sflag:s14] =	ssyncset.done $0x0  }
0xd9: {  	[sflag:s14] =	ssyncadd.s32 $0xFFFFF800  }
0xda: {  	_ =	swait.ge [sflag:s14], $0x800  }
0xdb: {  	[sflag:s14] =	ssyncset.done $0x0  }
0xdc: {  	[sflag:s14] =	ssyncadd.s32 $0xFFFFF800  }
0xdd: {  	_ =	swait.ge [sflag:s14], $0x800  }
0xde: {  	[sflag:s14] =	ssyncset.done $0x0  }
0xdf: {  	[sflag:s14] =	ssyncadd.s32 $0xFFFFF800  }
0xe0: {  	_ =	swait.ge [sflag:s14], $0x800  }
0xe1: {  	[sflag:s14] =	ssyncset.done $0x0  }
0xe2: {  	[sflag:s14] =	ssyncadd.s32 $0xFFFFF800  }
0xe3: {  	_ =	swait.ge [sflag:s14], $0x800  }
0xe4: {  	[sflag:s14] =	ssyncset.done $0x0  }
0xe5: {  	[sflag:s14] =	ssyncadd.s32 $0xFFFFF800  }
0xe6: {  	_ =	swait.ge [sflag:s14], $0x800  }
0xe7: {  	[sflag:s14] =	ssyncset.done $0x0  }
0xe8: {  	[sflag:s14] =	ssyncadd.s32 $0xFFFFF800  }
0xe9: {  	_ =	swait.ge [sflag:s14], $0x800  }
0xea: {  	[sflag:s14] =	ssyncset.done $0x0  }
0xeb: {  	[sflag:s14] =	ssyncadd.s32 $0xFFFFF800  }
0xec: {  	_ =	swait.ge [sflag:s14], $0x800  }
0xed: {  	[sflag:s14] =	ssyncset.done $0x0  }
0xee: {  	[sflag:s14] =	ssyncadd.s32 $0xFFFFF800  }
0xef: {  	_ =	swait.ge [sflag:s14], $0x800  }
0xf0: {  	[sflag:s14] =	ssyncset.done $0x0  }
0xf1: {  	[sflag:s14] =	ssyncadd.s32 $0xFFFFF800  }
0xf2: {  	_ =	swait.ge [sflag:s14], $0x800  }
0xf3: {  	[sflag:s14] =	ssyncset.done $0x0  }
0xf4: {  	[sflag:s14] =	ssyncadd.s32 $0xFFFFF800  }
0xf5: {  	_ =	swait.ge [sflag:s14], $0x800  }
0xf6: {  	[sflag:s14] =	ssyncset.done $0x0  }
0xf7: {  	[sflag:s14] =	ssyncadd.s32 $0xFFFFF800  }
0xf8: {  	_ =	swait.ge [sflag:s14], $0x800  }
0xf9: {  	[sflag:s14] =	ssyncset.done $0x0  }
0xfa: {  	[sflag:s14] =	ssyncadd.s32 $0xFFFFF800  }
0xfb: {  	_ =	swait.ge [sflag:s14], $0x800  }
0xfc: {  	[sflag:s14] =	ssyncset.done $0x0  }
0xfd: {  	[sflag:s14] =	ssyncadd.s32 $0xFFFFF800  }
0xfe: {  	_ =	swait.ge [sflag:s14], $0x800  }
0xff: {  	[sflag:s14] =	ssyncset.done $0x0  }
0x100: {  	[sflag:s14] =	ssyncadd.s32 $0xFFFFF800  }
0x101: {  	_ =	swait.ge [sflag:s14], $0x800  }
0x102: {  	[sflag:s14] =	ssyncset.done $0x0  }
0x103: {  	[sflag:s14] =	ssyncadd.s32 $0xFFFFF800  }
0x104: {  	_ =	swait.ge [sflag:s14], $0x800  }
0x105: {  	[sflag:s14] =	ssyncset.done $0x0  }
0x106: {  	[sflag:s14] =	ssyncadd.s32 $0xFFFFF800  }
0x107: {  	_ =	swait.ge [sflag:s14], $0x800  }
0x108: {  	[sflag:s14] =	ssyncset.done $0x0  }
0x109: {  	[sflag:s14] =	ssyncadd.s32 $0xFFFFF800  }
0x10a: {  	_ =	swait.ge [sflag:s14], $0x800  }
0x10b: {  	[sflag:s14] =	ssyncset.done $0x0  }
0x10c: {  	[sflag:s14] =	ssyncadd.s32 $0xFFFFF800  }
0x10d: {  	_ =	swait.ge [sflag:s14], $0x800  }
0x10e: {  	[sflag:s14] =	ssyncset.done $0x0  }
0x10f: {  	[sflag:s14] =	ssyncadd.s32 $0xFFFFF800  }
0x110: {  	_ =	swait.ge [sflag:s14], $0x800  }
0x111: {  	[sflag:s14] =	ssyncset.done $0x0  }
0x112: {  	[sflag:s14] =	ssyncadd.s32 $0xFFFFF800  }
0x113: {  	_ =	swait.ge [sflag:s14], $0x800  }
0x114: {  	[sflag:s14] =	ssyncset.done $0x0  }
0x115: {  	[sflag:s14] =	ssyncadd.s32 $0xFFFFF800  }
0x116: {  	_ =	swait.ge [sflag:s14], $0x800  }
0x117: {  	[sflag:s14] =	ssyncset.done $0x0  }
0x118: {  	[sflag:s14] =	ssyncadd.s32 $0xFFFFF800  }
0x119: {  	_ =	swait.ge [sflag:s14], $0x800  }
0x11a: {  	s16 =	simm.s32 $0x3400;
	[sflag:s14] =	ssyncset.done $0x0  }
.LBB2_2:
0x11b: {  	p1 =	sne.s32 s16, $0x6800  }
0x11c: {  	[sflag:s14] =	ssyncadd.s32 $0xFFFFF800;
	s17 =	smov.u32 s16;
	s16 =	sadd.s32 $0x3400, s16  }
0x11d: {  	s22 =	simm.s32 $0x4F00;
	s17 =	sshra.s32 s17, $0x2  }
0x11e: {  	[tilespmem:s22], [sflag:$0x1] =	stream.indirect.gather [hbm4b:s1+s15], $0x10, s17, s15, $0xb8;
	[tilespmem:$0x16D20] =	vst v63  }
0x11f: {  	s23 =	simm.s32 $0x5700;
	s18 =	sadd.s32 $0x80, s17  }
0x120: {  	[tilespmem:s23], [sflag:$0x1] =	stream.indirect.gather [hbm4b:s1+s15], $0x10, s18, s15, $0xb8;
	[tilespmem:$0x16D20] =	vst v63  }
0x121: {  	s24 =	simm.s32 $0x5F00;
	s18 =	sadd.s32 $0x100, s17  }
0x122: {  	[tilespmem:s24], [sflag:$0x1] =	stream.indirect.gather [hbm4b:s1+s15], $0x10, s18, s15, $0xb8;
	[tilespmem:$0x16D20] =	vst v63  }
0x123: {  	s25 =	simm.s32 $0x6700;
	s18 =	sadd.s32 $0x180, s17  }
0x124: {  	[tilespmem:s25], [sflag:$0x1] =	stream.indirect.gather [hbm4b:s1+s15], $0x10, s18, s15, $0xb8;
	[tilespmem:$0x16D20] =	vst v63  }
0x125: {  	s26 =	simm.s32 $0x6F00;
	s18 =	sadd.s32 $0x200, s17  }
0x126: {  	[tilespmem:s26], [sflag:$0x1] =	stream.indirect.gather [hbm4b:s1+s15], $0x10, s18, s15, $0xb8;
	[tilespmem:$0x16D20] =	vst v63  }
0x127: {  	s28 =	simm.s32 $0x7700;
	s18 =	sadd.s32 $0x280, s17  }
0x128: {  	[tilespmem:s28], [sflag:$0x1] =	stream.indirect.gather [hbm4b:s1+s15], $0x10, s18, s15, $0xb8;
	[tilespmem:$0x16D20] =	vst v63  }
0x129: {  	s29 =	simm.s32 $0x7F00;
	s18 =	sadd.s32 $0x300, s17  }
0x12a: {  	[tilespmem:s29], [sflag:$0x1] =	stream.indirect.gather [hbm4b:s1+s15], $0x10, s18, s15, $0xb8;
	[tilespmem:$0x16D20] =	vst v63  }
0x12b: {  	s30 =	simm.s32 $0x8700;
	s18 =	sadd.s32 $0x380, s17  }
0x12c: {  	[tilespmem:s30], [sflag:$0x1] =	stream.indirect.gather [hbm4b:s1+s15], $0x10, s18, s15, $0xb8;
	[tilespmem:$0x16D20] =	vst v63  }
0x12d: {  	s31 =	simm.s32 $0x8F00;
	s18 =	sadd.s32 $0x400, s17  }
0x12e: {  	[tilespmem:s31], [sflag:$0x1] =	stream.indirect.gather [hbm4b:s1+s15], $0x10, s18, s15, $0xb8;
	[tilespmem:$0x16D20] =	vst v63  }
0x12f: {  	s2 =	simm.s32 $0x9700;
	s18 =	sadd.s32 $0x480, s17  }
0x130: {  	[tilespmem:s2], [sflag:$0x1] =	stream.indirect.gather [hbm4b:s1+s15], $0x10, s18, s15, $0xb8;
	[tilespmem:$0x16D20] =	vst v63  }
0x131: {  	s0 =	simm.s32 $0x9F00;
	s18 =	sadd.s32 $0x500, s17  }
0x132: {  	[tilespmem:s0], [sflag:$0x1] =	stream.indirect.gather [hbm4b:s1+s15], $0x10, s18, s15, $0xb8;
	[tilespmem:$0x16D20] =	vst v63  }
0x133: {  	s5 =	simm.s32 $0xA700;
	s18 =	sadd.s32 $0x580, s17  }
0x134: {  	[tilespmem:s5], [sflag:$0x1] =	stream.indirect.gather [hbm4b:s1+s15], $0x10, s18, s15, $0xb8;
	[tilespmem:$0x16D20] =	vst v63  }
0x135: {  	s7 =	simm.s32 $0xAF00;
	s18 =	sadd.s32 $0x600, s17  }
0x136: {  	[tilespmem:s7], [sflag:$0x1] =	stream.indirect.gather [hbm4b:s1+s15], $0x10, s18, s15, $0xb8;
	[tilespmem:$0x16D20] =	vst v63  }
0x137: {  	s9 =	simm.s32 $0xB700;
	s18 =	sadd.s32 $0x680, s17  }
0x138: {  	[tilespmem:s9], [sflag:$0x1] =	stream.indirect.gather [hbm4b:s1+s15], $0x10, s18, s15, $0xb8;
	[tilespmem:$0x16D20] =	vst v63  }
0x139: {  	s10 =	simm.s32 $0xBF00;
	s18 =	sadd.s32 $0x700, s17  }
0x13a: {  	[tilespmem:s10], [sflag:$0x1] =	stream.indirect.gather [hbm4b:s1+s15], $0x10, s18, s15, $0xb8;
	[tilespmem:$0x16D20] =	vst v63  }
0x13b: {  	s11 =	simm.s32 $0xC700;
	s18 =	sadd.s32 $0x780, s17  }
0x13c: {  	[tilespmem:s11], [sflag:$0x1] =	stream.indirect.gather [hbm4b:s1+s15], $0x10, s18, s15, $0xb8;
	[tilespmem:$0x16D20] =	vst v63  }
0x13d: {  	s12 =	simm.s32 $0xCF00;
	s18 =	sadd.s32 $0x800, s17  }
0x13e: {  	[tilespmem:s12], [sflag:$0x1] =	stream.indirect.gather [hbm4b:s1+s15], $0x10, s18, s15, $0xb8;
	[tilespmem:$0x16D20] =	vst v63  }
0x13f: {  	s4 =	simm.s32 $0xD700;
	s18 =	sadd.s32 $0x880, s17  }
0x140: {  	[tilespmem:s4], [sflag:$0x1] =	stream.indirect.gather [hbm4b:s1+s15], $0x10, s18, s15, $0xb8;
	[tilespmem:$0x16D20] =	vst v63  }
0x141: {  	s6 =	simm.s32 $0xDF00;
	s18 =	sadd.s32 $0x900, s17  }
0x142: {  	[tilespmem:s6], [sflag:$0x1] =	stream.indirect.gather [hbm4b:s1+s15], $0x10, s18, s15, $0xb8;
	[tilespmem:$0x16D20] =	vst v63  }
0x143: {  	s13 =	simm.s32 $0xE700;
	s18 =	sadd.s32 $0x980, s17  }
0x144: {  	[tilespmem:s13], [sflag:$0x1] =	stream.indirect.gather [hbm4b:s1+s15], $0x10, s18, s15, $0xb8;
	[tilespmem:$0x16D20] =	vst v63  }
0x145: {  	s19 =	simm.s32 $0xEF00;
	s18 =	sadd.s32 $0xA00, s17  }
0x146: {  	[tilespmem:s19], [sflag:$0x1] =	stream.indirect.gather [hbm4b:s1+s15], $0x10, s18, s15, $0xb8;
	[tilespmem:$0x16D20] =	vst v63  }
0x147: {  	s20 =	simm.s32 $0xF700;
	s18 =	sadd.s32 $0xA80, s17  }
0x148: {  	[tilespmem:s20], [sflag:$0x1] =	stream.indirect.gather [hbm4b:s1+s15], $0x10, s18, s15, $0xb8;
	[tilespmem:$0x16D20] =	vst v63  }
0x149: {  	s21 =	simm.s32 $0xFF00;
	s18 =	sadd.s32 $0xB00, s17  }
0x14a: {  	[tilespmem:s21], [sflag:$0x1] =	stream.indirect.gather [hbm4b:s1+s15], $0x10, s18, s15, $0xb8;
	[tilespmem:$0x16D20] =	vst v63  }
0x14b: {  	s18 =	sadd.s32 $0xB80, s17;
	s21 =	simm.s32 $0x10700  }
0x14c: {  	[tilespmem:s21], [sflag:$0x1] =	stream.indirect.gather [hbm4b:s1+s15], $0x10, s18, s15, $0xb8;
	[tilespmem:$0x16D20] =	vst v63  }
0x14d: {  	s18 =	sadd.s32 $0xC00, s17;
	s21 =	simm.s32 $0x10F00  }
0x14e: {  	[tilespmem:s21], [sflag:$0x1] =	stream.indirect.gather [hbm4b:s1+s15], $0x10, s18, s15, $0xb8;
	[tilespmem:$0x16D20] =	vst v63  }
0x14f: {  	s18 =	sadd.s32 $0xC80, s17;
	s21 =	simm.s32 $0x11700  }
0x150: {  	[tilespmem:s21], [sflag:$0x1] =	stream.indirect.gather [hbm4b:s1+s15], $0x10, s18, s15, $0xb8;
	[tilespmem:$0x16D20] =	vst v63  }
0x151: {  	s21 =	simm.s32 $0x11700  }
0x152: {  	_ =	swait.ge [sflag:s8], $0x800  }
0x153: {  	[sflag:s8] =	ssyncset.done $0x0  }
0x154: {  	s18 =	sadd.s32 $0x2780, s17;
	[sflag:s8] =	ssyncadd.s32 $0xFFFFF800  }
0x155: {  	[spmem:s3] =	stream.indirect.scatter.add.f32 [tilespmem:s22], [sflag:$0x2], $0x10, s18, s15, $0xb8;
	[tilespmem:$0x16D20] =	vst v63  }
0x156: {  	_ =	swait.ge [sflag:s8], $0x800  }
0x157: {  	[sflag:s8] =	ssyncset.done $0x0  }
0x158: {  	s18 =	sadd.s32 $0x2800, s17;
	[sflag:s8] =	ssyncadd.s32 $0xFFFFF800  }
0x159: {  	[spmem:s3] =	stream.indirect.scatter.add.f32 [tilespmem:s23], [sflag:$0x2], $0x10, s18, s15, $0xb8;
	[tilespmem:$0x16D20] =	vst v63  }
0x15a: {  	_ =	swait.ge [sflag:s8], $0x800  }
0x15b: {  	[sflag:s8] =	ssyncset.done $0x0  }
0x15c: {  	s18 =	sadd.s32 $0x2880, s17;
	[sflag:s8] =	ssyncadd.s32 $0xFFFFF800  }
0x15d: {  	[spmem:s3] =	stream.indirect.scatter.add.f32 [tilespmem:s24], [sflag:$0x2], $0x10, s18, s15, $0xb8;
	[tilespmem:$0x16D20] =	vst v63  }
0x15e: {  	_ =	swait.ge [sflag:s8], $0x800  }
0x15f: {  	[sflag:s8] =	ssyncset.done $0x0  }
0x160: {  	s18 =	sadd.s32 $0x2900, s17;
	[sflag:s8] =	ssyncadd.s32 $0xFFFFF800  }
0x161: {  	[spmem:s3] =	stream.indirect.scatter.add.f32 [tilespmem:s25], [sflag:$0x2], $0x10, s18, s15, $0xb8;
	[tilespmem:$0x16D20] =	vst v63  }
0x162: {  	_ =	swait.ge [sflag:s8], $0x800  }
0x163: {  	[sflag:s8] =	ssyncset.done $0x0  }
0x164: {  	s18 =	sadd.s32 $0x2980, s17;
	[sflag:s8] =	ssyncadd.s32 $0xFFFFF800  }
0x165: {  	[spmem:s3] =	stream.indirect.scatter.add.f32 [tilespmem:s26], [sflag:$0x2], $0x10, s18, s15, $0xb8;
	[tilespmem:$0x16D20] =	vst v63  }
0x166: {  	_ =	swait.ge [sflag:s8], $0x800  }
0x167: {  	[sflag:s8] =	ssyncset.done $0x0  }
0x168: {  	s18 =	sadd.s32 $0x2A00, s17;
	[sflag:s8] =	ssyncadd.s32 $0xFFFFF800  }
0x169: {  	[spmem:s3] =	stream.indirect.scatter.add.f32 [tilespmem:s28], [sflag:$0x2], $0x10, s18, s15, $0xb8;
	[tilespmem:$0x16D20] =	vst v63  }
0x16a: {  	_ =	swait.ge [sflag:s8], $0x800  }
0x16b: {  	[sflag:s8] =	ssyncset.done $0x0  }
0x16c: {  	s18 =	sadd.s32 $0x2A80, s17;
	[sflag:s8] =	ssyncadd.s32 $0xFFFFF800  }
0x16d: {  	[spmem:s3] =	stream.indirect.scatter.add.f32 [tilespmem:s29], [sflag:$0x2], $0x10, s18, s15, $0xb8;
	[tilespmem:$0x16D20] =	vst v63  }
0x16e: {  	_ =	swait.ge [sflag:s8], $0x800  }
0x16f: {  	[sflag:s8] =	ssyncset.done $0x0  }
0x170: {  	s18 =	sadd.s32 $0x2B00, s17;
	[sflag:s8] =	ssyncadd.s32 $0xFFFFF800  }
0x171: {  	[spmem:s3] =	stream.indirect.scatter.add.f32 [tilespmem:s30], [sflag:$0x2], $0x10, s18, s15, $0xb8;
	[tilespmem:$0x16D20] =	vst v63  }
0x172: {  	_ =	swait.ge [sflag:s8], $0x800  }
0x173: {  	[sflag:s8] =	ssyncset.done $0x0  }
0x174: {  	s18 =	sadd.s32 $0x2B80, s17;
	[sflag:s8] =	ssyncadd.s32 $0xFFFFF800  }
0x175: {  	[spmem:s3] =	stream.indirect.scatter.add.f32 [tilespmem:s31], [sflag:$0x2], $0x10, s18, s15, $0xb8;
	[tilespmem:$0x16D20] =	vst v63  }
0x176: {  	_ =	swait.ge [sflag:s8], $0x800  }
0x177: {  	[sflag:s8] =	ssyncset.done $0x0  }
0x178: {  	s18 =	sadd.s32 $0x2C00, s17;
	[sflag:s8] =	ssyncadd.s32 $0xFFFFF800  }
0x179: {  	[spmem:s3] =	stream.indirect.scatter.add.f32 [tilespmem:s2], [sflag:$0x2], $0x10, s18, s15, $0xb8;
	[tilespmem:$0x16D20] =	vst v63  }
0x17a: {  	_ =	swait.ge [sflag:s8], $0x800  }
0x17b: {  	[sflag:s8] =	ssyncset.done $0x0  }
0x17c: {  	s18 =	sadd.s32 $0x2C80, s17;
	[sflag:s8] =	ssyncadd.s32 $0xFFFFF800  }
0x17d: {  	[spmem:s3] =	stream.indirect.scatter.add.f32 [tilespmem:s0], [sflag:$0x2], $0x10, s18, s15, $0xb8;
	[tilespmem:$0x16D20] =	vst v63  }
0x17e: {  	_ =	swait.ge [sflag:s8], $0x800  }
0x17f: {  	[sflag:s8] =	ssyncset.done $0x0  }
0x180: {  	s18 =	sadd.s32 $0x2D00, s17;
	[sflag:s8] =	ssyncadd.s32 $0xFFFFF800  }
0x181: {  	[spmem:s3] =	stream.indirect.scatter.add.f32 [tilespmem:s5], [sflag:$0x2], $0x10, s18, s15, $0xb8;
	[tilespmem:$0x16D20] =	vst v63  }
0x182: {  	_ =	swait.ge [sflag:s8], $0x800  }
0x183: {  	[sflag:s8] =	ssyncset.done $0x0  }
0x184: {  	s18 =	sadd.s32 $0x2D80, s17;
	[sflag:s8] =	ssyncadd.s32 $0xFFFFF800  }
0x185: {  	[spmem:s3] =	stream.indirect.scatter.add.f32 [tilespmem:s7], [sflag:$0x2], $0x10, s18, s15, $0xb8;
	[tilespmem:$0x16D20] =	vst v63  }
0x186: {  	_ =	swait.ge [sflag:s8], $0x800  }
0x187: {  	[sflag:s8] =	ssyncset.done $0x0  }
0x188: {  	s18 =	sadd.s32 $0x2E00, s17;
	[sflag:s8] =	ssyncadd.s32 $0xFFFFF800  }
0x189: {  	[spmem:s3] =	stream.indirect.scatter.add.f32 [tilespmem:s9], [sflag:$0x2], $0x10, s18, s15, $0xb8;
	[tilespmem:$0x16D20] =	vst v63  }
0x18a: {  	_ =	swait.ge [sflag:s8], $0x800  }
0x18b: {  	[sflag:s8] =	ssyncset.done $0x0  }
0x18c: {  	s18 =	sadd.s32 $0x2E80, s17;
	[sflag:s8] =	ssyncadd.s32 $0xFFFFF800  }
0x18d: {  	[spmem:s3] =	stream.indirect.scatter.add.f32 [tilespmem:s10], [sflag:$0x2], $0x10, s18, s15, $0xb8;
	[tilespmem:$0x16D20] =	vst v63  }
0x18e: {  	_ =	swait.ge [sflag:s8], $0x800  }
0x18f: {  	[sflag:s8] =	ssyncset.done $0x0  }
0x190: {  	s18 =	sadd.s32 $0x2F00, s17;
	[sflag:s8] =	ssyncadd.s32 $0xFFFFF800  }
0x191: {  	[spmem:s3] =	stream.indirect.scatter.add.f32 [tilespmem:s11], [sflag:$0x2], $0x10, s18, s15, $0xb8;
	[tilespmem:$0x16D20] =	vst v63  }
0x192: {  	_ =	swait.ge [sflag:s8], $0x800  }
0x193: {  	[sflag:s8] =	ssyncset.done $0x0  }
0x194: {  	s18 =	sadd.s32 $0x2F80, s17;
	[sflag:s8] =	ssyncadd.s32 $0xFFFFF800  }
0x195: {  	[spmem:s3] =	stream.indirect.scatter.add.f32 [tilespmem:s12], [sflag:$0x2], $0x10, s18, s15, $0xb8;
	[tilespmem:$0x16D20] =	vst v63  }
0x196: {  	_ =	swait.ge [sflag:s8], $0x800  }
0x197: {  	[sflag:s8] =	ssyncset.done $0x0  }
0x198: {  	s18 =	sadd.s32 $0x3000, s17;
	[sflag:s8] =	ssyncadd.s32 $0xFFFFF800  }
0x199: {  	[spmem:s3] =	stream.indirect.scatter.add.f32 [tilespmem:s4], [sflag:$0x2], $0x10, s18, s15, $0xb8;
	[tilespmem:$0x16D20] =	vst v63  }
0x19a: {  	_ =	swait.ge [sflag:s8], $0x800  }
0x19b: {  	[sflag:s8] =	ssyncset.done $0x0  }
0x19c: {  	s18 =	sadd.s32 $0x3080, s17;
	[sflag:s8] =	ssyncadd.s32 $0xFFFFF800  }
0x19d: {  	[spmem:s3] =	stream.indirect.scatter.add.f32 [tilespmem:s6], [sflag:$0x2], $0x10, s18, s15, $0xb8;
	[tilespmem:$0x16D20] =	vst v63  }
0x19e: {  	_ =	swait.ge [sflag:s8], $0x800  }
0x19f: {  	[sflag:s8] =	ssyncset.done $0x0  }
0x1a0: {  	s18 =	sadd.s32 $0x3100, s17;
	[sflag:s8] =	ssyncadd.s32 $0xFFFFF800  }
0x1a1: {  	[spmem:s3] =	stream.indirect.scatter.add.f32 [tilespmem:s13], [sflag:$0x2], $0x10, s18, s15, $0xb8;
	[tilespmem:$0x16D20] =	vst v63  }
0x1a2: {  	_ =	swait.ge [sflag:s8], $0x800  }
0x1a3: {  	[sflag:s8] =	ssyncset.done $0x0  }
0x1a4: {  	s18 =	sadd.s32 $0x3180, s17;
	[sflag:s8] =	ssyncadd.s32 $0xFFFFF800  }
0x1a5: {  	[spmem:s3] =	stream.indirect.scatter.add.f32 [tilespmem:s19], [sflag:$0x2], $0x10, s18, s15, $0xb8;
	[tilespmem:$0x16D20] =	vst v63  }
0x1a6: {  	_ =	swait.ge [sflag:s8], $0x800  }
0x1a7: {  	[sflag:s8] =	ssyncset.done $0x0  }
0x1a8: {  	s18 =	sadd.s32 $0x3200, s17;
	[sflag:s8] =	ssyncadd.s32 $0xFFFFF800  }
0x1a9: {  	[spmem:s3] =	stream.indirect.scatter.add.f32 [tilespmem:s20], [sflag:$0x2], $0x10, s18, s15, $0xb8;
	[tilespmem:$0x16D20] =	vst v63  }
0x1aa: {  	_ =	swait.ge [sflag:s8], $0x800  }
0x1ab: {  	[sflag:s8] =	ssyncset.done $0x0  }
0x1ac: {  	s0 =	simm.s32 $0xFF00;
	s18 =	sadd.s32 $0x3280, s17;
	[sflag:s8] =	ssyncadd.s32 $0xFFFFF800  }
0x1ad: {  	[spmem:s3] =	stream.indirect.scatter.add.f32 [tilespmem:s0], [sflag:$0x2], $0x10, s18, s15, $0xb8;
	[tilespmem:$0x16D20] =	vst v63  }
0x1ae: {  	_ =	swait.ge [sflag:s8], $0x800  }
0x1af: {  	[sflag:s8] =	ssyncset.done $0x0  }
0x1b0: {  	s18 =	sadd.s32 $0x3300, s17;
	s0 =	simm.s32 $0x10700;
	[sflag:s8] =	ssyncadd.s32 $0xFFFFF800  }
0x1b1: {  	[spmem:s3] =	stream.indirect.scatter.add.f32 [tilespmem:s0], [sflag:$0x2], $0x10, s18, s15, $0xb8;
	[tilespmem:$0x16D20] =	vst v63  }
0x1b2: {  	_ =	swait.ge [sflag:s8], $0x800  }
0x1b3: {  	[sflag:s8] =	ssyncset.done $0x0  }
0x1b4: {  	s18 =	sadd.s32 $0x3380, s17;
	s0 =	simm.s32 $0x10F00;
	[sflag:s8] =	ssyncadd.s32 $0xFFFFF800  }
0x1b5: {  	[spmem:s3] =	stream.indirect.scatter.add.f32 [tilespmem:s0], [sflag:$0x2], $0x10, s18, s15, $0xb8;
	[tilespmem:$0x16D20] =	vst v63  }
0x1b6: {  	_ =	swait.ge [sflag:s8], $0x800  }
0x1b7: {  	[sflag:s8] =	ssyncset.done $0x0  }
0x1b8: {  	s17 =	sadd.s32 $0x3400, s17;
	[sflag:s8] =	ssyncadd.s32 $0xFFFFF800  }
0x1b9: {  	[spmem:s3] =	stream.indirect.scatter.add.f32 [tilespmem:s21], [sflag:$0x2], $0x10, s17, s15, $0xb8;
	[tilespmem:$0x16D20] =	vst v63  }
0x1ba: {  	_ =	swait.ge [sflag:s14], $0x800  }
0x1bb: {  	[sflag:s14] =	ssyncset.done $0x0  }
0x1bc: {  	[sflag:s14] =	ssyncadd.s32 $0xFFFFF800  }
0x1bd: {  	_ =	swait.ge [sflag:s14], $0x800  }
0x1be: {  	[sflag:s14] =	ssyncset.done $0x0  }
0x1bf: {  	[sflag:s14] =	ssyncadd.s32 $0xFFFFF800  }
0x1c0: {  	_ =	swait.ge [sflag:s14], $0x800  }
0x1c1: {  	[sflag:s14] =	ssyncset.done $0x0  }
0x1c2: {  	[sflag:s14] =	ssyncadd.s32 $0xFFFFF800  }
0x1c3: {  	_ =	swait.ge [sflag:s14], $0x800  }
0x1c4: {  	[sflag:s14] =	ssyncset.done $0x0  }
0x1c5: {  	[sflag:s14] =	ssyncadd.s32 $0xFFFFF800  }
0x1c6: {  	_ =	swait.ge [sflag:s14], $0x800  }
0x1c7: {  	[sflag:s14] =	ssyncset.done $0x0  }
0x1c8: {  	[sflag:s14] =	ssyncadd.s32 $0xFFFFF800  }
0x1c9: {  	_ =	swait.ge [sflag:s14], $0x800  }
0x1ca: {  	[sflag:s14] =	ssyncset.done $0x0  }
0x1cb: {  	[sflag:s14] =	ssyncadd.s32 $0xFFFFF800  }
0x1cc: {  	_ =	swait.ge [sflag:s14], $0x800  }
0x1cd: {  	[sflag:s14] =	ssyncset.done $0x0  }
0x1ce: {  	[sflag:s14] =	ssyncadd.s32 $0xFFFFF800  }
0x1cf: {  	_ =	swait.ge [sflag:s14], $0x800  }
0x1d0: {  	[sflag:s14] =	ssyncset.done $0x0  }
0x1d1: {  	[sflag:s14] =	ssyncadd.s32 $0xFFFFF800  }
0x1d2: {  	_ =	swait.ge [sflag:s14], $0x800  }
0x1d3: {  	[sflag:s14] =	ssyncset.done $0x0  }
0x1d4: {  	[sflag:s14] =	ssyncadd.s32 $0xFFFFF800  }
0x1d5: {  	_ =	swait.ge [sflag:s14], $0x800  }
0x1d6: {  	[sflag:s14] =	ssyncset.done $0x0  }
0x1d7: {  	[sflag:s14] =	ssyncadd.s32 $0xFFFFF800  }
0x1d8: {  	_ =	swait.ge [sflag:s14], $0x800  }
0x1d9: {  	[sflag:s14] =	ssyncset.done $0x0  }
0x1da: {  	[sflag:s14] =	ssyncadd.s32 $0xFFFFF800  }
0x1db: {  	_ =	swait.ge [sflag:s14], $0x800  }
0x1dc: {  	[sflag:s14] =	ssyncset.done $0x0  }
0x1dd: {  	[sflag:s14] =	ssyncadd.s32 $0xFFFFF800  }
0x1de: {  	_ =	swait.ge [sflag:s14], $0x800  }
0x1df: {  	[sflag:s14] =	ssyncset.done $0x0  }
0x1e0: {  	[sflag:s14] =	ssyncadd.s32 $0xFFFFF800  }
0x1e1: {  	_ =	swait.ge [sflag:s14], $0x800  }
0x1e2: {  	[sflag:s14] =	ssyncset.done $0x0  }
0x1e3: {  	[sflag:s14] =	ssyncadd.s32 $0xFFFFF800  }
0x1e4: {  	_ =	swait.ge [sflag:s14], $0x800  }
0x1e5: {  	[sflag:s14] =	ssyncset.done $0x0  }
0x1e6: {  	[sflag:s14] =	ssyncadd.s32 $0xFFFFF800  }
0x1e7: {  	_ =	swait.ge [sflag:s14], $0x800  }
0x1e8: {  	[sflag:s14] =	ssyncset.done $0x0  }
0x1e9: {  	[sflag:s14] =	ssyncadd.s32 $0xFFFFF800  }
0x1ea: {  	_ =	swait.ge [sflag:s14], $0x800  }
0x1eb: {  	[sflag:s14] =	ssyncset.done $0x0  }
0x1ec: {  	[sflag:s14] =	ssyncadd.s32 $0xFFFFF800  }
0x1ed: {  	_ =	swait.ge [sflag:s14], $0x800  }
0x1ee: {  	[sflag:s14] =	ssyncset.done $0x0  }
0x1ef: {  	[sflag:s14] =	ssyncadd.s32 $0xFFFFF800  }
0x1f0: {  	_ =	swait.ge [sflag:s14], $0x800  }
0x1f1: {  	[sflag:s14] =	ssyncset.done $0x0  }
0x1f2: {  	[sflag:s14] =	ssyncadd.s32 $0xFFFFF800  }
0x1f3: {  	_ =	swait.ge [sflag:s14], $0x800  }
0x1f4: {  	[sflag:s14] =	ssyncset.done $0x0  }
0x1f5: {  	[sflag:s14] =	ssyncadd.s32 $0xFFFFF800  }
0x1f6: {  	_ =	swait.ge [sflag:s14], $0x800  }
0x1f7: {  	[sflag:s14] =	ssyncset.done $0x0  }
0x1f8: {  	[sflag:s14] =	ssyncadd.s32 $0xFFFFF800  }
0x1f9: {  	_ =	swait.ge [sflag:s14], $0x800  }
0x1fa: {  	[sflag:s14] =	ssyncset.done $0x0  }
0x1fb: {  	[sflag:s14] =	ssyncadd.s32 $0xFFFFF800  }
0x1fc: {  	_ =	swait.ge [sflag:s14], $0x800  }
0x1fd: {  	[sflag:s14] =	ssyncset.done $0x0  }
0x1fe: {  	[sflag:s14] =	ssyncadd.s32 $0xFFFFF800  }
0x1ff: {  	_ =	swait.ge [sflag:s14], $0x800  }
0x200: {  	[sflag:s14] =	ssyncset.done $0x0  }
0x201: {  	[sflag:s14] =	ssyncadd.s32 $0xFFFFF800  }
.Ltmp0:
0x202: {  	_ =	swait.ge [sflag:s14], $0x800;
	(pc) =	sbr.rel @p1 .LBB2_2-.Ltmp0, $4  }
0x203: {  	[sflag:s14] =	ssyncset.done $0x0  }
0x204: {  	[sflag:s14] =	ssyncadd.s32 $0xFFFFF800  }
0x205: {  	_ =	swait.ge [sflag:s14], $0x800  }
0x206: {  	[sflag:s14] =	ssyncset.done $0x0  }
0x207: {  	[sflag:s14] =	ssyncadd.s32 $0xFFFFF800  }
0x208: {  	s0 =	simm.s32 @!p0 $0x80;
	s17 =	simm.s32 @!p0 $0x2700;
	s18 =	simm.s32 @!p0 $0x4F00  }
0x209: {  	[tilespmem:s18], [sflag:$0x3] =	stream.indirect.gather @!p0 [hbm4b:s1+s0], $0x10, s17, s0, $0xb8;
	[tilespmem:$0x16D20] =	vst v63  }
0x20a: {  	s17 =	simm.s32 @!p0 $0x3  }
0x20b: {  	_ =	swait.ge @!p0 [sflag:s17], $0x800  }
0x20c: {  	[sflag:s17] =	ssyncset.done @!p0 $0x0  }
0x20d: {  	s16 =	simm.s32 @!p0 $0x4E80;
	[sflag:s17] =	ssyncadd.s32 @!p0 $0xFFFFF800  }
0x20e: {  	[spmem:s3] =	stream.indirect.scatter.add.f32 @!p0 [tilespmem:s18], [sflag:$0x3], $0x10, s16, s0, $0xb8;
	[tilespmem:$0x16D20] =	vst v63  }
0x20f: {  	_ =	swait.ge @!p0 [sflag:s17], $0x800  }
0x210: {  	[sflag:s17] =	ssyncset.done @!p0 $0x0  }
0x211: {  	[sflag:s17] =	ssyncadd.s32 @!p0 $0xFFFFF800  }
0x212: {  	[bflag:$0x0] =	sbarrier.arrive $0xFFFF  }
0x213: {  	s26 =	simm.s32 $0x3;
	s16 =	simm.s32 $0x11F00;
	s7 =	rddreg [dreg:$0x5]  }
0x214: {  	[tilespmem:s16], [sflag:$0x3] =	stream.linear.gather [spmem:s7], $0x2710, $0x38;
	[tilespmem:$0x16D20] =	vst v63  }
0x215: {  	_ =	swait.ge [sflag:s26], $0x2710  }
0x216: {  	[sflag:s26] =	ssyncset.done $0x0  }
0x217: {  	s9 =	simm.s32 $0x0;
	s28 =	rddreg [dreg:$0xa];
	[sflag:s26] =	ssyncadd.s32 $0xFFFFD8F0  }
0x218: {  	[hbm4b:s28+s9] =	stream.linear.scatter [tilespmem:s16], [sflag:$0x3], $0x2710, $0x38;
	[tilespmem:$0x16D20] =	vst v63  }
0x219: {  	_ =	swait.ge [sflag:s26], $0x2710  }
0x21a: {  	s29 =	rddreg [dreg:$0xc]  }
0x21b: {  	s30 =	rddreg [dreg:$0xb];
	s0 =	sadd.s32 $0x1, s29  }
0x21c: {  	p1 =	sne.s32 s0, s30  }
.Ltmp1:
0x21d: {  	_ = 	snop;
	(pc) =	sbr.rel @p1 .LBB2_1-.Ltmp1, $3  }
0x21e: {  	_ =	sdelay $0x1  }
0x21f: {  	s31 =	simm.s32 $0x3;
	[sflag:s26] =	ssyncset.done $0x0  }
0x220: {  	[sflag:s31] =	ssyncadd.s32 $0xFFFFD8F0  }
0x221: {  	_ =	sfence.sel $0x180000  }
0x222: {  	[bflag:$0x0] =	sbarrier.arrive $0xFFFF  }
0x223: {  	_ =	strace $0x9000004D  }
0x224: {  	s0 =	stileid.u32;
	[bflag:$0x2] =	sbarrier.arrive $0xFFFF  }
0x225: {  	p0 =	sne.s32 s0, $0x0;
	s0 =	rddreg [dreg:$0x3]  }
0x226: {  	s0 =	sadd.s32 @!p0 $0x100000, s0  }
0x227: {  	[sflag:s0] =	ssyncadd.tile.s32 @!p0 $0x1;
	_ =	shalt  }
.Lfunc_end2:
_tile_overlayer_lowered:
.L_overlay_start_2:
0x228: {  	(tag) =	ssettag $0x2  }
0x229: {  	s0 =	rddreg [dreg:$0x0];
	s2 =	stileid.u32  }
0x22a: {  	s1 =	rddreg [dreg:$0x1];
	p0 =	sne.s32 s2, $0x0  }
0x22b: {  	s3 =	rddreg [dreg:$0x2];
	[bflag:$0x3] =	sbarrier.arrive $0xFFFF;
	s2 =	simm.s32 @!p0 $0x1C03  }
0x22c: {  	[timem:s3], [sflag:s2] =	dma.local @!p0 [hbm:s0], s1  }
0x22d: {  	s0 =	simm.s32 @!p0 $0x3  }
0x22e: {  	_ =	swait.ge @!p0 [sflag:s0], s1  }
0x22f: {  	s1 =	ssub.s32 @!p0 $0x0, s1;
	[sflag:s0] =	ssyncset.done @!p0 $0x0  }
0x230: {  	[sflag:s0] =	ssyncadd.s32 @!p0 s1  }
0x231: {  	[bflag:$0x3] =	sbarrier.arrive $0xFFFF  }
0x232: {  	_ =	shalt  }

// kernel: kernel.8.cloned.1.call-start
scs
__scs_entry_jumppad:
0x0: {  	(pc) =	sbr.rel $0x88, $3  }
0x1: {  	(tag) =	ssettag $0x0;
	lr =	simm.s32 $0x1  }
0x2: {  	[smem:$0x3F9B] =	sst lr;
	_ =	strace $0xD0000000  }
0x3: {  	_ = 	snop  }
0x4: {  	_ = 	snop  }
0x5: {  	_ = 	snop  }
0x6: {  	_ = 	snop  }
0x7: {  	_ = 	snop  }
__scs_overlays_trampoline_lowered:
0x8: {  	[smem:$0x3FAA] =	sst s0  }
0x9: {  	[smem:$0x3FAB] =	sst s1  }
0xa: {  	[smem:$0x3FAC] =	sst s2  }
0xb: {  	[smem:$0x3FAD] =	sst s3  }
0xc: {  	[smem:$0x3FAE] =	sst s4  }
0xd: {  	[smem:$0x3FAF] =	sst s5  }
0xe: {  	[smem:$0x3FB0] =	sst s6  }
0xf: {  	[smem:$0x3FB1] =	sst s7  }
0x10: {  	[smem:$0x3FB2] =	sst s8  }
0x11: {  	[smem:$0x3FB3] =	sst s9;
	s0 =	simm.s32 @!p0 $0x0  }
0x12: {  	s1 =	sld [smem:$0x3F99];
	s0 =	simm.s32 @p0 $0x1  }
0x13: {  	[smem:$0x3FB4] =	sst s0;
	s0 =	simm.s32 @!p1 $0x0  }
0x14: {  	s2 =	sld [smem:$0x3F98];
	s0 =	simm.s32 @p1 $0x1  }
0x15: {  	[smem:$0x3FB5] =	sst s0;
	s0 =	simm.s32 @!p2 $0x0  }
0x16: {  	s3 =	sld [smem:$0x3FDB];
	s0 =	simm.s32 @p2 $0x1  }
0x17: {  	s4 =	simm.s32 $0x1BF5;
	[smem:$0x3FB7] =	sst s0  }
0x18: {  	s0 =	sld [smem:$0x3F9A];
	_ =	swait.ge [sflag:s4], $0x0  }
0x19: {  	s7 =	sld [smem:$0x3F9B]  }
0x1a: {  	s8 =	sadd.s32 $0xFFFFE003, lr  }
0x1b: {  	s9 =	sadd.s32 $0xFFFFFEF7, lr;
	s5 =	simm.s32 $0xFFFFFFFF;
	p2 =	slt.u32 s8, $0xFFFFF086  }
0x1c: {  	p1 =	slt.u32 s9, $0xF7A;
	s5 =	simm.s32 @!p2 $0x0  }
0x1d: {  	s5 =	simm.s32 @p1 $0x1;
	p0 =	seq.s32 s7, s2  }
0x1e: {  	s7 =	smul.u32 @!p0 $0xF7A, s2;
	p2 =	seq.s32 @!p0 s5, $0x0  }
0x1f: {  	s9 =	smul.u32 $0xF7A, s1;
	s8 =	simm.s32 @!p0 $0x1BF5;
	p2 =	por !p2, p0  }
0x20: {  	[sflag:s8] =	ssyncset.s32 @!p0 $0xFFFFF086;
	s6 =	sadd.s32 @!p0 s3, s7;
	s7 =	simm.s32 @!p0 $0x108  }
0x21: {  	s3 =	sadd.s32 s3, s9;
	s6 =	sadd.s32 @!p0 $0x88, s6;
	s7 =	simm.s32 @p2 $0x1082  }
0x22: {  	[simem:s7], [sflag:s8] =	dma.local @!p0 [hbm:s6], $0xF7A  }
0x23: {  	s9 =	sor.u32 $0xD0000000, s2;
	s6 =	simm.s32 $0x108;
	_ =	swait.ge @!p0 [sflag:s8], $0x0  }
0x24: {  	s3 =	sadd.s32 $0x88, s3;
	s6 =	simm.s32 @!p1 $0x1082;
	[sflag:s4] =	ssyncset.s32 $0xFFFFF086  }
0x25: {  	[simem:s6], [sflag:s4] =	dma.local [hbm:s3], $0xF7A  }
0x26: {  	[smem:$0x3F9B] =	sst s1;
	(tag) =	ssettag s2;
	_ =	strace s9  }
0x27: {  	s1 =	sld [smem:$0x3FAB]  }
0x28: {  	s2 =	sld [smem:$0x3FAC]  }
0x29: {  	s4 =	sld [smem:$0x3FAE]  }
0x2a: {  	p0 =	seq.s32 s5, $0x0;
	s5 =	sld [smem:$0x3FAF]  }
0x2b: {  	s6 =	sld [smem:$0x3FB0]  }
0x2c: {  	s7 =	sld [smem:$0x3FB1]  }
0x2d: {  	s3 =	simm.s32 $0x108;
	s8 =	sld [smem:$0x3FB2]  }
0x2e: {  	s3 =	simm.s32 @!p0 $0x1082;
	s9 =	sld [smem:$0x3FB3]  }
0x2f: {  	lr =	sadd.s32 s0, s3;
	s0 =	sld [smem:$0x3FAA]  }
0x30: {  	s3 =	sld [smem:$0x3FAD]  }
0x31: {  	[smem:$0x3FB6] =	sst s10  }
0x32: {  	s10 =	sld [smem:$0x3FB4];
	_ =	sdelay $0x3  }
0x33: {  	p0 =	seq.s32 s10, $0x1;
	s10 =	sld [smem:$0x3FB6];
	_ =	sdelay $0x3  }
0x34: {  	[smem:$0x3FB6] =	sst s10  }
0x35: {  	s10 =	sld [smem:$0x3FB5];
	_ =	sdelay $0x3  }
0x36: {  	p1 =	seq.s32 s10, $0x1;
	s10 =	sld [smem:$0x3FB6];
	_ =	sdelay $0x3  }
0x37: {  	[smem:$0x3FB6] =	sst s10  }
0x38: {  	s10 =	sld [smem:$0x3FB7]  }
0x39: {  	_ = 	snop;
	(pc) =	sbr.ind lr, $3  }
0x3a: {  	_ = 	snop  }
0x3b: {  	_ = 	snop  }
0x3c: {  	p2 =	seq.s32 s10, $0x1;
	s10 =	sld [smem:$0x3FB6]  }
0x3d: {  	_ =	shalt  }
0x3e: {  	_ =	shalt  }
0x3f: {  	_ =	shalt  }
0x40: {  	_ =	shalt  }
0x41: {  	_ =	shalt  }
0x42: {  	_ =	shalt  }
0x43: {  	_ =	shalt  }
0x44: {  	_ =	shalt  }
0x45: {  	_ =	shalt  }
0x46: {  	_ =	shalt  }
0x47: {  	_ =	shalt  }
0x48: {  	_ =	shalt  }
0x49: {  	_ =	shalt  }
0x4a: {  	_ =	shalt  }
0x4b: {  	_ =	shalt  }
0x4c: {  	_ =	shalt  }
0x4d: {  	_ =	shalt  }
0x4e: {  	_ =	shalt  }
0x4f: {  	_ =	shalt  }
0x50: {  	_ =	shalt  }
0x51: {  	_ =	shalt  }
0x52: {  	_ =	shalt  }
0x53: {  	_ =	shalt  }
0x54: {  	_ =	shalt  }
0x55: {  	_ =	shalt  }
0x56: {  	_ =	shalt  }
0x57: {  	_ =	shalt  }
0x58: {  	_ =	shalt  }
0x59: {  	_ =	shalt  }
0x5a: {  	_ =	shalt  }
0x5b: {  	_ =	shalt  }
0x5c: {  	_ =	shalt  }
0x5d: {  	_ =	shalt  }
0x5e: {  	_ =	shalt  }
0x5f: {  	_ =	shalt  }
0x60: {  	_ =	shalt  }
0x61: {  	_ =	shalt  }
0x62: {  	_ =	shalt  }
0x63: {  	_ =	shalt  }
0x64: {  	_ =	shalt  }
0x65: {  	_ =	shalt  }
0x66: {  	_ =	shalt  }
0x67: {  	_ =	shalt  }
0x68: {  	_ =	shalt  }
0x69: {  	_ =	shalt  }
0x6a: {  	_ =	shalt  }
0x6b: {  	_ =	shalt  }
0x6c: {  	_ =	shalt  }
0x6d: {  	_ =	shalt  }
0x6e: {  	_ =	shalt  }
0x6f: {  	_ =	shalt  }
0x70: {  	_ =	shalt  }
0x71: {  	_ =	shalt  }
0x72: {  	_ =	shalt  }
0x73: {  	_ =	shalt  }
0x74: {  	_ =	shalt  }
0x75: {  	_ =	shalt  }
0x76: {  	_ =	shalt  }
0x77: {  	_ =	shalt  }
0x78: {  	_ =	shalt  }
0x79: {  	_ =	shalt  }
0x7a: {  	_ =	shalt  }
0x7b: {  	_ =	shalt  }
0x7c: {  	_ =	shalt  }
0x7d: {  	_ =	shalt  }
0x7e: {  	_ =	shalt  }
0x7f: {  	_ =	shalt  }
0x80: {  	_ =	shalt  }
0x81: {  	_ =	shalt  }
0x82: {  	_ =	shalt  }
0x83: {  	_ =	shalt  }
0x84: {  	_ =	shalt  }
0x85: {  	_ =	shalt  }
0x86: {  	_ =	shalt  }
0x87: {  	_ =	shalt  }
.Lfunc_end0:
.L_simem_size_0:
called_computation_lowered:
.L_overlay_start_0:
0x88: {  	s2 =	sld [smem:$0x3FD9]  }
0x89: {  	s3 =	sld [smem:$0x3FFE];
	_ =	sdelay $0x1  }
0x8a: {  	s1 =	srdreg.scid  }
0x8b: {  	s0 =	sand.u32 $0x1, s1  }
0x8c: {  	s17 =	sshll.u32 s0, $0xA;
	s2 =	sadd.s32 s3, s2  }
0x8d: {  	s2 =	sadd.s32 s2, s17  }
0x8e: {  	[smem:$0x3FC2] =	sst s2  }
0x8f: {  	_ = 	snop  }
0x90: {  	s2 =	sld [smem:$0x3FD0];
	(tm) =	ssettm $0x1  }
0x91: {  	s18 =	sld [smem:$0x3FFB];
	_ =	sdelay $0x3  }
0x92: {  	_ =	strace s18  }
0x93: {  	s3 =	sld [smem:$0x3FFC];
	_ =	sdelay $0x3  }
0x94: {  	_ =	strace s3  }
0x95: {  	s3 =	sld [smem:$0x3FFD];
	_ =	sdelay $0x3  }
0x96: {  	_ =	strace s3  }
0x97: {  	_ =	strace $0x8FFFFFFF  }
0x98: {  	s19 =	sld [smem:$0x3FDB];
	_ =	sdelay $0x1  }
0x99: {  	s4 =	simm.s32 $_scs_section_size  }
0x9a: {  	s5 =	simm.s32 $_size__tile_overlayer_lowered;
	s6 =	simm.s32 $_tile_overlayer_lowered  }
0x9b: {  	s22 =	simm.s32 $0x1BFF;
	s21 =	sshll.u32 s6, $0x1;
	s3 =	sadd.s32 s4, s19  }
0x9c: {  	s7 =	simm.s32 $0x0;
	s20 =	sshll.u32 s5, $0x1;
	s5 =	sadd.s32 s21, s3  }
0x9d: {  	[timem:s7], [sflag:s22] =	dma.local [hbm:s5], s20  }
0x9e: {  	_ =	swait.ge [sflag:s22], s20  }
0x9f: {  	s4 =	ssub.s32 $0x0, s20;
	[sflag:s22] =	ssyncset.done $0x0  }
0xa0: {  	[sflag:s22] =	ssyncadd.s32 s4;
	_ =	sdelay $0x1  }
0xa1: {  	s23 =	simm.s32 $0x1B8B  }
0xa2: {  	_ =	swait.ge [sflag:s23], $0x1  }
0xa3: {  	[sflag:s23] =	ssyncset.done $0x0  }
0xa4: {  	s25 =	simm.s32 $0x1B8E;
	s24 =	sld [smem:$0x3FFE];
	[sflag:s23] =	ssyncadd.s32 $0xFFFFFFFF  }
0xa5: {  	s26 =	simm.s32 $execute0_lowered;
	[smem:$0x3FD2] =	sst s25  }
0xa6: {  	s5 =	sshll.u32 s26, $0x1;
	_ =	strace $0x80000046;
	[dreg:$0x1] =	wrdreg $0xFFFFFFFF  }
0xa7: {  	s28 =	simm.s32 $_size_execute0_lowered;
	s3 =	sadd.s32 s3, s5;
	[dreg:$0x0] =	wrdreg $0x0  }
0xa8: {  	s5 =	sshll.u32 s28, $0x1;
	[dreg:$0x2] =	wrdreg s3  }
0xa9: {  	[dreg:$0x3] =	wrdreg s5  }
0xaa: {  	[dreg:$0x4] =	wrdreg $0xC0  }
0xab: {  	_ =	task [dreg:s7], $0x5FFFF  }
0xac: {  	[dreg:$0x1] =	wrdreg $0xFFFFFFFF  }
0xad: {  	[dreg:$0x0] =	wrdreg $0x60  }
0xae: {  	[dreg:$0x2] =	wrdreg s24  }
0xaf: {  	[dreg:$0x3] =	wrdreg s2  }
0xb0: {  	[dreg:$0x4] =	wrdreg $0x2A800  }
0xb1: {  	[dreg:$0x5] =	wrdreg $0x9  }
0xb2: {  	_ =	task.clear_ibuf [dreg:s7], $0x6FFFF;
	_ =	strace $0x90000046  }
0xb3: {  	s29 =	simm.s32 $0x9;
	_ =	strace $0x80000048  }
0xb4: {  	_ =	swait.ge [sflag:s29], $0x1  }
0xb5: {  	[sflag:s29] =	ssyncadd.s32 $0xFFFFFFFF  }
0xb6: {  	_ =	strace $0x90000048  }
0xb7: {  	_ =	sfence  }
0xb8: {  	s30 =	sld [smem:$0x0];
	_ =	sdelay $0x2  }
0xb9: {  	s31 =	sshll.u32 s1, $0xD;
	s1 =	sshrl.u32 s1, $0x2  }
0xba: {  	s3 =	sand.u32 $0x4000, s31;
	s1 =	sadd.s32 s1, s30  }
0xbb: {  	s0 =	sor.u32 s3, s0;
	s1 =	sshll.u32 s1, $0x11  }
0xbc: {  	s0 =	sor.u32 s1, s0  }
0xbd: {  	s0 =	sadd.s32 $0x8F2B, s0  }
0xbe: {  	[sflag:s0] =	ssyncadd.remote.s32 $0x1  }
0xbf: {  	_ =	sfence.sel $0xFFFF  }
0xc0: {  	[dreg:$0x0] =	wrdreg $0xFFFFFFFF;
	(pc) =	sbr.abs _section_cstart, $3  }
0xc1: {  	[dreg:$0x1] =	wrdreg $0xFFFFFFFF  }
0xc2: {  	_ =	task.clear_ibuf [dreg:s7], $0x2FFFF;
	_ =	strace $0x9FFFFFFF  }
0xc3: {  	(tm) =	ssettm $0x7FFFFFFF  }
tec
execute0_lowered:
.L_overlay_start_1:
0x0: {  	(tag) =	ssettag $0x1  }
0x1: {  	s5 =	rddreg [dreg:$0x0]  }
0x2: {  	s0 =	srdreg.scid;
	s7 =	rddreg [dreg:$0x1]  }
0x3: {  	s2 =	rddreg [dreg:$0x2];
	s3 =	simm.s32 $0x0;
	s12 =	simm.s32 $0x2780  }
0x4: {  	s13 =	simm.s32 $0x1;
	s4 =	sand.u32 $0x1, s0;
	s0 =	stileid.u32  }
0x5: {  	s14 =	simm.s32 $0x0;
	[smem:$0x7FF] =	sst s3;
	s30 =	smul.u32 $0x280, s0  }
0x6: {  	s1 =	sshll.u32 s4, $0x4;
	s10 =	ssub.s32 $0x2, s4;
	s11 =	smul.u32 $0x2800, s4  }
0x7: {  	s9 =	sor.u32 s0, s1;
	s1 =	rddreg [dreg:$0x3];
	_ =	strace $0x80000047  }
0x8: {  	s31 =	sshrl.u32 s10, $0x1;
	s6 =	smul.u32 $0x4E, s9;
	s8 =	smin.u32 s9, $0x4  }
0x9: {  	s10 =	ssub.s32 s10, s31;
	s4 =	sadd.s32 s30, s2;
	p0 =	sgt.u32 s9, $0x3  }
0xa: {  	s9 =	simm.s32 $0x2800;
	s6 =	sadd.s32 s8, s6;
	s8 =	sadd.s32 s30, s11  }
0xb: {  	s11 =	simm.s32 $0x80;
	s6 =	sshll.u32 s6, $0x4;
	s8 =	sshrl.u32 s8, $0x3  }
0xc: {  	s6 =	sadd.s32 s6, s5;
	s7 =	sadd.s32 s7, s8;
	s8 =	smax.u32 s10, $0x1  }
0xd: {  	v0 =	vimm.f32 $1.000000000e+00;
	v1 =	vimm.f32 $0.0e+00;
	s10 =	simm.s32 $0x2;
	s5 =	sadd.s32 $0xBA40, s6;
	s6 =	sadd.s32 $0xBF20, s6  }
.LBB2_1:
0xe: {  	[tilespmem:$0x2780] =	vst v0  }
0xf: {  	[tilespmem:$0x2790] =	vst v0  }
0x10: {  	[tilespmem:$0x27A0] =	vst v0  }
0x11: {  	[tilespmem:$0x27B0] =	vst v0  }
0x12: {  	[tilespmem:$0x27C0] =	vst v0  }
0x13: {  	[tilespmem:$0x27D0] =	vst v0  }
0x14: {  	[tilespmem:$0x27E0] =	vst v0  }
0x15: {  	[tilespmem:$0x27F0] =	vst v0  }
0x16: {  	[tilespmem:$0x2800] =	vst v1  }
0x17: {  	[tilespmem:$0x2810] =	vst v1  }
0x18: {  	[tilespmem:$0x2820] =	vst v1  }
0x19: {  	[tilespmem:$0x2830] =	vst v1  }
0x1a: {  	[tilespmem:$0x2840] =	vst v1  }
0x1b: {  	[tilespmem:$0x2850] =	vst v1  }
0x1c: {  	[tilespmem:$0x2860] =	vst v1  }
0x1d: {  	[tilespmem:$0x2870] =	vst v1  }
0x1e: {  	[tilespmem:$0x2880] =	vst v1  }
0x1f: {  	[tilespmem:$0x2890] =	vst v1  }
0x20: {  	[tilespmem:$0x28A0] =	vst v1  }
0x21: {  	[tilespmem:$0x28B0] =	vst v1  }
0x22: {  	[tilespmem:$0x28C0] =	vst v1  }
0x23: {  	[tilespmem:$0x28D0] =	vst v1  }
0x24: {  	[tilespmem:$0x28E0] =	vst v1  }
0x25: {  	[tilespmem:$0x28F0] =	vst v1  }
0x26: {  	[tilespmem:$0x2900] =	vst v1  }
0x27: {  	[tilespmem:$0x2910] =	vst v1  }
0x28: {  	[tilespmem:$0x2920] =	vst v1  }
0x29: {  	[tilespmem:$0x2930] =	vst v1  }
0x2a: {  	[tilespmem:$0x2940] =	vst v1  }
0x2b: {  	[tilespmem:$0x2950] =	vst v1  }
0x2c: {  	[tilespmem:$0x2960] =	vst v1  }
0x2d: {  	[tilespmem:$0x2970] =	vst v1  }
0x2e: {  	[tilespmem:$0x2980] =	vst v1  }
0x2f: {  	[tilespmem:$0x2990] =	vst v1  }
0x30: {  	[tilespmem:$0x29A0] =	vst v1  }
0x31: {  	[tilespmem:$0x29B0] =	vst v1  }
0x32: {  	[tilespmem:$0x29C0] =	vst v1  }
0x33: {  	[tilespmem:$0x29D0] =	vst v1  }
0x34: {  	[tilespmem:$0x29E0] =	vst v1  }
0x35: {  	[tilespmem:$0x29F0] =	vst v1  }
0x36: {  	[tilespmem:$0x2A00] =	vst v1  }
0x37: {  	[tilespmem:$0x2A10] =	vst v1  }
0x38: {  	[tilespmem:$0x2A20] =	vst v1  }
0x39: {  	[tilespmem:$0x2A30] =	vst v1  }
0x3a: {  	[tilespmem:$0x2A40] =	vst v1  }
0x3b: {  	[tilespmem:$0x2A50] =	vst v1  }
0x3c: {  	[tilespmem:$0x2A60] =	vst v1  }
0x3d: {  	[tilespmem:$0x2A70] =	vst v1  }
0x3e: {  	[spmem:s4] =	stream.linear.scatter [tilespmem:s9], [sflag:$0x2], $0x280, $0x38;
	[tilespmem:$0x2D00] =	vst v63  }
0x3f: {  	_ =	swait.ge [sflag:s10], $0x280  }
0x40: {  	[sflag:s10] =	ssyncset.done $0x0  }
0x41: {  	[sflag:s10] =	ssyncadd.s32 $0xFFFFFD80  }
0x42: {  	[tilespmem:s3], [sflag:$0x2] =	stream.linear.gather [hbm4b:s5+s3], $0x2700, $0x38;
	[tilespmem:$0x2D00] =	vst v63  }
0x43: {  	_ =	swait.ge [sflag:s10], $0x2700  }
0x44: {  	[sflag:s10] =	ssyncset.done $0x0  }
0x45: {  	s15 =	simm.s32 @!p0 $0x0;
	s16 =	simm.s32 @!p0 $0x2700;
	[sflag:s10] =	ssyncadd.s32 $0xFFFFD900  }
0x46: {  	[tilespmem:s16], [sflag:$0x2] =	stream.linear.gather @!p0 [hbm4b:s6+s15], $0x80, $0x38;
	[tilespmem:$0x2D00] =	vst v63  }
0x47: {  	s15 =	simm.s32 @!p0 $0x2  }
0x48: {  	_ =	swait.ge @!p0 [sflag:s15], $0x80  }
0x49: {  	[sflag:s15] =	ssyncset.done @!p0 $0x0  }
0x4a: {  	[sflag:s15] =	ssyncadd.s32 @!p0 $0xFFFFFF80  }
0x4b: {  	s18 =	simm.s32 $0x0;
	[bflag:$0x0] =	sbarrier.arrive $0xFFFF  }
0x4c: {  	[spmem:s2] =	stream.indirect.scatter.add.f32 [tilespmem:s12], [sflag:$0x1], $0x1, s18, s11, $0xb8;
	[tilespmem:$0x2D00] =	vst v63  }
0x4d: {  	s19 =	simm.s32 $0x80  }
0x4e: {  	[spmem:s2] =	stream.indirect.scatter.add.f32 [tilespmem:s12], [sflag:$0x1], $0x1, s19, s11, $0xb8;
	[tilespmem:$0x2D00] =	vst v63  }
0x4f: {  	s20 =	simm.s32 $0x100  }
0x50: {  	[spmem:s2] =	stream.indirect.scatter.add.f32 [tilespmem:s12], [sflag:$0x1], $0x1, s20, s11, $0xb8;
	[tilespmem:$0x2D00] =	vst v63  }
0x51: {  	s21 =	simm.s32 $0x180  }
0x52: {  	[spmem:s2] =	stream.indirect.scatter.add.f32 [tilespmem:s12], [sflag:$0x1], $0x1, s21, s11, $0xb8;
	[tilespmem:$0x2D00] =	vst v63  }
0x53: {  	s22 =	simm.s32 $0x200  }
0x54: {  	[spmem:s2] =	stream.indirect.scatter.add.f32 [tilespmem:s12], [sflag:$0x1], $0x1, s22, s11, $0xb8;
	[tilespmem:$0x2D00] =	vst v63  }
0x55: {  	s23 =	simm.s32 $0x280  }
0x56: {  	[spmem:s2] =	stream.indirect.scatter.add.f32 [tilespmem:s12], [sflag:$0x1], $0x1, s23, s11, $0xb8;
	[tilespmem:$0x2D00] =	vst v63  }
0x57: {  	s24 =	simm.s32 $0x300  }
0x58: {  	[spmem:s2] =	stream.indirect.scatter.add.f32 [tilespmem:s12], [sflag:$0x1], $0x1, s24, s11, $0xb8;
	[tilespmem:$0x2D00] =	vst v63  }
0x59: {  	s25 =	simm.s32 $0x380  }
0x5a: {  	[spmem:s2] =	stream.indirect.scatter.add.f32 [tilespmem:s12], [sflag:$0x1], $0x1, s25, s11, $0xb8;
	[tilespmem:$0x2D00] =	vst v63  }
0x5b: {  	s26 =	simm.s32 $0x400  }
0x5c: {  	[spmem:s2] =	stream.indirect.scatter.add.f32 [tilespmem:s12], [sflag:$0x1], $0x1, s26, s11, $0xb8;
	[tilespmem:$0x2D00] =	vst v63  }
0x5d: {  	s28 =	simm.s32 $0x480  }
0x5e: {  	[spmem:s2] =	stream.indirect.scatter.add.f32 [tilespmem:s12], [sflag:$0x1], $0x1, s28, s11, $0xb8;
	[tilespmem:$0x2D00] =	vst v63  }
0x5f: {  	s29 =	simm.s32 $0x500  }
0x60: {  	[spmem:s2] =	stream.indirect.scatter.add.f32 [tilespmem:s12], [sflag:$0x1], $0x1, s29, s11, $0xb8;
	[tilespmem:$0x2D00] =	vst v63  }
0x61: {  	s30 =	simm.s32 $0x580  }
0x62: {  	[spmem:s2] =	stream.indirect.scatter.add.f32 [tilespmem:s12], [sflag:$0x1], $0x1, s30, s11, $0xb8;
	[tilespmem:$0x2D00] =	vst v63  }
0x63: {  	s31 =	simm.s32 $0x600  }
0x64: {  	[spmem:s2] =	stream.indirect.scatter.add.f32 [tilespmem:s12], [sflag:$0x1], $0x1, s31, s11, $0xb8;
	[tilespmem:$0x2D00] =	vst v63  }
0x65: {  	_ =	swait.ge [sflag:s13], $0x80  }
0x66: {  	[sflag:s13] =	ssyncset.done $0x0  }
0x67: {  	[sflag:s13] =	ssyncadd.s32 $0xFFFFFF80  }
0x68: {  	_ =	swait.ge [sflag:s13], $0x80  }
0x69: {  	[sflag:s13] =	ssyncset.done $0x0  }
0x6a: {  	[sflag:s13] =	ssyncadd.s32 $0xFFFFFF80  }
0x6b: {  	_ =	swait.ge [sflag:s13], $0x80  }
0x6c: {  	[sflag:s13] =	ssyncset.done $0x0  }
0x6d: {  	[sflag:s13] =	ssyncadd.s32 $0xFFFFFF80  }
0x6e: {  	_ =	swait.ge [sflag:s13], $0x80  }
0x6f: {  	[sflag:s13] =	ssyncset.done $0x0  }
0x70: {  	[sflag:s13] =	ssyncadd.s32 $0xFFFFFF80  }
0x71: {  	_ =	swait.ge [sflag:s13], $0x80  }
0x72: {  	[sflag:s13] =	ssyncset.done $0x0  }
0x73: {  	[sflag:s13] =	ssyncadd.s32 $0xFFFFFF80  }
0x74: {  	_ =	swait.ge [sflag:s13], $0x80  }
0x75: {  	[sflag:s13] =	ssyncset.done $0x0  }
0x76: {  	[sflag:s13] =	ssyncadd.s32 $0xFFFFFF80  }
0x77: {  	_ =	swait.ge [sflag:s13], $0x80  }
0x78: {  	[sflag:s13] =	ssyncset.done $0x0  }
0x79: {  	[sflag:s13] =	ssyncadd.s32 $0xFFFFFF80  }
0x7a: {  	_ =	swait.ge [sflag:s13], $0x80  }
0x7b: {  	[sflag:s13] =	ssyncset.done $0x0  }
0x7c: {  	[sflag:s13] =	ssyncadd.s32 $0xFFFFFF80  }
0x7d: {  	_ =	swait.ge [sflag:s13], $0x80  }
0x7e: {  	[sflag:s13] =	ssyncset.done $0x0  }
0x7f: {  	[sflag:s13] =	ssyncadd.s32 $0xFFFFFF80  }
0x80: {  	_ =	swait.ge [sflag:s13], $0x80  }
0x81: {  	[sflag:s13] =	ssyncset.done $0x0  }
0x82: {  	[sflag:s13] =	ssyncadd.s32 $0xFFFFFF80  }
0x83: {  	_ =	swait.ge [sflag:s13], $0x80  }
0x84: {  	[sflag:s13] =	ssyncset.done $0x0  }
0x85: {  	[sflag:s13] =	ssyncadd.s32 $0xFFFFFF80  }
0x86: {  	_ =	swait.ge [sflag:s13], $0x80  }
0x87: {  	[sflag:s13] =	ssyncset.done $0x0  }
0x88: {  	[sflag:s13] =	ssyncadd.s32 $0xFFFFFF80  }
0x89: {  	_ =	swait.ge [sflag:s13], $0x80  }
0x8a: {  	s17 =	simm.s32 $0x3400;
	s15 =	simm.s32 $0x1A00;
	[sflag:s13] =	ssyncset.done $0x0  }
.LBB2_2:
0x8b: {  	s18 =	sshra.s32 s15, $0x2  }
0x8c: {  	[sflag:s13] =	ssyncadd.s32 $0xFFFFFF80;
	s15 =	smov.u32 s17;
	s16 =	sadd.s32 $0x1A00, s17  }
0x8d: {  	[spmem:s2] =	stream.indirect.scatter.add.f32 [tilespmem:s12], [sflag:$0x1], $0x1, s18, s11, $0xb8;
	[tilespmem:$0x2D00] =	vst v63  }
0x8e: {  	p1 =	sne.s32 s17, $0x8200;
	s17 =	sadd.s32 $0x80, s18  }
0x8f: {  	[spmem:s2] =	stream.indirect.scatter.add.f32 [tilespmem:s12], [sflag:$0x1], $0x1, s17, s11, $0xb8;
	[tilespmem:$0x2D00] =	vst v63  }
0x90: {  	s17 =	sadd.s32 $0x100, s18  }
0x91: {  	[spmem:s2] =	stream.indirect.scatter.add.f32 [tilespmem:s12], [sflag:$0x1], $0x1, s17, s11, $0xb8;
	[tilespmem:$0x2D00] =	vst v63  }
0x92: {  	s17 =	sadd.s32 $0x180, s18  }
0x93: {  	[spmem:s2] =	stream.indirect.scatter.add.f32 [tilespmem:s12], [sflag:$0x1], $0x1, s17, s11, $0xb8;
	[tilespmem:$0x2D00] =	vst v63  }
0x94: {  	s17 =	sadd.s32 $0x200, s18  }
0x95: {  	[spmem:s2] =	stream.indirect.scatter.add.f32 [tilespmem:s12], [sflag:$0x1], $0x1, s17, s11, $0xb8;
	[tilespmem:$0x2D00] =	vst v63  }
0x96: {  	s17 =	sadd.s32 $0x280, s18  }
0x97: {  	[spmem:s2] =	stream.indirect.scatter.add.f32 [tilespmem:s12], [sflag:$0x1], $0x1, s17, s11, $0xb8;
	[tilespmem:$0x2D00] =	vst v63  }
0x98: {  	s17 =	sadd.s32 $0x300, s18  }
0x99: {  	[spmem:s2] =	stream.indirect.scatter.add.f32 [tilespmem:s12], [sflag:$0x1], $0x1, s17, s11, $0xb8;
	[tilespmem:$0x2D00] =	vst v63  }
0x9a: {  	s17 =	sadd.s32 $0x380, s18  }
0x9b: {  	[spmem:s2] =	stream.indirect.scatter.add.f32 [tilespmem:s12], [sflag:$0x1], $0x1, s17, s11, $0xb8;
	[tilespmem:$0x2D00] =	vst v63  }
0x9c: {  	s17 =	sadd.s32 $0x400, s18  }
0x9d: {  	[spmem:s2] =	stream.indirect.scatter.add.f32 [tilespmem:s12], [sflag:$0x1], $0x1, s17, s11, $0xb8;
	[tilespmem:$0x2D00] =	vst v63  }
0x9e: {  	s17 =	sadd.s32 $0x480, s18  }
0x9f: {  	[spmem:s2] =	stream.indirect.scatter.add.f32 [tilespmem:s12], [sflag:$0x1], $0x1, s17, s11, $0xb8;
	[tilespmem:$0x2D00] =	vst v63  }
0xa0: {  	s17 =	sadd.s32 $0x500, s18  }
0xa1: {  	[spmem:s2] =	stream.indirect.scatter.add.f32 [tilespmem:s12], [sflag:$0x1], $0x1, s17, s11, $0xb8;
	[tilespmem:$0x2D00] =	vst v63  }
0xa2: {  	s17 =	sadd.s32 $0x580, s18  }
0xa3: {  	[spmem:s2] =	stream.indirect.scatter.add.f32 [tilespmem:s12], [sflag:$0x1], $0x1, s17, s11, $0xb8;
	[tilespmem:$0x2D00] =	vst v63  }
0xa4: {  	s17 =	sadd.s32 $0x600, s18  }
0xa5: {  	[spmem:s2] =	stream.indirect.scatter.add.f32 [tilespmem:s12], [sflag:$0x1], $0x1, s17, s11, $0xb8;
	[tilespmem:$0x2D00] =	vst v63  }
0xa6: {  	_ =	swait.ge [sflag:s13], $0x80  }
0xa7: {  	[sflag:s13] =	ssyncset.done $0x0  }
0xa8: {  	[sflag:s13] =	ssyncadd.s32 $0xFFFFFF80  }
0xa9: {  	_ =	swait.ge [sflag:s13], $0x80  }
0xaa: {  	[sflag:s13] =	ssyncset.done $0x0  }
0xab: {  	[sflag:s13] =	ssyncadd.s32 $0xFFFFFF80  }
0xac: {  	_ =	swait.ge [sflag:s13], $0x80  }
0xad: {  	[sflag:s13] =	ssyncset.done $0x0  }
0xae: {  	[sflag:s13] =	ssyncadd.s32 $0xFFFFFF80  }
0xaf: {  	_ =	swait.ge [sflag:s13], $0x80  }
0xb0: {  	[sflag:s13] =	ssyncset.done $0x0  }
0xb1: {  	[sflag:s13] =	ssyncadd.s32 $0xFFFFFF80  }
0xb2: {  	_ =	swait.ge [sflag:s13], $0x80  }
0xb3: {  	[sflag:s13] =	ssyncset.done $0x0  }
0xb4: {  	[sflag:s13] =	ssyncadd.s32 $0xFFFFFF80  }
0xb5: {  	_ =	swait.ge [sflag:s13], $0x80  }
0xb6: {  	[sflag:s13] =	ssyncset.done $0x0  }
0xb7: {  	[sflag:s13] =	ssyncadd.s32 $0xFFFFFF80  }
0xb8: {  	_ =	swait.ge [sflag:s13], $0x80  }
0xb9: {  	[sflag:s13] =	ssyncset.done $0x0  }
0xba: {  	[sflag:s13] =	ssyncadd.s32 $0xFFFFFF80  }
0xbb: {  	_ =	swait.ge [sflag:s13], $0x80  }
0xbc: {  	[sflag:s13] =	ssyncset.done $0x0  }
0xbd: {  	[sflag:s13] =	ssyncadd.s32 $0xFFFFFF80  }
0xbe: {  	_ =	swait.ge [sflag:s13], $0x80  }
0xbf: {  	[sflag:s13] =	ssyncset.done $0x0  }
0xc0: {  	[sflag:s13] =	ssyncadd.s32 $0xFFFFFF80  }
0xc1: {  	_ =	swait.ge [sflag:s13], $0x80  }
0xc2: {  	[sflag:s13] =	ssyncset.done $0x0  }
0xc3: {  	[sflag:s13] =	ssyncadd.s32 $0xFFFFFF80  }
0xc4: {  	_ =	swait.ge [sflag:s13], $0x80  }
0xc5: {  	[sflag:s13] =	ssyncset.done $0x0  }
0xc6: {  	[sflag:s13] =	ssyncadd.s32 $0xFFFFFF80  }
.Ltmp0:
0xc7: {  	_ =	swait.ge [sflag:s13], $0x80;
	(pc) =	sbr.rel @p1 .LBB2_2-.Ltmp0, $4  }
0xc8: {  	[sflag:s13] =	ssyncset.done $0x0  }
0xc9: {  	[sflag:s13] =	ssyncadd.s32 $0xFFFFFF80  }
0xca: {  	_ =	swait.ge [sflag:s13], $0x80  }
0xcb: {  	s17 =	smov.u32 s16;
	[sflag:s13] =	ssyncset.done $0x0  }
0xcc: {  	s15 =	sshra.s32 s15, $0x2;
	[sflag:s13] =	ssyncadd.s32 $0xFFFFFF80  }
0xcd: {  	[spmem:s2] =	stream.indirect.scatter.add.f32 [tilespmem:s12], [sflag:$0x1], $0x1, s15, s11, $0xb8;
	[tilespmem:$0x2D00] =	vst v63  }
0xce: {  	s16 =	sadd.s32 $0x80, s15  }
0xcf: {  	[spmem:s2] =	stream.indirect.scatter.add.f32 [tilespmem:s12], [sflag:$0x1], $0x1, s16, s11, $0xb8;
	[tilespmem:$0x2D00] =	vst v63  }
0xd0: {  	s21 =	sadd.s32 $0x100, s15  }
0xd1: {  	[spmem:s2] =	stream.indirect.scatter.add.f32 [tilespmem:s12], [sflag:$0x1], $0x1, s21, s11, $0xb8;
	[tilespmem:$0x2D00] =	vst v63  }
0xd2: {  	s22 =	sadd.s32 $0x180, s15  }
0xd3: {  	[spmem:s2] =	stream.indirect.scatter.add.f32 [tilespmem:s12], [sflag:$0x1], $0x1, s22, s11, $0xb8;
	[tilespmem:$0x2D00] =	vst v63  }
0xd4: {  	s23 =	sadd.s32 $0x200, s15  }
0xd5: {  	[spmem:s2] =	stream.indirect.scatter.add.f32 [tilespmem:s12], [sflag:$0x1], $0x1, s23, s11, $0xb8;
	[tilespmem:$0x2D00] =	vst v63  }
0xd6: {  	s24 =	sadd.s32 $0x280, s15  }
0xd7: {  	[spmem:s2] =	stream.indirect.scatter.add.f32 [tilespmem:s12], [sflag:$0x1], $0x1, s24, s11, $0xb8;
	[tilespmem:$0x2D00] =	vst v63  }
0xd8: {  	s25 =	sadd.s32 $0x300, s15  }
0xd9: {  	[spmem:s2] =	stream.indirect.scatter.add.f32 [tilespmem:s12], [sflag:$0x1], $0x1, s25, s11, $0xb8;
	[tilespmem:$0x2D00] =	vst v63  }
0xda: {  	s26 =	sadd.s32 $0x380, s15  }
0xdb: {  	[spmem:s2] =	stream.indirect.scatter.add.f32 [tilespmem:s12], [sflag:$0x1], $0x1, s26, s11, $0xb8;
	[tilespmem:$0x2D00] =	vst v63  }
0xdc: {  	s28 =	sadd.s32 $0x400, s15  }
0xdd: {  	[spmem:s2] =	stream.indirect.scatter.add.f32 [tilespmem:s12], [sflag:$0x1], $0x1, s28, s11, $0xb8;
	[tilespmem:$0x2D00] =	vst v63  }
0xde: {  	s29 =	sadd.s32 $0x480, s15  }
0xdf: {  	[spmem:s2] =	stream.indirect.scatter.add.f32 [tilespmem:s12], [sflag:$0x1], $0x1, s29, s11, $0xb8;
	[tilespmem:$0x2D00] =	vst v63  }
0xe0: {  	s30 =	sadd.s32 $0x500, s15  }
0xe1: {  	[spmem:s2] =	stream.indirect.scatter.add.f32 [tilespmem:s12], [sflag:$0x1], $0x1, s30, s11, $0xb8;
	[tilespmem:$0x2D00] =	vst v63  }
0xe2: {  	s31 =	sadd.s32 $0x580, s15  }
0xe3: {  	[spmem:s2] =	stream.indirect.scatter.add.f32 [tilespmem:s12], [sflag:$0x1], $0x1, s31, s11, $0xb8;
	[tilespmem:$0x2D00] =	vst v63  }
0xe4: {  	s15 =	sadd.s32 $0x600, s15  }
0xe5: {  	[spmem:s2] =	stream.indirect.scatter.add.f32 [tilespmem:s12], [sflag:$0x1], $0x1, s15, s11, $0xb8;
	[tilespmem:$0x2D00] =	vst v63  }
0xe6: {  	_ =	swait.ge [sflag:s13], $0x80  }
0xe7: {  	[sflag:s13] =	ssyncset.done $0x0  }
0xe8: {  	[sflag:s13] =	ssyncadd.s32 $0xFFFFFF80  }
0xe9: {  	_ =	swait.ge [sflag:s13], $0x80  }
0xea: {  	[sflag:s13] =	ssyncset.done $0x0  }
0xeb: {  	[sflag:s13] =	ssyncadd.s32 $0xFFFFFF80  }
0xec: {  	_ =	swait.ge [sflag:s13], $0x80  }
0xed: {  	[sflag:s13] =	ssyncset.done $0x0  }
0xee: {  	[sflag:s13] =	ssyncadd.s32 $0xFFFFFF80  }
0xef: {  	_ =	swait.ge [sflag:s13], $0x80  }
0xf0: {  	[sflag:s13] =	ssyncset.done $0x0  }
0xf1: {  	[sflag:s13] =	ssyncadd.s32 $0xFFFFFF80  }
0xf2: {  	_ =	swait.ge [sflag:s13], $0x80  }
0xf3: {  	[sflag:s13] =	ssyncset.done $0x0  }
0xf4: {  	[sflag:s13] =	ssyncadd.s32 $0xFFFFFF80  }
0xf5: {  	_ =	swait.ge [sflag:s13], $0x80  }
0xf6: {  	[sflag:s13] =	ssyncset.done $0x0  }
0xf7: {  	[sflag:s13] =	ssyncadd.s32 $0xFFFFFF80  }
0xf8: {  	_ =	swait.ge [sflag:s13], $0x80  }
0xf9: {  	[sflag:s13] =	ssyncset.done $0x0  }
0xfa: {  	[sflag:s13] =	ssyncadd.s32 $0xFFFFFF80  }
0xfb: {  	_ =	swait.ge [sflag:s13], $0x80  }
0xfc: {  	[sflag:s13] =	ssyncset.done $0x0  }
0xfd: {  	[sflag:s13] =	ssyncadd.s32 $0xFFFFFF80  }
0xfe: {  	_ =	swait.ge [sflag:s13], $0x80  }
0xff: {  	[sflag:s13] =	ssyncset.done $0x0  }
0x100: {  	[sflag:s13] =	ssyncadd.s32 $0xFFFFFF80  }
0x101: {  	_ =	swait.ge [sflag:s13], $0x80  }
0x102: {  	[sflag:s13] =	ssyncset.done $0x0  }
0x103: {  	[sflag:s13] =	ssyncadd.s32 $0xFFFFFF80  }
0x104: {  	_ =	swait.ge [sflag:s13], $0x80  }
0x105: {  	[sflag:s13] =	ssyncset.done $0x0  }
0x106: {  	[sflag:s13] =	ssyncadd.s32 $0xFFFFFF80  }
0x107: {  	_ =	swait.ge [sflag:s13], $0x80  }
0x108: {  	[sflag:s13] =	ssyncset.done $0x0  }
0x109: {  	[sflag:s13] =	ssyncadd.s32 $0xFFFFFF80  }
0x10a: {  	_ =	swait.ge [sflag:s13], $0x80  }
0x10b: {  	s17 =	simm.s32 @!p0 $0x2780;
	[sflag:s13] =	ssyncset.done $0x0  }
0x10c: {  	s16 =	simm.s32 @!p0 $0x2700;
	s15 =	simm.s32 @!p0 $0x80;
	[sflag:s13] =	ssyncadd.s32 $0xFFFFFF80  }
0x10d: {  	[spmem:s2] =	stream.indirect.scatter.add.f32 @!p0 [tilespmem:s17], [sflag:$0x2], $0x1, s16, s15, $0xb8;
	[tilespmem:$0x2D00] =	vst v63  }
0x10e: {  	s15 =	simm.s32 @!p0 $0x2  }
0x10f: {  	_ =	swait.ge @!p0 [sflag:s15], $0x80  }
0x110: {  	[sflag:s15] =	ssyncset.done @!p0 $0x0  }
0x111: {  	[sflag:s15] =	ssyncadd.s32 @!p0 $0xFFFFFF80  }
0x112: {  	[bflag:$0x0] =	sbarrier.arrive $0xFFFF  }
0x113: {  	[tilespmem:s9], [sflag:$0x2] =	stream.linear.gather [spmem:s4], $0x280, $0x38;
	[tilespmem:$0x2D00] =	vst v63  }
0x114: {  	s14 =	sadd.s32 $0x1, s14;
	_ =	swait.ge [sflag:s10], $0x280  }
0x115: {  	p1 =	sne.s32 s14, s8;
	[sflag:s10] =	ssyncset.done $0x0  }
.Ltmp1:
0x116: {  	[sflag:s10] =	ssyncadd.s32 $0xFFFFFD80;
	(pc) =	sbr.rel @p1 .LBB2_1-.Ltmp1, $4  }
0x117: {  	[hbm4b:s7+s3] =	stream.linear.scatter [tilespmem:s9], [sflag:$0x2], $0x280, $0x38;
	[tilespmem:$0x2D00] =	vst v63  }
0x118: {  	_ =	swait.ge [sflag:s10], $0x280  }
0x119: {  	[sflag:s10] =	ssyncset.done $0x0  }
0x11a: {  	[sflag:s10] =	ssyncadd.s32 $0xFFFFFD80  }
0x11b: {  	_ =	sfence.sel $0x180000  }
0x11c: {  	[bflag:$0x0] =	sbarrier.arrive $0xFFFF  }
0x11d: {  	p0 =	sne.s32 s0, $0x0;
	_ =	strace $0x90000047  }
0x11e: {  	s0 =	sadd.s32 @!p0 $0x100000, s1;
	[bflag:$0x2] =	sbarrier.arrive $0xFFFF  }
0x11f: {  	[sflag:s0] =	ssyncadd.tile.s32 @!p0 $0x1;
	_ =	shalt  }
.Lfunc_end2:
_tile_overlayer_lowered:
.L_overlay_start_2:
0x120: {  	(tag) =	ssettag $0x2  }
0x121: {  	s0 =	rddreg [dreg:$0x0];
	s2 =	stileid.u32  }
0x122: {  	s1 =	rddreg [dreg:$0x1];
	p0 =	sne.s32 s2, $0x0  }
0x123: {  	s3 =	rddreg [dreg:$0x2];
	[bflag:$0x3] =	sbarrier.arrive $0xFFFF;
	s2 =	simm.s32 @!p0 $0x1C02  }
0x124: {  	[timem:s3], [sflag:s2] =	dma.local @!p0 [hbm:s0], s1  }
0x125: {  	s0 =	simm.s32 @!p0 $0x2  }
0x126: {  	_ =	swait.ge @!p0 [sflag:s0], s1  }
0x127: {  	s1 =	ssub.s32 @!p0 $0x0, s1;
	[sflag:s0] =	ssyncset.done @!p0 $0x0  }
0x128: {  	[sflag:s0] =	ssyncadd.s32 @!p0 s1  }
0x129: {  	[bflag:$0x3] =	sbarrier.arrive $0xFFFF  }
0x12a: {  	_ =	shalt  }

</sc_bundles>
